<compile_context>
chip_gen: v7x
topology: tpu7x:2x2x1
jax: 0.10.2.dev20260603
libtpu: 0.0.44.dev20260713+nightly
codegen_flags: <defaults>
</compile_context>

<pallas_src>
import functools

import jax
import jax.numpy as jnp
from jax import lax
from jax.experimental import pallas as pl
from jax.experimental.pallas import tpu as pltpu
from jax.experimental.pallas import tpu_sc as plsc

N = 10000
D = 128
NCORES = 2
NSUB = 16
NW = NCORES * NSUB
BLK = 128
NBLK = 80
NPAD = N + 112
RPS = NPAD // NSUB
LASTR = N - (NSUB - 1) * RPS
RB = 1000



@functools.partial(
    pl.kernel,
    out_type=jax.ShapeDtypeStruct((NCORES, N, D), jnp.float32),
    mesh=plsc.VectorSubcoreMesh(core_axis_name="c", subcore_axis_name="s"),
    scratch_types=[
        pltpu.VMEM((NBLK * BLK,), jnp.int32),
        pltpu.VMEM((2, BLK), jnp.int32),
        pltpu.VMEM((BLK, D), jnp.float32),
        pltpu.VMEM((BLK, D), jnp.float32),
        pltpu.VMEM_SHARED((NPAD, D), jnp.float32),
        pltpu.SemaphoreType.DMA,
        pltpu.SemaphoreType.DMA,
        pltpu.SemaphoreType.DMA,
        pltpu.SemaphoreType.DMA,
    ],
)
def _agg(y_hbm, src_hbm, dst_hbm, zrows_hbm, out_hbm,
         idx_s, idx_d, rows0, rows1, acc, g0, g1, d0, d1):
    c = lax.axis_index("c")
    s = lax.axis_index("s")
    wid = s * NCORES + c
    base = wid * (NBLK * BLK)

    pltpu.sync_copy(src_hbm.at[pl.ds(base, NBLK * BLK)], idx_s)

    @pl.when(jnp.logical_and(c == 0, s < NSUB - 1))
    def _():
        pltpu.sync_copy(y_hbm.at[pl.ds(s * RPS, RPS)], acc.at[pl.ds(s * RPS, RPS)])

    @pl.when(jnp.logical_and(c == 0, s == NSUB - 1))
    def _():
        pltpu.sync_copy(y_hbm.at[pl.ds(s * RPS, LASTR)], acc.at[pl.ds(s * RPS, LASTR)])

    @pl.when(jnp.logical_and(c != 0, s < NSUB - 1))
    def _():
        pltpu.sync_copy(zrows_hbm, acc.at[pl.ds(s * RPS, RPS)])

    @pl.when(jnp.logical_and(c != 0, s == NSUB - 1))
    def _():
        pltpu.sync_copy(zrows_hbm.at[pl.ds(0, LASTR)], acc.at[pl.ds(s * RPS, LASTR)])

    plsc.subcore_barrier()

    pltpu.async_copy(dst_hbm.at[pl.ds(base, BLK)], idx_d.at[0], d0)
    pltpu.async_copy(dst_hbm.at[pl.ds(base + BLK, BLK)], idx_d.at[1], d1)
    pltpu.async_copy(y_hbm.at[idx_s.at[pl.ds(0, BLK)]], rows0, g0)
    pltpu.async_copy(y_hbm.at[idx_s.at[pl.ds(BLK, BLK)]], rows1, g1)

    def pair(gi, carry):
        i0 = 2 * gi
        i1 = i0 + 1
        pltpu.make_async_copy(y_hbm.at[idx_s.at[pl.ds(0, BLK)]], rows0, g0).wait()
        pltpu.make_async_copy(dst_hbm.at[pl.ds(base, BLK)], idx_d.at[0], d0).wait()
        pltpu.sync_copy(rows0, acc.at[idx_d.at[0]], add=True)

        @pl.when(i0 + 2 < NBLK)
        def _():
            pltpu.async_copy(y_hbm.at[idx_s.at[pl.ds((i0 + 2) * BLK, BLK)]], rows0, g0)
            pltpu.async_copy(dst_hbm.at[pl.ds(base + (i0 + 2) * BLK, BLK)], idx_d.at[0], d0)

        pltpu.make_async_copy(y_hbm.at[idx_s.at[pl.ds(0, BLK)]], rows1, g1).wait()
        pltpu.make_async_copy(dst_hbm.at[pl.ds(base, BLK)], idx_d.at[1], d1).wait()
        pltpu.sync_copy(rows1, acc.at[idx_d.at[1]], add=True)

        @pl.when(i1 + 2 < NBLK)
        def _():
            pltpu.async_copy(y_hbm.at[idx_s.at[pl.ds((i1 + 2) * BLK, BLK)]], rows1, g1)
            pltpu.async_copy(dst_hbm.at[pl.ds(base + (i1 + 2) * BLK, BLK)], idx_d.at[1], d1)

        return carry

    lax.fori_loop(0, NBLK // 2, pair, 0)
    plsc.subcore_barrier()

    @pl.when(s < NSUB - 1)
    def _():
        pltpu.sync_copy(acc.at[pl.ds(s * RPS, RPS)], out_hbm.at[c, pl.ds(s * RPS, RPS)])

    @pl.when(s == NSUB - 1)
    def _():
        pltpu.sync_copy(acc.at[pl.ds(s * RPS, LASTR)], out_hbm.at[c, pl.ds(s * RPS, LASTR)])


@functools.partial(
    pl.kernel,
    out_type=jax.ShapeDtypeStruct((NCORES * NPAD,), jnp.float32),
    mesh=plsc.VectorSubcoreMesh(core_axis_name="c", subcore_axis_name="s"),
    scratch_types=[
        pltpu.VMEM((2, BLK), jnp.int32),
        pltpu.VMEM((1, BLK), jnp.float32),
        pltpu.VMEM((NPAD // NSUB,), jnp.float32),
        pltpu.VMEM_SHARED((NPAD,), jnp.float32),
        pltpu.SemaphoreType.DMA,
        pltpu.SemaphoreType.DMA,
    ],
)
def _deg(dst_hbm, znpad_hbm, ones_hbm, out_hbm, idxb, onesb, bounce, acc1, d0, d1):
    c = lax.axis_index("c")
    s = lax.axis_index("s")
    wid = s * NCORES + c
    base = wid * (NBLK * BLK)
    eps = NPAD // NSUB
    pltpu.sync_copy(ones_hbm, onesb)
    pltpu.sync_copy(znpad_hbm.at[pl.ds(s * eps, eps)], bounce)
    pltpu.sync_copy(bounce, acc1.at[pl.ds(s * eps, eps)])
    plsc.subcore_barrier()

    pltpu.async_copy(dst_hbm.at[pl.ds(base, BLK)], idxb.at[0], d0)
    pltpu.async_copy(dst_hbm.at[pl.ds(base + BLK, BLK)], idxb.at[1], d1)

    def pair(gi, carry):
        i0 = 2 * gi
        i1 = i0 + 1
        pltpu.make_async_copy(dst_hbm.at[pl.ds(base, BLK)], idxb.at[0], d0).wait()
        pltpu.sync_copy(onesb.at[0], acc1.at[idxb.at[0]], add=True)

        @pl.when(i0 + 2 < NBLK)
        def _():
            pltpu.async_copy(dst_hbm.at[pl.ds(base + (i0 + 2) * BLK, BLK)], idxb.at[0], d0)

        pltpu.make_async_copy(dst_hbm.at[pl.ds(base, BLK)], idxb.at[1], d1).wait()
        pltpu.sync_copy(onesb.at[0], acc1.at[idxb.at[1]], add=True)

        @pl.when(i1 + 2 < NBLK)
        def _():
            pltpu.async_copy(dst_hbm.at[pl.ds(base + (i1 + 2) * BLK, BLK)], idxb.at[1], d1)

        return carry

    lax.fori_loop(0, NBLK // 2, pair, 0)
    plsc.subcore_barrier()
    pltpu.sync_copy(acc1.at[pl.ds(s * eps, eps)], bounce)
    pltpu.sync_copy(bounce, out_hbm.at[pl.ds(c * NPAD + s * eps, eps)])



def _dinv_of(degp_ref):
    return lax.rsqrt(degp_ref[0] + degp_ref[1] + 1.0)


def _tc_first_body(x_ref, degp_ref, w_ref, y_ref):
    dinv = _dinv_of(degp_ref)
    y_ref[...] = jnp.dot(x_ref[...], w_ref[...],
                         preferred_element_type=jnp.float32) * dinv


_tc_first = pl.pallas_call(
    _tc_first_body,
    grid=(N // RB,),
    in_specs=[
        pl.BlockSpec((RB, D), lambda i: (i, 0)),
        pl.BlockSpec((NCORES, RB, 1), lambda i: (0, i, 0)),
        pl.BlockSpec((D, D), lambda i: (0, 0)),
    ],
    out_specs=pl.BlockSpec((RB, D), lambda i: (i, 0)),
    out_shape=jax.ShapeDtypeStruct((N, D), jnp.float32),
)


def _tc_mid_body(s2_ref, degp_ref, b_ref, w_ref, y_ref):
    dinv = _dinv_of(degp_ref)
    sagg = s2_ref[0] + s2_ref[1]
    h = jnp.maximum(sagg * dinv + b_ref[0][None, :], 0.0)
    y_ref[...] = jnp.dot(h, w_ref[...],
                         preferred_element_type=jnp.float32) * dinv


_tc_mid = pl.pallas_call(
    _tc_mid_body,
    grid=(N // RB,),
    in_specs=[
        pl.BlockSpec((NCORES, RB, D), lambda i: (0, i, 0)),
        pl.BlockSpec((NCORES, RB, 1), lambda i: (0, i, 0)),
        pl.BlockSpec((1, D), lambda i: (0, 0)),
        pl.BlockSpec((D, D), lambda i: (0, 0)),
    ],
    out_specs=pl.BlockSpec((RB, D), lambda i: (i, 0)),
    out_shape=jax.ShapeDtypeStruct((N, D), jnp.float32),
)


def _make_tc_final(ncls):
    def body(s2_ref, degp_ref, b_ref, out_ref):
        dinv = _dinv_of(degp_ref)
        logits = (s2_ref[0] + s2_ref[1]) * dinv + b_ref[0][None, :]
        col = lax.broadcasted_iota(jnp.int32, (RB, D), 1)
        masked = jnp.where(col < ncls, logits, -1e30)
        m = jnp.max(masked, axis=-1, keepdims=True)
        lse = m + jnp.log(jnp.sum(jnp.exp(masked - m), axis=-1, keepdims=True))
        out_ref[...] = logits - lse

    return pl.pallas_call(
        body,
        grid=(N // RB,),
        in_specs=[
            pl.BlockSpec((NCORES, RB, D), lambda i: (0, i, 0)),
            pl.BlockSpec((NCORES, RB, 1), lambda i: (0, i, 0)),
            pl.BlockSpec((1, D), lambda i: (0, 0)),
        ],
        out_specs=pl.BlockSpec((RB, D), lambda i: (i, 0)),
        out_shape=jax.ShapeDtypeStruct((N, D), jnp.float32),
    )



def kernel(x, edge_index, W1, b1, W2, b2, W3, b3, W4, b4, W5, b5, W6, b6):
    ncls = W6.shape[1]
    w6p = jnp.pad(W6, ((0, 0), (0, D - ncls)))
    b6p = jnp.pad(b6, (0, D - ncls))
    src = edge_index[0]
    dst = edge_index[1]
    e = src.shape[0]
    pad = NW * NBLK * BLK - e
    it = jnp.arange(pad, dtype=src.dtype)
    src_p = jnp.concatenate([src, it % BLK])
    dst_p = jnp.concatenate([dst, N + it % (NPAD - N)])
    zrows = jnp.zeros((RPS, D), jnp.float32)
    znpad = jnp.zeros((NPAD,), jnp.float32)

    degp = _deg(dst_p, znpad, jnp.ones((1, BLK), jnp.float32)).reshape(NCORES, NPAD, 1)
    y = _tc_first(x, degp, W1)
    for bk, wn in ((b1, W2), (b2, W3), (b3, W4), (b4, W5), (b5, w6p)):
        s2 = _agg(y, src_p, dst_p, zrows)
        y = _tc_mid(s2, degp, bk.reshape(1, D), wn)
    s2 = _agg(y, src_p, dst_p, zrows)
    out = _make_tc_final(ncls)(s2, degp, b6p.reshape(1, D))
    return out[:, :ncls]

# --- scband reference (transcript-rebuilt; emitter-appended) ---
"""Pipeline reference for scband-gcn-30846455120743 (READ-ONLY COPY).

The authoritative reference and input builder live on the scoring server;
editing this copy changes nothing except your own understanding.
"""

import jax, jax.numpy as jnp
import numpy as np

N = 10000
E = 320000
D_IN = 128
HID = 128
N_CLS = 40


def _init_w(key, fan_in, fan_out):
    # Glorot-uniform like PyG GCNConv default
    limit = jnp.sqrt(6.0 / (fan_in + fan_out))
    return jax.random.uniform(key, (fan_in, fan_out), dtype=jnp.float32, minval=-limit, maxval=limit)


def setup_inputs(seed: int = 0) -> dict:
    key = jax.random.key(seed)
    ks = jax.random.split(key, 16)
    x = jax.random.normal(ks[0], (N, D_IN), dtype=jnp.float32)
    edge_index = jax.random.randint(ks[1], (2, E), 0, N, dtype=jnp.int32)
    dims = [(D_IN, HID), (HID, HID), (HID, HID), (HID, HID), (HID, HID), (HID, N_CLS)]
    inp = {"x": x, "edge_index": edge_index}
    for i, (fi, fo) in enumerate(dims):
        inp[f"W{i+1}"] = _init_w(ks[2 + i], fi, fo)
        inp[f"b{i+1}"] = jnp.zeros((fo,), dtype=jnp.float32)
    return inp


def _gcn_conv(x, edge_index, W, b):
    n = x.shape[0]
    loop = jnp.arange(n, dtype=edge_index.dtype)
    src = jnp.concatenate([edge_index[0], loop])
    dst = jnp.concatenate([edge_index[1], loop])
    deg = jnp.zeros((n,), dtype=jnp.float32).at[dst].add(1.0)
    dinv = jnp.where(deg > 0, deg ** -0.5, 0.0)
    norm = dinv[src] * dinv[dst]
    xw = x @ W
    msg = jnp.take(xw, src, axis=0) * norm[:, None]
    out = jnp.zeros((n, W.shape[1]), dtype=jnp.float32).at[dst].add(msg)
    return out + b


def reference(x, edge_index, W1, b1, W2, b2, W3, b3, W4, b4, W5, b5, W6, b6):
    # eval mode: F.dropout(training=False) is identity
    h = _gcn_conv(x, edge_index, W1, b1)
    h = jax.nn.relu(h)
    h = _gcn_conv(h, edge_index, W2, b2)
    h = jax.nn.relu(h)
    h = _gcn_conv(h, edge_index, W3, b3)
    h = jax.nn.relu(h)
    h = _gcn_conv(h, edge_index, W4, b4)
    h = jax.nn.relu(h)
    h = _gcn_conv(h, edge_index, W5, b5)
    h = jax.nn.relu(h)
    h = _gcn_conv(h, edge_index, W6, b6)
    return jax.nn.log_softmax(h, axis=-1)

if __name__ == "__main__":
    import jax
    _d = setup_inputs()
    print(jax.jit(kernel)(*tuple(_d.values())))

</pallas_src>

<mosaic_0001>
#map = affine_map<(d0, d1) -> (0, 0)>
#map1 = affine_map<(d0, d1) -> (0)>
#map2 = affine_map<(d0, d1) -> (0, 0, 0)>
module attributes {stable_mosaic.version = 14 : i64} {
  func.func @_agg(%arg0: i32, %arg1: i32, %arg2: memref<10000x128xf32, #tpu.memory_space<hbm>>, %arg3: memref<327680xi32, #tpu.memory_space<hbm>>, %arg4: memref<327680xi32, #tpu.memory_space<hbm>>, %arg5: memref<632x128xf32, #tpu.memory_space<hbm>>, %arg6: memref<2x10000x128xf32, #tpu.memory_space<hbm>>, %arg7: memref<10240xi32, #tpu.memory_space<vmem>>, %arg8: memref<2x128xi32, #tpu.memory_space<vmem>>, %arg9: memref<128x128xf32, #tpu.memory_space<vmem>>, %arg10: memref<128x128xf32, #tpu.memory_space<vmem>>, %arg11: memref<10112x128xf32, #tpu.memory_space<vmem_shared>>, %arg12: memref<!tpu.dma_semaphore, #tpu.memory_space<semaphore_mem>>, %arg13: memref<!tpu.dma_semaphore, #tpu.memory_space<semaphore_mem>>, %arg14: memref<!tpu.dma_semaphore, #tpu.memory_space<semaphore_mem>>, %arg15: memref<!tpu.dma_semaphore, #tpu.memory_space<semaphore_mem>>) attributes {dimension_semantics = [#tpu.dimension_semantics<core_parallel>, #tpu.dimension_semantics<subcore_parallel>], iteration_bounds = array<i64: 2, 16>, scalar_prefetch = 0 : i64, scratch_operands = 9 : i64, tpu.core_type = #tpu.core_type<sc_vector_subcore>, window_params = [{transform_indices = #map}, {transform_indices = #map1}, {transform_indices = #map1}, {transform_indices = #map}, {transform_indices = #map2}]} {
    %mul3A = arith.constant 2 : i32
    %mul3A_0 = arith.muli %arg1, %mul3A : i32
    %add3A = arith.addi %mul3A_0, %arg0 : i32
    %mul3A_1 = arith.constant 10240 : i32
    %mul3A_2 = arith.muli %add3A, %mul3A_1 : i32
    "tpu.region"() ({
      %run_scoped3A = tpu.sem_alloc : memref<!tpu.dma_semaphore, #tpu.memory_space<semaphore_mem>>
      %dma_start3A_74 = tpu.memref_slice %arg3[%mul3A_2] : memref<327680xi32, #tpu.memory_space<hbm>> -> memref<10240xi32, #tpu.memory_space<hbm>>
      %dma_start3A_75 = tpu.memref_slice %arg3[%mul3A_2] : memref<327680xi32, #tpu.memory_space<hbm>> -> memref<10240xi32, #tpu.memory_space<hbm>>
      tpu.enqueue_dma source(%dma_start3A_75 : memref<10240xi32, #tpu.memory_space<hbm>>) target(%arg7 : memref<10240xi32, #tpu.memory_space<vmem>>) target_semaphore(%run_scoped3A : memref<!tpu.dma_semaphore, #tpu.memory_space<semaphore_mem>>)
      %dma_wait3A = tpu.memref_slice %arg3[%mul3A_2] : memref<327680xi32, #tpu.memory_space<hbm>> -> memref<10240xi32, #tpu.memory_space<hbm>>
      %dma_wait3A_76 = tpu.memref_slice %arg3[%mul3A_2] : memref<327680xi32, #tpu.memory_space<hbm>> -> memref<10240xi32, #tpu.memory_space<hbm>>
      tpu.wait_dma2 semaphore(%run_scoped3A : memref<!tpu.dma_semaphore, #tpu.memory_space<semaphore_mem>>) src(%dma_wait3A_76 : memref<10240xi32, #tpu.memory_space<hbm>>) dst(%arg7 : memref<10240xi32, #tpu.memory_space<vmem>>)
      tpu.yield
    }) : () -> ()
    %eq3A = arith.constant 0 : i32
    %eq3A_3 = arith.cmpi eq, %arg0, %eq3A : i32
    %lt3A = arith.constant 15 : i32
    %lt3A_4 = arith.cmpi slt, %arg1, %lt3A : i32
    %and3A = arith.andi %eq3A_3, %lt3A_4 : i1
    %convert_element_type3A = arith.extui %and3A : i1 to i32
    %cond3A = arith.constant 0 : i32
    %cond3A_5 = arith.cmpi ne, %convert_element_type3A, %cond3A : i32
    scf.if %cond3A_5 {
      %mul3A_74 = arith.constant 632 : i32
      %mul3A_75 = arith.muli %arg1, %mul3A_74 : i32
      %mul3A_76 = arith.constant 632 : i32
      %mul3A_77 = arith.muli %arg1, %mul3A_76 : i32
      "tpu.region"() ({
        %run_scoped3A = tpu.sem_alloc : memref<!tpu.dma_semaphore, #tpu.memory_space<semaphore_mem>>
        %dma_start3A_78 = arith.constant 0 : i32
        %dma_start3A_79 = tpu.memref_slice %arg11[%mul3A_77, %dma_start3A_78] : memref<10112x128xf32, #tpu.memory_space<vmem_shared>> -> memref<632x128xf32, #tpu.memory_space<vmem_shared>>
        %dma_start3A_80 = arith.constant 0 : i32
        %dma_start3A_81 = tpu.memref_slice %arg2[%mul3A_75, %dma_start3A_80] : memref<10000x128xf32, #tpu.memory_space<hbm>> -> memref<632x128xf32, #tpu.memory_space<hbm>>
        tpu.enqueue_dma source(%dma_start3A_81 : memref<632x128xf32, #tpu.memory_space<hbm>>) target(%dma_start3A_79 : memref<632x128xf32, #tpu.memory_space<vmem_shared>>) target_semaphore(%run_scoped3A : memref<!tpu.dma_semaphore, #tpu.memory_space<semaphore_mem>>)
        %dma_wait3A = arith.constant 0 : i32
        %dma_wait3A_82 = tpu.memref_slice %arg11[%mul3A_77, %dma_wait3A] : memref<10112x128xf32, #tpu.memory_space<vmem_shared>> -> memref<632x128xf32, #tpu.memory_space<vmem_shared>>
        %dma_wait3A_83 = arith.constant 0 : i32
        %dma_wait3A_84 = tpu.memref_slice %arg2[%mul3A_75, %dma_wait3A_83] : memref<10000x128xf32, #tpu.memory_space<hbm>> -> memref<632x128xf32, #tpu.memory_space<hbm>>
        tpu.wait_dma2 semaphore(%run_scoped3A : memref<!tpu.dma_semaphore, #tpu.memory_space<semaphore_mem>>) src(%dma_wait3A_84 : memref<632x128xf32, #tpu.memory_space<hbm>>) dst(%dma_wait3A_82 : memref<632x128xf32, #tpu.memory_space<vmem_shared>>)
        tpu.yield
      }) : () -> ()
    } else {
    }
    %eq3A_6 = arith.constant 0 : i32
    %eq3A_7 = arith.cmpi eq, %arg0, %eq3A_6 : i32
    %eq3A_8 = arith.constant 15 : i32
    %eq3A_9 = arith.cmpi eq, %arg1, %eq3A_8 : i32
    %and3A_10 = arith.andi %eq3A_7, %eq3A_9 : i1
    %convert_element_type3A_11 = arith.extui %and3A_10 : i1 to i32
    %cond3A_12 = arith.constant 0 : i32
    %cond3A_13 = arith.cmpi ne, %convert_element_type3A_11, %cond3A_12 : i32
    scf.if %cond3A_13 {
      %mul3A_74 = arith.constant 632 : i32
      %mul3A_75 = arith.muli %arg1, %mul3A_74 : i32
      %mul3A_76 = arith.constant 632 : i32
      %mul3A_77 = arith.muli %arg1, %mul3A_76 : i32
      "tpu.region"() ({
        %run_scoped3A = tpu.sem_alloc : memref<!tpu.dma_semaphore, #tpu.memory_space<semaphore_mem>>
        %dma_start3A_78 = arith.constant 0 : i32
        %dma_start3A_79 = tpu.memref_slice %arg11[%mul3A_77, %dma_start3A_78] : memref<10112x128xf32, #tpu.memory_space<vmem_shared>> -> memref<520x128xf32, #tpu.memory_space<vmem_shared>>
        %dma_start3A_80 = arith.constant 0 : i32
        %dma_start3A_81 = tpu.memref_slice %arg2[%mul3A_75, %dma_start3A_80] : memref<10000x128xf32, #tpu.memory_space<hbm>> -> memref<520x128xf32, #tpu.memory_space<hbm>>
        tpu.enqueue_dma source(%dma_start3A_81 : memref<520x128xf32, #tpu.memory_space<hbm>>) target(%dma_start3A_79 : memref<520x128xf32, #tpu.memory_space<vmem_shared>>) target_semaphore(%run_scoped3A : memref<!tpu.dma_semaphore, #tpu.memory_space<semaphore_mem>>)
        %dma_wait3A = arith.constant 0 : i32
        %dma_wait3A_82 = tpu.memref_slice %arg11[%mul3A_77, %dma_wait3A] : memref<10112x128xf32, #tpu.memory_space<vmem_shared>> -> memref<520x128xf32, #tpu.memory_space<vmem_shared>>
        %dma_wait3A_83 = arith.constant 0 : i32
        %dma_wait3A_84 = tpu.memref_slice %arg2[%mul3A_75, %dma_wait3A_83] : memref<10000x128xf32, #tpu.memory_space<hbm>> -> memref<520x128xf32, #tpu.memory_space<hbm>>
        tpu.wait_dma2 semaphore(%run_scoped3A : memref<!tpu.dma_semaphore, #tpu.memory_space<semaphore_mem>>) src(%dma_wait3A_84 : memref<520x128xf32, #tpu.memory_space<hbm>>) dst(%dma_wait3A_82 : memref<520x128xf32, #tpu.memory_space<vmem_shared>>)
        tpu.yield
      }) : () -> ()
    } else {
    }
    %ne3A = arith.constant 0 : i32
    %ne3A_14 = arith.cmpi ne, %arg0, %ne3A : i32
    %lt3A_15 = arith.constant 15 : i32
    %lt3A_16 = arith.cmpi slt, %arg1, %lt3A_15 : i32
    %and3A_17 = arith.andi %ne3A_14, %lt3A_16 : i1
    %convert_element_type3A_18 = arith.extui %and3A_17 : i1 to i32
    %cond3A_19 = arith.constant 0 : i32
    %cond3A_20 = arith.cmpi ne, %convert_element_type3A_18, %cond3A_19 : i32
    scf.if %cond3A_20 {
      %mul3A_74 = arith.constant 632 : i32
      %mul3A_75 = arith.muli %arg1, %mul3A_74 : i32
      "tpu.region"() ({
        %run_scoped3A = tpu.sem_alloc : memref<!tpu.dma_semaphore, #tpu.memory_space<semaphore_mem>>
        %dma_start3A_76 = arith.constant 0 : i32
        %dma_start3A_77 = tpu.memref_slice %arg11[%mul3A_75, %dma_start3A_76] : memref<10112x128xf32, #tpu.memory_space<vmem_shared>> -> memref<632x128xf32, #tpu.memory_space<vmem_shared>>
        tpu.enqueue_dma source(%arg5 : memref<632x128xf32, #tpu.memory_space<hbm>>) target(%dma_start3A_77 : memref<632x128xf32, #tpu.memory_space<vmem_shared>>) target_semaphore(%run_scoped3A : memref<!tpu.dma_semaphore, #tpu.memory_space<semaphore_mem>>)
        %dma_wait3A = arith.constant 0 : i32
        %dma_wait3A_78 = tpu.memref_slice %arg11[%mul3A_75, %dma_wait3A] : memref<10112x128xf32, #tpu.memory_space<vmem_shared>> -> memref<632x128xf32, #tpu.memory_space<vmem_shared>>
        tpu.wait_dma2 semaphore(%run_scoped3A : memref<!tpu.dma_semaphore, #tpu.memory_space<semaphore_mem>>) src(%arg5 : memref<632x128xf32, #tpu.memory_space<hbm>>) dst(%dma_wait3A_78 : memref<632x128xf32, #tpu.memory_space<vmem_shared>>)
        tpu.yield
      }) : () -> ()
    } else {
    }
    %ne3A_21 = arith.constant 0 : i32
    %ne3A_22 = arith.cmpi ne, %arg0, %ne3A_21 : i32
    %eq3A_23 = arith.constant 15 : i32
    %eq3A_24 = arith.cmpi eq, %arg1, %eq3A_23 : i32
    %and3A_25 = arith.andi %ne3A_22, %eq3A_24 : i1
    %convert_element_type3A_26 = arith.extui %and3A_25 : i1 to i32
    %cond3A_27 = arith.constant 0 : i32
    %cond3A_28 = arith.cmpi ne, %convert_element_type3A_26, %cond3A_27 : i32
    scf.if %cond3A_28 {
      %mul3A_74 = arith.constant 632 : i32
      %mul3A_75 = arith.muli %arg1, %mul3A_74 : i32
      "tpu.region"() ({
        %run_scoped3A = tpu.sem_alloc : memref<!tpu.dma_semaphore, #tpu.memory_space<semaphore_mem>>
        %dma_start3A_76 = arith.constant 0 : i32
        %dma_start3A_77 = tpu.memref_slice %arg11[%mul3A_75, %dma_start3A_76] : memref<10112x128xf32, #tpu.memory_space<vmem_shared>> -> memref<520x128xf32, #tpu.memory_space<vmem_shared>>
        %dma_start3A_78 = arith.constant 0 : i32
        %dma_start3A_79 = arith.constant 0 : i32
        %dma_start3A_80 = tpu.memref_slice %arg5[%dma_start3A_78, %dma_start3A_79] : memref<632x128xf32, #tpu.memory_space<hbm>> -> memref<520x128xf32, #tpu.memory_space<hbm>>
        tpu.enqueue_dma source(%dma_start3A_80 : memref<520x128xf32, #tpu.memory_space<hbm>>) target(%dma_start3A_77 : memref<520x128xf32, #tpu.memory_space<vmem_shared>>) target_semaphore(%run_scoped3A : memref<!tpu.dma_semaphore, #tpu.memory_space<semaphore_mem>>)
        %dma_wait3A = arith.constant 0 : i32
        %dma_wait3A_81 = tpu.memref_slice %arg11[%mul3A_75, %dma_wait3A] : memref<10112x128xf32, #tpu.memory_space<vmem_shared>> -> memref<520x128xf32, #tpu.memory_space<vmem_shared>>
        %dma_wait3A_82 = arith.constant 0 : i32
        %dma_wait3A_83 = arith.constant 0 : i32
        %dma_wait3A_84 = tpu.memref_slice %arg5[%dma_wait3A_82, %dma_wait3A_83] : memref<632x128xf32, #tpu.memory_space<hbm>> -> memref<520x128xf32, #tpu.memory_space<hbm>>
        tpu.wait_dma2 semaphore(%run_scoped3A : memref<!tpu.dma_semaphore, #tpu.memory_space<semaphore_mem>>) src(%dma_wait3A_84 : memref<520x128xf32, #tpu.memory_space<hbm>>) dst(%dma_wait3A_81 : memref<520x128xf32, #tpu.memory_space<vmem_shared>>)
        tpu.yield
      }) : () -> ()
    } else {
    }
    %barrier3A = arith.constant 0 : index
    tpu.barrier barrier_id(%barrier3A)
    %dma_start3A = arith.constant 0 : i32
    %dma_start3A_29 = arith.constant 0 : i32
    %dma_start3A_30 = tpu.memref_slice %arg8[%dma_start3A, %dma_start3A_29] : memref<2x128xi32, #tpu.memory_space<vmem>> -> memref<1x128xi32, #tpu.memory_space<vmem>>
    %dma_start3A_31 = tpu.memref_squeeze %dma_start3A_30 : memref<1x128xi32, #tpu.memory_space<vmem>> -> memref<128xi32, #tpu.memory_space<vmem>>
    %dma_start3A_32 = tpu.memref_slice %arg4[%mul3A_2] : memref<327680xi32, #tpu.memory_space<hbm>> -> memref<128xi32, #tpu.memory_space<hbm>>
    %dma_start3A_33 = arith.constant 0 : i32
    %dma_start3A_34 = tpu.memref_slice %arg8[%dma_start3A, %dma_start3A_33] : memref<2x128xi32, #tpu.memory_space<vmem>> -> memref<1x128xi32, #tpu.memory_space<vmem>>
    %dma_start3A_35 = tpu.memref_squeeze %dma_start3A_34 : memref<1x128xi32, #tpu.memory_space<vmem>> -> memref<128xi32, #tpu.memory_space<vmem>>
    %dma_start3A_36 = tpu.memref_slice %arg4[%mul3A_2] : memref<327680xi32, #tpu.memory_space<hbm>> -> memref<128xi32, #tpu.memory_space<hbm>>
    tpu.enqueue_dma source(%dma_start3A_36 : memref<128xi32, #tpu.memory_space<hbm>>) target(%dma_start3A_35 : memref<128xi32, #tpu.memory_space<vmem>>) target_semaphore(%arg14 : memref<!tpu.dma_semaphore, #tpu.memory_space<semaphore_mem>>)
    %add3A_37 = arith.constant 128 : i32
    %add3A_38 = arith.addi %mul3A_2, %add3A_37 : i32
    %dma_start3A_39 = arith.constant 1 : i32
    %dma_start3A_40 = arith.constant 0 : i32
    %dma_start3A_41 = tpu.memref_slice %arg8[%dma_start3A_39, %dma_start3A_40] : memref<2x128xi32, #tpu.memory_space<vmem>> -> memref<1x128xi32, #tpu.memory_space<vmem>>
    %dma_start3A_42 = tpu.memref_squeeze %dma_start3A_41 : memref<1x128xi32, #tpu.memory_space<vmem>> -> memref<128xi32, #tpu.memory_space<vmem>>
    %dma_start3A_43 = tpu.memref_slice %arg4[%add3A_38] : memref<327680xi32, #tpu.memory_space<hbm>> -> memref<128xi32, #tpu.memory_space<hbm>>
    %dma_start3A_44 = arith.constant 0 : i32
    %dma_start3A_45 = tpu.memref_slice %arg8[%dma_start3A_39, %dma_start3A_44] : memref<2x128xi32, #tpu.memory_space<vmem>> -> memref<1x128xi32, #tpu.memory_space<vmem>>
    %dma_start3A_46 = tpu.memref_squeeze %dma_start3A_45 : memref<1x128xi32, #tpu.memory_space<vmem>> -> memref<128xi32, #tpu.memory_space<vmem>>
    %dma_start3A_47 = tpu.memref_slice %arg4[%add3A_38] : memref<327680xi32, #tpu.memory_space<hbm>> -> memref<128xi32, #tpu.memory_space<hbm>>
    tpu.enqueue_dma source(%dma_start3A_47 : memref<128xi32, #tpu.memory_space<hbm>>) target(%dma_start3A_46 : memref<128xi32, #tpu.memory_space<vmem>>) target_semaphore(%arg15 : memref<!tpu.dma_semaphore, #tpu.memory_space<semaphore_mem>>)
    %dma_start3A_48 = arith.constant 0 : i32
    %dma_start3A_49 = tpu.memref_slice %arg7[%dma_start3A_48] : memref<10240xi32, #tpu.memory_space<vmem>> -> memref<128xi32, #tpu.memory_space<vmem>>
    %dma_start3A_50 = arith.constant 0 : i32
    %dma_start3A_51 = arith.constant 0 : i32
    %dma_start3A_52 = tpu.memref_slice %arg2[%dma_start3A_50, %dma_start3A_51] : memref<10000x128xf32, #tpu.memory_space<hbm>> -> memref<10000x128xf32, #tpu.memory_space<hbm>>
    tpu.enqueue_indirect_dma source(%dma_start3A_52 : memref<10000x128xf32, #tpu.memory_space<hbm>>) target(%arg9 : memref<128x128xf32, #tpu.memory_space<vmem>>) offsets(%dma_start3A_49 : memref<128xi32, #tpu.memory_space<vmem>>) semaphore(%arg12 : memref<!tpu.dma_semaphore, #tpu.memory_space<semaphore_mem>>)
    %dma_start3A_53 = arith.constant 128 : i32
    %dma_start3A_54 = tpu.memref_slice %arg7[%dma_start3A_53] : memref<10240xi32, #tpu.memory_space<vmem>> -> memref<128xi32, #tpu.memory_space<vmem>>
    %dma_start3A_55 = arith.constant 0 : i32
    %dma_start3A_56 = arith.constant 0 : i32
    %dma_start3A_57 = tpu.memref_slice %arg2[%dma_start3A_55, %dma_start3A_56] : memref<10000x128xf32, #tpu.memory_space<hbm>> -> memref<10000x128xf32, #tpu.memory_space<hbm>>
    tpu.enqueue_indirect_dma source(%dma_start3A_57 : memref<10000x128xf32, #tpu.memory_space<hbm>>) target(%arg10 : memref<128x128xf32, #tpu.memory_space<vmem>>) offsets(%dma_start3A_54 : memref<128xi32, #tpu.memory_space<vmem>>) semaphore(%arg13 : memref<!tpu.dma_semaphore, #tpu.memory_space<semaphore_mem>>)
    %scan3A = arith.constant 0 : i32
    %scan3A_58 = arith.constant 0 : i32
    %scan3A_59 = arith.constant 40 : i32
    %scan3A_60 = arith.addi %scan3A_58, %scan3A_59 : i32
    %scan3A_61 = arith.constant 1 : i32
    scf.for %scan3A_74 = %scan3A_58 to %scan3A_60 step %scan3A_61  : i32 {
      %mul3A_75 = arith.constant 2 : i32
      %mul3A_76 = arith.muli %mul3A_75, %scan3A_74 : i32
      %add3A_77 = arith.constant 1 : i32
      %add3A_78 = arith.addi %mul3A_76, %add3A_77 : i32
      %dma_wait3A = arith.constant 0 : i32
      %dma_wait3A_79 = tpu.memref_slice %arg7[%dma_wait3A] : memref<10240xi32, #tpu.memory_space<vmem>> -> memref<128xi32, #tpu.memory_space<vmem>>
      %dma_wait3A_80 = arith.constant 0 : i32
      %dma_wait3A_81 = arith.constant 0 : i32
      %dma_wait3A_82 = tpu.memref_slice %arg2[%dma_wait3A_80, %dma_wait3A_81] : memref<10000x128xf32, #tpu.memory_space<hbm>> -> memref<10000x128xf32, #tpu.memory_space<hbm>>
      tpu.wait_indirect_dma semaphore(%arg12 : memref<!tpu.dma_semaphore, #tpu.memory_space<semaphore_mem>>) src(%dma_wait3A_82 : memref<10000x128xf32, #tpu.memory_space<hbm>>) dst(%arg9 : memref<128x128xf32, #tpu.memory_space<vmem>>)
      %dma_wait3A_83 = arith.constant 0 : i32
      %dma_wait3A_84 = arith.constant 0 : i32
      %dma_wait3A_85 = tpu.memref_slice %arg8[%dma_wait3A_83, %dma_wait3A_84] : memref<2x128xi32, #tpu.memory_space<vmem>> -> memref<1x128xi32, #tpu.memory_space<vmem>>
      %dma_wait3A_86 = tpu.memref_squeeze %dma_wait3A_85 : memref<1x128xi32, #tpu.memory_space<vmem>> -> memref<128xi32, #tpu.memory_space<vmem>>
      %dma_wait3A_87 = tpu.memref_slice %arg4[%mul3A_2] : memref<327680xi32, #tpu.memory_space<hbm>> -> memref<128xi32, #tpu.memory_space<hbm>>
      %dma_wait3A_88 = arith.constant 0 : i32
      %dma_wait3A_89 = tpu.memref_slice %arg8[%dma_wait3A_83, %dma_wait3A_88] : memref<2x128xi32, #tpu.memory_space<vmem>> -> memref<1x128xi32, #tpu.memory_space<vmem>>
      %dma_wait3A_90 = tpu.memref_squeeze %dma_wait3A_89 : memref<1x128xi32, #tpu.memory_space<vmem>> -> memref<128xi32, #tpu.memory_space<vmem>>
      %dma_wait3A_91 = tpu.memref_slice %arg4[%mul3A_2] : memref<327680xi32, #tpu.memory_space<hbm>> -> memref<128xi32, #tpu.memory_space<hbm>>
      tpu.wait_dma2 semaphore(%arg14 : memref<!tpu.dma_semaphore, #tpu.memory_space<semaphore_mem>>) src(%dma_wait3A_91 : memref<128xi32, #tpu.memory_space<hbm>>) dst(%dma_wait3A_90 : memref<128xi32, #tpu.memory_space<vmem>>)
      %run_scoped3A = arith.constant 0 : i32
      "tpu.region"() ({
        %run_scoped3A_121 = tpu.sem_alloc : memref<!tpu.dma_semaphore, #tpu.memory_space<semaphore_mem>>
        %dma_start3A_122 = arith.constant 0 : i32
        %dma_start3A_123 = tpu.memref_slice %arg8[%run_scoped3A, %dma_start3A_122] : memref<2x128xi32, #tpu.memory_space<vmem>> -> memref<1x128xi32, #tpu.memory_space<vmem>>
        %dma_start3A_124 = tpu.memref_squeeze %dma_start3A_123 : memref<1x128xi32, #tpu.memory_space<vmem>> -> memref<128xi32, #tpu.memory_space<vmem>>
        %dma_start3A_125 = arith.constant 0 : i32
        %dma_start3A_126 = arith.constant 0 : i32
        %dma_start3A_127 = tpu.memref_slice %arg11[%dma_start3A_125, %dma_start3A_126] : memref<10112x128xf32, #tpu.memory_space<vmem_shared>> -> memref<10112x128xf32, #tpu.memory_space<vmem_shared>>
        tpu.enqueue_indirect_dma source(%arg9 : memref<128x128xf32, #tpu.memory_space<vmem>>) target(%dma_start3A_127 : memref<10112x128xf32, #tpu.memory_space<vmem_shared>>) offsets(%dma_start3A_124 : memref<128xi32, #tpu.memory_space<vmem>>) semaphore(%run_scoped3A_121 : memref<!tpu.dma_semaphore, #tpu.memory_space<semaphore_mem>>) {add = true}
        %dma_wait3A_128 = arith.constant 0 : i32
        %dma_wait3A_129 = tpu.memref_slice %arg8[%run_scoped3A, %dma_wait3A_128] : memref<2x128xi32, #tpu.memory_space<vmem>> -> memref<1x128xi32, #tpu.memory_space<vmem>>
        %dma_wait3A_130 = tpu.memref_squeeze %dma_wait3A_129 : memref<1x128xi32, #tpu.memory_space<vmem>> -> memref<128xi32, #tpu.memory_space<vmem>>
        %dma_wait3A_131 = arith.constant 0 : i32
        %dma_wait3A_132 = arith.constant 0 : i32
        %dma_wait3A_133 = tpu.memref_slice %arg11[%dma_wait3A_131, %dma_wait3A_132] : memref<10112x128xf32, #tpu.memory_space<vmem_shared>> -> memref<10112x128xf32, #tpu.memory_space<vmem_shared>>
        tpu.wait_indirect_dma semaphore(%run_scoped3A_121 : memref<!tpu.dma_semaphore, #tpu.memory_space<semaphore_mem>>) src(%arg9 : memref<128x128xf32, #tpu.memory_space<vmem>>) dst(%dma_wait3A_133 : memref<10112x128xf32, #tpu.memory_space<vmem_shared>>)
        tpu.yield
      }) : () -> ()
      %add3A_92 = arith.constant 2 : i32
      %add3A_93 = arith.addi %mul3A_76, %add3A_92 : i32
      %lt3A_94 = arith.constant 80 : i32
      %lt3A_95 = arith.cmpi slt, %add3A_93, %lt3A_94 : i32
      %convert_element_type3A_96 = arith.extui %lt3A_95 : i1 to i32
      %cond3A_97 = arith.constant 0 : i32
      %cond3A_98 = arith.cmpi ne, %convert_element_type3A_96, %cond3A_97 : i32
      scf.if %cond3A_98 {
        %add3A_121 = arith.constant 2 : i32
        %add3A_122 = arith.addi %mul3A_76, %add3A_121 : i32
        %mul3A_123 = arith.constant 128 : i32
        %mul3A_124 = arith.muli %add3A_122, %mul3A_123 : i32
        %dma_start3A_125 = tpu.memref_slice %arg7[%mul3A_124] : memref<10240xi32, #tpu.memory_space<vmem>> -> memref<128xi32, #tpu.memory_space<vmem>>
        %dma_start3A_126 = arith.constant 0 : i32
        %dma_start3A_127 = arith.constant 0 : i32
        %dma_start3A_128 = tpu.memref_slice %arg2[%dma_start3A_126, %dma_start3A_127] : memref<10000x128xf32, #tpu.memory_space<hbm>> -> memref<10000x128xf32, #tpu.memory_space<hbm>>
        tpu.enqueue_indirect_dma source(%dma_start3A_128 : memref<10000x128xf32, #tpu.memory_space<hbm>>) target(%arg9 : memref<128x128xf32, #tpu.memory_space<vmem>>) offsets(%dma_start3A_125 : memref<128xi32, #tpu.memory_space<vmem>>) semaphore(%arg12 : memref<!tpu.dma_semaphore, #tpu.memory_space<semaphore_mem>>)
        %add3A_129 = arith.constant 2 : i32
        %add3A_130 = arith.addi %mul3A_76, %add3A_129 : i32
        %mul3A_131 = arith.constant 128 : i32
        %mul3A_132 = arith.muli %add3A_130, %mul3A_131 : i32
        %add3A_133 = arith.addi %mul3A_2, %mul3A_132 : i32
        %dma_start3A_134 = arith.constant 0 : i32
        %dma_start3A_135 = arith.constant 0 : i32
        %dma_start3A_136 = tpu.memref_slice %arg8[%dma_start3A_134, %dma_start3A_135] : memref<2x128xi32, #tpu.memory_space<vmem>> -> memref<1x128xi32, #tpu.memory_space<vmem>>
        %dma_start3A_137 = tpu.memref_squeeze %dma_start3A_136 : memref<1x128xi32, #tpu.memory_space<vmem>> -> memref<128xi32, #tpu.memory_space<vmem>>
        %dma_start3A_138 = tpu.memref_slice %arg4[%add3A_133] : memref<327680xi32, #tpu.memory_space<hbm>> -> memref<128xi32, #tpu.memory_space<hbm>>
        %dma_start3A_139 = arith.constant 0 : i32
        %dma_start3A_140 = tpu.memref_slice %arg8[%dma_start3A_134, %dma_start3A_139] : memref<2x128xi32, #tpu.memory_space<vmem>> -> memref<1x128xi32, #tpu.memory_space<vmem>>
        %dma_start3A_141 = tpu.memref_squeeze %dma_start3A_140 : memref<1x128xi32, #tpu.memory_space<vmem>> -> memref<128xi32, #tpu.memory_space<vmem>>
        %dma_start3A_142 = tpu.memref_slice %arg4[%add3A_133] : memref<327680xi32, #tpu.memory_space<hbm>> -> memref<128xi32, #tpu.memory_space<hbm>>
        tpu.enqueue_dma source(%dma_start3A_142 : memref<128xi32, #tpu.memory_space<hbm>>) target(%dma_start3A_141 : memref<128xi32, #tpu.memory_space<vmem>>) target_semaphore(%arg14 : memref<!tpu.dma_semaphore, #tpu.memory_space<semaphore_mem>>)
      } else {
      }
      %dma_wait3A_99 = arith.constant 0 : i32
      %dma_wait3A_100 = tpu.memref_slice %arg7[%dma_wait3A_99] : memref<10240xi32, #tpu.memory_space<vmem>> -> memref<128xi32, #tpu.memory_space<vmem>>
      %dma_wait3A_101 = arith.constant 0 : i32
      %dma_wait3A_102 = arith.constant 0 : i32
      %dma_wait3A_103 = tpu.memref_slice %arg2[%dma_wait3A_101, %dma_wait3A_102] : memref<10000x128xf32, #tpu.memory_space<hbm>> -> memref<10000x128xf32, #tpu.memory_space<hbm>>
      tpu.wait_indirect_dma semaphore(%arg13 : memref<!tpu.dma_semaphore, #tpu.memory_space<semaphore_mem>>) src(%dma_wait3A_103 : memref<10000x128xf32, #tpu.memory_space<hbm>>) dst(%arg10 : memref<128x128xf32, #tpu.memory_space<vmem>>)
      %dma_wait3A_104 = arith.constant 1 : i32
      %dma_wait3A_105 = arith.constant 0 : i32
      %dma_wait3A_106 = tpu.memref_slice %arg8[%dma_wait3A_104, %dma_wait3A_105] : memref<2x128xi32, #tpu.memory_space<vmem>> -> memref<1x128xi32, #tpu.memory_space<vmem>>
      %dma_wait3A_107 = tpu.memref_squeeze %dma_wait3A_106 : memref<1x128xi32, #tpu.memory_space<vmem>> -> memref<128xi32, #tpu.memory_space<vmem>>
      %dma_wait3A_108 = tpu.memref_slice %arg4[%mul3A_2] : memref<327680xi32, #tpu.memory_space<hbm>> -> memref<128xi32, #tpu.memory_space<hbm>>
      %dma_wait3A_109 = arith.constant 0 : i32
      %dma_wait3A_110 = tpu.memref_slice %arg8[%dma_wait3A_104, %dma_wait3A_109] : memref<2x128xi32, #tpu.memory_space<vmem>> -> memref<1x128xi32, #tpu.memory_space<vmem>>
      %dma_wait3A_111 = tpu.memref_squeeze %dma_wait3A_110 : memref<1x128xi32, #tpu.memory_space<vmem>> -> memref<128xi32, #tpu.memory_space<vmem>>
      %dma_wait3A_112 = tpu.memref_slice %arg4[%mul3A_2] : memref<327680xi32, #tpu.memory_space<hbm>> -> memref<128xi32, #tpu.memory_space<hbm>>
      tpu.wait_dma2 semaphore(%arg15 : memref<!tpu.dma_semaphore, #tpu.memory_space<semaphore_mem>>) src(%dma_wait3A_112 : memref<128xi32, #tpu.memory_space<hbm>>) dst(%dma_wait3A_111 : memref<128xi32, #tpu.memory_space<vmem>>)
      %run_scoped3A_113 = arith.constant 1 : i32
      "tpu.region"() ({
        %run_scoped3A_121 = tpu.sem_alloc : memref<!tpu.dma_semaphore, #tpu.memory_space<semaphore_mem>>
        %dma_start3A_122 = arith.constant 0 : i32
        %dma_start3A_123 = tpu.memref_slice %arg8[%run_scoped3A_113, %dma_start3A_122] : memref<2x128xi32, #tpu.memory_space<vmem>> -> memref<1x128xi32, #tpu.memory_space<vmem>>
        %dma_start3A_124 = tpu.memref_squeeze %dma_start3A_123 : memref<1x128xi32, #tpu.memory_space<vmem>> -> memref<128xi32, #tpu.memory_space<vmem>>
        %dma_start3A_125 = arith.constant 0 : i32
        %dma_start3A_126 = arith.constant 0 : i32
        %dma_start3A_127 = tpu.memref_slice %arg11[%dma_start3A_125, %dma_start3A_126] : memref<10112x128xf32, #tpu.memory_space<vmem_shared>> -> memref<10112x128xf32, #tpu.memory_space<vmem_shared>>
        tpu.enqueue_indirect_dma source(%arg10 : memref<128x128xf32, #tpu.memory_space<vmem>>) target(%dma_start3A_127 : memref<10112x128xf32, #tpu.memory_space<vmem_shared>>) offsets(%dma_start3A_124 : memref<128xi32, #tpu.memory_space<vmem>>) semaphore(%run_scoped3A_121 : memref<!tpu.dma_semaphore, #tpu.memory_space<semaphore_mem>>) {add = true}
        %dma_wait3A_128 = arith.constant 0 : i32
        %dma_wait3A_129 = tpu.memref_slice %arg8[%run_scoped3A_113, %dma_wait3A_128] : memref<2x128xi32, #tpu.memory_space<vmem>> -> memref<1x128xi32, #tpu.memory_space<vmem>>
        %dma_wait3A_130 = tpu.memref_squeeze %dma_wait3A_129 : memref<1x128xi32, #tpu.memory_space<vmem>> -> memref<128xi32, #tpu.memory_space<vmem>>
        %dma_wait3A_131 = arith.constant 0 : i32
        %dma_wait3A_132 = arith.constant 0 : i32
        %dma_wait3A_133 = tpu.memref_slice %arg11[%dma_wait3A_131, %dma_wait3A_132] : memref<10112x128xf32, #tpu.memory_space<vmem_shared>> -> memref<10112x128xf32, #tpu.memory_space<vmem_shared>>
        tpu.wait_indirect_dma semaphore(%run_scoped3A_121 : memref<!tpu.dma_semaphore, #tpu.memory_space<semaphore_mem>>) src(%arg10 : memref<128x128xf32, #tpu.memory_space<vmem>>) dst(%dma_wait3A_133 : memref<10112x128xf32, #tpu.memory_space<vmem_shared>>)
        tpu.yield
      }) : () -> ()
      %add3A_114 = arith.constant 2 : i32
      %add3A_115 = arith.addi %add3A_78, %add3A_114 : i32
      %lt3A_116 = arith.constant 80 : i32
      %lt3A_117 = arith.cmpi slt, %add3A_115, %lt3A_116 : i32
      %convert_element_type3A_118 = arith.extui %lt3A_117 : i1 to i32
      %cond3A_119 = arith.constant 0 : i32
      %cond3A_120 = arith.cmpi ne, %convert_element_type3A_118, %cond3A_119 : i32
      scf.if %cond3A_120 {
        %add3A_121 = arith.constant 2 : i32
        %add3A_122 = arith.addi %add3A_78, %add3A_121 : i32
        %mul3A_123 = arith.constant 128 : i32
        %mul3A_124 = arith.muli %add3A_122, %mul3A_123 : i32
        %dma_start3A_125 = tpu.memref_slice %arg7[%mul3A_124] : memref<10240xi32, #tpu.memory_space<vmem>> -> memref<128xi32, #tpu.memory_space<vmem>>
        %dma_start3A_126 = arith.constant 0 : i32
        %dma_start3A_127 = arith.constant 0 : i32
        %dma_start3A_128 = tpu.memref_slice %arg2[%dma_start3A_126, %dma_start3A_127] : memref<10000x128xf32, #tpu.memory_space<hbm>> -> memref<10000x128xf32, #tpu.memory_space<hbm>>
        tpu.enqueue_indirect_dma source(%dma_start3A_128 : memref<10000x128xf32, #tpu.memory_space<hbm>>) target(%arg10 : memref<128x128xf32, #tpu.memory_space<vmem>>) offsets(%dma_start3A_125 : memref<128xi32, #tpu.memory_space<vmem>>) semaphore(%arg13 : memref<!tpu.dma_semaphore, #tpu.memory_space<semaphore_mem>>)
        %add3A_129 = arith.constant 2 : i32
        %add3A_130 = arith.addi %add3A_78, %add3A_129 : i32
        %mul3A_131 = arith.constant 128 : i32
        %mul3A_132 = arith.muli %add3A_130, %mul3A_131 : i32
        %add3A_133 = arith.addi %mul3A_2, %mul3A_132 : i32
        %dma_start3A_134 = arith.constant 1 : i32
        %dma_start3A_135 = arith.constant 0 : i32
        %dma_start3A_136 = tpu.memref_slice %arg8[%dma_start3A_134, %dma_start3A_135] : memref<2x128xi32, #tpu.memory_space<vmem>> -> memref<1x128xi32, #tpu.memory_space<vmem>>
        %dma_start3A_137 = tpu.memref_squeeze %dma_start3A_136 : memref<1x128xi32, #tpu.memory_space<vmem>> -> memref<128xi32, #tpu.memory_space<vmem>>
        %dma_start3A_138 = tpu.memref_slice %arg4[%add3A_133] : memref<327680xi32, #tpu.memory_space<hbm>> -> memref<128xi32, #tpu.memory_space<hbm>>
        %dma_start3A_139 = arith.constant 0 : i32
        %dma_start3A_140 = tpu.memref_slice %arg8[%dma_start3A_134, %dma_start3A_139] : memref<2x128xi32, #tpu.memory_space<vmem>> -> memref<1x128xi32, #tpu.memory_space<vmem>>
        %dma_start3A_141 = tpu.memref_squeeze %dma_start3A_140 : memref<1x128xi32, #tpu.memory_space<vmem>> -> memref<128xi32, #tpu.memory_space<vmem>>
        %dma_start3A_142 = tpu.memref_slice %arg4[%add3A_133] : memref<327680xi32, #tpu.memory_space<hbm>> -> memref<128xi32, #tpu.memory_space<hbm>>
        tpu.enqueue_dma source(%dma_start3A_142 : memref<128xi32, #tpu.memory_space<hbm>>) target(%dma_start3A_141 : memref<128xi32, #tpu.memory_space<vmem>>) target_semaphore(%arg15 : memref<!tpu.dma_semaphore, #tpu.memory_space<semaphore_mem>>)
      } else {
      }
    }
    %scan3A_62 = arith.constant 40 : i32
    %barrier3A_63 = arith.constant 0 : index
    tpu.barrier barrier_id(%barrier3A_63)
    %lt3A_64 = arith.constant 15 : i32
    %lt3A_65 = arith.cmpi slt, %arg1, %lt3A_64 : i32
    %convert_element_type3A_66 = arith.extui %lt3A_65 : i1 to i32
    %cond3A_67 = arith.constant 0 : i32
    %cond3A_68 = arith.cmpi ne, %convert_element_type3A_66, %cond3A_67 : i32
    scf.if %cond3A_68 {
      %mul3A_74 = arith.constant 632 : i32
      %mul3A_75 = arith.muli %arg1, %mul3A_74 : i32
      %mul3A_76 = arith.constant 632 : i32
      %mul3A_77 = arith.muli %arg1, %mul3A_76 : i32
      "tpu.region"() ({
        %run_scoped3A = tpu.sem_alloc : memref<!tpu.dma_semaphore, #tpu.memory_space<semaphore_mem>>
        %dma_start3A_78 = arith.constant 0 : i32
        %dma_start3A_79 = tpu.memref_slice %arg6[%arg0, %mul3A_77, %dma_start3A_78] : memref<2x10000x128xf32, #tpu.memory_space<hbm>> -> memref<1x632x128xf32, #tpu.memory_space<hbm>>
        %dma_start3A_80 = tpu.memref_squeeze %dma_start3A_79 : memref<1x632x128xf32, #tpu.memory_space<hbm>> -> memref<632x128xf32, #tpu.memory_space<hbm>>
        %dma_start3A_81 = arith.constant 0 : i32
        %dma_start3A_82 = tpu.memref_slice %arg11[%mul3A_75, %dma_start3A_81] : memref<10112x128xf32, #tpu.memory_space<vmem_shared>> -> memref<632x128xf32, #tpu.memory_space<vmem_shared>>
        tpu.enqueue_dma source(%dma_start3A_82 : memref<632x128xf32, #tpu.memory_space<vmem_shared>>) target(%dma_start3A_80 : memref<632x128xf32, #tpu.memory_space<hbm>>) target_semaphore(%run_scoped3A : memref<!tpu.dma_semaphore, #tpu.memory_space<semaphore_mem>>)
        %dma_wait3A = arith.constant 0 : i32
        %dma_wait3A_83 = tpu.memref_slice %arg6[%arg0, %mul3A_77, %dma_wait3A] : memref<2x10000x128xf32, #tpu.memory_space<hbm>> -> memref<1x632x128xf32, #tpu.memory_space<hbm>>
        %dma_wait3A_84 = tpu.memref_squeeze %dma_wait3A_83 : memref<1x632x128xf32, #tpu.memory_space<hbm>> -> memref<632x128xf32, #tpu.memory_space<hbm>>
        %dma_wait3A_85 = arith.constant 0 : i32
        %dma_wait3A_86 = tpu.memref_slice %arg11[%mul3A_75, %dma_wait3A_85] : memref<10112x128xf32, #tpu.memory_space<vmem_shared>> -> memref<632x128xf32, #tpu.memory_space<vmem_shared>>
        tpu.wait_dma2 semaphore(%run_scoped3A : memref<!tpu.dma_semaphore, #tpu.memory_space<semaphore_mem>>) src(%dma_wait3A_86 : memref<632x128xf32, #tpu.memory_space<vmem_shared>>) dst(%dma_wait3A_84 : memref<632x128xf32, #tpu.memory_space<hbm>>)
        tpu.yield
      }) : () -> ()
    } else {
    }
    %eq3A_69 = arith.constant 15 : i32
    %eq3A_70 = arith.cmpi eq, %arg1, %eq3A_69 : i32
    %convert_element_type3A_71 = arith.extui %eq3A_70 : i1 to i32
    %cond3A_72 = arith.constant 0 : i32
    %cond3A_73 = arith.cmpi ne, %convert_element_type3A_71, %cond3A_72 : i32
    scf.if %cond3A_73 {
      %mul3A_74 = arith.constant 632 : i32
      %mul3A_75 = arith.muli %arg1, %mul3A_74 : i32
      %mul3A_76 = arith.constant 632 : i32
      %mul3A_77 = arith.muli %arg1, %mul3A_76 : i32
      "tpu.region"() ({
        %run_scoped3A = tpu.sem_alloc : memref<!tpu.dma_semaphore, #tpu.memory_space<semaphore_mem>>
        %dma_start3A_78 = arith.constant 0 : i32
        %dma_start3A_79 = tpu.memref_slice %arg6[%arg0, %mul3A_77, %dma_start3A_78] : memref<2x10000x128xf32, #tpu.memory_space<hbm>> -> memref<1x520x128xf32, #tpu.memory_space<hbm>>
        %dma_start3A_80 = tpu.memref_squeeze %dma_start3A_79 : memref<1x520x128xf32, #tpu.memory_space<hbm>> -> memref<520x128xf32, #tpu.memory_space<hbm>>
        %dma_start3A_81 = arith.constant 0 : i32
        %dma_start3A_82 = tpu.memref_slice %arg11[%mul3A_75, %dma_start3A_81] : memref<10112x128xf32, #tpu.memory_space<vmem_shared>> -> memref<520x128xf32, #tpu.memory_space<vmem_shared>>
        tpu.enqueue_dma source(%dma_start3A_82 : memref<520x128xf32, #tpu.memory_space<vmem_shared>>) target(%dma_start3A_80 : memref<520x128xf32, #tpu.memory_space<hbm>>) target_semaphore(%run_scoped3A : memref<!tpu.dma_semaphore, #tpu.memory_space<semaphore_mem>>)
        %dma_wait3A = arith.constant 0 : i32
        %dma_wait3A_83 = tpu.memref_slice %arg6[%arg0, %mul3A_77, %dma_wait3A] : memref<2x10000x128xf32, #tpu.memory_space<hbm>> -> memref<1x520x128xf32, #tpu.memory_space<hbm>>
        %dma_wait3A_84 = tpu.memref_squeeze %dma_wait3A_83 : memref<1x520x128xf32, #tpu.memory_space<hbm>> -> memref<520x128xf32, #tpu.memory_space<hbm>>
        %dma_wait3A_85 = arith.constant 0 : i32
        %dma_wait3A_86 = tpu.memref_slice %arg11[%mul3A_75, %dma_wait3A_85] : memref<10112x128xf32, #tpu.memory_space<vmem_shared>> -> memref<520x128xf32, #tpu.memory_space<vmem_shared>>
        tpu.wait_dma2 semaphore(%run_scoped3A : memref<!tpu.dma_semaphore, #tpu.memory_space<semaphore_mem>>) src(%dma_wait3A_86 : memref<520x128xf32, #tpu.memory_space<vmem_shared>>) dst(%dma_wait3A_84 : memref<520x128xf32, #tpu.memory_space<hbm>>)
        tpu.yield
      }) : () -> ()
    } else {
    }
    return
  }
}

#map = affine_map<(d0, d1) -> (0, 0)>
#map1 = affine_map<(d0, d1) -> (0)>
#map2 = affine_map<(d0, d1) -> (0, 0, 0)>
module attributes {stable_mosaic.version = 14 : i64} {
  func.func @_agg(%arg0: i32, %arg1: i32, %arg2: memref<10000x128xf32, #tpu.memory_space<hbm>>, %arg3: memref<327680xi32, #tpu.memory_space<hbm>>, %arg4: memref<327680xi32, #tpu.memory_space<hbm>>, %arg5: memref<632x128xf32, #tpu.memory_space<hbm>>, %arg6: memref<2x10000x128xf32, #tpu.memory_space<hbm>>, %arg7: memref<10240xi32, #tpu.memory_space<vmem>>, %arg8: memref<2x128xi32, #tpu.memory_space<vmem>>, %arg9: memref<128x128xf32, #tpu.memory_space<vmem>>, %arg10: memref<128x128xf32, #tpu.memory_space<vmem>>, %arg11: memref<10112x128xf32, #tpu.memory_space<vmem_shared>>, %arg12: memref<!tpu.dma_semaphore, #tpu.memory_space<semaphore_mem>>, %arg13: memref<!tpu.dma_semaphore, #tpu.memory_space<semaphore_mem>>, %arg14: memref<!tpu.dma_semaphore, #tpu.memory_space<semaphore_mem>>, %arg15: memref<!tpu.dma_semaphore, #tpu.memory_space<semaphore_mem>>) attributes {dimension_semantics = [#tpu.dimension_semantics<core_parallel>, #tpu.dimension_semantics<subcore_parallel>], iteration_bounds = array<i64: 2, 16>, scalar_prefetch = 0 : i64, scratch_operands = 9 : i64, tpu.core_type = #tpu.core_type<sc_vector_subcore>, window_params = [{transform_indices = #map}, {transform_indices = #map1}, {transform_indices = #map1}, {transform_indices = #map}, {transform_indices = #map2}]} {
    %mul3A = arith.constant 2 : i32
    %mul3A_0 = arith.muli %arg1, %mul3A : i32
    %add3A = arith.addi %mul3A_0, %arg0 : i32
    %mul3A_1 = arith.constant 10240 : i32
    %mul3A_2 = arith.muli %add3A, %mul3A_1 : i32
    "tpu.region"() ({
      %run_scoped3A = tpu.sem_alloc : memref<!tpu.dma_semaphore, #tpu.memory_space<semaphore_mem>>
      %dma_start3A_74 = tpu.memref_slice %arg3[%mul3A_2] : memref<327680xi32, #tpu.memory_space<hbm>> -> memref<10240xi32, #tpu.memory_space<hbm>>
      %dma_start3A_75 = tpu.memref_slice %arg3[%mul3A_2] : memref<327680xi32, #tpu.memory_space<hbm>> -> memref<10240xi32, #tpu.memory_space<hbm>>
      tpu.enqueue_dma source(%dma_start3A_75 : memref<10240xi32, #tpu.memory_space<hbm>>) target(%arg7 : memref<10240xi32, #tpu.memory_space<vmem>>) target_semaphore(%run_scoped3A : memref<!tpu.dma_semaphore, #tpu.memory_space<semaphore_mem>>)
      %dma_wait3A = tpu.memref_slice %arg3[%mul3A_2] : memref<327680xi32, #tpu.memory_space<hbm>> -> memref<10240xi32, #tpu.memory_space<hbm>>
      %dma_wait3A_76 = tpu.memref_slice %arg3[%mul3A_2] : memref<327680xi32, #tpu.memory_space<hbm>> -> memref<10240xi32, #tpu.memory_space<hbm>>
      tpu.wait_dma2 semaphore(%run_scoped3A : memref<!tpu.dma_semaphore, #tpu.memory_space<semaphore_mem>>) src(%dma_wait3A_76 : memref<10240xi32, #tpu.memory_space<hbm>>) dst(%arg7 : memref<10240xi32, #tpu.memory_space<vmem>>)
      tpu.yield
    }) : () -> ()
    %eq3A = arith.constant 0 : i32
    %eq3A_3 = arith.cmpi eq, %arg0, %eq3A : i32
    %lt3A = arith.constant 15 : i32
    %lt3A_4 = arith.cmpi slt, %arg1, %lt3A : i32
    %and3A = arith.andi %eq3A_3, %lt3A_4 : i1
    %convert_element_type3A = arith.extui %and3A : i1 to i32
    %cond3A = arith.constant 0 : i32
    %cond3A_5 = arith.cmpi ne, %convert_element_type3A, %cond3A : i32
    scf.if %cond3A_5 {
      %mul3A_74 = arith.constant 632 : i32
      %mul3A_75 = arith.muli %arg1, %mul3A_74 : i32
      %mul3A_76 = arith.constant 632 : i32
      %mul3A_77 = arith.muli %arg1, %mul3A_76 : i32
      "tpu.region"() ({
        %run_scoped3A = tpu.sem_alloc : memref<!tpu.dma_semaphore, #tpu.memory_space<semaphore_mem>>
        %dma_start3A_78 = arith.constant 0 : i32
        %dma_start3A_79 = tpu.memref_slice %arg11[%mul3A_77, %dma_start3A_78] : memref<10112x128xf32, #tpu.memory_space<vmem_shared>> -> memref<632x128xf32, #tpu.memory_space<vmem_shared>>
        %dma_start3A_80 = arith.constant 0 : i32
        %dma_start3A_81 = tpu.memref_slice %arg2[%mul3A_75, %dma_start3A_80] : memref<10000x128xf32, #tpu.memory_space<hbm>> -> memref<632x128xf32, #tpu.memory_space<hbm>>
        tpu.enqueue_dma source(%dma_start3A_81 : memref<632x128xf32, #tpu.memory_space<hbm>>) target(%dma_start3A_79 : memref<632x128xf32, #tpu.memory_space<vmem_shared>>) target_semaphore(%run_scoped3A : memref<!tpu.dma_semaphore, #tpu.memory_space<semaphore_mem>>)
        %dma_wait3A = arith.constant 0 : i32
        %dma_wait3A_82 = tpu.memref_slice %arg11[%mul3A_77, %dma_wait3A] : memref<10112x128xf32, #tpu.memory_space<vmem_shared>> -> memref<632x128xf32, #tpu.memory_space<vmem_shared>>
        %dma_wait3A_83 = arith.constant 0 : i32
        %dma_wait3A_84 = tpu.memref_slice %arg2[%mul3A_75, %dma_wait3A_83] : memref<10000x128xf32, #tpu.memory_space<hbm>> -> memref<632x128xf32, #tpu.memory_space<hbm>>
        tpu.wait_dma2 semaphore(%run_scoped3A : memref<!tpu.dma_semaphore, #tpu.memory_space<semaphore_mem>>) src(%dma_wait3A_84 : memref<632x128xf32, #tpu.memory_space<hbm>>) dst(%dma_wait3A_82 : memref<632x128xf32, #tpu.memory_space<vmem_shared>>)
        tpu.yield
      }) : () -> ()
    } else {
    }
    %eq3A_6 = arith.constant 0 : i32
    %eq3A_7 = arith.cmpi eq, %arg0, %eq3A_6 : i32
    %eq3A_8 = arith.constant 15 : i32
    %eq3A_9 = arith.cmpi eq, %arg1, %eq3A_8 : i32
    %and3A_10 = arith.andi %eq3A_7, %eq3A_9 : i1
    %convert_element_type3A_11 = arith.extui %and3A_10 : i1 to i32
    %cond3A_12 = arith.constant 0 : i32
    %cond3A_13 = arith.cmpi ne, %convert_element_type3A_11, %cond3A_12 : i32
    scf.if %cond3A_13 {
      %mul3A_74 = arith.constant 632 : i32
      %mul3A_75 = arith.muli %arg1, %mul3A_74 : i32
      %mul3A_76 = arith.constant 632 : i32
      %mul3A_77 = arith.muli %arg1, %mul3A_76 : i32
      "tpu.region"() ({
        %run_scoped3A = tpu.sem_alloc : memref<!tpu.dma_semaphore, #tpu.memory_space<semaphore_mem>>
        %dma_start3A_78 = arith.constant 0 : i32
        %dma_start3A_79 = tpu.memref_slice %arg11[%mul3A_77, %dma_start3A_78] : memref<10112x128xf32, #tpu.memory_space<vmem_shared>> -> memref<520x128xf32, #tpu.memory_space<vmem_shared>>
        %dma_start3A_80 = arith.constant 0 : i32
        %dma_start3A_81 = tpu.memref_slice %arg2[%mul3A_75, %dma_start3A_80] : memref<10000x128xf32, #tpu.memory_space<hbm>> -> memref<520x128xf32, #tpu.memory_space<hbm>>
        tpu.enqueue_dma source(%dma_start3A_81 : memref<520x128xf32, #tpu.memory_space<hbm>>) target(%dma_start3A_79 : memref<520x128xf32, #tpu.memory_space<vmem_shared>>) target_semaphore(%run_scoped3A : memref<!tpu.dma_semaphore, #tpu.memory_space<semaphore_mem>>)
        %dma_wait3A = arith.constant 0 : i32
        %dma_wait3A_82 = tpu.memref_slice %arg11[%mul3A_77, %dma_wait3A] : memref<10112x128xf32, #tpu.memory_space<vmem_shared>> -> memref<520x128xf32, #tpu.memory_space<vmem_shared>>
        %dma_wait3A_83 = arith.constant 0 : i32
        %dma_wait3A_84 = tpu.memref_slice %arg2[%mul3A_75, %dma_wait3A_83] : memref<10000x128xf32, #tpu.memory_space<hbm>> -> memref<520x128xf32, #tpu.memory_space<hbm>>
        tpu.wait_dma2 semaphore(%run_scoped3A : memref<!tpu.dma_semaphore, #tpu.memory_space<semaphore_mem>>) src(%dma_wait3A_84 : memref<520x128xf32, #tpu.memory_space<hbm>>) dst(%dma_wait3A_82 : memref<520x128xf32, #tpu.memory_space<vmem_shared>>)
        tpu.yield
      }) : () -> ()
    } else {
    }
    %ne3A = arith.constant 0 : i32
    %ne3A_14 = arith.cmpi ne, %arg0, %ne3A : i32
    %lt3A_15 = arith.constant 15 : i32
    %lt3A_16 = arith.cmpi slt, %arg1, %lt3A_15 : i32
    %and3A_17 = arith.andi %ne3A_14, %lt3A_16 : i1
    %convert_element_type3A_18 = arith.extui %and3A_17 : i1 to i32
    %cond3A_19 = arith.constant 0 : i32
    %cond3A_20 = arith.cmpi ne, %convert_element_type3A_18, %cond3A_19 : i32
    scf.if %cond3A_20 {
      %mul3A_74 = arith.constant 632 : i32
      %mul3A_75 = arith.muli %arg1, %mul3A_74 : i32
      "tpu.region"() ({
        %run_scoped3A = tpu.sem_alloc : memref<!tpu.dma_semaphore, #tpu.memory_space<semaphore_mem>>
        %dma_start3A_76 = arith.constant 0 : i32
        %dma_start3A_77 = tpu.memref_slice %arg11[%mul3A_75, %dma_start3A_76] : memref<10112x128xf32, #tpu.memory_space<vmem_shared>> -> memref<632x128xf32, #tpu.memory_space<vmem_shared>>
        tpu.enqueue_dma source(%arg5 : memref<632x128xf32, #tpu.memory_space<hbm>>) target(%dma_start3A_77 : memref<632x128xf32, #tpu.memory_space<vmem_shared>>) target_semaphore(%run_scoped3A : memref<!tpu.dma_semaphore, #tpu.memory_space<semaphore_mem>>)
        %dma_wait3A = arith.constant 0 : i32
        %dma_wait3A_78 = tpu.memref_slice %arg11[%mul3A_75, %dma_wait3A] : memref<10112x128xf32, #tpu.memory_space<vmem_shared>> -> memref<632x128xf32, #tpu.memory_space<vmem_shared>>
        tpu.wait_dma2 semaphore(%run_scoped3A : memref<!tpu.dma_semaphore, #tpu.memory_space<semaphore_mem>>) src(%arg5 : memref<632x128xf32, #tpu.memory_space<hbm>>) dst(%dma_wait3A_78 : memref<632x128xf32, #tpu.memory_space<vmem_shared>>)
        tpu.yield
      }) : () -> ()
    } else {
    }
    %ne3A_21 = arith.constant 0 : i32
    %ne3A_22 = arith.cmpi ne, %arg0, %ne3A_21 : i32
    %eq3A_23 = arith.constant 15 : i32
    %eq3A_24 = arith.cmpi eq, %arg1, %eq3A_23 : i32
    %and3A_25 = arith.andi %ne3A_22, %eq3A_24 : i1
    %convert_element_type3A_26 = arith.extui %and3A_25 : i1 to i32
    %cond3A_27 = arith.constant 0 : i32
    %cond3A_28 = arith.cmpi ne, %convert_element_type3A_26, %cond3A_27 : i32
    scf.if %cond3A_28 {
      %mul3A_74 = arith.constant 632 : i32
      %mul3A_75 = arith.muli %arg1, %mul3A_74 : i32
      "tpu.region"() ({
        %run_scoped3A = tpu.sem_alloc : memref<!tpu.dma_semaphore, #tpu.memory_space<semaphore_mem>>
        %dma_start3A_76 = arith.constant 0 : i32
        %dma_start3A_77 = tpu.memref_slice %arg11[%mul3A_75, %dma_start3A_76] : memref<10112x128xf32, #tpu.memory_space<vmem_shared>> -> memref<520x128xf32, #tpu.memory_space<vmem_shared>>
        %dma_start3A_78 = arith.constant 0 : i32
        %dma_start3A_79 = arith.constant 0 : i32
        %dma_start3A_80 = tpu.memref_slice %arg5[%dma_start3A_78, %dma_start3A_79] : memref<632x128xf32, #tpu.memory_space<hbm>> -> memref<520x128xf32, #tpu.memory_space<hbm>>
        tpu.enqueue_dma source(%dma_start3A_80 : memref<520x128xf32, #tpu.memory_space<hbm>>) target(%dma_start3A_77 : memref<520x128xf32, #tpu.memory_space<vmem_shared>>) target_semaphore(%run_scoped3A : memref<!tpu.dma_semaphore, #tpu.memory_space<semaphore_mem>>)
        %dma_wait3A = arith.constant 0 : i32
        %dma_wait3A_81 = tpu.memref_slice %arg11[%mul3A_75, %dma_wait3A] : memref<10112x128xf32, #tpu.memory_space<vmem_shared>> -> memref<520x128xf32, #tpu.memory_space<vmem_shared>>
        %dma_wait3A_82 = arith.constant 0 : i32
        %dma_wait3A_83 = arith.constant 0 : i32
        %dma_wait3A_84 = tpu.memref_slice %arg5[%dma_wait3A_82, %dma_wait3A_83] : memref<632x128xf32, #tpu.memory_space<hbm>> -> memref<520x128xf32, #tpu.memory_space<hbm>>
        tpu.wait_dma2 semaphore(%run_scoped3A : memref<!tpu.dma_semaphore, #tpu.memory_space<semaphore_mem>>) src(%dma_wait3A_84 : memref<520x128xf32, #tpu.memory_space<hbm>>) dst(%dma_wait3A_81 : memref<520x128xf32, #tpu.memory_space<vmem_shared>>)
        tpu.yield
      }) : () -> ()
    } else {
    }
    %barrier3A = arith.constant 0 : index
    tpu.barrier barrier_id(%barrier3A)
    %dma_start3A = arith.constant 0 : i32
    %dma_start3A_29 = arith.constant 0 : i32
    %dma_start3A_30 = tpu.memref_slice %arg8[%dma_start3A, %dma_start3A_29] : memref<2x128xi32, #tpu.memory_space<vmem>> -> memref<1x128xi32, #tpu.memory_space<vmem>>
    %dma_start3A_31 = tpu.memref_squeeze %dma_start3A_30 : memref<1x128xi32, #tpu.memory_space<vmem>> -> memref<128xi32, #tpu.memory_space<vmem>>
    %dma_start3A_32 = tpu.memref_slice %arg4[%mul3A_2] : memref<327680xi32, #tpu.memory_space<hbm>> -> memref<128xi32, #tpu.memory_space<hbm>>
    %dma_start3A_33 = arith.constant 0 : i32
    %dma_start3A_34 = tpu.memref_slice %arg8[%dma_start3A, %dma_start3A_33] : memref<2x128xi32, #tpu.memory_space<vmem>> -> memref<1x128xi32, #tpu.memory_space<vmem>>
    %dma_start3A_35 = tpu.memref_squeeze %dma_start3A_34 : memref<1x128xi32, #tpu.memory_space<vmem>> -> memref<128xi32, #tpu.memory_space<vmem>>
    %dma_start3A_36 = tpu.memref_slice %arg4[%mul3A_2] : memref<327680xi32, #tpu.memory_space<hbm>> -> memref<128xi32, #tpu.memory_space<hbm>>
    tpu.enqueue_dma source(%dma_start3A_36 : memref<128xi32, #tpu.memory_space<hbm>>) target(%dma_start3A_35 : memref<128xi32, #tpu.memory_space<vmem>>) target_semaphore(%arg14 : memref<!tpu.dma_semaphore, #tpu.memory_space<semaphore_mem>>)
    %add3A_37 = arith.constant 128 : i32
    %add3A_38 = arith.addi %mul3A_2, %add3A_37 : i32
    %dma_start3A_39 = arith.constant 1 : i32
    %dma_start3A_40 = arith.constant 0 : i32
    %dma_start3A_41 = tpu.memref_slice %arg8[%dma_start3A_39, %dma_start3A_40] : memref<2x128xi32, #tpu.memory_space<vmem>> -> memref<1x128xi32, #tpu.memory_space<vmem>>
    %dma_start3A_42 = tpu.memref_squeeze %dma_start3A_41 : memref<1x128xi32, #tpu.memory_space<vmem>> -> memref<128xi32, #tpu.memory_space<vmem>>
    %dma_start3A_43 = tpu.memref_slice %arg4[%add3A_38] : memref<327680xi32, #tpu.memory_space<hbm>> -> memref<128xi32, #tpu.memory_space<hbm>>
    %dma_start3A_44 = arith.constant 0 : i32
    %dma_start3A_45 = tpu.memref_slice %arg8[%dma_start3A_39, %dma_start3A_44] : memref<2x128xi32, #tpu.memory_space<vmem>> -> memref<1x128xi32, #tpu.memory_space<vmem>>
    %dma_start3A_46 = tpu.memref_squeeze %dma_start3A_45 : memref<1x128xi32, #tpu.memory_space<vmem>> -> memref<128xi32, #tpu.memory_space<vmem>>
    %dma_start3A_47 = tpu.memref_slice %arg4[%add3A_38] : memref<327680xi32, #tpu.memory_space<hbm>> -> memref<128xi32, #tpu.memory_space<hbm>>
    tpu.enqueue_dma source(%dma_start3A_47 : memref<128xi32, #tpu.memory_space<hbm>>) target(%dma_start3A_46 : memref<128xi32, #tpu.memory_space<vmem>>) target_semaphore(%arg15 : memref<!tpu.dma_semaphore, #tpu.memory_space<semaphore_mem>>)
    %dma_start3A_48 = arith.constant 0 : i32
    %dma_start3A_49 = tpu.memref_slice %arg7[%dma_start3A_48] : memref<10240xi32, #tpu.memory_space<vmem>> -> memref<128xi32, #tpu.memory_space<vmem>>
    %dma_start3A_50 = arith.constant 0 : i32
    %dma_start3A_51 = arith.constant 0 : i32
    %dma_start3A_52 = tpu.memref_slice %arg2[%dma_start3A_50, %dma_start3A_51] : memref<10000x128xf32, #tpu.memory_space<hbm>> -> memref<10000x128xf32, #tpu.memory_space<hbm>>
    tpu.enqueue_indirect_dma source(%dma_start3A_52 : memref<10000x128xf32, #tpu.memory_space<hbm>>) target(%arg9 : memref<128x128xf32, #tpu.memory_space<vmem>>) offsets(%dma_start3A_49 : memref<128xi32, #tpu.memory_space<vmem>>) semaphore(%arg12 : memref<!tpu.dma_semaphore, #tpu.memory_space<semaphore_mem>>)
    %dma_start3A_53 = arith.constant 128 : i32
    %dma_start3A_54 = tpu.memref_slice %arg7[%dma_start3A_53] : memref<10240xi32, #tpu.memory_space<vmem>> -> memref<128xi32, #tpu.memory_space<vmem>>
    %dma_start3A_55 = arith.constant 0 : i32
    %dma_start3A_56 = arith.constant 0 : i32
    %dma_start3A_57 = tpu.memref_slice %arg2[%dma_start3A_55, %dma_start3A_56] : memref<10000x128xf32, #tpu.memory_space<hbm>> -> memref<10000x128xf32, #tpu.memory_space<hbm>>
    tpu.enqueue_indirect_dma source(%dma_start3A_57 : memref<10000x128xf32, #tpu.memory_space<hbm>>) target(%arg10 : memref<128x128xf32, #tpu.memory_space<vmem>>) offsets(%dma_start3A_54 : memref<128xi32, #tpu.memory_space<vmem>>) semaphore(%arg13 : memref<!tpu.dma_semaphore, #tpu.memory_space<semaphore_mem>>)
    %scan3A = arith.constant 0 : i32
    %scan3A_58 = arith.constant 0 : i32
    %scan3A_59 = arith.constant 40 : i32
    %scan3A_60 = arith.addi %scan3A_58, %scan3A_59 : i32
    %scan3A_61 = arith.constant 1 : i32
    scf.for %scan3A_74 = %scan3A_58 to %scan3A_60 step %scan3A_61  : i32 {
      %mul3A_75 = arith.constant 2 : i32
      %mul3A_76 = arith.muli %mul3A_75, %scan3A_74 : i32
      %add3A_77 = arith.constant 1 : i32
      %add3A_78 = arith.addi %mul3A_76, %add3A_77 : i32
      %dma_wait3A = arith.constant 0 : i32
      %dma_wait3A_79 = tpu.memref_slice %arg7[%dma_wait3A] : memref<10240xi32, #tpu.memory_space<vmem>> -> memref<128xi32, #tpu.memory_space<vmem>>
      %dma_wait3A_80 = arith.constant 0 : i32
      %dma_wait3A_81 = arith.constant 0 : i32
      %dma_wait3A_82 = tpu.memref_slice %arg2[%dma_wait3A_80, %dma_wait3A_81] : memref<10000x128xf32, #tpu.memory_space<hbm>> -> memref<10000x128xf32, #tpu.memory_space<hbm>>
      tpu.wait_indirect_dma semaphore(%arg12 : memref<!tpu.dma_semaphore, #tpu.memory_space<semaphore_mem>>) src(%dma_wait3A_82 : memref<10000x128xf32, #tpu.memory_space<hbm>>) dst(%arg9 : memref<128x128xf32, #tpu.memory_space<vmem>>)
      %dma_wait3A_83 = arith.constant 0 : i32
      %dma_wait3A_84 = arith.constant 0 : i32
      %dma_wait3A_85 = tpu.memref_slice %arg8[%dma_wait3A_83, %dma_wait3A_84] : memref<2x128xi32, #tpu.memory_space<vmem>> -> memref<1x128xi32, #tpu.memory_space<vmem>>
      %dma_wait3A_86 = tpu.memref_squeeze %dma_wait3A_85 : memref<1x128xi32, #tpu.memory_space<vmem>> -> memref<128xi32, #tpu.memory_space<vmem>>
      %dma_wait3A_87 = tpu.memref_slice %arg4[%mul3A_2] : memref<327680xi32, #tpu.memory_space<hbm>> -> memref<128xi32, #tpu.memory_space<hbm>>
      %dma_wait3A_88 = arith.constant 0 : i32
      %dma_wait3A_89 = tpu.memref_slice %arg8[%dma_wait3A_83, %dma_wait3A_88] : memref<2x128xi32, #tpu.memory_space<vmem>> -> memref<1x128xi32, #tpu.memory_space<vmem>>
      %dma_wait3A_90 = tpu.memref_squeeze %dma_wait3A_89 : memref<1x128xi32, #tpu.memory_space<vmem>> -> memref<128xi32, #tpu.memory_space<vmem>>
      %dma_wait3A_91 = tpu.memref_slice %arg4[%mul3A_2] : memref<327680xi32, #tpu.memory_space<hbm>> -> memref<128xi32, #tpu.memory_space<hbm>>
      tpu.wait_dma2 semaphore(%arg14 : memref<!tpu.dma_semaphore, #tpu.memory_space<semaphore_mem>>) src(%dma_wait3A_91 : memref<128xi32, #tpu.memory_space<hbm>>) dst(%dma_wait3A_90 : memref<128xi32, #tpu.memory_space<vmem>>)
      %run_scoped3A = arith.constant 0 : i32
      "tpu.region"() ({
        %run_scoped3A_121 = tpu.sem_alloc : memref<!tpu.dma_semaphore, #tpu.memory_space<semaphore_mem>>
        %dma_start3A_122 = arith.constant 0 : i32
        %dma_start3A_123 = tpu.memref_slice %arg8[%run_scoped3A, %dma_start3A_122] : memref<2x128xi32, #tpu.memory_space<vmem>> -> memref<1x128xi32, #tpu.memory_space<vmem>>
        %dma_start3A_124 = tpu.memref_squeeze %dma_start3A_123 : memref<1x128xi32, #tpu.memory_space<vmem>> -> memref<128xi32, #tpu.memory_space<vmem>>
        %dma_start3A_125 = arith.constant 0 : i32
        %dma_start3A_126 = arith.constant 0 : i32
        %dma_start3A_127 = tpu.memref_slice %arg11[%dma_start3A_125, %dma_start3A_126] : memref<10112x128xf32, #tpu.memory_space<vmem_shared>> -> memref<10112x128xf32, #tpu.memory_space<vmem_shared>>
        tpu.enqueue_indirect_dma source(%arg9 : memref<128x128xf32, #tpu.memory_space<vmem>>) target(%dma_start3A_127 : memref<10112x128xf32, #tpu.memory_space<vmem_shared>>) offsets(%dma_start3A_124 : memref<128xi32, #tpu.memory_space<vmem>>) semaphore(%run_scoped3A_121 : memref<!tpu.dma_semaphore, #tpu.memory_space<semaphore_mem>>) {add = true}
        %dma_wait3A_128 = arith.constant 0 : i32
        %dma_wait3A_129 = tpu.memref_slice %arg8[%run_scoped3A, %dma_wait3A_128] : memref<2x128xi32, #tpu.memory_space<vmem>> -> memref<1x128xi32, #tpu.memory_space<vmem>>
        %dma_wait3A_130 = tpu.memref_squeeze %dma_wait3A_129 : memref<1x128xi32, #tpu.memory_space<vmem>> -> memref<128xi32, #tpu.memory_space<vmem>>
        %dma_wait3A_131 = arith.constant 0 : i32
        %dma_wait3A_132 = arith.constant 0 : i32
        %dma_wait3A_133 = tpu.memref_slice %arg11[%dma_wait3A_131, %dma_wait3A_132] : memref<10112x128xf32, #tpu.memory_space<vmem_shared>> -> memref<10112x128xf32, #tpu.memory_space<vmem_shared>>
        tpu.wait_indirect_dma semaphore(%run_scoped3A_121 : memref<!tpu.dma_semaphore, #tpu.memory_space<semaphore_mem>>) src(%arg9 : memref<128x128xf32, #tpu.memory_space<vmem>>) dst(%dma_wait3A_133 : memref<10112x128xf32, #tpu.memory_space<vmem_shared>>)
        tpu.yield
      }) : () -> ()
      %add3A_92 = arith.constant 2 : i32
      %add3A_93 = arith.addi %mul3A_76, %add3A_92 : i32
      %lt3A_94 = arith.constant 80 : i32
      %lt3A_95 = arith.cmpi slt, %add3A_93, %lt3A_94 : i32
      %convert_element_type3A_96 = arith.extui %lt3A_95 : i1 to i32
      %cond3A_97 = arith.constant 0 : i32
      %cond3A_98 = arith.cmpi ne, %convert_element_type3A_96, %cond3A_97 : i32
      scf.if %cond3A_98 {
        %add3A_121 = arith.constant 2 : i32
        %add3A_122 = arith.addi %mul3A_76, %add3A_121 : i32
        %mul3A_123 = arith.constant 128 : i32
        %mul3A_124 = arith.muli %add3A_122, %mul3A_123 : i32
        %dma_start3A_125 = tpu.memref_slice %arg7[%mul3A_124] : memref<10240xi32, #tpu.memory_space<vmem>> -> memref<128xi32, #tpu.memory_space<vmem>>
        %dma_start3A_126 = arith.constant 0 : i32
        %dma_start3A_127 = arith.constant 0 : i32
        %dma_start3A_128 = tpu.memref_slice %arg2[%dma_start3A_126, %dma_start3A_127] : memref<10000x128xf32, #tpu.memory_space<hbm>> -> memref<10000x128xf32, #tpu.memory_space<hbm>>
        tpu.enqueue_indirect_dma source(%dma_start3A_128 : memref<10000x128xf32, #tpu.memory_space<hbm>>) target(%arg9 : memref<128x128xf32, #tpu.memory_space<vmem>>) offsets(%dma_start3A_125 : memref<128xi32, #tpu.memory_space<vmem>>) semaphore(%arg12 : memref<!tpu.dma_semaphore, #tpu.memory_space<semaphore_mem>>)
        %add3A_129 = arith.constant 2 : i32
        %add3A_130 = arith.addi %mul3A_76, %add3A_129 : i32
        %mul3A_131 = arith.constant 128 : i32
        %mul3A_132 = arith.muli %add3A_130, %mul3A_131 : i32
        %add3A_133 = arith.addi %mul3A_2, %mul3A_132 : i32
        %dma_start3A_134 = arith.constant 0 : i32
        %dma_start3A_135 = arith.constant 0 : i32
        %dma_start3A_136 = tpu.memref_slice %arg8[%dma_start3A_134, %dma_start3A_135] : memref<2x128xi32, #tpu.memory_space<vmem>> -> memref<1x128xi32, #tpu.memory_space<vmem>>
        %dma_start3A_137 = tpu.memref_squeeze %dma_start3A_136 : memref<1x128xi32, #tpu.memory_space<vmem>> -> memref<128xi32, #tpu.memory_space<vmem>>
        %dma_start3A_138 = tpu.memref_slice %arg4[%add3A_133] : memref<327680xi32, #tpu.memory_space<hbm>> -> memref<128xi32, #tpu.memory_space<hbm>>
        %dma_start3A_139 = arith.constant 0 : i32
        %dma_start3A_140 = tpu.memref_slice %arg8[%dma_start3A_134, %dma_start3A_139] : memref<2x128xi32, #tpu.memory_space<vmem>> -> memref<1x128xi32, #tpu.memory_space<vmem>>
        %dma_start3A_141 = tpu.memref_squeeze %dma_start3A_140 : memref<1x128xi32, #tpu.memory_space<vmem>> -> memref<128xi32, #tpu.memory_space<vmem>>
        %dma_start3A_142 = tpu.memref_slice %arg4[%add3A_133] : memref<327680xi32, #tpu.memory_space<hbm>> -> memref<128xi32, #tpu.memory_space<hbm>>
        tpu.enqueue_dma source(%dma_start3A_142 : memref<128xi32, #tpu.memory_space<hbm>>) target(%dma_start3A_141 : memref<128xi32, #tpu.memory_space<vmem>>) target_semaphore(%arg14 : memref<!tpu.dma_semaphore, #tpu.memory_space<semaphore_mem>>)
      } else {
      }
      %dma_wait3A_99 = arith.constant 0 : i32
      %dma_wait3A_100 = tpu.memref_slice %arg7[%dma_wait3A_99] : memref<10240xi32, #tpu.memory_space<vmem>> -> memref<128xi32, #tpu.memory_space<vmem>>
      %dma_wait3A_101 = arith.constant 0 : i32
      %dma_wait3A_102 = arith.constant 0 : i32
      %dma_wait3A_103 = tpu.memref_slice %arg2[%dma_wait3A_101, %dma_wait3A_102] : memref<10000x128xf32, #tpu.memory_space<hbm>> -> memref<10000x128xf32, #tpu.memory_space<hbm>>
      tpu.wait_indirect_dma semaphore(%arg13 : memref<!tpu.dma_semaphore, #tpu.memory_space<semaphore_mem>>) src(%dma_wait3A_103 : memref<10000x128xf32, #tpu.memory_space<hbm>>) dst(%arg10 : memref<128x128xf32, #tpu.memory_space<vmem>>)
      %dma_wait3A_104 = arith.constant 1 : i32
      %dma_wait3A_105 = arith.constant 0 : i32
      %dma_wait3A_106 = tpu.memref_slice %arg8[%dma_wait3A_104, %dma_wait3A_105] : memref<2x128xi32, #tpu.memory_space<vmem>> -> memref<1x128xi32, #tpu.memory_space<vmem>>
      %dma_wait3A_107 = tpu.memref_squeeze %dma_wait3A_106 : memref<1x128xi32, #tpu.memory_space<vmem>> -> memref<128xi32, #tpu.memory_space<vmem>>
      %dma_wait3A_108 = tpu.memref_slice %arg4[%mul3A_2] : memref<327680xi32, #tpu.memory_space<hbm>> -> memref<128xi32, #tpu.memory_space<hbm>>
      %dma_wait3A_109 = arith.constant 0 : i32
      %dma_wait3A_110 = tpu.memref_slice %arg8[%dma_wait3A_104, %dma_wait3A_109] : memref<2x128xi32, #tpu.memory_space<vmem>> -> memref<1x128xi32, #tpu.memory_space<vmem>>
      %dma_wait3A_111 = tpu.memref_squeeze %dma_wait3A_110 : memref<1x128xi32, #tpu.memory_space<vmem>> -> memref<128xi32, #tpu.memory_space<vmem>>
      %dma_wait3A_112 = tpu.memref_slice %arg4[%mul3A_2] : memref<327680xi32, #tpu.memory_space<hbm>> -> memref<128xi32, #tpu.memory_space<hbm>>
      tpu.wait_dma2 semaphore(%arg15 : memref<!tpu.dma_semaphore, #tpu.memory_space<semaphore_mem>>) src(%dma_wait3A_112 : memref<128xi32, #tpu.memory_space<hbm>>) dst(%dma_wait3A_111 : memref<128xi32, #tpu.memory_space<vmem>>)
      %run_scoped3A_113 = arith.constant 1 : i32
      "tpu.region"() ({
        %run_scoped3A_121 = tpu.sem_alloc : memref<!tpu.dma_semaphore, #tpu.memory_space<semaphore_mem>>
        %dma_start3A_122 = arith.constant 0 : i32
        %dma_start3A_123 = tpu.memref_slice %arg8[%run_scoped3A_113, %dma_start3A_122] : memref<2x128xi32, #tpu.memory_space<vmem>> -> memref<1x128xi32, #tpu.memory_space<vmem>>
        %dma_start3A_124 = tpu.memref_squeeze %dma_start3A_123 : memref<1x128xi32, #tpu.memory_space<vmem>> -> memref<128xi32, #tpu.memory_space<vmem>>
        %dma_start3A_125 = arith.constant 0 : i32
        %dma_start3A_126 = arith.constant 0 : i32
        %dma_start3A_127 = tpu.memref_slice %arg11[%dma_start3A_125, %dma_start3A_126] : memref<10112x128xf32, #tpu.memory_space<vmem_shared>> -> memref<10112x128xf32, #tpu.memory_space<vmem_shared>>
        tpu.enqueue_indirect_dma source(%arg10 : memref<128x128xf32, #tpu.memory_space<vmem>>) target(%dma_start3A_127 : memref<10112x128xf32, #tpu.memory_space<vmem_shared>>) offsets(%dma_start3A_124 : memref<128xi32, #tpu.memory_space<vmem>>) semaphore(%run_scoped3A_121 : memref<!tpu.dma_semaphore, #tpu.memory_space<semaphore_mem>>) {add = true}
        %dma_wait3A_128 = arith.constant 0 : i32
        %dma_wait3A_129 = tpu.memref_slice %arg8[%run_scoped3A_113, %dma_wait3A_128] : memref<2x128xi32, #tpu.memory_space<vmem>> -> memref<1x128xi32, #tpu.memory_space<vmem>>
        %dma_wait3A_130 = tpu.memref_squeeze %dma_wait3A_129 : memref<1x128xi32, #tpu.memory_space<vmem>> -> memref<128xi32, #tpu.memory_space<vmem>>
        %dma_wait3A_131 = arith.constant 0 : i32
        %dma_wait3A_132 = arith.constant 0 : i32
        %dma_wait3A_133 = tpu.memref_slice %arg11[%dma_wait3A_131, %dma_wait3A_132] : memref<10112x128xf32, #tpu.memory_space<vmem_shared>> -> memref<10112x128xf32, #tpu.memory_space<vmem_shared>>
        tpu.wait_indirect_dma semaphore(%run_scoped3A_121 : memref<!tpu.dma_semaphore, #tpu.memory_space<semaphore_mem>>) src(%arg10 : memref<128x128xf32, #tpu.memory_space<vmem>>) dst(%dma_wait3A_133 : memref<10112x128xf32, #tpu.memory_space<vmem_shared>>)
        tpu.yield
      }) : () -> ()
      %add3A_114 = arith.constant 2 : i32
      %add3A_115 = arith.addi %add3A_78, %add3A_114 : i32
      %lt3A_116 = arith.constant 80 : i32
      %lt3A_117 = arith.cmpi slt, %add3A_115, %lt3A_116 : i32
      %convert_element_type3A_118 = arith.extui %lt3A_117 : i1 to i32
      %cond3A_119 = arith.constant 0 : i32
      %cond3A_120 = arith.cmpi ne, %convert_element_type3A_118, %cond3A_119 : i32
      scf.if %cond3A_120 {
        %add3A_121 = arith.constant 2 : i32
        %add3A_122 = arith.addi %add3A_78, %add3A_121 : i32
        %mul3A_123 = arith.constant 128 : i32
        %mul3A_124 = arith.muli %add3A_122, %mul3A_123 : i32
        %dma_start3A_125 = tpu.memref_slice %arg7[%mul3A_124] : memref<10240xi32, #tpu.memory_space<vmem>> -> memref<128xi32, #tpu.memory_space<vmem>>
        %dma_start3A_126 = arith.constant 0 : i32
        %dma_start3A_127 = arith.constant 0 : i32
        %dma_start3A_128 = tpu.memref_slice %arg2[%dma_start3A_126, %dma_start3A_127] : memref<10000x128xf32, #tpu.memory_space<hbm>> -> memref<10000x128xf32, #tpu.memory_space<hbm>>
        tpu.enqueue_indirect_dma source(%dma_start3A_128 : memref<10000x128xf32, #tpu.memory_space<hbm>>) target(%arg10 : memref<128x128xf32, #tpu.memory_space<vmem>>) offsets(%dma_start3A_125 : memref<128xi32, #tpu.memory_space<vmem>>) semaphore(%arg13 : memref<!tpu.dma_semaphore, #tpu.memory_space<semaphore_mem>>)
        %add3A_129 = arith.constant 2 : i32
        %add3A_130 = arith.addi %add3A_78, %add3A_129 : i32
        %mul3A_131 = arith.constant 128 : i32
        %mul3A_132 = arith.muli %add3A_130, %mul3A_131 : i32
        %add3A_133 = arith.addi %mul3A_2, %mul3A_132 : i32
        %dma_start3A_134 = arith.constant 1 : i32
        %dma_start3A_135 = arith.constant 0 : i32
        %dma_start3A_136 = tpu.memref_slice %arg8[%dma_start3A_134, %dma_start3A_135] : memref<2x128xi32, #tpu.memory_space<vmem>> -> memref<1x128xi32, #tpu.memory_space<vmem>>
        %dma_start3A_137 = tpu.memref_squeeze %dma_start3A_136 : memref<1x128xi32, #tpu.memory_space<vmem>> -> memref<128xi32, #tpu.memory_space<vmem>>
        %dma_start3A_138 = tpu.memref_slice %arg4[%add3A_133] : memref<327680xi32, #tpu.memory_space<hbm>> -> memref<128xi32, #tpu.memory_space<hbm>>
        %dma_start3A_139 = arith.constant 0 : i32
        %dma_start3A_140 = tpu.memref_slice %arg8[%dma_start3A_134, %dma_start3A_139] : memref<2x128xi32, #tpu.memory_space<vmem>> -> memref<1x128xi32, #tpu.memory_space<vmem>>
        %dma_start3A_141 = tpu.memref_squeeze %dma_start3A_140 : memref<1x128xi32, #tpu.memory_space<vmem>> -> memref<128xi32, #tpu.memory_space<vmem>>
        %dma_start3A_142 = tpu.memref_slice %arg4[%add3A_133] : memref<327680xi32, #tpu.memory_space<hbm>> -> memref<128xi32, #tpu.memory_space<hbm>>
        tpu.enqueue_dma source(%dma_start3A_142 : memref<128xi32, #tpu.memory_space<hbm>>) target(%dma_start3A_141 : memref<128xi32, #tpu.memory_space<vmem>>) target_semaphore(%arg15 : memref<!tpu.dma_semaphore, #tpu.memory_space<semaphore_mem>>)
      } else {
      }
    }
    %scan3A_62 = arith.constant 40 : i32
    %barrier3A_63 = arith.constant 0 : index
    tpu.barrier barrier_id(%barrier3A_63)
    %lt3A_64 = arith.constant 15 : i32
    %lt3A_65 = arith.cmpi slt, %arg1, %lt3A_64 : i32
    %convert_element_type3A_66 = arith.extui %lt3A_65 : i1 to i32
    %cond3A_67 = arith.constant 0 : i32
    %cond3A_68 = arith.cmpi ne, %convert_element_type3A_66, %cond3A_67 : i32
    scf.if %cond3A_68 {
      %mul3A_74 = arith.constant 632 : i32
      %mul3A_75 = arith.muli %arg1, %mul3A_74 : i32
      %mul3A_76 = arith.constant 632 : i32
      %mul3A_77 = arith.muli %arg1, %mul3A_76 : i32
      "tpu.region"() ({
        %run_scoped3A = tpu.sem_alloc : memref<!tpu.dma_semaphore, #tpu.memory_space<semaphore_mem>>
        %dma_start3A_78 = arith.constant 0 : i32
        %dma_start3A_79 = tpu.memref_slice %arg6[%arg0, %mul3A_77, %dma_start3A_78] : memref<2x10000x128xf32, #tpu.memory_space<hbm>> -> memref<1x632x128xf32, #tpu.memory_space<hbm>>
        %dma_start3A_80 = tpu.memref_squeeze %dma_start3A_79 : memref<1x632x128xf32, #tpu.memory_space<hbm>> -> memref<632x128xf32, #tpu.memory_space<hbm>>
        %dma_start3A_81 = arith.constant 0 : i32
        %dma_start3A_82 = tpu.memref_slice %arg11[%mul3A_75, %dma_start3A_81] : memref<10112x128xf32, #tpu.memory_space<vmem_shared>> -> memref<632x128xf32, #tpu.memory_space<vmem_shared>>
        tpu.enqueue_dma source(%dma_start3A_82 : memref<632x128xf32, #tpu.memory_space<vmem_shared>>) target(%dma_start3A_80 : memref<632x128xf32, #tpu.memory_space<hbm>>) target_semaphore(%run_scoped3A : memref<!tpu.dma_semaphore, #tpu.memory_space<semaphore_mem>>)
        %dma_wait3A = arith.constant 0 : i32
        %dma_wait3A_83 = tpu.memref_slice %arg6[%arg0, %mul3A_77, %dma_wait3A] : memref<2x10000x128xf32, #tpu.memory_space<hbm>> -> memref<1x632x128xf32, #tpu.memory_space<hbm>>
        %dma_wait3A_84 = tpu.memref_squeeze %dma_wait3A_83 : memref<1x632x128xf32, #tpu.memory_space<hbm>> -> memref<632x128xf32, #tpu.memory_space<hbm>>
        %dma_wait3A_85 = arith.constant 0 : i32
        %dma_wait3A_86 = tpu.memref_slice %arg11[%mul3A_75, %dma_wait3A_85] : memref<10112x128xf32, #tpu.memory_space<vmem_shared>> -> memref<632x128xf32, #tpu.memory_space<vmem_shared>>
        tpu.wait_dma2 semaphore(%run_scoped3A : memref<!tpu.dma_semaphore, #tpu.memory_space<semaphore_mem>>) src(%dma_wait3A_86 : memref<632x128xf32, #tpu.memory_space<vmem_shared>>) dst(%dma_wait3A_84 : memref<632x128xf32, #tpu.memory_space<hbm>>)
        tpu.yield
      }) : () -> ()
    } else {
    }
    %eq3A_69 = arith.constant 15 : i32
    %eq3A_70 = arith.cmpi eq, %arg1, %eq3A_69 : i32
    %convert_element_type3A_71 = arith.extui %eq3A_70 : i1 to i32
    %cond3A_72 = arith.constant 0 : i32
    %cond3A_73 = arith.cmpi ne, %convert_element_type3A_71, %cond3A_72 : i32
    scf.if %cond3A_73 {
      %mul3A_74 = arith.constant 632 : i32
      %mul3A_75 = arith.muli %arg1, %mul3A_74 : i32
      %mul3A_76 = arith.constant 632 : i32
      %mul3A_77 = arith.muli %arg1, %mul3A_76 : i32
      "tpu.region"() ({
        %run_scoped3A = tpu.sem_alloc : memref<!tpu.dma_semaphore, #tpu.memory_space<semaphore_mem>>
        %dma_start3A_78 = arith.constant 0 : i32
        %dma_start3A_79 = tpu.memref_slice %arg6[%arg0, %mul3A_77, %dma_start3A_78] : memref<2x10000x128xf32, #tpu.memory_space<hbm>> -> memref<1x520x128xf32, #tpu.memory_space<hbm>>
        %dma_start3A_80 = tpu.memref_squeeze %dma_start3A_79 : memref<1x520x128xf32, #tpu.memory_space<hbm>> -> memref<520x128xf32, #tpu.memory_space<hbm>>
        %dma_start3A_81 = arith.constant 0 : i32
        %dma_start3A_82 = tpu.memref_slice %arg11[%mul3A_75, %dma_start3A_81] : memref<10112x128xf32, #tpu.memory_space<vmem_shared>> -> memref<520x128xf32, #tpu.memory_space<vmem_shared>>
        tpu.enqueue_dma source(%dma_start3A_82 : memref<520x128xf32, #tpu.memory_space<vmem_shared>>) target(%dma_start3A_80 : memref<520x128xf32, #tpu.memory_space<hbm>>) target_semaphore(%run_scoped3A : memref<!tpu.dma_semaphore, #tpu.memory_space<semaphore_mem>>)
        %dma_wait3A = arith.constant 0 : i32
        %dma_wait3A_83 = tpu.memref_slice %arg6[%arg0, %mul3A_77, %dma_wait3A] : memref<2x10000x128xf32, #tpu.memory_space<hbm>> -> memref<1x520x128xf32, #tpu.memory_space<hbm>>
        %dma_wait3A_84 = tpu.memref_squeeze %dma_wait3A_83 : memref<1x520x128xf32, #tpu.memory_space<hbm>> -> memref<520x128xf32, #tpu.memory_space<hbm>>
        %dma_wait3A_85 = arith.constant 0 : i32
        %dma_wait3A_86 = tpu.memref_slice %arg11[%mul3A_75, %dma_wait3A_85] : memref<10112x128xf32, #tpu.memory_space<vmem_shared>> -> memref<520x128xf32, #tpu.memory_space<vmem_shared>>
        tpu.wait_dma2 semaphore(%run_scoped3A : memref<!tpu.dma_semaphore, #tpu.memory_space<semaphore_mem>>) src(%dma_wait3A_86 : memref<520x128xf32, #tpu.memory_space<vmem_shared>>) dst(%dma_wait3A_84 : memref<520x128xf32, #tpu.memory_space<hbm>>)
        tpu.yield
      }) : () -> ()
    } else {
    }
    return
  }
}

#map = affine_map<(d0, d1) -> (0)>
#map1 = affine_map<(d0, d1) -> (0, 0)>
module attributes {stable_mosaic.version = 14 : i64} {
  func.func @_deg(%arg0: i32, %arg1: i32, %arg2: memref<327680xi32, #tpu.memory_space<hbm>>, %arg3: memref<10112xf32, #tpu.memory_space<hbm>>, %arg4: memref<1x128xf32, #tpu.memory_space<hbm>>, %arg5: memref<20224xf32, #tpu.memory_space<hbm>>, %arg6: memref<2x128xi32, #tpu.memory_space<vmem>>, %arg7: memref<1x128xf32, #tpu.memory_space<vmem>>, %arg8: memref<632xf32, #tpu.memory_space<vmem>>, %arg9: memref<10112xf32, #tpu.memory_space<vmem_shared>>, %arg10: memref<!tpu.dma_semaphore, #tpu.memory_space<semaphore_mem>>, %arg11: memref<!tpu.dma_semaphore, #tpu.memory_space<semaphore_mem>>) attributes {dimension_semantics = [#tpu.dimension_semantics<core_parallel>, #tpu.dimension_semantics<subcore_parallel>], iteration_bounds = array<i64: 2, 16>, scalar_prefetch = 0 : i64, scratch_operands = 6 : i64, tpu.core_type = #tpu.core_type<sc_vector_subcore>, window_params = [{transform_indices = #map}, {transform_indices = #map}, {transform_indices = #map1}, {transform_indices = #map}]} {
    %mul3A = arith.constant 2 : i32
    %mul3A_0 = arith.muli %arg1, %mul3A : i32
    %add3A = arith.addi %mul3A_0, %arg0 : i32
    %mul3A_1 = arith.constant 10240 : i32
    %mul3A_2 = arith.muli %add3A, %mul3A_1 : i32
    "tpu.region"() ({
      %run_scoped3A = tpu.sem_alloc : memref<!tpu.dma_semaphore, #tpu.memory_space<semaphore_mem>>
      tpu.enqueue_dma source(%arg4 : memref<1x128xf32, #tpu.memory_space<hbm>>) target(%arg7 : memref<1x128xf32, #tpu.memory_space<vmem>>) target_semaphore(%run_scoped3A : memref<!tpu.dma_semaphore, #tpu.memory_space<semaphore_mem>>)
      tpu.wait_dma2 semaphore(%run_scoped3A : memref<!tpu.dma_semaphore, #tpu.memory_space<semaphore_mem>>) src(%arg4 : memref<1x128xf32, #tpu.memory_space<hbm>>) dst(%arg7 : memref<1x128xf32, #tpu.memory_space<vmem>>)
      tpu.yield
    }) : () -> ()
    %mul3A_3 = arith.constant 632 : i32
    %mul3A_4 = arith.muli %arg1, %mul3A_3 : i32
    "tpu.region"() ({
      %run_scoped3A = tpu.sem_alloc : memref<!tpu.dma_semaphore, #tpu.memory_space<semaphore_mem>>
      %dma_start3A_39 = tpu.memref_slice %arg3[%mul3A_4] : memref<10112xf32, #tpu.memory_space<hbm>> -> memref<632xf32, #tpu.memory_space<hbm>>
      %dma_start3A_40 = tpu.memref_slice %arg3[%mul3A_4] : memref<10112xf32, #tpu.memory_space<hbm>> -> memref<632xf32, #tpu.memory_space<hbm>>
      tpu.enqueue_dma source(%dma_start3A_40 : memref<632xf32, #tpu.memory_space<hbm>>) target(%arg8 : memref<632xf32, #tpu.memory_space<vmem>>) target_semaphore(%run_scoped3A : memref<!tpu.dma_semaphore, #tpu.memory_space<semaphore_mem>>)
      %dma_wait3A = tpu.memref_slice %arg3[%mul3A_4] : memref<10112xf32, #tpu.memory_space<hbm>> -> memref<632xf32, #tpu.memory_space<hbm>>
      %dma_wait3A_41 = tpu.memref_slice %arg3[%mul3A_4] : memref<10112xf32, #tpu.memory_space<hbm>> -> memref<632xf32, #tpu.memory_space<hbm>>
      tpu.wait_dma2 semaphore(%run_scoped3A : memref<!tpu.dma_semaphore, #tpu.memory_space<semaphore_mem>>) src(%dma_wait3A_41 : memref<632xf32, #tpu.memory_space<hbm>>) dst(%arg8 : memref<632xf32, #tpu.memory_space<vmem>>)
      tpu.yield
    }) : () -> ()
    %mul3A_5 = arith.constant 632 : i32
    %mul3A_6 = arith.muli %arg1, %mul3A_5 : i32
    "tpu.region"() ({
      %run_scoped3A = tpu.sem_alloc : memref<!tpu.dma_semaphore, #tpu.memory_space<semaphore_mem>>
      %dma_start3A_39 = tpu.memref_slice %arg9[%mul3A_6] : memref<10112xf32, #tpu.memory_space<vmem_shared>> -> memref<632xf32, #tpu.memory_space<vmem_shared>>
      %dma_start3A_40 = tpu.memref_slice %arg9[%mul3A_6] : memref<10112xf32, #tpu.memory_space<vmem_shared>> -> memref<632xf32, #tpu.memory_space<vmem_shared>>
      tpu.enqueue_dma source(%arg8 : memref<632xf32, #tpu.memory_space<vmem>>) target(%dma_start3A_40 : memref<632xf32, #tpu.memory_space<vmem_shared>>) target_semaphore(%run_scoped3A : memref<!tpu.dma_semaphore, #tpu.memory_space<semaphore_mem>>)
      %dma_wait3A = tpu.memref_slice %arg9[%mul3A_6] : memref<10112xf32, #tpu.memory_space<vmem_shared>> -> memref<632xf32, #tpu.memory_space<vmem_shared>>
      %dma_wait3A_41 = tpu.memref_slice %arg9[%mul3A_6] : memref<10112xf32, #tpu.memory_space<vmem_shared>> -> memref<632xf32, #tpu.memory_space<vmem_shared>>
      tpu.wait_dma2 semaphore(%run_scoped3A : memref<!tpu.dma_semaphore, #tpu.memory_space<semaphore_mem>>) src(%arg8 : memref<632xf32, #tpu.memory_space<vmem>>) dst(%dma_wait3A_41 : memref<632xf32, #tpu.memory_space<vmem_shared>>)
      tpu.yield
    }) : () -> ()
    %barrier3A = arith.constant 0 : index
    tpu.barrier barrier_id(%barrier3A)
    %dma_start3A = arith.constant 0 : i32
    %dma_start3A_7 = arith.constant 0 : i32
    %dma_start3A_8 = tpu.memref_slice %arg6[%dma_start3A, %dma_start3A_7] : memref<2x128xi32, #tpu.memory_space<vmem>> -> memref<1x128xi32, #tpu.memory_space<vmem>>
    %dma_start3A_9 = tpu.memref_squeeze %dma_start3A_8 : memref<1x128xi32, #tpu.memory_space<vmem>> -> memref<128xi32, #tpu.memory_space<vmem>>
    %dma_start3A_10 = tpu.memref_slice %arg2[%mul3A_2] : memref<327680xi32, #tpu.memory_space<hbm>> -> memref<128xi32, #tpu.memory_space<hbm>>
    %dma_start3A_11 = arith.constant 0 : i32
    %dma_start3A_12 = tpu.memref_slice %arg6[%dma_start3A, %dma_start3A_11] : memref<2x128xi32, #tpu.memory_space<vmem>> -> memref<1x128xi32, #tpu.memory_space<vmem>>
    %dma_start3A_13 = tpu.memref_squeeze %dma_start3A_12 : memref<1x128xi32, #tpu.memory_space<vmem>> -> memref<128xi32, #tpu.memory_space<vmem>>
    %dma_start3A_14 = tpu.memref_slice %arg2[%mul3A_2] : memref<327680xi32, #tpu.memory_space<hbm>> -> memref<128xi32, #tpu.memory_space<hbm>>
    tpu.enqueue_dma source(%dma_start3A_14 : memref<128xi32, #tpu.memory_space<hbm>>) target(%dma_start3A_13 : memref<128xi32, #tpu.memory_space<vmem>>) target_semaphore(%arg10 : memref<!tpu.dma_semaphore, #tpu.memory_space<semaphore_mem>>)
    %add3A_15 = arith.constant 128 : i32
    %add3A_16 = arith.addi %mul3A_2, %add3A_15 : i32
    %dma_start3A_17 = arith.constant 1 : i32
    %dma_start3A_18 = arith.constant 0 : i32
    %dma_start3A_19 = tpu.memref_slice %arg6[%dma_start3A_17, %dma_start3A_18] : memref<2x128xi32, #tpu.memory_space<vmem>> -> memref<1x128xi32, #tpu.memory_space<vmem>>
    %dma_start3A_20 = tpu.memref_squeeze %dma_start3A_19 : memref<1x128xi32, #tpu.memory_space<vmem>> -> memref<128xi32, #tpu.memory_space<vmem>>
    %dma_start3A_21 = tpu.memref_slice %arg2[%add3A_16] : memref<327680xi32, #tpu.memory_space<hbm>> -> memref<128xi32, #tpu.memory_space<hbm>>
    %dma_start3A_22 = arith.constant 0 : i32
    %dma_start3A_23 = tpu.memref_slice %arg6[%dma_start3A_17, %dma_start3A_22] : memref<2x128xi32, #tpu.memory_space<vmem>> -> memref<1x128xi32, #tpu.memory_space<vmem>>
    %dma_start3A_24 = tpu.memref_squeeze %dma_start3A_23 : memref<1x128xi32, #tpu.memory_space<vmem>> -> memref<128xi32, #tpu.memory_space<vmem>>
    %dma_start3A_25 = tpu.memref_slice %arg2[%add3A_16] : memref<327680xi32, #tpu.memory_space<hbm>> -> memref<128xi32, #tpu.memory_space<hbm>>
    tpu.enqueue_dma source(%dma_start3A_25 : memref<128xi32, #tpu.memory_space<hbm>>) target(%dma_start3A_24 : memref<128xi32, #tpu.memory_space<vmem>>) target_semaphore(%arg11 : memref<!tpu.dma_semaphore, #tpu.memory_space<semaphore_mem>>)
    %scan3A = arith.constant 0 : i32
    %scan3A_26 = arith.constant 0 : i32
    %scan3A_27 = arith.constant 40 : i32
    %scan3A_28 = arith.addi %scan3A_26, %scan3A_27 : i32
    %scan3A_29 = arith.constant 1 : i32
    scf.for %scan3A_39 = %scan3A_26 to %scan3A_28 step %scan3A_29  : i32 {
      %mul3A_40 = arith.constant 2 : i32
      %mul3A_41 = arith.muli %mul3A_40, %scan3A_39 : i32
      %add3A_42 = arith.constant 1 : i32
      %add3A_43 = arith.addi %mul3A_41, %add3A_42 : i32
      %dma_wait3A = arith.constant 0 : i32
      %dma_wait3A_44 = arith.constant 0 : i32
      %dma_wait3A_45 = tpu.memref_slice %arg6[%dma_wait3A, %dma_wait3A_44] : memref<2x128xi32, #tpu.memory_space<vmem>> -> memref<1x128xi32, #tpu.memory_space<vmem>>
      %dma_wait3A_46 = tpu.memref_squeeze %dma_wait3A_45 : memref<1x128xi32, #tpu.memory_space<vmem>> -> memref<128xi32, #tpu.memory_space<vmem>>
      %dma_wait3A_47 = tpu.memref_slice %arg2[%mul3A_2] : memref<327680xi32, #tpu.memory_space<hbm>> -> memref<128xi32, #tpu.memory_space<hbm>>
      %dma_wait3A_48 = arith.constant 0 : i32
      %dma_wait3A_49 = tpu.memref_slice %arg6[%dma_wait3A, %dma_wait3A_48] : memref<2x128xi32, #tpu.memory_space<vmem>> -> memref<1x128xi32, #tpu.memory_space<vmem>>
      %dma_wait3A_50 = tpu.memref_squeeze %dma_wait3A_49 : memref<1x128xi32, #tpu.memory_space<vmem>> -> memref<128xi32, #tpu.memory_space<vmem>>
      %dma_wait3A_51 = tpu.memref_slice %arg2[%mul3A_2] : memref<327680xi32, #tpu.memory_space<hbm>> -> memref<128xi32, #tpu.memory_space<hbm>>
      tpu.wait_dma2 semaphore(%arg10 : memref<!tpu.dma_semaphore, #tpu.memory_space<semaphore_mem>>) src(%dma_wait3A_51 : memref<128xi32, #tpu.memory_space<hbm>>) dst(%dma_wait3A_50 : memref<128xi32, #tpu.memory_space<vmem>>)
      %run_scoped3A = arith.constant 0 : i32
      %run_scoped3A_52 = arith.constant 0 : i32
      "tpu.region"() ({
        %run_scoped3A_75 = tpu.sem_alloc : memref<!tpu.dma_semaphore, #tpu.memory_space<semaphore_mem>>
        %dma_start3A_76 = arith.constant 0 : i32
        %dma_start3A_77 = tpu.memref_slice %arg7[%run_scoped3A, %dma_start3A_76] : memref<1x128xf32, #tpu.memory_space<vmem>> -> memref<1x128xf32, #tpu.memory_space<vmem>>
        %dma_start3A_78 = tpu.memref_squeeze %dma_start3A_77 : memref<1x128xf32, #tpu.memory_space<vmem>> -> memref<128xf32, #tpu.memory_space<vmem>>
        %dma_start3A_79 = arith.constant 0 : i32
        %dma_start3A_80 = tpu.memref_slice %arg6[%run_scoped3A_52, %dma_start3A_79] : memref<2x128xi32, #tpu.memory_space<vmem>> -> memref<1x128xi32, #tpu.memory_space<vmem>>
        %dma_start3A_81 = tpu.memref_squeeze %dma_start3A_80 : memref<1x128xi32, #tpu.memory_space<vmem>> -> memref<128xi32, #tpu.memory_space<vmem>>
        %dma_start3A_82 = arith.constant 0 : i32
        %dma_start3A_83 = tpu.memref_slice %arg9[%dma_start3A_82] : memref<10112xf32, #tpu.memory_space<vmem_shared>> -> memref<10112xf32, #tpu.memory_space<vmem_shared>>
        tpu.enqueue_indirect_dma source(%dma_start3A_78 : memref<128xf32, #tpu.memory_space<vmem>>) target(%dma_start3A_83 : memref<10112xf32, #tpu.memory_space<vmem_shared>>) offsets(%dma_start3A_81 : memref<128xi32, #tpu.memory_space<vmem>>) semaphore(%run_scoped3A_75 : memref<!tpu.dma_semaphore, #tpu.memory_space<semaphore_mem>>) {add = true}
        %dma_wait3A_84 = arith.constant 0 : i32
        %dma_wait3A_85 = tpu.memref_slice %arg7[%run_scoped3A, %dma_wait3A_84] : memref<1x128xf32, #tpu.memory_space<vmem>> -> memref<1x128xf32, #tpu.memory_space<vmem>>
        %dma_wait3A_86 = tpu.memref_squeeze %dma_wait3A_85 : memref<1x128xf32, #tpu.memory_space<vmem>> -> memref<128xf32, #tpu.memory_space<vmem>>
        %dma_wait3A_87 = arith.constant 0 : i32
        %dma_wait3A_88 = tpu.memref_slice %arg6[%run_scoped3A_52, %dma_wait3A_87] : memref<2x128xi32, #tpu.memory_space<vmem>> -> memref<1x128xi32, #tpu.memory_space<vmem>>
        %dma_wait3A_89 = tpu.memref_squeeze %dma_wait3A_88 : memref<1x128xi32, #tpu.memory_space<vmem>> -> memref<128xi32, #tpu.memory_space<vmem>>
        %dma_wait3A_90 = arith.constant 0 : i32
        %dma_wait3A_91 = tpu.memref_slice %arg9[%dma_wait3A_90] : memref<10112xf32, #tpu.memory_space<vmem_shared>> -> memref<10112xf32, #tpu.memory_space<vmem_shared>>
        tpu.wait_indirect_dma semaphore(%run_scoped3A_75 : memref<!tpu.dma_semaphore, #tpu.memory_space<semaphore_mem>>) src(%dma_wait3A_86 : memref<128xf32, #tpu.memory_space<vmem>>) dst(%dma_wait3A_91 : memref<10112xf32, #tpu.memory_space<vmem_shared>>)
        tpu.yield
      }) : () -> ()
      %add3A_53 = arith.constant 2 : i32
      %add3A_54 = arith.addi %mul3A_41, %add3A_53 : i32
      %lt3A = arith.constant 80 : i32
      %lt3A_55 = arith.cmpi slt, %add3A_54, %lt3A : i32
      %convert_element_type3A = arith.extui %lt3A_55 : i1 to i32
      %cond3A = arith.constant 0 : i32
      %cond3A_56 = arith.cmpi ne, %convert_element_type3A, %cond3A : i32
      scf.if %cond3A_56 {
        %add3A_75 = arith.constant 2 : i32
        %add3A_76 = arith.addi %mul3A_41, %add3A_75 : i32
        %mul3A_77 = arith.constant 128 : i32
        %mul3A_78 = arith.muli %add3A_76, %mul3A_77 : i32
        %add3A_79 = arith.addi %mul3A_2, %mul3A_78 : i32
        %dma_start3A_80 = arith.constant 0 : i32
        %dma_start3A_81 = arith.constant 0 : i32
        %dma_start3A_82 = tpu.memref_slice %arg6[%dma_start3A_80, %dma_start3A_81] : memref<2x128xi32, #tpu.memory_space<vmem>> -> memref<1x128xi32, #tpu.memory_space<vmem>>
        %dma_start3A_83 = tpu.memref_squeeze %dma_start3A_82 : memref<1x128xi32, #tpu.memory_space<vmem>> -> memref<128xi32, #tpu.memory_space<vmem>>
        %dma_start3A_84 = tpu.memref_slice %arg2[%add3A_79] : memref<327680xi32, #tpu.memory_space<hbm>> -> memref<128xi32, #tpu.memory_space<hbm>>
        %dma_start3A_85 = arith.constant 0 : i32
        %dma_start3A_86 = tpu.memref_slice %arg6[%dma_start3A_80, %dma_start3A_85] : memref<2x128xi32, #tpu.memory_space<vmem>> -> memref<1x128xi32, #tpu.memory_space<vmem>>
        %dma_start3A_87 = tpu.memref_squeeze %dma_start3A_86 : memref<1x128xi32, #tpu.memory_space<vmem>> -> memref<128xi32, #tpu.memory_space<vmem>>
        %dma_start3A_88 = tpu.memref_slice %arg2[%add3A_79] : memref<327680xi32, #tpu.memory_space<hbm>> -> memref<128xi32, #tpu.memory_space<hbm>>
        tpu.enqueue_dma source(%dma_start3A_88 : memref<128xi32, #tpu.memory_space<hbm>>) target(%dma_start3A_87 : memref<128xi32, #tpu.memory_space<vmem>>) target_semaphore(%arg10 : memref<!tpu.dma_semaphore, #tpu.memory_space<semaphore_mem>>)
      } else {
      }
      %dma_wait3A_57 = arith.constant 1 : i32
      %dma_wait3A_58 = arith.constant 0 : i32
      %dma_wait3A_59 = tpu.memref_slice %arg6[%dma_wait3A_57, %dma_wait3A_58] : memref<2x128xi32, #tpu.memory_space<vmem>> -> memref<1x128xi32, #tpu.memory_space<vmem>>
      %dma_wait3A_60 = tpu.memref_squeeze %dma_wait3A_59 : memref<1x128xi32, #tpu.memory_space<vmem>> -> memref<128xi32, #tpu.memory_space<vmem>>
      %dma_wait3A_61 = tpu.memref_slice %arg2[%mul3A_2] : memref<327680xi32, #tpu.memory_space<hbm>> -> memref<128xi32, #tpu.memory_space<hbm>>
      %dma_wait3A_62 = arith.constant 0 : i32
      %dma_wait3A_63 = tpu.memref_slice %arg6[%dma_wait3A_57, %dma_wait3A_62] : memref<2x128xi32, #tpu.memory_space<vmem>> -> memref<1x128xi32, #tpu.memory_space<vmem>>
      %dma_wait3A_64 = tpu.memref_squeeze %dma_wait3A_63 : memref<1x128xi32, #tpu.memory_space<vmem>> -> memref<128xi32, #tpu.memory_space<vmem>>
      %dma_wait3A_65 = tpu.memref_slice %arg2[%mul3A_2] : memref<327680xi32, #tpu.memory_space<hbm>> -> memref<128xi32, #tpu.memory_space<hbm>>
      tpu.wait_dma2 semaphore(%arg11 : memref<!tpu.dma_semaphore, #tpu.memory_space<semaphore_mem>>) src(%dma_wait3A_65 : memref<128xi32, #tpu.memory_space<hbm>>) dst(%dma_wait3A_64 : memref<128xi32, #tpu.memory_space<vmem>>)
      %run_scoped3A_66 = arith.constant 0 : i32
      %run_scoped3A_67 = arith.constant 1 : i32
      "tpu.region"() ({
        %run_scoped3A_75 = tpu.sem_alloc : memref<!tpu.dma_semaphore, #tpu.memory_space<semaphore_mem>>
        %dma_start3A_76 = arith.constant 0 : i32
        %dma_start3A_77 = tpu.memref_slice %arg7[%run_scoped3A_66, %dma_start3A_76] : memref<1x128xf32, #tpu.memory_space<vmem>> -> memref<1x128xf32, #tpu.memory_space<vmem>>
        %dma_start3A_78 = tpu.memref_squeeze %dma_start3A_77 : memref<1x128xf32, #tpu.memory_space<vmem>> -> memref<128xf32, #tpu.memory_space<vmem>>
        %dma_start3A_79 = arith.constant 0 : i32
        %dma_start3A_80 = tpu.memref_slice %arg6[%run_scoped3A_67, %dma_start3A_79] : memref<2x128xi32, #tpu.memory_space<vmem>> -> memref<1x128xi32, #tpu.memory_space<vmem>>
        %dma_start3A_81 = tpu.memref_squeeze %dma_start3A_80 : memref<1x128xi32, #tpu.memory_space<vmem>> -> memref<128xi32, #tpu.memory_space<vmem>>
        %dma_start3A_82 = arith.constant 0 : i32
        %dma_start3A_83 = tpu.memref_slice %arg9[%dma_start3A_82] : memref<10112xf32, #tpu.memory_space<vmem_shared>> -> memref<10112xf32, #tpu.memory_space<vmem_shared>>
        tpu.enqueue_indirect_dma source(%dma_start3A_78 : memref<128xf32, #tpu.memory_space<vmem>>) target(%dma_start3A_83 : memref<10112xf32, #tpu.memory_space<vmem_shared>>) offsets(%dma_start3A_81 : memref<128xi32, #tpu.memory_space<vmem>>) semaphore(%run_scoped3A_75 : memref<!tpu.dma_semaphore, #tpu.memory_space<semaphore_mem>>) {add = true}
        %dma_wait3A_84 = arith.constant 0 : i32
        %dma_wait3A_85 = tpu.memref_slice %arg7[%run_scoped3A_66, %dma_wait3A_84] : memref<1x128xf32, #tpu.memory_space<vmem>> -> memref<1x128xf32, #tpu.memory_space<vmem>>
        %dma_wait3A_86 = tpu.memref_squeeze %dma_wait3A_85 : memref<1x128xf32, #tpu.memory_space<vmem>> -> memref<128xf32, #tpu.memory_space<vmem>>
        %dma_wait3A_87 = arith.constant 0 : i32
        %dma_wait3A_88 = tpu.memref_slice %arg6[%run_scoped3A_67, %dma_wait3A_87] : memref<2x128xi32, #tpu.memory_space<vmem>> -> memref<1x128xi32, #tpu.memory_space<vmem>>
        %dma_wait3A_89 = tpu.memref_squeeze %dma_wait3A_88 : memref<1x128xi32, #tpu.memory_space<vmem>> -> memref<128xi32, #tpu.memory_space<vmem>>
        %dma_wait3A_90 = arith.constant 0 : i32
        %dma_wait3A_91 = tpu.memref_slice %arg9[%dma_wait3A_90] : memref<10112xf32, #tpu.memory_space<vmem_shared>> -> memref<10112xf32, #tpu.memory_space<vmem_shared>>
        tpu.wait_indirect_dma semaphore(%run_scoped3A_75 : memref<!tpu.dma_semaphore, #tpu.memory_space<semaphore_mem>>) src(%dma_wait3A_86 : memref<128xf32, #tpu.memory_space<vmem>>) dst(%dma_wait3A_91 : memref<10112xf32, #tpu.memory_space<vmem_shared>>)
        tpu.yield
      }) : () -> ()
      %add3A_68 = arith.constant 2 : i32
      %add3A_69 = arith.addi %add3A_43, %add3A_68 : i32
      %lt3A_70 = arith.constant 80 : i32
      %lt3A_71 = arith.cmpi slt, %add3A_69, %lt3A_70 : i32
      %convert_element_type3A_72 = arith.extui %lt3A_71 : i1 to i32
      %cond3A_73 = arith.constant 0 : i32
      %cond3A_74 = arith.cmpi ne, %convert_element_type3A_72, %cond3A_73 : i32
      scf.if %cond3A_74 {
        %add3A_75 = arith.constant 2 : i32
        %add3A_76 = arith.addi %add3A_43, %add3A_75 : i32
        %mul3A_77 = arith.constant 128 : i32
        %mul3A_78 = arith.muli %add3A_76, %mul3A_77 : i32
        %add3A_79 = arith.addi %mul3A_2, %mul3A_78 : i32
        %dma_start3A_80 = arith.constant 1 : i32
        %dma_start3A_81 = arith.constant 0 : i32
        %dma_start3A_82 = tpu.memref_slice %arg6[%dma_start3A_80, %dma_start3A_81] : memref<2x128xi32, #tpu.memory_space<vmem>> -> memref<1x128xi32, #tpu.memory_space<vmem>>
        %dma_start3A_83 = tpu.memref_squeeze %dma_start3A_82 : memref<1x128xi32, #tpu.memory_space<vmem>> -> memref<128xi32, #tpu.memory_space<vmem>>
        %dma_start3A_84 = tpu.memref_slice %arg2[%add3A_79] : memref<327680xi32, #tpu.memory_space<hbm>> -> memref<128xi32, #tpu.memory_space<hbm>>
        %dma_start3A_85 = arith.constant 0 : i32
        %dma_start3A_86 = tpu.memref_slice %arg6[%dma_start3A_80, %dma_start3A_85] : memref<2x128xi32, #tpu.memory_space<vmem>> -> memref<1x128xi32, #tpu.memory_space<vmem>>
        %dma_start3A_87 = tpu.memref_squeeze %dma_start3A_86 : memref<1x128xi32, #tpu.memory_space<vmem>> -> memref<128xi32, #tpu.memory_space<vmem>>
        %dma_start3A_88 = tpu.memref_slice %arg2[%add3A_79] : memref<327680xi32, #tpu.memory_space<hbm>> -> memref<128xi32, #tpu.memory_space<hbm>>
        tpu.enqueue_dma source(%dma_start3A_88 : memref<128xi32, #tpu.memory_space<hbm>>) target(%dma_start3A_87 : memref<128xi32, #tpu.memory_space<vmem>>) target_semaphore(%arg11 : memref<!tpu.dma_semaphore, #tpu.memory_space<semaphore_mem>>)
      } else {
      }
    }
    %scan3A_30 = arith.constant 40 : i32
    %barrier3A_31 = arith.constant 0 : index
    tpu.barrier barrier_id(%barrier3A_31)
    %mul3A_32 = arith.constant 632 : i32
    %mul3A_33 = arith.muli %arg1, %mul3A_32 : i32
    "tpu.region"() ({
      %run_scoped3A = tpu.sem_alloc : memref<!tpu.dma_semaphore, #tpu.memory_space<semaphore_mem>>
      %dma_start3A_39 = tpu.memref_slice %arg9[%mul3A_33] : memref<10112xf32, #tpu.memory_space<vmem_shared>> -> memref<632xf32, #tpu.memory_space<vmem_shared>>
      %dma_start3A_40 = tpu.memref_slice %arg9[%mul3A_33] : memref<10112xf32, #tpu.memory_space<vmem_shared>> -> memref<632xf32, #tpu.memory_space<vmem_shared>>
      tpu.enqueue_dma source(%dma_start3A_40 : memref<632xf32, #tpu.memory_space<vmem_shared>>) target(%arg8 : memref<632xf32, #tpu.memory_space<vmem>>) target_semaphore(%run_scoped3A : memref<!tpu.dma_semaphore, #tpu.memory_space<semaphore_mem>>)
      %dma_wait3A = tpu.memref_slice %arg9[%mul3A_33] : memref<10112xf32, #tpu.memory_space<vmem_shared>> -> memref<632xf32, #tpu.memory_space<vmem_shared>>
      %dma_wait3A_41 = tpu.memref_slice %arg9[%mul3A_33] : memref<10112xf32, #tpu.memory_space<vmem_shared>> -> memref<632xf32, #tpu.memory_space<vmem_shared>>
      tpu.wait_dma2 semaphore(%run_scoped3A : memref<!tpu.dma_semaphore, #tpu.memory_space<semaphore_mem>>) src(%dma_wait3A_41 : memref<632xf32, #tpu.memory_space<vmem_shared>>) dst(%arg8 : memref<632xf32, #tpu.memory_space<vmem>>)
      tpu.yield
    }) : () -> ()
    %mul3A_34 = arith.constant 10112 : i32
    %mul3A_35 = arith.muli %arg0, %mul3A_34 : i32
    %mul3A_36 = arith.constant 632 : i32
    %mul3A_37 = arith.muli %arg1, %mul3A_36 : i32
    %add3A_38 = arith.addi %mul3A_35, %mul3A_37 : i32
    "tpu.region"() ({
      %run_scoped3A = tpu.sem_alloc : memref<!tpu.dma_semaphore, #tpu.memory_space<semaphore_mem>>
      %dma_start3A_39 = tpu.memref_slice %arg5[%add3A_38] : memref<20224xf32, #tpu.memory_space<hbm>> -> memref<632xf32, #tpu.memory_space<hbm>>
      %dma_start3A_40 = tpu.memref_slice %arg5[%add3A_38] : memref<20224xf32, #tpu.memory_space<hbm>> -> memref<632xf32, #tpu.memory_space<hbm>>
      tpu.enqueue_dma source(%arg8 : memref<632xf32, #tpu.memory_space<vmem>>) target(%dma_start3A_40 : memref<632xf32, #tpu.memory_space<hbm>>) target_semaphore(%run_scoped3A : memref<!tpu.dma_semaphore, #tpu.memory_space<semaphore_mem>>)
      %dma_wait3A = tpu.memref_slice %arg5[%add3A_38] : memref<20224xf32, #tpu.memory_space<hbm>> -> memref<632xf32, #tpu.memory_space<hbm>>
      %dma_wait3A_41 = tpu.memref_slice %arg5[%add3A_38] : memref<20224xf32, #tpu.memory_space<hbm>> -> memref<632xf32, #tpu.memory_space<hbm>>
      tpu.wait_dma2 semaphore(%run_scoped3A : memref<!tpu.dma_semaphore, #tpu.memory_space<semaphore_mem>>) src(%arg8 : memref<632xf32, #tpu.memory_space<vmem>>) dst(%dma_wait3A_41 : memref<632xf32, #tpu.memory_space<hbm>>)
      tpu.yield
    }) : () -> ()
    return
  }
}

#map = affine_map<(d0, d1) -> (0, 0)>
#map1 = affine_map<(d0, d1) -> (0)>
#map2 = affine_map<(d0, d1) -> (0, 0, 0)>
module attributes {stable_mosaic.version = 14 : i64} {
  func.func @_agg(%arg0: i32, %arg1: i32, %arg2: memref<10000x128xf32, #tpu.memory_space<hbm>>, %arg3: memref<327680xi32, #tpu.memory_space<hbm>>, %arg4: memref<327680xi32, #tpu.memory_space<hbm>>, %arg5: memref<632x128xf32, #tpu.memory_space<hbm>>, %arg6: memref<2x10000x128xf32, #tpu.memory_space<hbm>>, %arg7: memref<10240xi32, #tpu.memory_space<vmem>>, %arg8: memref<2x128xi32, #tpu.memory_space<vmem>>, %arg9: memref<128x128xf32, #tpu.memory_space<vmem>>, %arg10: memref<128x128xf32, #tpu.memory_space<vmem>>, %arg11: memref<10112x128xf32, #tpu.memory_space<vmem_shared>>, %arg12: memref<!tpu.dma_semaphore, #tpu.memory_space<semaphore_mem>>, %arg13: memref<!tpu.dma_semaphore, #tpu.memory_space<semaphore_mem>>, %arg14: memref<!tpu.dma_semaphore, #tpu.memory_space<semaphore_mem>>, %arg15: memref<!tpu.dma_semaphore, #tpu.memory_space<semaphore_mem>>) attributes {dimension_semantics = [#tpu.dimension_semantics<core_parallel>, #tpu.dimension_semantics<subcore_parallel>], iteration_bounds = array<i64: 2, 16>, scalar_prefetch = 0 : i64, scratch_operands = 9 : i64, tpu.core_type = #tpu.core_type<sc_vector_subcore>, window_params = [{transform_indices = #map}, {transform_indices = #map1}, {transform_indices = #map1}, {transform_indices = #map}, {transform_indices = #map2}]} {
    %mul3A = arith.constant 2 : i32
    %mul3A_0 = arith.muli %arg1, %mul3A : i32
    %add3A = arith.addi %mul3A_0, %arg0 : i32
    %mul3A_1 = arith.constant 10240 : i32
    %mul3A_2 = arith.muli %add3A, %mul3A_1 : i32
    "tpu.region"() ({
      %run_scoped3A = tpu.sem_alloc : memref<!tpu.dma_semaphore, #tpu.memory_space<semaphore_mem>>
      %dma_start3A_74 = tpu.memref_slice %arg3[%mul3A_2] : memref<327680xi32, #tpu.memory_space<hbm>> -> memref<10240xi32, #tpu.memory_space<hbm>>
      %dma_start3A_75 = tpu.memref_slice %arg3[%mul3A_2] : memref<327680xi32, #tpu.memory_space<hbm>> -> memref<10240xi32, #tpu.memory_space<hbm>>
      tpu.enqueue_dma source(%dma_start3A_75 : memref<10240xi32, #tpu.memory_space<hbm>>) target(%arg7 : memref<10240xi32, #tpu.memory_space<vmem>>) target_semaphore(%run_scoped3A : memref<!tpu.dma_semaphore, #tpu.memory_space<semaphore_mem>>)
      %dma_wait3A = tpu.memref_slice %arg3[%mul3A_2] : memref<327680xi32, #tpu.memory_space<hbm>> -> memref<10240xi32, #tpu.memory_space<hbm>>
      %dma_wait3A_76 = tpu.memref_slice %arg3[%mul3A_2] : memref<327680xi32, #tpu.memory_space<hbm>> -> memref<10240xi32, #tpu.memory_space<hbm>>
      tpu.wait_dma2 semaphore(%run_scoped3A : memref<!tpu.dma_semaphore, #tpu.memory_space<semaphore_mem>>) src(%dma_wait3A_76 : memref<10240xi32, #tpu.memory_space<hbm>>) dst(%arg7 : memref<10240xi32, #tpu.memory_space<vmem>>)
      tpu.yield
    }) : () -> ()
    %eq3A = arith.constant 0 : i32
    %eq3A_3 = arith.cmpi eq, %arg0, %eq3A : i32
    %lt3A = arith.constant 15 : i32
    %lt3A_4 = arith.cmpi slt, %arg1, %lt3A : i32
    %and3A = arith.andi %eq3A_3, %lt3A_4 : i1
    %convert_element_type3A = arith.extui %and3A : i1 to i32
    %cond3A = arith.constant 0 : i32
    %cond3A_5 = arith.cmpi ne, %convert_element_type3A, %cond3A : i32
    scf.if %cond3A_5 {
      %mul3A_74 = arith.constant 632 : i32
      %mul3A_75 = arith.muli %arg1, %mul3A_74 : i32
      %mul3A_76 = arith.constant 632 : i32
      %mul3A_77 = arith.muli %arg1, %mul3A_76 : i32
      "tpu.region"() ({
        %run_scoped3A = tpu.sem_alloc : memref<!tpu.dma_semaphore, #tpu.memory_space<semaphore_mem>>
        %dma_start3A_78 = arith.constant 0 : i32
        %dma_start3A_79 = tpu.memref_slice %arg11[%mul3A_77, %dma_start3A_78] : memref<10112x128xf32, #tpu.memory_space<vmem_shared>> -> memref<632x128xf32, #tpu.memory_space<vmem_shared>>
        %dma_start3A_80 = arith.constant 0 : i32
        %dma_start3A_81 = tpu.memref_slice %arg2[%mul3A_75, %dma_start3A_80] : memref<10000x128xf32, #tpu.memory_space<hbm>> -> memref<632x128xf32, #tpu.memory_space<hbm>>
        tpu.enqueue_dma source(%dma_start3A_81 : memref<632x128xf32, #tpu.memory_space<hbm>>) target(%dma_start3A_79 : memref<632x128xf32, #tpu.memory_space<vmem_shared>>) target_semaphore(%run_scoped3A : memref<!tpu.dma_semaphore, #tpu.memory_space<semaphore_mem>>)
        %dma_wait3A = arith.constant 0 : i32
        %dma_wait3A_82 = tpu.memref_slice %arg11[%mul3A_77, %dma_wait3A] : memref<10112x128xf32, #tpu.memory_space<vmem_shared>> -> memref<632x128xf32, #tpu.memory_space<vmem_shared>>
        %dma_wait3A_83 = arith.constant 0 : i32
        %dma_wait3A_84 = tpu.memref_slice %arg2[%mul3A_75, %dma_wait3A_83] : memref<10000x128xf32, #tpu.memory_space<hbm>> -> memref<632x128xf32, #tpu.memory_space<hbm>>
        tpu.wait_dma2 semaphore(%run_scoped3A : memref<!tpu.dma_semaphore, #tpu.memory_space<semaphore_mem>>) src(%dma_wait3A_84 : memref<632x128xf32, #tpu.memory_space<hbm>>) dst(%dma_wait3A_82 : memref<632x128xf32, #tpu.memory_space<vmem_shared>>)
        tpu.yield
      }) : () -> ()
    } else {
    }
    %eq3A_6 = arith.constant 0 : i32
    %eq3A_7 = arith.cmpi eq, %arg0, %eq3A_6 : i32
    %eq3A_8 = arith.constant 15 : i32
    %eq3A_9 = arith.cmpi eq, %arg1, %eq3A_8 : i32
    %and3A_10 = arith.andi %eq3A_7, %eq3A_9 : i1
    %convert_element_type3A_11 = arith.extui %and3A_10 : i1 to i32
    %cond3A_12 = arith.constant 0 : i32
    %cond3A_13 = arith.cmpi ne, %convert_element_type3A_11, %cond3A_12 : i32
    scf.if %cond3A_13 {
      %mul3A_74 = arith.constant 632 : i32
      %mul3A_75 = arith.muli %arg1, %mul3A_74 : i32
      %mul3A_76 = arith.constant 632 : i32
      %mul3A_77 = arith.muli %arg1, %mul3A_76 : i32
      "tpu.region"() ({
        %run_scoped3A = tpu.sem_alloc : memref<!tpu.dma_semaphore, #tpu.memory_space<semaphore_mem>>
        %dma_start3A_78 = arith.constant 0 : i32
        %dma_start3A_79 = tpu.memref_slice %arg11[%mul3A_77, %dma_start3A_78] : memref<10112x128xf32, #tpu.memory_space<vmem_shared>> -> memref<520x128xf32, #tpu.memory_space<vmem_shared>>
        %dma_start3A_80 = arith.constant 0 : i32
        %dma_start3A_81 = tpu.memref_slice %arg2[%mul3A_75, %dma_start3A_80] : memref<10000x128xf32, #tpu.memory_space<hbm>> -> memref<520x128xf32, #tpu.memory_space<hbm>>
        tpu.enqueue_dma source(%dma_start3A_81 : memref<520x128xf32, #tpu.memory_space<hbm>>) target(%dma_start3A_79 : memref<520x128xf32, #tpu.memory_space<vmem_shared>>) target_semaphore(%run_scoped3A : memref<!tpu.dma_semaphore, #tpu.memory_space<semaphore_mem>>)
        %dma_wait3A = arith.constant 0 : i32
        %dma_wait3A_82 = tpu.memref_slice %arg11[%mul3A_77, %dma_wait3A] : memref<10112x128xf32, #tpu.memory_space<vmem_shared>> -> memref<520x128xf32, #tpu.memory_space<vmem_shared>>
        %dma_wait3A_83 = arith.constant 0 : i32
        %dma_wait3A_84 = tpu.memref_slice %arg2[%mul3A_75, %dma_wait3A_83] : memref<10000x128xf32, #tpu.memory_space<hbm>> -> memref<520x128xf32, #tpu.memory_space<hbm>>
        tpu.wait_dma2 semaphore(%run_scoped3A : memref<!tpu.dma_semaphore, #tpu.memory_space<semaphore_mem>>) src(%dma_wait3A_84 : memref<520x128xf32, #tpu.memory_space<hbm>>) dst(%dma_wait3A_82 : memref<520x128xf32, #tpu.memory_space<vmem_shared>>)
        tpu.yield
      }) : () -> ()
    } else {
    }
    %ne3A = arith.constant 0 : i32
    %ne3A_14 = arith.cmpi ne, %arg0, %ne3A : i32
    %lt3A_15 = arith.constant 15 : i32
    %lt3A_16 = arith.cmpi slt, %arg1, %lt3A_15 : i32
    %and3A_17 = arith.andi %ne3A_14, %lt3A_16 : i1
    %convert_element_type3A_18 = arith.extui %and3A_17 : i1 to i32
    %cond3A_19 = arith.constant 0 : i32
    %cond3A_20 = arith.cmpi ne, %convert_element_type3A_18, %cond3A_19 : i32
    scf.if %cond3A_20 {
      %mul3A_74 = arith.constant 632 : i32
      %mul3A_75 = arith.muli %arg1, %mul3A_74 : i32
      "tpu.region"() ({
        %run_scoped3A = tpu.sem_alloc : memref<!tpu.dma_semaphore, #tpu.memory_space<semaphore_mem>>
        %dma_start3A_76 = arith.constant 0 : i32
        %dma_start3A_77 = tpu.memref_slice %arg11[%mul3A_75, %dma_start3A_76] : memref<10112x128xf32, #tpu.memory_space<vmem_shared>> -> memref<632x128xf32, #tpu.memory_space<vmem_shared>>
        tpu.enqueue_dma source(%arg5 : memref<632x128xf32, #tpu.memory_space<hbm>>) target(%dma_start3A_77 : memref<632x128xf32, #tpu.memory_space<vmem_shared>>) target_semaphore(%run_scoped3A : memref<!tpu.dma_semaphore, #tpu.memory_space<semaphore_mem>>)
        %dma_wait3A = arith.constant 0 : i32
        %dma_wait3A_78 = tpu.memref_slice %arg11[%mul3A_75, %dma_wait3A] : memref<10112x128xf32, #tpu.memory_space<vmem_shared>> -> memref<632x128xf32, #tpu.memory_space<vmem_shared>>
        tpu.wait_dma2 semaphore(%run_scoped3A : memref<!tpu.dma_semaphore, #tpu.memory_space<semaphore_mem>>) src(%arg5 : memref<632x128xf32, #tpu.memory_space<hbm>>) dst(%dma_wait3A_78 : memref<632x128xf32, #tpu.memory_space<vmem_shared>>)
        tpu.yield
      }) : () -> ()
    } else {
    }
    %ne3A_21 = arith.constant 0 : i32
    %ne3A_22 = arith.cmpi ne, %arg0, %ne3A_21 : i32
    %eq3A_23 = arith.constant 15 : i32
    %eq3A_24 = arith.cmpi eq, %arg1, %eq3A_23 : i32
    %and3A_25 = arith.andi %ne3A_22, %eq3A_24 : i1
    %convert_element_type3A_26 = arith.extui %and3A_25 : i1 to i32
    %cond3A_27 = arith.constant 0 : i32
    %cond3A_28 = arith.cmpi ne, %convert_element_type3A_26, %cond3A_27 : i32
    scf.if %cond3A_28 {
      %mul3A_74 = arith.constant 632 : i32
      %mul3A_75 = arith.muli %arg1, %mul3A_74 : i32
      "tpu.region"() ({
        %run_scoped3A = tpu.sem_alloc : memref<!tpu.dma_semaphore, #tpu.memory_space<semaphore_mem>>
        %dma_start3A_76 = arith.constant 0 : i32
        %dma_start3A_77 = tpu.memref_slice %arg11[%mul3A_75, %dma_start3A_76] : memref<10112x128xf32, #tpu.memory_space<vmem_shared>> -> memref<520x128xf32, #tpu.memory_space<vmem_shared>>
        %dma_start3A_78 = arith.constant 0 : i32
        %dma_start3A_79 = arith.constant 0 : i32
        %dma_start3A_80 = tpu.memref_slice %arg5[%dma_start3A_78, %dma_start3A_79] : memref<632x128xf32, #tpu.memory_space<hbm>> -> memref<520x128xf32, #tpu.memory_space<hbm>>
        tpu.enqueue_dma source(%dma_start3A_80 : memref<520x128xf32, #tpu.memory_space<hbm>>) target(%dma_start3A_77 : memref<520x128xf32, #tpu.memory_space<vmem_shared>>) target_semaphore(%run_scoped3A : memref<!tpu.dma_semaphore, #tpu.memory_space<semaphore_mem>>)
        %dma_wait3A = arith.constant 0 : i32
        %dma_wait3A_81 = tpu.memref_slice %arg11[%mul3A_75, %dma_wait3A] : memref<10112x128xf32, #tpu.memory_space<vmem_shared>> -> memref<520x128xf32, #tpu.memory_space<vmem_shared>>
        %dma_wait3A_82 = arith.constant 0 : i32
        %dma_wait3A_83 = arith.constant 0 : i32
        %dma_wait3A_84 = tpu.memref_slice %arg5[%dma_wait3A_82, %dma_wait3A_83] : memref<632x128xf32, #tpu.memory_space<hbm>> -> memref<520x128xf32, #tpu.memory_space<hbm>>
        tpu.wait_dma2 semaphore(%run_scoped3A : memref<!tpu.dma_semaphore, #tpu.memory_space<semaphore_mem>>) src(%dma_wait3A_84 : memref<520x128xf32, #tpu.memory_space<hbm>>) dst(%dma_wait3A_81 : memref<520x128xf32, #tpu.memory_space<vmem_shared>>)
        tpu.yield
      }) : () -> ()
    } else {
    }
    %barrier3A = arith.constant 0 : index
    tpu.barrier barrier_id(%barrier3A)
    %dma_start3A = arith.constant 0 : i32
    %dma_start3A_29 = arith.constant 0 : i32
    %dma_start3A_30 = tpu.memref_slice %arg8[%dma_start3A, %dma_start3A_29] : memref<2x128xi32, #tpu.memory_space<vmem>> -> memref<1x128xi32, #tpu.memory_space<vmem>>
    %dma_start3A_31 = tpu.memref_squeeze %dma_start3A_30 : memref<1x128xi32, #tpu.memory_space<vmem>> -> memref<128xi32, #tpu.memory_space<vmem>>
    %dma_start3A_32 = tpu.memref_slice %arg4[%mul3A_2] : memref<327680xi32, #tpu.memory_space<hbm>> -> memref<128xi32, #tpu.memory_space<hbm>>
    %dma_start3A_33 = arith.constant 0 : i32
    %dma_start3A_34 = tpu.memref_slice %arg8[%dma_start3A, %dma_start3A_33] : memref<2x128xi32, #tpu.memory_space<vmem>> -> memref<1x128xi32, #tpu.memory_space<vmem>>
    %dma_start3A_35 = tpu.memref_squeeze %dma_start3A_34 : memref<1x128xi32, #tpu.memory_space<vmem>> -> memref<128xi32, #tpu.memory_space<vmem>>
    %dma_start3A_36 = tpu.memref_slice %arg4[%mul3A_2] : memref<327680xi32, #tpu.memory_space<hbm>> -> memref<128xi32, #tpu.memory_space<hbm>>
    tpu.enqueue_dma source(%dma_start3A_36 : memref<128xi32, #tpu.memory_space<hbm>>) target(%dma_start3A_35 : memref<128xi32, #tpu.memory_space<vmem>>) target_semaphore(%arg14 : memref<!tpu.dma_semaphore, #tpu.memory_space<semaphore_mem>>)
    %add3A_37 = arith.constant 128 : i32
    %add3A_38 = arith.addi %mul3A_2, %add3A_37 : i32
    %dma_start3A_39 = arith.constant 1 : i32
    %dma_start3A_40 = arith.constant 0 : i32
    %dma_start3A_41 = tpu.memref_slice %arg8[%dma_start3A_39, %dma_start3A_40] : memref<2x128xi32, #tpu.memory_space<vmem>> -> memref<1x128xi32, #tpu.memory_space<vmem>>
    %dma_start3A_42 = tpu.memref_squeeze %dma_start3A_41 : memref<1x128xi32, #tpu.memory_space<vmem>> -> memref<128xi32, #tpu.memory_space<vmem>>
    %dma_start3A_43 = tpu.memref_slice %arg4[%add3A_38] : memref<327680xi32, #tpu.memory_space<hbm>> -> memref<128xi32, #tpu.memory_space<hbm>>
    %dma_start3A_44 = arith.constant 0 : i32
    %dma_start3A_45 = tpu.memref_slice %arg8[%dma_start3A_39, %dma_start3A_44] : memref<2x128xi32, #tpu.memory_space<vmem>> -> memref<1x128xi32, #tpu.memory_space<vmem>>
    %dma_start3A_46 = tpu.memref_squeeze %dma_start3A_45 : memref<1x128xi32, #tpu.memory_space<vmem>> -> memref<128xi32, #tpu.memory_space<vmem>>
    %dma_start3A_47 = tpu.memref_slice %arg4[%add3A_38] : memref<327680xi32, #tpu.memory_space<hbm>> -> memref<128xi32, #tpu.memory_space<hbm>>
    tpu.enqueue_dma source(%dma_start3A_47 : memref<128xi32, #tpu.memory_space<hbm>>) target(%dma_start3A_46 : memref<128xi32, #tpu.memory_space<vmem>>) target_semaphore(%arg15 : memref<!tpu.dma_semaphore, #tpu.memory_space<semaphore_mem>>)
    %dma_start3A_48 = arith.constant 0 : i32
    %dma_start3A_49 = tpu.memref_slice %arg7[%dma_start3A_48] : memref<10240xi32, #tpu.memory_space<vmem>> -> memref<128xi32, #tpu.memory_space<vmem>>
    %dma_start3A_50 = arith.constant 0 : i32
    %dma_start3A_51 = arith.constant 0 : i32
    %dma_start3A_52 = tpu.memref_slice %arg2[%dma_start3A_50, %dma_start3A_51] : memref<10000x128xf32, #tpu.memory_space<hbm>> -> memref<10000x128xf32, #tpu.memory_space<hbm>>
    tpu.enqueue_indirect_dma source(%dma_start3A_52 : memref<10000x128xf32, #tpu.memory_space<hbm>>) target(%arg9 : memref<128x128xf32, #tpu.memory_space<vmem>>) offsets(%dma_start3A_49 : memref<128xi32, #tpu.memory_space<vmem>>) semaphore(%arg12 : memref<!tpu.dma_semaphore, #tpu.memory_space<semaphore_mem>>)
    %dma_start3A_53 = arith.constant 128 : i32
    %dma_start3A_54 = tpu.memref_slice %arg7[%dma_start3A_53] : memref<10240xi32, #tpu.memory_space<vmem>> -> memref<128xi32, #tpu.memory_space<vmem>>
    %dma_start3A_55 = arith.constant 0 : i32
    %dma_start3A_56 = arith.constant 0 : i32
    %dma_start3A_57 = tpu.memref_slice %arg2[%dma_start3A_55, %dma_start3A_56] : memref<10000x128xf32, #tpu.memory_space<hbm>> -> memref<10000x128xf32, #tpu.memory_space<hbm>>
    tpu.enqueue_indirect_dma source(%dma_start3A_57 : memref<10000x128xf32, #tpu.memory_space<hbm>>) target(%arg10 : memref<128x128xf32, #tpu.memory_space<vmem>>) offsets(%dma_start3A_54 : memref<128xi32, #tpu.memory_space<vmem>>) semaphore(%arg13 : memref<!tpu.dma_semaphore, #tpu.memory_space<semaphore_mem>>)
    %scan3A = arith.constant 0 : i32
    %scan3A_58 = arith.constant 0 : i32
    %scan3A_59 = arith.constant 40 : i32
    %scan3A_60 = arith.addi %scan3A_58, %scan3A_59 : i32
    %scan3A_61 = arith.constant 1 : i32
    scf.for %scan3A_74 = %scan3A_58 to %scan3A_60 step %scan3A_61  : i32 {
      %mul3A_75 = arith.constant 2 : i32
      %mul3A_76 = arith.muli %mul3A_75, %scan3A_74 : i32
      %add3A_77 = arith.constant 1 : i32
      %add3A_78 = arith.addi %mul3A_76, %add3A_77 : i32
      %dma_wait3A = arith.constant 0 : i32
      %dma_wait3A_79 = tpu.memref_slice %arg7[%dma_wait3A] : memref<10240xi32, #tpu.memory_space<vmem>> -> memref<128xi32, #tpu.memory_space<vmem>>
      %dma_wait3A_80 = arith.constant 0 : i32
      %dma_wait3A_81 = arith.constant 0 : i32
      %dma_wait3A_82 = tpu.memref_slice %arg2[%dma_wait3A_80, %dma_wait3A_81] : memref<10000x128xf32, #tpu.memory_space<hbm>> -> memref<10000x128xf32, #tpu.memory_space<hbm>>
      tpu.wait_indirect_dma semaphore(%arg12 : memref<!tpu.dma_semaphore, #tpu.memory_space<semaphore_mem>>) src(%dma_wait3A_82 : memref<10000x128xf32, #tpu.memory_space<hbm>>) dst(%arg9 : memref<128x128xf32, #tpu.memory_space<vmem>>)
      %dma_wait3A_83 = arith.constant 0 : i32
      %dma_wait3A_84 = arith.constant 0 : i32
      %dma_wait3A_85 = tpu.memref_slice %arg8[%dma_wait3A_83, %dma_wait3A_84] : memref<2x128xi32, #tpu.memory_space<vmem>> -> memref<1x128xi32, #tpu.memory_space<vmem>>
      %dma_wait3A_86 = tpu.memref_squeeze %dma_wait3A_85 : memref<1x128xi32, #tpu.memory_space<vmem>> -> memref<128xi32, #tpu.memory_space<vmem>>
      %dma_wait3A_87 = tpu.memref_slice %arg4[%mul3A_2] : memref<327680xi32, #tpu.memory_space<hbm>> -> memref<128xi32, #tpu.memory_space<hbm>>
      %dma_wait3A_88 = arith.constant 0 : i32
      %dma_wait3A_89 = tpu.memref_slice %arg8[%dma_wait3A_83, %dma_wait3A_88] : memref<2x128xi32, #tpu.memory_space<vmem>> -> memref<1x128xi32, #tpu.memory_space<vmem>>
      %dma_wait3A_90 = tpu.memref_squeeze %dma_wait3A_89 : memref<1x128xi32, #tpu.memory_space<vmem>> -> memref<128xi32, #tpu.memory_space<vmem>>
      %dma_wait3A_91 = tpu.memref_slice %arg4[%mul3A_2] : memref<327680xi32, #tpu.memory_space<hbm>> -> memref<128xi32, #tpu.memory_space<hbm>>
      tpu.wait_dma2 semaphore(%arg14 : memref<!tpu.dma_semaphore, #tpu.memory_space<semaphore_mem>>) src(%dma_wait3A_91 : memref<128xi32, #tpu.memory_space<hbm>>) dst(%dma_wait3A_90 : memref<128xi32, #tpu.memory_space<vmem>>)
      %run_scoped3A = arith.constant 0 : i32
      "tpu.region"() ({
        %run_scoped3A_121 = tpu.sem_alloc : memref<!tpu.dma_semaphore, #tpu.memory_space<semaphore_mem>>
        %dma_start3A_122 = arith.constant 0 : i32
        %dma_start3A_123 = tpu.memref_slice %arg8[%run_scoped3A, %dma_start3A_122] : memref<2x128xi32, #tpu.memory_space<vmem>> -> memref<1x128xi32, #tpu.memory_space<vmem>>
        %dma_start3A_124 = tpu.memref_squeeze %dma_start3A_123 : memref<1x128xi32, #tpu.memory_space<vmem>> -> memref<128xi32, #tpu.memory_space<vmem>>
        %dma_start3A_125 = arith.constant 0 : i32
        %dma_start3A_126 = arith.constant 0 : i32
        %dma_start3A_127 = tpu.memref_slice %arg11[%dma_start3A_125, %dma_start3A_126] : memref<10112x128xf32, #tpu.memory_space<vmem_shared>> -> memref<10112x128xf32, #tpu.memory_space<vmem_shared>>
        tpu.enqueue_indirect_dma source(%arg9 : memref<128x128xf32, #tpu.memory_space<vmem>>) target(%dma_start3A_127 : memref<10112x128xf32, #tpu.memory_space<vmem_shared>>) offsets(%dma_start3A_124 : memref<128xi32, #tpu.memory_space<vmem>>) semaphore(%run_scoped3A_121 : memref<!tpu.dma_semaphore, #tpu.memory_space<semaphore_mem>>) {add = true}
        %dma_wait3A_128 = arith.constant 0 : i32
        %dma_wait3A_129 = tpu.memref_slice %arg8[%run_scoped3A, %dma_wait3A_128] : memref<2x128xi32, #tpu.memory_space<vmem>> -> memref<1x128xi32, #tpu.memory_space<vmem>>
        %dma_wait3A_130 = tpu.memref_squeeze %dma_wait3A_129 : memref<1x128xi32, #tpu.memory_space<vmem>> -> memref<128xi32, #tpu.memory_space<vmem>>
        %dma_wait3A_131 = arith.constant 0 : i32
        %dma_wait3A_132 = arith.constant 0 : i32
        %dma_wait3A_133 = tpu.memref_slice %arg11[%dma_wait3A_131, %dma_wait3A_132] : memref<10112x128xf32, #tpu.memory_space<vmem_shared>> -> memref<10112x128xf32, #tpu.memory_space<vmem_shared>>
        tpu.wait_indirect_dma semaphore(%run_scoped3A_121 : memref<!tpu.dma_semaphore, #tpu.memory_space<semaphore_mem>>) src(%arg9 : memref<128x128xf32, #tpu.memory_space<vmem>>) dst(%dma_wait3A_133 : memref<10112x128xf32, #tpu.memory_space<vmem_shared>>)
        tpu.yield
      }) : () -> ()
      %add3A_92 = arith.constant 2 : i32
      %add3A_93 = arith.addi %mul3A_76, %add3A_92 : i32
      %lt3A_94 = arith.constant 80 : i32
      %lt3A_95 = arith.cmpi slt, %add3A_93, %lt3A_94 : i32
      %convert_element_type3A_96 = arith.extui %lt3A_95 : i1 to i32
      %cond3A_97 = arith.constant 0 : i32
      %cond3A_98 = arith.cmpi ne, %convert_element_type3A_96, %cond3A_97 : i32
      scf.if %cond3A_98 {
        %add3A_121 = arith.constant 2 : i32
        %add3A_122 = arith.addi %mul3A_76, %add3A_121 : i32
        %mul3A_123 = arith.constant 128 : i32
        %mul3A_124 = arith.muli %add3A_122, %mul3A_123 : i32
        %dma_start3A_125 = tpu.memref_slice %arg7[%mul3A_124] : memref<10240xi32, #tpu.memory_space<vmem>> -> memref<128xi32, #tpu.memory_space<vmem>>
        %dma_start3A_126 = arith.constant 0 : i32
        %dma_start3A_127 = arith.constant 0 : i32
        %dma_start3A_128 = tpu.memref_slice %arg2[%dma_start3A_126, %dma_start3A_127] : memref<10000x128xf32, #tpu.memory_space<hbm>> -> memref<10000x128xf32, #tpu.memory_space<hbm>>
        tpu.enqueue_indirect_dma source(%dma_start3A_128 : memref<10000x128xf32, #tpu.memory_space<hbm>>) target(%arg9 : memref<128x128xf32, #tpu.memory_space<vmem>>) offsets(%dma_start3A_125 : memref<128xi32, #tpu.memory_space<vmem>>) semaphore(%arg12 : memref<!tpu.dma_semaphore, #tpu.memory_space<semaphore_mem>>)
        %add3A_129 = arith.constant 2 : i32
        %add3A_130 = arith.addi %mul3A_76, %add3A_129 : i32
        %mul3A_131 = arith.constant 128 : i32
        %mul3A_132 = arith.muli %add3A_130, %mul3A_131 : i32
        %add3A_133 = arith.addi %mul3A_2, %mul3A_132 : i32
        %dma_start3A_134 = arith.constant 0 : i32
        %dma_start3A_135 = arith.constant 0 : i32
        %dma_start3A_136 = tpu.memref_slice %arg8[%dma_start3A_134, %dma_start3A_135] : memref<2x128xi32, #tpu.memory_space<vmem>> -> memref<1x128xi32, #tpu.memory_space<vmem>>
        %dma_start3A_137 = tpu.memref_squeeze %dma_start3A_136 : memref<1x128xi32, #tpu.memory_space<vmem>> -> memref<128xi32, #tpu.memory_space<vmem>>
        %dma_start3A_138 = tpu.memref_slice %arg4[%add3A_133] : memref<327680xi32, #tpu.memory_space<hbm>> -> memref<128xi32, #tpu.memory_space<hbm>>
        %dma_start3A_139 = arith.constant 0 : i32
        %dma_start3A_140 = tpu.memref_slice %arg8[%dma_start3A_134, %dma_start3A_139] : memref<2x128xi32, #tpu.memory_space<vmem>> -> memref<1x128xi32, #tpu.memory_space<vmem>>
        %dma_start3A_141 = tpu.memref_squeeze %dma_start3A_140 : memref<1x128xi32, #tpu.memory_space<vmem>> -> memref<128xi32, #tpu.memory_space<vmem>>
        %dma_start3A_142 = tpu.memref_slice %arg4[%add3A_133] : memref<327680xi32, #tpu.memory_space<hbm>> -> memref<128xi32, #tpu.memory_space<hbm>>
        tpu.enqueue_dma source(%dma_start3A_142 : memref<128xi32, #tpu.memory_space<hbm>>) target(%dma_start3A_141 : memref<128xi32, #tpu.memory_space<vmem>>) target_semaphore(%arg14 : memref<!tpu.dma_semaphore, #tpu.memory_space<semaphore_mem>>)
      } else {
      }
      %dma_wait3A_99 = arith.constant 0 : i32
      %dma_wait3A_100 = tpu.memref_slice %arg7[%dma_wait3A_99] : memref<10240xi32, #tpu.memory_space<vmem>> -> memref<128xi32, #tpu.memory_space<vmem>>
      %dma_wait3A_101 = arith.constant 0 : i32
      %dma_wait3A_102 = arith.constant 0 : i32
      %dma_wait3A_103 = tpu.memref_slice %arg2[%dma_wait3A_101, %dma_wait3A_102] : memref<10000x128xf32, #tpu.memory_space<hbm>> -> memref<10000x128xf32, #tpu.memory_space<hbm>>
      tpu.wait_indirect_dma semaphore(%arg13 : memref<!tpu.dma_semaphore, #tpu.memory_space<semaphore_mem>>) src(%dma_wait3A_103 : memref<10000x128xf32, #tpu.memory_space<hbm>>) dst(%arg10 : memref<128x128xf32, #tpu.memory_space<vmem>>)
      %dma_wait3A_104 = arith.constant 1 : i32
      %dma_wait3A_105 = arith.constant 0 : i32
      %dma_wait3A_106 = tpu.memref_slice %arg8[%dma_wait3A_104, %dma_wait3A_105] : memref<2x128xi32, #tpu.memory_space<vmem>> -> memref<1x128xi32, #tpu.memory_space<vmem>>
      %dma_wait3A_107 = tpu.memref_squeeze %dma_wait3A_106 : memref<1x128xi32, #tpu.memory_space<vmem>> -> memref<128xi32, #tpu.memory_space<vmem>>
      %dma_wait3A_108 = tpu.memref_slice %arg4[%mul3A_2] : memref<327680xi32, #tpu.memory_space<hbm>> -> memref<128xi32, #tpu.memory_space<hbm>>
      %dma_wait3A_109 = arith.constant 0 : i32
      %dma_wait3A_110 = tpu.memref_slice %arg8[%dma_wait3A_104, %dma_wait3A_109] : memref<2x128xi32, #tpu.memory_space<vmem>> -> memref<1x128xi32, #tpu.memory_space<vmem>>
      %dma_wait3A_111 = tpu.memref_squeeze %dma_wait3A_110 : memref<1x128xi32, #tpu.memory_space<vmem>> -> memref<128xi32, #tpu.memory_space<vmem>>
      %dma_wait3A_112 = tpu.memref_slice %arg4[%mul3A_2] : memref<327680xi32, #tpu.memory_space<hbm>> -> memref<128xi32, #tpu.memory_space<hbm>>
      tpu.wait_dma2 semaphore(%arg15 : memref<!tpu.dma_semaphore, #tpu.memory_space<semaphore_mem>>) src(%dma_wait3A_112 : memref<128xi32, #tpu.memory_space<hbm>>) dst(%dma_wait3A_111 : memref<128xi32, #tpu.memory_space<vmem>>)
      %run_scoped3A_113 = arith.constant 1 : i32
      "tpu.region"() ({
        %run_scoped3A_121 = tpu.sem_alloc : memref<!tpu.dma_semaphore, #tpu.memory_space<semaphore_mem>>
        %dma_start3A_122 = arith.constant 0 : i32
        %dma_start3A_123 = tpu.memref_slice %arg8[%run_scoped3A_113, %dma_start3A_122] : memref<2x128xi32, #tpu.memory_space<vmem>> -> memref<1x128xi32, #tpu.memory_space<vmem>>
        %dma_start3A_124 = tpu.memref_squeeze %dma_start3A_123 : memref<1x128xi32, #tpu.memory_space<vmem>> -> memref<128xi32, #tpu.memory_space<vmem>>
        %dma_start3A_125 = arith.constant 0 : i32
        %dma_start3A_126 = arith.constant 0 : i32
        %dma_start3A_127 = tpu.memref_slice %arg11[%dma_start3A_125, %dma_start3A_126] : memref<10112x128xf32, #tpu.memory_space<vmem_shared>> -> memref<10112x128xf32, #tpu.memory_space<vmem_shared>>
        tpu.enqueue_indirect_dma source(%arg10 : memref<128x128xf32, #tpu.memory_space<vmem>>) target(%dma_start3A_127 : memref<10112x128xf32, #tpu.memory_space<vmem_shared>>) offsets(%dma_start3A_124 : memref<128xi32, #tpu.memory_space<vmem>>) semaphore(%run_scoped3A_121 : memref<!tpu.dma_semaphore, #tpu.memory_space<semaphore_mem>>) {add = true}
        %dma_wait3A_128 = arith.constant 0 : i32
        %dma_wait3A_129 = tpu.memref_slice %arg8[%run_scoped3A_113, %dma_wait3A_128] : memref<2x128xi32, #tpu.memory_space<vmem>> -> memref<1x128xi32, #tpu.memory_space<vmem>>
        %dma_wait3A_130 = tpu.memref_squeeze %dma_wait3A_129 : memref<1x128xi32, #tpu.memory_space<vmem>> -> memref<128xi32, #tpu.memory_space<vmem>>
        %dma_wait3A_131 = arith.constant 0 : i32
        %dma_wait3A_132 = arith.constant 0 : i32
        %dma_wait3A_133 = tpu.memref_slice %arg11[%dma_wait3A_131, %dma_wait3A_132] : memref<10112x128xf32, #tpu.memory_space<vmem_shared>> -> memref<10112x128xf32, #tpu.memory_space<vmem_shared>>
        tpu.wait_indirect_dma semaphore(%run_scoped3A_121 : memref<!tpu.dma_semaphore, #tpu.memory_space<semaphore_mem>>) src(%arg10 : memref<128x128xf32, #tpu.memory_space<vmem>>) dst(%dma_wait3A_133 : memref<10112x128xf32, #tpu.memory_space<vmem_shared>>)
        tpu.yield
      }) : () -> ()
      %add3A_114 = arith.constant 2 : i32
      %add3A_115 = arith.addi %add3A_78, %add3A_114 : i32
      %lt3A_116 = arith.constant 80 : i32
      %lt3A_117 = arith.cmpi slt, %add3A_115, %lt3A_116 : i32
      %convert_element_type3A_118 = arith.extui %lt3A_117 : i1 to i32
      %cond3A_119 = arith.constant 0 : i32
      %cond3A_120 = arith.cmpi ne, %convert_element_type3A_118, %cond3A_119 : i32
      scf.if %cond3A_120 {
        %add3A_121 = arith.constant 2 : i32
        %add3A_122 = arith.addi %add3A_78, %add3A_121 : i32
        %mul3A_123 = arith.constant 128 : i32
        %mul3A_124 = arith.muli %add3A_122, %mul3A_123 : i32
        %dma_start3A_125 = tpu.memref_slice %arg7[%mul3A_124] : memref<10240xi32, #tpu.memory_space<vmem>> -> memref<128xi32, #tpu.memory_space<vmem>>
        %dma_start3A_126 = arith.constant 0 : i32
        %dma_start3A_127 = arith.constant 0 : i32
        %dma_start3A_128 = tpu.memref_slice %arg2[%dma_start3A_126, %dma_start3A_127] : memref<10000x128xf32, #tpu.memory_space<hbm>> -> memref<10000x128xf32, #tpu.memory_space<hbm>>
        tpu.enqueue_indirect_dma source(%dma_start3A_128 : memref<10000x128xf32, #tpu.memory_space<hbm>>) target(%arg10 : memref<128x128xf32, #tpu.memory_space<vmem>>) offsets(%dma_start3A_125 : memref<128xi32, #tpu.memory_space<vmem>>) semaphore(%arg13 : memref<!tpu.dma_semaphore, #tpu.memory_space<semaphore_mem>>)
        %add3A_129 = arith.constant 2 : i32
        %add3A_130 = arith.addi %add3A_78, %add3A_129 : i32
        %mul3A_131 = arith.constant 128 : i32
        %mul3A_132 = arith.muli %add3A_130, %mul3A_131 : i32
        %add3A_133 = arith.addi %mul3A_2, %mul3A_132 : i32
        %dma_start3A_134 = arith.constant 1 : i32
        %dma_start3A_135 = arith.constant 0 : i32
        %dma_start3A_136 = tpu.memref_slice %arg8[%dma_start3A_134, %dma_start3A_135] : memref<2x128xi32, #tpu.memory_space<vmem>> -> memref<1x128xi32, #tpu.memory_space<vmem>>
        %dma_start3A_137 = tpu.memref_squeeze %dma_start3A_136 : memref<1x128xi32, #tpu.memory_space<vmem>> -> memref<128xi32, #tpu.memory_space<vmem>>
        %dma_start3A_138 = tpu.memref_slice %arg4[%add3A_133] : memref<327680xi32, #tpu.memory_space<hbm>> -> memref<128xi32, #tpu.memory_space<hbm>>
        %dma_start3A_139 = arith.constant 0 : i32
        %dma_start3A_140 = tpu.memref_slice %arg8[%dma_start3A_134, %dma_start3A_139] : memref<2x128xi32, #tpu.memory_space<vmem>> -> memref<1x128xi32, #tpu.memory_space<vmem>>
        %dma_start3A_141 = tpu.memref_squeeze %dma_start3A_140 : memref<1x128xi32, #tpu.memory_space<vmem>> -> memref<128xi32, #tpu.memory_space<vmem>>
        %dma_start3A_142 = tpu.memref_slice %arg4[%add3A_133] : memref<327680xi32, #tpu.memory_space<hbm>> -> memref<128xi32, #tpu.memory_space<hbm>>
        tpu.enqueue_dma source(%dma_start3A_142 : memref<128xi32, #tpu.memory_space<hbm>>) target(%dma_start3A_141 : memref<128xi32, #tpu.memory_space<vmem>>) target_semaphore(%arg15 : memref<!tpu.dma_semaphore, #tpu.memory_space<semaphore_mem>>)
      } else {
      }
    }
    %scan3A_62 = arith.constant 40 : i32
    %barrier3A_63 = arith.constant 0 : index
    tpu.barrier barrier_id(%barrier3A_63)
    %lt3A_64 = arith.constant 15 : i32
    %lt3A_65 = arith.cmpi slt, %arg1, %lt3A_64 : i32
    %convert_element_type3A_66 = arith.extui %lt3A_65 : i1 to i32
    %cond3A_67 = arith.constant 0 : i32
    %cond3A_68 = arith.cmpi ne, %convert_element_type3A_66, %cond3A_67 : i32
    scf.if %cond3A_68 {
      %mul3A_74 = arith.constant 632 : i32
      %mul3A_75 = arith.muli %arg1, %mul3A_74 : i32
      %mul3A_76 = arith.constant 632 : i32
      %mul3A_77 = arith.muli %arg1, %mul3A_76 : i32
      "tpu.region"() ({
        %run_scoped3A = tpu.sem_alloc : memref<!tpu.dma_semaphore, #tpu.memory_space<semaphore_mem>>
        %dma_start3A_78 = arith.constant 0 : i32
        %dma_start3A_79 = tpu.memref_slice %arg6[%arg0, %mul3A_77, %dma_start3A_78] : memref<2x10000x128xf32, #tpu.memory_space<hbm>> -> memref<1x632x128xf32, #tpu.memory_space<hbm>>
        %dma_start3A_80 = tpu.memref_squeeze %dma_start3A_79 : memref<1x632x128xf32, #tpu.memory_space<hbm>> -> memref<632x128xf32, #tpu.memory_space<hbm>>
        %dma_start3A_81 = arith.constant 0 : i32
        %dma_start3A_82 = tpu.memref_slice %arg11[%mul3A_75, %dma_start3A_81] : memref<10112x128xf32, #tpu.memory_space<vmem_shared>> -> memref<632x128xf32, #tpu.memory_space<vmem_shared>>
        tpu.enqueue_dma source(%dma_start3A_82 : memref<632x128xf32, #tpu.memory_space<vmem_shared>>) target(%dma_start3A_80 : memref<632x128xf32, #tpu.memory_space<hbm>>) target_semaphore(%run_scoped3A : memref<!tpu.dma_semaphore, #tpu.memory_space<semaphore_mem>>)
        %dma_wait3A = arith.constant 0 : i32
        %dma_wait3A_83 = tpu.memref_slice %arg6[%arg0, %mul3A_77, %dma_wait3A] : memref<2x10000x128xf32, #tpu.memory_space<hbm>> -> memref<1x632x128xf32, #tpu.memory_space<hbm>>
        %dma_wait3A_84 = tpu.memref_squeeze %dma_wait3A_83 : memref<1x632x128xf32, #tpu.memory_space<hbm>> -> memref<632x128xf32, #tpu.memory_space<hbm>>
        %dma_wait3A_85 = arith.constant 0 : i32
        %dma_wait3A_86 = tpu.memref_slice %arg11[%mul3A_75, %dma_wait3A_85] : memref<10112x128xf32, #tpu.memory_space<vmem_shared>> -> memref<632x128xf32, #tpu.memory_space<vmem_shared>>
        tpu.wait_dma2 semaphore(%run_scoped3A : memref<!tpu.dma_semaphore, #tpu.memory_space<semaphore_mem>>) src(%dma_wait3A_86 : memref<632x128xf32, #tpu.memory_space<vmem_shared>>) dst(%dma_wait3A_84 : memref<632x128xf32, #tpu.memory_space<hbm>>)
        tpu.yield
      }) : () -> ()
    } else {
    }
    %eq3A_69 = arith.constant 15 : i32
    %eq3A_70 = arith.cmpi eq, %arg1, %eq3A_69 : i32
    %convert_element_type3A_71 = arith.extui %eq3A_70 : i1 to i32
    %cond3A_72 = arith.constant 0 : i32
    %cond3A_73 = arith.cmpi ne, %convert_element_type3A_71, %cond3A_72 : i32
    scf.if %cond3A_73 {
      %mul3A_74 = arith.constant 632 : i32
      %mul3A_75 = arith.muli %arg1, %mul3A_74 : i32
      %mul3A_76 = arith.constant 632 : i32
      %mul3A_77 = arith.muli %arg1, %mul3A_76 : i32
      "tpu.region"() ({
        %run_scoped3A = tpu.sem_alloc : memref<!tpu.dma_semaphore, #tpu.memory_space<semaphore_mem>>
        %dma_start3A_78 = arith.constant 0 : i32
        %dma_start3A_79 = tpu.memref_slice %arg6[%arg0, %mul3A_77, %dma_start3A_78] : memref<2x10000x128xf32, #tpu.memory_space<hbm>> -> memref<1x520x128xf32, #tpu.memory_space<hbm>>
        %dma_start3A_80 = tpu.memref_squeeze %dma_start3A_79 : memref<1x520x128xf32, #tpu.memory_space<hbm>> -> memref<520x128xf32, #tpu.memory_space<hbm>>
        %dma_start3A_81 = arith.constant 0 : i32
        %dma_start3A_82 = tpu.memref_slice %arg11[%mul3A_75, %dma_start3A_81] : memref<10112x128xf32, #tpu.memory_space<vmem_shared>> -> memref<520x128xf32, #tpu.memory_space<vmem_shared>>
        tpu.enqueue_dma source(%dma_start3A_82 : memref<520x128xf32, #tpu.memory_space<vmem_shared>>) target(%dma_start3A_80 : memref<520x128xf32, #tpu.memory_space<hbm>>) target_semaphore(%run_scoped3A : memref<!tpu.dma_semaphore, #tpu.memory_space<semaphore_mem>>)
        %dma_wait3A = arith.constant 0 : i32
        %dma_wait3A_83 = tpu.memref_slice %arg6[%arg0, %mul3A_77, %dma_wait3A] : memref<2x10000x128xf32, #tpu.memory_space<hbm>> -> memref<1x520x128xf32, #tpu.memory_space<hbm>>
        %dma_wait3A_84 = tpu.memref_squeeze %dma_wait3A_83 : memref<1x520x128xf32, #tpu.memory_space<hbm>> -> memref<520x128xf32, #tpu.memory_space<hbm>>
        %dma_wait3A_85 = arith.constant 0 : i32
        %dma_wait3A_86 = tpu.memref_slice %arg11[%mul3A_75, %dma_wait3A_85] : memref<10112x128xf32, #tpu.memory_space<vmem_shared>> -> memref<520x128xf32, #tpu.memory_space<vmem_shared>>
        tpu.wait_dma2 semaphore(%run_scoped3A : memref<!tpu.dma_semaphore, #tpu.memory_space<semaphore_mem>>) src(%dma_wait3A_86 : memref<520x128xf32, #tpu.memory_space<vmem_shared>>) dst(%dma_wait3A_84 : memref<520x128xf32, #tpu.memory_space<hbm>>)
        tpu.yield
      }) : () -> ()
    } else {
    }
    return
  }
}

#map = affine_map<(d0, d1) -> (0, 0)>
#map1 = affine_map<(d0, d1) -> (0)>
#map2 = affine_map<(d0, d1) -> (0, 0, 0)>
module attributes {stable_mosaic.version = 14 : i64} {
  func.func @_agg(%arg0: i32, %arg1: i32, %arg2: memref<10000x128xf32, #tpu.memory_space<hbm>>, %arg3: memref<327680xi32, #tpu.memory_space<hbm>>, %arg4: memref<327680xi32, #tpu.memory_space<hbm>>, %arg5: memref<632x128xf32, #tpu.memory_space<hbm>>, %arg6: memref<2x10000x128xf32, #tpu.memory_space<hbm>>, %arg7: memref<10240xi32, #tpu.memory_space<vmem>>, %arg8: memref<2x128xi32, #tpu.memory_space<vmem>>, %arg9: memref<128x128xf32, #tpu.memory_space<vmem>>, %arg10: memref<128x128xf32, #tpu.memory_space<vmem>>, %arg11: memref<10112x128xf32, #tpu.memory_space<vmem_shared>>, %arg12: memref<!tpu.dma_semaphore, #tpu.memory_space<semaphore_mem>>, %arg13: memref<!tpu.dma_semaphore, #tpu.memory_space<semaphore_mem>>, %arg14: memref<!tpu.dma_semaphore, #tpu.memory_space<semaphore_mem>>, %arg15: memref<!tpu.dma_semaphore, #tpu.memory_space<semaphore_mem>>) attributes {dimension_semantics = [#tpu.dimension_semantics<core_parallel>, #tpu.dimension_semantics<subcore_parallel>], iteration_bounds = array<i64: 2, 16>, scalar_prefetch = 0 : i64, scratch_operands = 9 : i64, tpu.core_type = #tpu.core_type<sc_vector_subcore>, window_params = [{transform_indices = #map}, {transform_indices = #map1}, {transform_indices = #map1}, {transform_indices = #map}, {transform_indices = #map2}]} {
    %mul3A = arith.constant 2 : i32
    %mul3A_0 = arith.muli %arg1, %mul3A : i32
    %add3A = arith.addi %mul3A_0, %arg0 : i32
    %mul3A_1 = arith.constant 10240 : i32
    %mul3A_2 = arith.muli %add3A, %mul3A_1 : i32
    "tpu.region"() ({
      %run_scoped3A = tpu.sem_alloc : memref<!tpu.dma_semaphore, #tpu.memory_space<semaphore_mem>>
      %dma_start3A_74 = tpu.memref_slice %arg3[%mul3A_2] : memref<327680xi32, #tpu.memory_space<hbm>> -> memref<10240xi32, #tpu.memory_space<hbm>>
      %dma_start3A_75 = tpu.memref_slice %arg3[%mul3A_2] : memref<327680xi32, #tpu.memory_space<hbm>> -> memref<10240xi32, #tpu.memory_space<hbm>>
      tpu.enqueue_dma source(%dma_start3A_75 : memref<10240xi32, #tpu.memory_space<hbm>>) target(%arg7 : memref<10240xi32, #tpu.memory_space<vmem>>) target_semaphore(%run_scoped3A : memref<!tpu.dma_semaphore, #tpu.memory_space<semaphore_mem>>)
      %dma_wait3A = tpu.memref_slice %arg3[%mul3A_2] : memref<327680xi32, #tpu.memory_space<hbm>> -> memref<10240xi32, #tpu.memory_space<hbm>>
      %dma_wait3A_76 = tpu.memref_slice %arg3[%mul3A_2] : memref<327680xi32, #tpu.memory_space<hbm>> -> memref<10240xi32, #tpu.memory_space<hbm>>
      tpu.wait_dma2 semaphore(%run_scoped3A : memref<!tpu.dma_semaphore, #tpu.memory_space<semaphore_mem>>) src(%dma_wait3A_76 : memref<10240xi32, #tpu.memory_space<hbm>>) dst(%arg7 : memref<10240xi32, #tpu.memory_space<vmem>>)
      tpu.yield
    }) : () -> ()
    %eq3A = arith.constant 0 : i32
    %eq3A_3 = arith.cmpi eq, %arg0, %eq3A : i32
    %lt3A = arith.constant 15 : i32
    %lt3A_4 = arith.cmpi slt, %arg1, %lt3A : i32
    %and3A = arith.andi %eq3A_3, %lt3A_4 : i1
    %convert_element_type3A = arith.extui %and3A : i1 to i32
    %cond3A = arith.constant 0 : i32
    %cond3A_5 = arith.cmpi ne, %convert_element_type3A, %cond3A : i32
    scf.if %cond3A_5 {
      %mul3A_74 = arith.constant 632 : i32
      %mul3A_75 = arith.muli %arg1, %mul3A_74 : i32
      %mul3A_76 = arith.constant 632 : i32
      %mul3A_77 = arith.muli %arg1, %mul3A_76 : i32
      "tpu.region"() ({
        %run_scoped3A = tpu.sem_alloc : memref<!tpu.dma_semaphore, #tpu.memory_space<semaphore_mem>>
        %dma_start3A_78 = arith.constant 0 : i32
        %dma_start3A_79 = tpu.memref_slice %arg11[%mul3A_77, %dma_start3A_78] : memref<10112x128xf32, #tpu.memory_space<vmem_shared>> -> memref<632x128xf32, #tpu.memory_space<vmem_shared>>
        %dma_start3A_80 = arith.constant 0 : i32
        %dma_start3A_81 = tpu.memref_slice %arg2[%mul3A_75, %dma_start3A_80] : memref<10000x128xf32, #tpu.memory_space<hbm>> -> memref<632x128xf32, #tpu.memory_space<hbm>>
        tpu.enqueue_dma source(%dma_start3A_81 : memref<632x128xf32, #tpu.memory_space<hbm>>) target(%dma_start3A_79 : memref<632x128xf32, #tpu.memory_space<vmem_shared>>) target_semaphore(%run_scoped3A : memref<!tpu.dma_semaphore, #tpu.memory_space<semaphore_mem>>)
        %dma_wait3A = arith.constant 0 : i32
        %dma_wait3A_82 = tpu.memref_slice %arg11[%mul3A_77, %dma_wait3A] : memref<10112x128xf32, #tpu.memory_space<vmem_shared>> -> memref<632x128xf32, #tpu.memory_space<vmem_shared>>
        %dma_wait3A_83 = arith.constant 0 : i32
        %dma_wait3A_84 = tpu.memref_slice %arg2[%mul3A_75, %dma_wait3A_83] : memref<10000x128xf32, #tpu.memory_space<hbm>> -> memref<632x128xf32, #tpu.memory_space<hbm>>
        tpu.wait_dma2 semaphore(%run_scoped3A : memref<!tpu.dma_semaphore, #tpu.memory_space<semaphore_mem>>) src(%dma_wait3A_84 : memref<632x128xf32, #tpu.memory_space<hbm>>) dst(%dma_wait3A_82 : memref<632x128xf32, #tpu.memory_space<vmem_shared>>)
        tpu.yield
      }) : () -> ()
    } else {
    }
    %eq3A_6 = arith.constant 0 : i32
    %eq3A_7 = arith.cmpi eq, %arg0, %eq3A_6 : i32
    %eq3A_8 = arith.constant 15 : i32
    %eq3A_9 = arith.cmpi eq, %arg1, %eq3A_8 : i32
    %and3A_10 = arith.andi %eq3A_7, %eq3A_9 : i1
    %convert_element_type3A_11 = arith.extui %and3A_10 : i1 to i32
    %cond3A_12 = arith.constant 0 : i32
    %cond3A_13 = arith.cmpi ne, %convert_element_type3A_11, %cond3A_12 : i32
    scf.if %cond3A_13 {
      %mul3A_74 = arith.constant 632 : i32
      %mul3A_75 = arith.muli %arg1, %mul3A_74 : i32
      %mul3A_76 = arith.constant 632 : i32
      %mul3A_77 = arith.muli %arg1, %mul3A_76 : i32
      "tpu.region"() ({
        %run_scoped3A = tpu.sem_alloc : memref<!tpu.dma_semaphore, #tpu.memory_space<semaphore_mem>>
        %dma_start3A_78 = arith.constant 0 : i32
        %dma_start3A_79 = tpu.memref_slice %arg11[%mul3A_77, %dma_start3A_78] : memref<10112x128xf32, #tpu.memory_space<vmem_shared>> -> memref<520x128xf32, #tpu.memory_space<vmem_shared>>
        %dma_start3A_80 = arith.constant 0 : i32
        %dma_start3A_81 = tpu.memref_slice %arg2[%mul3A_75, %dma_start3A_80] : memref<10000x128xf32, #tpu.memory_space<hbm>> -> memref<520x128xf32, #tpu.memory_space<hbm>>
        tpu.enqueue_dma source(%dma_start3A_81 : memref<520x128xf32, #tpu.memory_space<hbm>>) target(%dma_start3A_79 : memref<520x128xf32, #tpu.memory_space<vmem_shared>>) target_semaphore(%run_scoped3A : memref<!tpu.dma_semaphore, #tpu.memory_space<semaphore_mem>>)
        %dma_wait3A = arith.constant 0 : i32
        %dma_wait3A_82 = tpu.memref_slice %arg11[%mul3A_77, %dma_wait3A] : memref<10112x128xf32, #tpu.memory_space<vmem_shared>> -> memref<520x128xf32, #tpu.memory_space<vmem_shared>>
        %dma_wait3A_83 = arith.constant 0 : i32
        %dma_wait3A_84 = tpu.memref_slice %arg2[%mul3A_75, %dma_wait3A_83] : memref<10000x128xf32, #tpu.memory_space<hbm>> -> memref<520x128xf32, #tpu.memory_space<hbm>>
        tpu.wait_dma2 semaphore(%run_scoped3A : memref<!tpu.dma_semaphore, #tpu.memory_space<semaphore_mem>>) src(%dma_wait3A_84 : memref<520x128xf32, #tpu.memory_space<hbm>>) dst(%dma_wait3A_82 : memref<520x128xf32, #tpu.memory_space<vmem_shared>>)
        tpu.yield
      }) : () -> ()
    } else {
    }
    %ne3A = arith.constant 0 : i32
    %ne3A_14 = arith.cmpi ne, %arg0, %ne3A : i32
    %lt3A_15 = arith.constant 15 : i32
    %lt3A_16 = arith.cmpi slt, %arg1, %lt3A_15 : i32
    %and3A_17 = arith.andi %ne3A_14, %lt3A_16 : i1
    %convert_element_type3A_18 = arith.extui %and3A_17 : i1 to i32
    %cond3A_19 = arith.constant 0 : i32
    %cond3A_20 = arith.cmpi ne, %convert_element_type3A_18, %cond3A_19 : i32
    scf.if %cond3A_20 {
      %mul3A_74 = arith.constant 632 : i32
      %mul3A_75 = arith.muli %arg1, %mul3A_74 : i32
      "tpu.region"() ({
        %run_scoped3A = tpu.sem_alloc : memref<!tpu.dma_semaphore, #tpu.memory_space<semaphore_mem>>
        %dma_start3A_76 = arith.constant 0 : i32
        %dma_start3A_77 = tpu.memref_slice %arg11[%mul3A_75, %dma_start3A_76] : memref<10112x128xf32, #tpu.memory_space<vmem_shared>> -> memref<632x128xf32, #tpu.memory_space<vmem_shared>>
        tpu.enqueue_dma source(%arg5 : memref<632x128xf32, #tpu.memory_space<hbm>>) target(%dma_start3A_77 : memref<632x128xf32, #tpu.memory_space<vmem_shared>>) target_semaphore(%run_scoped3A : memref<!tpu.dma_semaphore, #tpu.memory_space<semaphore_mem>>)
        %dma_wait3A = arith.constant 0 : i32
        %dma_wait3A_78 = tpu.memref_slice %arg11[%mul3A_75, %dma_wait3A] : memref<10112x128xf32, #tpu.memory_space<vmem_shared>> -> memref<632x128xf32, #tpu.memory_space<vmem_shared>>
        tpu.wait_dma2 semaphore(%run_scoped3A : memref<!tpu.dma_semaphore, #tpu.memory_space<semaphore_mem>>) src(%arg5 : memref<632x128xf32, #tpu.memory_space<hbm>>) dst(%dma_wait3A_78 : memref<632x128xf32, #tpu.memory_space<vmem_shared>>)
        tpu.yield
      }) : () -> ()
    } else {
    }
    %ne3A_21 = arith.constant 0 : i32
    %ne3A_22 = arith.cmpi ne, %arg0, %ne3A_21 : i32
    %eq3A_23 = arith.constant 15 : i32
    %eq3A_24 = arith.cmpi eq, %arg1, %eq3A_23 : i32
    %and3A_25 = arith.andi %ne3A_22, %eq3A_24 : i1
    %convert_element_type3A_26 = arith.extui %and3A_25 : i1 to i32
    %cond3A_27 = arith.constant 0 : i32
    %cond3A_28 = arith.cmpi ne, %convert_element_type3A_26, %cond3A_27 : i32
    scf.if %cond3A_28 {
      %mul3A_74 = arith.constant 632 : i32
      %mul3A_75 = arith.muli %arg1, %mul3A_74 : i32
      "tpu.region"() ({
        %run_scoped3A = tpu.sem_alloc : memref<!tpu.dma_semaphore, #tpu.memory_space<semaphore_mem>>
        %dma_start3A_76 = arith.constant 0 : i32
        %dma_start3A_77 = tpu.memref_slice %arg11[%mul3A_75, %dma_start3A_76] : memref<10112x128xf32, #tpu.memory_space<vmem_shared>> -> memref<520x128xf32, #tpu.memory_space<vmem_shared>>
        %dma_start3A_78 = arith.constant 0 : i32
        %dma_start3A_79 = arith.constant 0 : i32
        %dma_start3A_80 = tpu.memref_slice %arg5[%dma_start3A_78, %dma_start3A_79] : memref<632x128xf32, #tpu.memory_space<hbm>> -> memref<520x128xf32, #tpu.memory_space<hbm>>
        tpu.enqueue_dma source(%dma_start3A_80 : memref<520x128xf32, #tpu.memory_space<hbm>>) target(%dma_start3A_77 : memref<520x128xf32, #tpu.memory_space<vmem_shared>>) target_semaphore(%run_scoped3A : memref<!tpu.dma_semaphore, #tpu.memory_space<semaphore_mem>>)
        %dma_wait3A = arith.constant 0 : i32
        %dma_wait3A_81 = tpu.memref_slice %arg11[%mul3A_75, %dma_wait3A] : memref<10112x128xf32, #tpu.memory_space<vmem_shared>> -> memref<520x128xf32, #tpu.memory_space<vmem_shared>>
        %dma_wait3A_82 = arith.constant 0 : i32
        %dma_wait3A_83 = arith.constant 0 : i32
        %dma_wait3A_84 = tpu.memref_slice %arg5[%dma_wait3A_82, %dma_wait3A_83] : memref<632x128xf32, #tpu.memory_space<hbm>> -> memref<520x128xf32, #tpu.memory_space<hbm>>
        tpu.wait_dma2 semaphore(%run_scoped3A : memref<!tpu.dma_semaphore, #tpu.memory_space<semaphore_mem>>) src(%dma_wait3A_84 : memref<520x128xf32, #tpu.memory_space<hbm>>) dst(%dma_wait3A_81 : memref<520x128xf32, #tpu.memory_space<vmem_shared>>)
        tpu.yield
      }) : () -> ()
    } else {
    }
    %barrier3A = arith.constant 0 : index
    tpu.barrier barrier_id(%barrier3A)
    %dma_start3A = arith.constant 0 : i32
    %dma_start3A_29 = arith.constant 0 : i32
    %dma_start3A_30 = tpu.memref_slice %arg8[%dma_start3A, %dma_start3A_29] : memref<2x128xi32, #tpu.memory_space<vmem>> -> memref<1x128xi32, #tpu.memory_space<vmem>>
    %dma_start3A_31 = tpu.memref_squeeze %dma_start3A_30 : memref<1x128xi32, #tpu.memory_space<vmem>> -> memref<128xi32, #tpu.memory_space<vmem>>
    %dma_start3A_32 = tpu.memref_slice %arg4[%mul3A_2] : memref<327680xi32, #tpu.memory_space<hbm>> -> memref<128xi32, #tpu.memory_space<hbm>>
    %dma_start3A_33 = arith.constant 0 : i32
    %dma_start3A_34 = tpu.memref_slice %arg8[%dma_start3A, %dma_start3A_33] : memref<2x128xi32, #tpu.memory_space<vmem>> -> memref<1x128xi32, #tpu.memory_space<vmem>>
    %dma_start3A_35 = tpu.memref_squeeze %dma_start3A_34 : memref<1x128xi32, #tpu.memory_space<vmem>> -> memref<128xi32, #tpu.memory_space<vmem>>
    %dma_start3A_36 = tpu.memref_slice %arg4[%mul3A_2] : memref<327680xi32, #tpu.memory_space<hbm>> -> memref<128xi32, #tpu.memory_space<hbm>>
    tpu.enqueue_dma source(%dma_start3A_36 : memref<128xi32, #tpu.memory_space<hbm>>) target(%dma_start3A_35 : memref<128xi32, #tpu.memory_space<vmem>>) target_semaphore(%arg14 : memref<!tpu.dma_semaphore, #tpu.memory_space<semaphore_mem>>)
    %add3A_37 = arith.constant 128 : i32
    %add3A_38 = arith.addi %mul3A_2, %add3A_37 : i32
    %dma_start3A_39 = arith.constant 1 : i32
    %dma_start3A_40 = arith.constant 0 : i32
    %dma_start3A_41 = tpu.memref_slice %arg8[%dma_start3A_39, %dma_start3A_40] : memref<2x128xi32, #tpu.memory_space<vmem>> -> memref<1x128xi32, #tpu.memory_space<vmem>>
    %dma_start3A_42 = tpu.memref_squeeze %dma_start3A_41 : memref<1x128xi32, #tpu.memory_space<vmem>> -> memref<128xi32, #tpu.memory_space<vmem>>
    %dma_start3A_43 = tpu.memref_slice %arg4[%add3A_38] : memref<327680xi32, #tpu.memory_space<hbm>> -> memref<128xi32, #tpu.memory_space<hbm>>
    %dma_start3A_44 = arith.constant 0 : i32
    %dma_start3A_45 = tpu.memref_slice %arg8[%dma_start3A_39, %dma_start3A_44] : memref<2x128xi32, #tpu.memory_space<vmem>> -> memref<1x128xi32, #tpu.memory_space<vmem>>
    %dma_start3A_46 = tpu.memref_squeeze %dma_start3A_45 : memref<1x128xi32, #tpu.memory_space<vmem>> -> memref<128xi32, #tpu.memory_space<vmem>>
    %dma_start3A_47 = tpu.memref_slice %arg4[%add3A_38] : memref<327680xi32, #tpu.memory_space<hbm>> -> memref<128xi32, #tpu.memory_space<hbm>>
    tpu.enqueue_dma source(%dma_start3A_47 : memref<128xi32, #tpu.memory_space<hbm>>) target(%dma_start3A_46 : memref<128xi32, #tpu.memory_space<vmem>>) target_semaphore(%arg15 : memref<!tpu.dma_semaphore, #tpu.memory_space<semaphore_mem>>)
    %dma_start3A_48 = arith.constant 0 : i32
    %dma_start3A_49 = tpu.memref_slice %arg7[%dma_start3A_48] : memref<10240xi32, #tpu.memory_space<vmem>> -> memref<128xi32, #tpu.memory_space<vmem>>
    %dma_start3A_50 = arith.constant 0 : i32
    %dma_start3A_51 = arith.constant 0 : i32
    %dma_start3A_52 = tpu.memref_slice %arg2[%dma_start3A_50, %dma_start3A_51] : memref<10000x128xf32, #tpu.memory_space<hbm>> -> memref<10000x128xf32, #tpu.memory_space<hbm>>
    tpu.enqueue_indirect_dma source(%dma_start3A_52 : memref<10000x128xf32, #tpu.memory_space<hbm>>) target(%arg9 : memref<128x128xf32, #tpu.memory_space<vmem>>) offsets(%dma_start3A_49 : memref<128xi32, #tpu.memory_space<vmem>>) semaphore(%arg12 : memref<!tpu.dma_semaphore, #tpu.memory_space<semaphore_mem>>)
    %dma_start3A_53 = arith.constant 128 : i32
    %dma_start3A_54 = tpu.memref_slice %arg7[%dma_start3A_53] : memref<10240xi32, #tpu.memory_space<vmem>> -> memref<128xi32, #tpu.memory_space<vmem>>
    %dma_start3A_55 = arith.constant 0 : i32
    %dma_start3A_56 = arith.constant 0 : i32
    %dma_start3A_57 = tpu.memref_slice %arg2[%dma_start3A_55, %dma_start3A_56] : memref<10000x128xf32, #tpu.memory_space<hbm>> -> memref<10000x128xf32, #tpu.memory_space<hbm>>
    tpu.enqueue_indirect_dma source(%dma_start3A_57 : memref<10000x128xf32, #tpu.memory_space<hbm>>) target(%arg10 : memref<128x128xf32, #tpu.memory_space<vmem>>) offsets(%dma_start3A_54 : memref<128xi32, #tpu.memory_space<vmem>>) semaphore(%arg13 : memref<!tpu.dma_semaphore, #tpu.memory_space<semaphore_mem>>)
    %scan3A = arith.constant 0 : i32
    %scan3A_58 = arith.constant 0 : i32
    %scan3A_59 = arith.constant 40 : i32
    %scan3A_60 = arith.addi %scan3A_58, %scan3A_59 : i32
    %scan3A_61 = arith.constant 1 : i32
    scf.for %scan3A_74 = %scan3A_58 to %scan3A_60 step %scan3A_61  : i32 {
      %mul3A_75 = arith.constant 2 : i32
      %mul3A_76 = arith.muli %mul3A_75, %scan3A_74 : i32
      %add3A_77 = arith.constant 1 : i32
      %add3A_78 = arith.addi %mul3A_76, %add3A_77 : i32
      %dma_wait3A = arith.constant 0 : i32
      %dma_wait3A_79 = tpu.memref_slice %arg7[%dma_wait3A] : memref<10240xi32, #tpu.memory_space<vmem>> -> memref<128xi32, #tpu.memory_space<vmem>>
      %dma_wait3A_80 = arith.constant 0 : i32
      %dma_wait3A_81 = arith.constant 0 : i32
      %dma_wait3A_82 = tpu.memref_slice %arg2[%dma_wait3A_80, %dma_wait3A_81] : memref<10000x128xf32, #tpu.memory_space<hbm>> -> memref<10000x128xf32, #tpu.memory_space<hbm>>
      tpu.wait_indirect_dma semaphore(%arg12 : memref<!tpu.dma_semaphore, #tpu.memory_space<semaphore_mem>>) src(%dma_wait3A_82 : memref<10000x128xf32, #tpu.memory_space<hbm>>) dst(%arg9 : memref<128x128xf32, #tpu.memory_space<vmem>>)
      %dma_wait3A_83 = arith.constant 0 : i32
      %dma_wait3A_84 = arith.constant 0 : i32
      %dma_wait3A_85 = tpu.memref_slice %arg8[%dma_wait3A_83, %dma_wait3A_84] : memref<2x128xi32, #tpu.memory_space<vmem>> -> memref<1x128xi32, #tpu.memory_space<vmem>>
      %dma_wait3A_86 = tpu.memref_squeeze %dma_wait3A_85 : memref<1x128xi32, #tpu.memory_space<vmem>> -> memref<128xi32, #tpu.memory_space<vmem>>
      %dma_wait3A_87 = tpu.memref_slice %arg4[%mul3A_2] : memref<327680xi32, #tpu.memory_space<hbm>> -> memref<128xi32, #tpu.memory_space<hbm>>
      %dma_wait3A_88 = arith.constant 0 : i32
      %dma_wait3A_89 = tpu.memref_slice %arg8[%dma_wait3A_83, %dma_wait3A_88] : memref<2x128xi32, #tpu.memory_space<vmem>> -> memref<1x128xi32, #tpu.memory_space<vmem>>
      %dma_wait3A_90 = tpu.memref_squeeze %dma_wait3A_89 : memref<1x128xi32, #tpu.memory_space<vmem>> -> memref<128xi32, #tpu.memory_space<vmem>>
      %dma_wait3A_91 = tpu.memref_slice %arg4[%mul3A_2] : memref<327680xi32, #tpu.memory_space<hbm>> -> memref<128xi32, #tpu.memory_space<hbm>>
      tpu.wait_dma2 semaphore(%arg14 : memref<!tpu.dma_semaphore, #tpu.memory_space<semaphore_mem>>) src(%dma_wait3A_91 : memref<128xi32, #tpu.memory_space<hbm>>) dst(%dma_wait3A_90 : memref<128xi32, #tpu.memory_space<vmem>>)
      %run_scoped3A = arith.constant 0 : i32
      "tpu.region"() ({
        %run_scoped3A_121 = tpu.sem_alloc : memref<!tpu.dma_semaphore, #tpu.memory_space<semaphore_mem>>
        %dma_start3A_122 = arith.constant 0 : i32
        %dma_start3A_123 = tpu.memref_slice %arg8[%run_scoped3A, %dma_start3A_122] : memref<2x128xi32, #tpu.memory_space<vmem>> -> memref<1x128xi32, #tpu.memory_space<vmem>>
        %dma_start3A_124 = tpu.memref_squeeze %dma_start3A_123 : memref<1x128xi32, #tpu.memory_space<vmem>> -> memref<128xi32, #tpu.memory_space<vmem>>
        %dma_start3A_125 = arith.constant 0 : i32
        %dma_start3A_126 = arith.constant 0 : i32
        %dma_start3A_127 = tpu.memref_slice %arg11[%dma_start3A_125, %dma_start3A_126] : memref<10112x128xf32, #tpu.memory_space<vmem_shared>> -> memref<10112x128xf32, #tpu.memory_space<vmem_shared>>
        tpu.enqueue_indirect_dma source(%arg9 : memref<128x128xf32, #tpu.memory_space<vmem>>) target(%dma_start3A_127 : memref<10112x128xf32, #tpu.memory_space<vmem_shared>>) offsets(%dma_start3A_124 : memref<128xi32, #tpu.memory_space<vmem>>) semaphore(%run_scoped3A_121 : memref<!tpu.dma_semaphore, #tpu.memory_space<semaphore_mem>>) {add = true}
        %dma_wait3A_128 = arith.constant 0 : i32
        %dma_wait3A_129 = tpu.memref_slice %arg8[%run_scoped3A, %dma_wait3A_128] : memref<2x128xi32, #tpu.memory_space<vmem>> -> memref<1x128xi32, #tpu.memory_space<vmem>>
        %dma_wait3A_130 = tpu.memref_squeeze %dma_wait3A_129 : memref<1x128xi32, #tpu.memory_space<vmem>> -> memref<128xi32, #tpu.memory_space<vmem>>
        %dma_wait3A_131 = arith.constant 0 : i32
        %dma_wait3A_132 = arith.constant 0 : i32
        %dma_wait3A_133 = tpu.memref_slice %arg11[%dma_wait3A_131, %dma_wait3A_132] : memref<10112x128xf32, #tpu.memory_space<vmem_shared>> -> memref<10112x128xf32, #tpu.memory_space<vmem_shared>>
        tpu.wait_indirect_dma semaphore(%run_scoped3A_121 : memref<!tpu.dma_semaphore, #tpu.memory_space<semaphore_mem>>) src(%arg9 : memref<128x128xf32, #tpu.memory_space<vmem>>) dst(%dma_wait3A_133 : memref<10112x128xf32, #tpu.memory_space<vmem_shared>>)
        tpu.yield
      }) : () -> ()
      %add3A_92 = arith.constant 2 : i32
      %add3A_93 = arith.addi %mul3A_76, %add3A_92 : i32
      %lt3A_94 = arith.constant 80 : i32
      %lt3A_95 = arith.cmpi slt, %add3A_93, %lt3A_94 : i32
      %convert_element_type3A_96 = arith.extui %lt3A_95 : i1 to i32
      %cond3A_97 = arith.constant 0 : i32
      %cond3A_98 = arith.cmpi ne, %convert_element_type3A_96, %cond3A_97 : i32
      scf.if %cond3A_98 {
        %add3A_121 = arith.constant 2 : i32
        %add3A_122 = arith.addi %mul3A_76, %add3A_121 : i32
        %mul3A_123 = arith.constant 128 : i32
        %mul3A_124 = arith.muli %add3A_122, %mul3A_123 : i32
        %dma_start3A_125 = tpu.memref_slice %arg7[%mul3A_124] : memref<10240xi32, #tpu.memory_space<vmem>> -> memref<128xi32, #tpu.memory_space<vmem>>
        %dma_start3A_126 = arith.constant 0 : i32
        %dma_start3A_127 = arith.constant 0 : i32
        %dma_start3A_128 = tpu.memref_slice %arg2[%dma_start3A_126, %dma_start3A_127] : memref<10000x128xf32, #tpu.memory_space<hbm>> -> memref<10000x128xf32, #tpu.memory_space<hbm>>
        tpu.enqueue_indirect_dma source(%dma_start3A_128 : memref<10000x128xf32, #tpu.memory_space<hbm>>) target(%arg9 : memref<128x128xf32, #tpu.memory_space<vmem>>) offsets(%dma_start3A_125 : memref<128xi32, #tpu.memory_space<vmem>>) semaphore(%arg12 : memref<!tpu.dma_semaphore, #tpu.memory_space<semaphore_mem>>)
        %add3A_129 = arith.constant 2 : i32
        %add3A_130 = arith.addi %mul3A_76, %add3A_129 : i32
        %mul3A_131 = arith.constant 128 : i32
        %mul3A_132 = arith.muli %add3A_130, %mul3A_131 : i32
        %add3A_133 = arith.addi %mul3A_2, %mul3A_132 : i32
        %dma_start3A_134 = arith.constant 0 : i32
        %dma_start3A_135 = arith.constant 0 : i32
        %dma_start3A_136 = tpu.memref_slice %arg8[%dma_start3A_134, %dma_start3A_135] : memref<2x128xi32, #tpu.memory_space<vmem>> -> memref<1x128xi32, #tpu.memory_space<vmem>>
        %dma_start3A_137 = tpu.memref_squeeze %dma_start3A_136 : memref<1x128xi32, #tpu.memory_space<vmem>> -> memref<128xi32, #tpu.memory_space<vmem>>
        %dma_start3A_138 = tpu.memref_slice %arg4[%add3A_133] : memref<327680xi32, #tpu.memory_space<hbm>> -> memref<128xi32, #tpu.memory_space<hbm>>
        %dma_start3A_139 = arith.constant 0 : i32
        %dma_start3A_140 = tpu.memref_slice %arg8[%dma_start3A_134, %dma_start3A_139] : memref<2x128xi32, #tpu.memory_space<vmem>> -> memref<1x128xi32, #tpu.memory_space<vmem>>
        %dma_start3A_141 = tpu.memref_squeeze %dma_start3A_140 : memref<1x128xi32, #tpu.memory_space<vmem>> -> memref<128xi32, #tpu.memory_space<vmem>>
        %dma_start3A_142 = tpu.memref_slice %arg4[%add3A_133] : memref<327680xi32, #tpu.memory_space<hbm>> -> memref<128xi32, #tpu.memory_space<hbm>>
        tpu.enqueue_dma source(%dma_start3A_142 : memref<128xi32, #tpu.memory_space<hbm>>) target(%dma_start3A_141 : memref<128xi32, #tpu.memory_space<vmem>>) target_semaphore(%arg14 : memref<!tpu.dma_semaphore, #tpu.memory_space<semaphore_mem>>)
      } else {
      }
      %dma_wait3A_99 = arith.constant 0 : i32
      %dma_wait3A_100 = tpu.memref_slice %arg7[%dma_wait3A_99] : memref<10240xi32, #tpu.memory_space<vmem>> -> memref<128xi32, #tpu.memory_space<vmem>>
      %dma_wait3A_101 = arith.constant 0 : i32
      %dma_wait3A_102 = arith.constant 0 : i32
      %dma_wait3A_103 = tpu.memref_slice %arg2[%dma_wait3A_101, %dma_wait3A_102] : memref<10000x128xf32, #tpu.memory_space<hbm>> -> memref<10000x128xf32, #tpu.memory_space<hbm>>
      tpu.wait_indirect_dma semaphore(%arg13 : memref<!tpu.dma_semaphore, #tpu.memory_space<semaphore_mem>>) src(%dma_wait3A_103 : memref<10000x128xf32, #tpu.memory_space<hbm>>) dst(%arg10 : memref<128x128xf32, #tpu.memory_space<vmem>>)
      %dma_wait3A_104 = arith.constant 1 : i32
      %dma_wait3A_105 = arith.constant 0 : i32
      %dma_wait3A_106 = tpu.memref_slice %arg8[%dma_wait3A_104, %dma_wait3A_105] : memref<2x128xi32, #tpu.memory_space<vmem>> -> memref<1x128xi32, #tpu.memory_space<vmem>>
      %dma_wait3A_107 = tpu.memref_squeeze %dma_wait3A_106 : memref<1x128xi32, #tpu.memory_space<vmem>> -> memref<128xi32, #tpu.memory_space<vmem>>
      %dma_wait3A_108 = tpu.memref_slice %arg4[%mul3A_2] : memref<327680xi32, #tpu.memory_space<hbm>> -> memref<128xi32, #tpu.memory_space<hbm>>
      %dma_wait3A_109 = arith.constant 0 : i32
      %dma_wait3A_110 = tpu.memref_slice %arg8[%dma_wait3A_104, %dma_wait3A_109] : memref<2x128xi32, #tpu.memory_space<vmem>> -> memref<1x128xi32, #tpu.memory_space<vmem>>
      %dma_wait3A_111 = tpu.memref_squeeze %dma_wait3A_110 : memref<1x128xi32, #tpu.memory_space<vmem>> -> memref<128xi32, #tpu.memory_space<vmem>>
      %dma_wait3A_112 = tpu.memref_slice %arg4[%mul3A_2] : memref<327680xi32, #tpu.memory_space<hbm>> -> memref<128xi32, #tpu.memory_space<hbm>>
      tpu.wait_dma2 semaphore(%arg15 : memref<!tpu.dma_semaphore, #tpu.memory_space<semaphore_mem>>) src(%dma_wait3A_112 : memref<128xi32, #tpu.memory_space<hbm>>) dst(%dma_wait3A_111 : memref<128xi32, #tpu.memory_space<vmem>>)
      %run_scoped3A_113 = arith.constant 1 : i32
      "tpu.region"() ({
        %run_scoped3A_121 = tpu.sem_alloc : memref<!tpu.dma_semaphore, #tpu.memory_space<semaphore_mem>>
        %dma_start3A_122 = arith.constant 0 : i32
        %dma_start3A_123 = tpu.memref_slice %arg8[%run_scoped3A_113, %dma_start3A_122] : memref<2x128xi32, #tpu.memory_space<vmem>> -> memref<1x128xi32, #tpu.memory_space<vmem>>
        %dma_start3A_124 = tpu.memref_squeeze %dma_start3A_123 : memref<1x128xi32, #tpu.memory_space<vmem>> -> memref<128xi32, #tpu.memory_space<vmem>>
        %dma_start3A_125 = arith.constant 0 : i32
        %dma_start3A_126 = arith.constant 0 : i32
        %dma_start3A_127 = tpu.memref_slice %arg11[%dma_start3A_125, %dma_start3A_126] : memref<10112x128xf32, #tpu.memory_space<vmem_shared>> -> memref<10112x128xf32, #tpu.memory_space<vmem_shared>>
        tpu.enqueue_indirect_dma source(%arg10 : memref<128x128xf32, #tpu.memory_space<vmem>>) target(%dma_start3A_127 : memref<10112x128xf32, #tpu.memory_space<vmem_shared>>) offsets(%dma_start3A_124 : memref<128xi32, #tpu.memory_space<vmem>>) semaphore(%run_scoped3A_121 : memref<!tpu.dma_semaphore, #tpu.memory_space<semaphore_mem>>) {add = true}
        %dma_wait3A_128 = arith.constant 0 : i32
        %dma_wait3A_129 = tpu.memref_slice %arg8[%run_scoped3A_113, %dma_wait3A_128] : memref<2x128xi32, #tpu.memory_space<vmem>> -> memref<1x128xi32, #tpu.memory_space<vmem>>
        %dma_wait3A_130 = tpu.memref_squeeze %dma_wait3A_129 : memref<1x128xi32, #tpu.memory_space<vmem>> -> memref<128xi32, #tpu.memory_space<vmem>>
        %dma_wait3A_131 = arith.constant 0 : i32
        %dma_wait3A_132 = arith.constant 0 : i32
        %dma_wait3A_133 = tpu.memref_slice %arg11[%dma_wait3A_131, %dma_wait3A_132] : memref<10112x128xf32, #tpu.memory_space<vmem_shared>> -> memref<10112x128xf32, #tpu.memory_space<vmem_shared>>
        tpu.wait_indirect_dma semaphore(%run_scoped3A_121 : memref<!tpu.dma_semaphore, #tpu.memory_space<semaphore_mem>>) src(%arg10 : memref<128x128xf32, #tpu.memory_space<vmem>>) dst(%dma_wait3A_133 : memref<10112x128xf32, #tpu.memory_space<vmem_shared>>)
        tpu.yield
      }) : () -> ()
      %add3A_114 = arith.constant 2 : i32
      %add3A_115 = arith.addi %add3A_78, %add3A_114 : i32
      %lt3A_116 = arith.constant 80 : i32
      %lt3A_117 = arith.cmpi slt, %add3A_115, %lt3A_116 : i32
      %convert_element_type3A_118 = arith.extui %lt3A_117 : i1 to i32
      %cond3A_119 = arith.constant 0 : i32
      %cond3A_120 = arith.cmpi ne, %convert_element_type3A_118, %cond3A_119 : i32
      scf.if %cond3A_120 {
        %add3A_121 = arith.constant 2 : i32
        %add3A_122 = arith.addi %add3A_78, %add3A_121 : i32
        %mul3A_123 = arith.constant 128 : i32
        %mul3A_124 = arith.muli %add3A_122, %mul3A_123 : i32
        %dma_start3A_125 = tpu.memref_slice %arg7[%mul3A_124] : memref<10240xi32, #tpu.memory_space<vmem>> -> memref<128xi32, #tpu.memory_space<vmem>>
        %dma_start3A_126 = arith.constant 0 : i32
        %dma_start3A_127 = arith.constant 0 : i32
        %dma_start3A_128 = tpu.memref_slice %arg2[%dma_start3A_126, %dma_start3A_127] : memref<10000x128xf32, #tpu.memory_space<hbm>> -> memref<10000x128xf32, #tpu.memory_space<hbm>>
        tpu.enqueue_indirect_dma source(%dma_start3A_128 : memref<10000x128xf32, #tpu.memory_space<hbm>>) target(%arg10 : memref<128x128xf32, #tpu.memory_space<vmem>>) offsets(%dma_start3A_125 : memref<128xi32, #tpu.memory_space<vmem>>) semaphore(%arg13 : memref<!tpu.dma_semaphore, #tpu.memory_space<semaphore_mem>>)
        %add3A_129 = arith.constant 2 : i32
        %add3A_130 = arith.addi %add3A_78, %add3A_129 : i32
        %mul3A_131 = arith.constant 128 : i32
        %mul3A_132 = arith.muli %add3A_130, %mul3A_131 : i32
        %add3A_133 = arith.addi %mul3A_2, %mul3A_132 : i32
        %dma_start3A_134 = arith.constant 1 : i32
        %dma_start3A_135 = arith.constant 0 : i32
        %dma_start3A_136 = tpu.memref_slice %arg8[%dma_start3A_134, %dma_start3A_135] : memref<2x128xi32, #tpu.memory_space<vmem>> -> memref<1x128xi32, #tpu.memory_space<vmem>>
        %dma_start3A_137 = tpu.memref_squeeze %dma_start3A_136 : memref<1x128xi32, #tpu.memory_space<vmem>> -> memref<128xi32, #tpu.memory_space<vmem>>
        %dma_start3A_138 = tpu.memref_slice %arg4[%add3A_133] : memref<327680xi32, #tpu.memory_space<hbm>> -> memref<128xi32, #tpu.memory_space<hbm>>
        %dma_start3A_139 = arith.constant 0 : i32
        %dma_start3A_140 = tpu.memref_slice %arg8[%dma_start3A_134, %dma_start3A_139] : memref<2x128xi32, #tpu.memory_space<vmem>> -> memref<1x128xi32, #tpu.memory_space<vmem>>
        %dma_start3A_141 = tpu.memref_squeeze %dma_start3A_140 : memref<1x128xi32, #tpu.memory_space<vmem>> -> memref<128xi32, #tpu.memory_space<vmem>>
        %dma_start3A_142 = tpu.memref_slice %arg4[%add3A_133] : memref<327680xi32, #tpu.memory_space<hbm>> -> memref<128xi32, #tpu.memory_space<hbm>>
        tpu.enqueue_dma source(%dma_start3A_142 : memref<128xi32, #tpu.memory_space<hbm>>) target(%dma_start3A_141 : memref<128xi32, #tpu.memory_space<vmem>>) target_semaphore(%arg15 : memref<!tpu.dma_semaphore, #tpu.memory_space<semaphore_mem>>)
      } else {
      }
    }
    %scan3A_62 = arith.constant 40 : i32
    %barrier3A_63 = arith.constant 0 : index
    tpu.barrier barrier_id(%barrier3A_63)
    %lt3A_64 = arith.constant 15 : i32
    %lt3A_65 = arith.cmpi slt, %arg1, %lt3A_64 : i32
    %convert_element_type3A_66 = arith.extui %lt3A_65 : i1 to i32
    %cond3A_67 = arith.constant 0 : i32
    %cond3A_68 = arith.cmpi ne, %convert_element_type3A_66, %cond3A_67 : i32
    scf.if %cond3A_68 {
      %mul3A_74 = arith.constant 632 : i32
      %mul3A_75 = arith.muli %arg1, %mul3A_74 : i32
      %mul3A_76 = arith.constant 632 : i32
      %mul3A_77 = arith.muli %arg1, %mul3A_76 : i32
      "tpu.region"() ({
        %run_scoped3A = tpu.sem_alloc : memref<!tpu.dma_semaphore, #tpu.memory_space<semaphore_mem>>
        %dma_start3A_78 = arith.constant 0 : i32
        %dma_start3A_79 = tpu.memref_slice %arg6[%arg0, %mul3A_77, %dma_start3A_78] : memref<2x10000x128xf32, #tpu.memory_space<hbm>> -> memref<1x632x128xf32, #tpu.memory_space<hbm>>
        %dma_start3A_80 = tpu.memref_squeeze %dma_start3A_79 : memref<1x632x128xf32, #tpu.memory_space<hbm>> -> memref<632x128xf32, #tpu.memory_space<hbm>>
        %dma_start3A_81 = arith.constant 0 : i32
        %dma_start3A_82 = tpu.memref_slice %arg11[%mul3A_75, %dma_start3A_81] : memref<10112x128xf32, #tpu.memory_space<vmem_shared>> -> memref<632x128xf32, #tpu.memory_space<vmem_shared>>
        tpu.enqueue_dma source(%dma_start3A_82 : memref<632x128xf32, #tpu.memory_space<vmem_shared>>) target(%dma_start3A_80 : memref<632x128xf32, #tpu.memory_space<hbm>>) target_semaphore(%run_scoped3A : memref<!tpu.dma_semaphore, #tpu.memory_space<semaphore_mem>>)
        %dma_wait3A = arith.constant 0 : i32
        %dma_wait3A_83 = tpu.memref_slice %arg6[%arg0, %mul3A_77, %dma_wait3A] : memref<2x10000x128xf32, #tpu.memory_space<hbm>> -> memref<1x632x128xf32, #tpu.memory_space<hbm>>
        %dma_wait3A_84 = tpu.memref_squeeze %dma_wait3A_83 : memref<1x632x128xf32, #tpu.memory_space<hbm>> -> memref<632x128xf32, #tpu.memory_space<hbm>>
        %dma_wait3A_85 = arith.constant 0 : i32
        %dma_wait3A_86 = tpu.memref_slice %arg11[%mul3A_75, %dma_wait3A_85] : memref<10112x128xf32, #tpu.memory_space<vmem_shared>> -> memref<632x128xf32, #tpu.memory_space<vmem_shared>>
        tpu.wait_dma2 semaphore(%run_scoped3A : memref<!tpu.dma_semaphore, #tpu.memory_space<semaphore_mem>>) src(%dma_wait3A_86 : memref<632x128xf32, #tpu.memory_space<vmem_shared>>) dst(%dma_wait3A_84 : memref<632x128xf32, #tpu.memory_space<hbm>>)
        tpu.yield
      }) : () -> ()
    } else {
    }
    %eq3A_69 = arith.constant 15 : i32
    %eq3A_70 = arith.cmpi eq, %arg1, %eq3A_69 : i32
    %convert_element_type3A_71 = arith.extui %eq3A_70 : i1 to i32
    %cond3A_72 = arith.constant 0 : i32
    %cond3A_73 = arith.cmpi ne, %convert_element_type3A_71, %cond3A_72 : i32
    scf.if %cond3A_73 {
      %mul3A_74 = arith.constant 632 : i32
      %mul3A_75 = arith.muli %arg1, %mul3A_74 : i32
      %mul3A_76 = arith.constant 632 : i32
      %mul3A_77 = arith.muli %arg1, %mul3A_76 : i32
      "tpu.region"() ({
        %run_scoped3A = tpu.sem_alloc : memref<!tpu.dma_semaphore, #tpu.memory_space<semaphore_mem>>
        %dma_start3A_78 = arith.constant 0 : i32
        %dma_start3A_79 = tpu.memref_slice %arg6[%arg0, %mul3A_77, %dma_start3A_78] : memref<2x10000x128xf32, #tpu.memory_space<hbm>> -> memref<1x520x128xf32, #tpu.memory_space<hbm>>
        %dma_start3A_80 = tpu.memref_squeeze %dma_start3A_79 : memref<1x520x128xf32, #tpu.memory_space<hbm>> -> memref<520x128xf32, #tpu.memory_space<hbm>>
        %dma_start3A_81 = arith.constant 0 : i32
        %dma_start3A_82 = tpu.memref_slice %arg11[%mul3A_75, %dma_start3A_81] : memref<10112x128xf32, #tpu.memory_space<vmem_shared>> -> memref<520x128xf32, #tpu.memory_space<vmem_shared>>
        tpu.enqueue_dma source(%dma_start3A_82 : memref<520x128xf32, #tpu.memory_space<vmem_shared>>) target(%dma_start3A_80 : memref<520x128xf32, #tpu.memory_space<hbm>>) target_semaphore(%run_scoped3A : memref<!tpu.dma_semaphore, #tpu.memory_space<semaphore_mem>>)
        %dma_wait3A = arith.constant 0 : i32
        %dma_wait3A_83 = tpu.memref_slice %arg6[%arg0, %mul3A_77, %dma_wait3A] : memref<2x10000x128xf32, #tpu.memory_space<hbm>> -> memref<1x520x128xf32, #tpu.memory_space<hbm>>
        %dma_wait3A_84 = tpu.memref_squeeze %dma_wait3A_83 : memref<1x520x128xf32, #tpu.memory_space<hbm>> -> memref<520x128xf32, #tpu.memory_space<hbm>>
        %dma_wait3A_85 = arith.constant 0 : i32
        %dma_wait3A_86 = tpu.memref_slice %arg11[%mul3A_75, %dma_wait3A_85] : memref<10112x128xf32, #tpu.memory_space<vmem_shared>> -> memref<520x128xf32, #tpu.memory_space<vmem_shared>>
        tpu.wait_dma2 semaphore(%run_scoped3A : memref<!tpu.dma_semaphore, #tpu.memory_space<semaphore_mem>>) src(%dma_wait3A_86 : memref<520x128xf32, #tpu.memory_space<vmem_shared>>) dst(%dma_wait3A_84 : memref<520x128xf32, #tpu.memory_space<hbm>>)
        tpu.yield
      }) : () -> ()
    } else {
    }
    return
  }
}

#map = affine_map<(d0, d1) -> (0, 0)>
#map1 = affine_map<(d0, d1) -> (0)>
#map2 = affine_map<(d0, d1) -> (0, 0, 0)>
module attributes {stable_mosaic.version = 14 : i64} {
  func.func @_agg(%arg0: i32, %arg1: i32, %arg2: memref<10000x128xf32, #tpu.memory_space<hbm>>, %arg3: memref<327680xi32, #tpu.memory_space<hbm>>, %arg4: memref<327680xi32, #tpu.memory_space<hbm>>, %arg5: memref<632x128xf32, #tpu.memory_space<hbm>>, %arg6: memref<2x10000x128xf32, #tpu.memory_space<hbm>>, %arg7: memref<10240xi32, #tpu.memory_space<vmem>>, %arg8: memref<2x128xi32, #tpu.memory_space<vmem>>, %arg9: memref<128x128xf32, #tpu.memory_space<vmem>>, %arg10: memref<128x128xf32, #tpu.memory_space<vmem>>, %arg11: memref<10112x128xf32, #tpu.memory_space<vmem_shared>>, %arg12: memref<!tpu.dma_semaphore, #tpu.memory_space<semaphore_mem>>, %arg13: memref<!tpu.dma_semaphore, #tpu.memory_space<semaphore_mem>>, %arg14: memref<!tpu.dma_semaphore, #tpu.memory_space<semaphore_mem>>, %arg15: memref<!tpu.dma_semaphore, #tpu.memory_space<semaphore_mem>>) attributes {dimension_semantics = [#tpu.dimension_semantics<core_parallel>, #tpu.dimension_semantics<subcore_parallel>], iteration_bounds = array<i64: 2, 16>, scalar_prefetch = 0 : i64, scratch_operands = 9 : i64, tpu.core_type = #tpu.core_type<sc_vector_subcore>, window_params = [{transform_indices = #map}, {transform_indices = #map1}, {transform_indices = #map1}, {transform_indices = #map}, {transform_indices = #map2}]} {
    %mul3A = arith.constant 2 : i32
    %mul3A_0 = arith.muli %arg1, %mul3A : i32
    %add3A = arith.addi %mul3A_0, %arg0 : i32
    %mul3A_1 = arith.constant 10240 : i32
    %mul3A_2 = arith.muli %add3A, %mul3A_1 : i32
    "tpu.region"() ({
      %run_scoped3A = tpu.sem_alloc : memref<!tpu.dma_semaphore, #tpu.memory_space<semaphore_mem>>
      %dma_start3A_74 = tpu.memref_slice %arg3[%mul3A_2] : memref<327680xi32, #tpu.memory_space<hbm>> -> memref<10240xi32, #tpu.memory_space<hbm>>
      %dma_start3A_75 = tpu.memref_slice %arg3[%mul3A_2] : memref<327680xi32, #tpu.memory_space<hbm>> -> memref<10240xi32, #tpu.memory_space<hbm>>
      tpu.enqueue_dma source(%dma_start3A_75 : memref<10240xi32, #tpu.memory_space<hbm>>) target(%arg7 : memref<10240xi32, #tpu.memory_space<vmem>>) target_semaphore(%run_scoped3A : memref<!tpu.dma_semaphore, #tpu.memory_space<semaphore_mem>>)
      %dma_wait3A = tpu.memref_slice %arg3[%mul3A_2] : memref<327680xi32, #tpu.memory_space<hbm>> -> memref<10240xi32, #tpu.memory_space<hbm>>
      %dma_wait3A_76 = tpu.memref_slice %arg3[%mul3A_2] : memref<327680xi32, #tpu.memory_space<hbm>> -> memref<10240xi32, #tpu.memory_space<hbm>>
      tpu.wait_dma2 semaphore(%run_scoped3A : memref<!tpu.dma_semaphore, #tpu.memory_space<semaphore_mem>>) src(%dma_wait3A_76 : memref<10240xi32, #tpu.memory_space<hbm>>) dst(%arg7 : memref<10240xi32, #tpu.memory_space<vmem>>)
      tpu.yield
    }) : () -> ()
    %eq3A = arith.constant 0 : i32
    %eq3A_3 = arith.cmpi eq, %arg0, %eq3A : i32
    %lt3A = arith.constant 15 : i32
    %lt3A_4 = arith.cmpi slt, %arg1, %lt3A : i32
    %and3A = arith.andi %eq3A_3, %lt3A_4 : i1
    %convert_element_type3A = arith.extui %and3A : i1 to i32
    %cond3A = arith.constant 0 : i32
    %cond3A_5 = arith.cmpi ne, %convert_element_type3A, %cond3A : i32
    scf.if %cond3A_5 {
      %mul3A_74 = arith.constant 632 : i32
      %mul3A_75 = arith.muli %arg1, %mul3A_74 : i32
      %mul3A_76 = arith.constant 632 : i32
      %mul3A_77 = arith.muli %arg1, %mul3A_76 : i32
      "tpu.region"() ({
        %run_scoped3A = tpu.sem_alloc : memref<!tpu.dma_semaphore, #tpu.memory_space<semaphore_mem>>
        %dma_start3A_78 = arith.constant 0 : i32
        %dma_start3A_79 = tpu.memref_slice %arg11[%mul3A_77, %dma_start3A_78] : memref<10112x128xf32, #tpu.memory_space<vmem_shared>> -> memref<632x128xf32, #tpu.memory_space<vmem_shared>>
        %dma_start3A_80 = arith.constant 0 : i32
        %dma_start3A_81 = tpu.memref_slice %arg2[%mul3A_75, %dma_start3A_80] : memref<10000x128xf32, #tpu.memory_space<hbm>> -> memref<632x128xf32, #tpu.memory_space<hbm>>
        tpu.enqueue_dma source(%dma_start3A_81 : memref<632x128xf32, #tpu.memory_space<hbm>>) target(%dma_start3A_79 : memref<632x128xf32, #tpu.memory_space<vmem_shared>>) target_semaphore(%run_scoped3A : memref<!tpu.dma_semaphore, #tpu.memory_space<semaphore_mem>>)
        %dma_wait3A = arith.constant 0 : i32
        %dma_wait3A_82 = tpu.memref_slice %arg11[%mul3A_77, %dma_wait3A] : memref<10112x128xf32, #tpu.memory_space<vmem_shared>> -> memref<632x128xf32, #tpu.memory_space<vmem_shared>>
        %dma_wait3A_83 = arith.constant 0 : i32
        %dma_wait3A_84 = tpu.memref_slice %arg2[%mul3A_75, %dma_wait3A_83] : memref<10000x128xf32, #tpu.memory_space<hbm>> -> memref<632x128xf32, #tpu.memory_space<hbm>>
        tpu.wait_dma2 semaphore(%run_scoped3A : memref<!tpu.dma_semaphore, #tpu.memory_space<semaphore_mem>>) src(%dma_wait3A_84 : memref<632x128xf32, #tpu.memory_space<hbm>>) dst(%dma_wait3A_82 : memref<632x128xf32, #tpu.memory_space<vmem_shared>>)
        tpu.yield
      }) : () -> ()
    } else {
    }
    %eq3A_6 = arith.constant 0 : i32
    %eq3A_7 = arith.cmpi eq, %arg0, %eq3A_6 : i32
    %eq3A_8 = arith.constant 15 : i32
    %eq3A_9 = arith.cmpi eq, %arg1, %eq3A_8 : i32
    %and3A_10 = arith.andi %eq3A_7, %eq3A_9 : i1
    %convert_element_type3A_11 = arith.extui %and3A_10 : i1 to i32
    %cond3A_12 = arith.constant 0 : i32
    %cond3A_13 = arith.cmpi ne, %convert_element_type3A_11, %cond3A_12 : i32
    scf.if %cond3A_13 {
      %mul3A_74 = arith.constant 632 : i32
      %mul3A_75 = arith.muli %arg1, %mul3A_74 : i32
      %mul3A_76 = arith.constant 632 : i32
      %mul3A_77 = arith.muli %arg1, %mul3A_76 : i32
      "tpu.region"() ({
        %run_scoped3A = tpu.sem_alloc : memref<!tpu.dma_semaphore, #tpu.memory_space<semaphore_mem>>
        %dma_start3A_78 = arith.constant 0 : i32
        %dma_start3A_79 = tpu.memref_slice %arg11[%mul3A_77, %dma_start3A_78] : memref<10112x128xf32, #tpu.memory_space<vmem_shared>> -> memref<520x128xf32, #tpu.memory_space<vmem_shared>>
        %dma_start3A_80 = arith.constant 0 : i32
        %dma_start3A_81 = tpu.memref_slice %arg2[%mul3A_75, %dma_start3A_80] : memref<10000x128xf32, #tpu.memory_space<hbm>> -> memref<520x128xf32, #tpu.memory_space<hbm>>
        tpu.enqueue_dma source(%dma_start3A_81 : memref<520x128xf32, #tpu.memory_space<hbm>>) target(%dma_start3A_79 : memref<520x128xf32, #tpu.memory_space<vmem_shared>>) target_semaphore(%run_scoped3A : memref<!tpu.dma_semaphore, #tpu.memory_space<semaphore_mem>>)
        %dma_wait3A = arith.constant 0 : i32
        %dma_wait3A_82 = tpu.memref_slice %arg11[%mul3A_77, %dma_wait3A] : memref<10112x128xf32, #tpu.memory_space<vmem_shared>> -> memref<520x128xf32, #tpu.memory_space<vmem_shared>>
        %dma_wait3A_83 = arith.constant 0 : i32
        %dma_wait3A_84 = tpu.memref_slice %arg2[%mul3A_75, %dma_wait3A_83] : memref<10000x128xf32, #tpu.memory_space<hbm>> -> memref<520x128xf32, #tpu.memory_space<hbm>>
        tpu.wait_dma2 semaphore(%run_scoped3A : memref<!tpu.dma_semaphore, #tpu.memory_space<semaphore_mem>>) src(%dma_wait3A_84 : memref<520x128xf32, #tpu.memory_space<hbm>>) dst(%dma_wait3A_82 : memref<520x128xf32, #tpu.memory_space<vmem_shared>>)
        tpu.yield
      }) : () -> ()
    } else {
    }
    %ne3A = arith.constant 0 : i32
    %ne3A_14 = arith.cmpi ne, %arg0, %ne3A : i32
    %lt3A_15 = arith.constant 15 : i32
    %lt3A_16 = arith.cmpi slt, %arg1, %lt3A_15 : i32
    %and3A_17 = arith.andi %ne3A_14, %lt3A_16 : i1
    %convert_element_type3A_18 = arith.extui %and3A_17 : i1 to i32
    %cond3A_19 = arith.constant 0 : i32
    %cond3A_20 = arith.cmpi ne, %convert_element_type3A_18, %cond3A_19 : i32
    scf.if %cond3A_20 {
      %mul3A_74 = arith.constant 632 : i32
      %mul3A_75 = arith.muli %arg1, %mul3A_74 : i32
      "tpu.region"() ({
        %run_scoped3A = tpu.sem_alloc : memref<!tpu.dma_semaphore, #tpu.memory_space<semaphore_mem>>
        %dma_start3A_76 = arith.constant 0 : i32
        %dma_start3A_77 = tpu.memref_slice %arg11[%mul3A_75, %dma_start3A_76] : memref<10112x128xf32, #tpu.memory_space<vmem_shared>> -> memref<632x128xf32, #tpu.memory_space<vmem_shared>>
        tpu.enqueue_dma source(%arg5 : memref<632x128xf32, #tpu.memory_space<hbm>>) target(%dma_start3A_77 : memref<632x128xf32, #tpu.memory_space<vmem_shared>>) target_semaphore(%run_scoped3A : memref<!tpu.dma_semaphore, #tpu.memory_space<semaphore_mem>>)
        %dma_wait3A = arith.constant 0 : i32
        %dma_wait3A_78 = tpu.memref_slice %arg11[%mul3A_75, %dma_wait3A] : memref<10112x128xf32, #tpu.memory_space<vmem_shared>> -> memref<632x128xf32, #tpu.memory_space<vmem_shared>>
        tpu.wait_dma2 semaphore(%run_scoped3A : memref<!tpu.dma_semaphore, #tpu.memory_space<semaphore_mem>>) src(%arg5 : memref<632x128xf32, #tpu.memory_space<hbm>>) dst(%dma_wait3A_78 : memref<632x128xf32, #tpu.memory_space<vmem_shared>>)
        tpu.yield
      }) : () -> ()
    } else {
    }
    %ne3A_21 = arith.constant 0 : i32
    %ne3A_22 = arith.cmpi ne, %arg0, %ne3A_21 : i32
    %eq3A_23 = arith.constant 15 : i32
    %eq3A_24 = arith.cmpi eq, %arg1, %eq3A_23 : i32
    %and3A_25 = arith.andi %ne3A_22, %eq3A_24 : i1
    %convert_element_type3A_26 = arith.extui %and3A_25 : i1 to i32
    %cond3A_27 = arith.constant 0 : i32
    %cond3A_28 = arith.cmpi ne, %convert_element_type3A_26, %cond3A_27 : i32
    scf.if %cond3A_28 {
      %mul3A_74 = arith.constant 632 : i32
      %mul3A_75 = arith.muli %arg1, %mul3A_74 : i32
      "tpu.region"() ({
        %run_scoped3A = tpu.sem_alloc : memref<!tpu.dma_semaphore, #tpu.memory_space<semaphore_mem>>
        %dma_start3A_76 = arith.constant 0 : i32
        %dma_start3A_77 = tpu.memref_slice %arg11[%mul3A_75, %dma_start3A_76] : memref<10112x128xf32, #tpu.memory_space<vmem_shared>> -> memref<520x128xf32, #tpu.memory_space<vmem_shared>>
        %dma_start3A_78 = arith.constant 0 : i32
        %dma_start3A_79 = arith.constant 0 : i32
        %dma_start3A_80 = tpu.memref_slice %arg5[%dma_start3A_78, %dma_start3A_79] : memref<632x128xf32, #tpu.memory_space<hbm>> -> memref<520x128xf32, #tpu.memory_space<hbm>>
        tpu.enqueue_dma source(%dma_start3A_80 : memref<520x128xf32, #tpu.memory_space<hbm>>) target(%dma_start3A_77 : memref<520x128xf32, #tpu.memory_space<vmem_shared>>) target_semaphore(%run_scoped3A : memref<!tpu.dma_semaphore, #tpu.memory_space<semaphore_mem>>)
        %dma_wait3A = arith.constant 0 : i32
        %dma_wait3A_81 = tpu.memref_slice %arg11[%mul3A_75, %dma_wait3A] : memref<10112x128xf32, #tpu.memory_space<vmem_shared>> -> memref<520x128xf32, #tpu.memory_space<vmem_shared>>
        %dma_wait3A_82 = arith.constant 0 : i32
        %dma_wait3A_83 = arith.constant 0 : i32
        %dma_wait3A_84 = tpu.memref_slice %arg5[%dma_wait3A_82, %dma_wait3A_83] : memref<632x128xf32, #tpu.memory_space<hbm>> -> memref<520x128xf32, #tpu.memory_space<hbm>>
        tpu.wait_dma2 semaphore(%run_scoped3A : memref<!tpu.dma_semaphore, #tpu.memory_space<semaphore_mem>>) src(%dma_wait3A_84 : memref<520x128xf32, #tpu.memory_space<hbm>>) dst(%dma_wait3A_81 : memref<520x128xf32, #tpu.memory_space<vmem_shared>>)
        tpu.yield
      }) : () -> ()
    } else {
    }
    %barrier3A = arith.constant 0 : index
    tpu.barrier barrier_id(%barrier3A)
    %dma_start3A = arith.constant 0 : i32
    %dma_start3A_29 = arith.constant 0 : i32
    %dma_start3A_30 = tpu.memref_slice %arg8[%dma_start3A, %dma_start3A_29] : memref<2x128xi32, #tpu.memory_space<vmem>> -> memref<1x128xi32, #tpu.memory_space<vmem>>
    %dma_start3A_31 = tpu.memref_squeeze %dma_start3A_30 : memref<1x128xi32, #tpu.memory_space<vmem>> -> memref<128xi32, #tpu.memory_space<vmem>>
    %dma_start3A_32 = tpu.memref_slice %arg4[%mul3A_2] : memref<327680xi32, #tpu.memory_space<hbm>> -> memref<128xi32, #tpu.memory_space<hbm>>
    %dma_start3A_33 = arith.constant 0 : i32
    %dma_start3A_34 = tpu.memref_slice %arg8[%dma_start3A, %dma_start3A_33] : memref<2x128xi32, #tpu.memory_space<vmem>> -> memref<1x128xi32, #tpu.memory_space<vmem>>
    %dma_start3A_35 = tpu.memref_squeeze %dma_start3A_34 : memref<1x128xi32, #tpu.memory_space<vmem>> -> memref<128xi32, #tpu.memory_space<vmem>>
    %dma_start3A_36 = tpu.memref_slice %arg4[%mul3A_2] : memref<327680xi32, #tpu.memory_space<hbm>> -> memref<128xi32, #tpu.memory_space<hbm>>
    tpu.enqueue_dma source(%dma_start3A_36 : memref<128xi32, #tpu.memory_space<hbm>>) target(%dma_start3A_35 : memref<128xi32, #tpu.memory_space<vmem>>) target_semaphore(%arg14 : memref<!tpu.dma_semaphore, #tpu.memory_space<semaphore_mem>>)
    %add3A_37 = arith.constant 128 : i32
    %add3A_38 = arith.addi %mul3A_2, %add3A_37 : i32
    %dma_start3A_39 = arith.constant 1 : i32
    %dma_start3A_40 = arith.constant 0 : i32
    %dma_start3A_41 = tpu.memref_slice %arg8[%dma_start3A_39, %dma_start3A_40] : memref<2x128xi32, #tpu.memory_space<vmem>> -> memref<1x128xi32, #tpu.memory_space<vmem>>
    %dma_start3A_42 = tpu.memref_squeeze %dma_start3A_41 : memref<1x128xi32, #tpu.memory_space<vmem>> -> memref<128xi32, #tpu.memory_space<vmem>>
    %dma_start3A_43 = tpu.memref_slice %arg4[%add3A_38] : memref<327680xi32, #tpu.memory_space<hbm>> -> memref<128xi32, #tpu.memory_space<hbm>>
    %dma_start3A_44 = arith.constant 0 : i32
    %dma_start3A_45 = tpu.memref_slice %arg8[%dma_start3A_39, %dma_start3A_44] : memref<2x128xi32, #tpu.memory_space<vmem>> -> memref<1x128xi32, #tpu.memory_space<vmem>>
    %dma_start3A_46 = tpu.memref_squeeze %dma_start3A_45 : memref<1x128xi32, #tpu.memory_space<vmem>> -> memref<128xi32, #tpu.memory_space<vmem>>
    %dma_start3A_47 = tpu.memref_slice %arg4[%add3A_38] : memref<327680xi32, #tpu.memory_space<hbm>> -> memref<128xi32, #tpu.memory_space<hbm>>
    tpu.enqueue_dma source(%dma_start3A_47 : memref<128xi32, #tpu.memory_space<hbm>>) target(%dma_start3A_46 : memref<128xi32, #tpu.memory_space<vmem>>) target_semaphore(%arg15 : memref<!tpu.dma_semaphore, #tpu.memory_space<semaphore_mem>>)
    %dma_start3A_48 = arith.constant 0 : i32
    %dma_start3A_49 = tpu.memref_slice %arg7[%dma_start3A_48] : memref<10240xi32, #tpu.memory_space<vmem>> -> memref<128xi32, #tpu.memory_space<vmem>>
    %dma_start3A_50 = arith.constant 0 : i32
    %dma_start3A_51 = arith.constant 0 : i32
    %dma_start3A_52 = tpu.memref_slice %arg2[%dma_start3A_50, %dma_start3A_51] : memref<10000x128xf32, #tpu.memory_space<hbm>> -> memref<10000x128xf32, #tpu.memory_space<hbm>>
    tpu.enqueue_indirect_dma source(%dma_start3A_52 : memref<10000x128xf32, #tpu.memory_space<hbm>>) target(%arg9 : memref<128x128xf32, #tpu.memory_space<vmem>>) offsets(%dma_start3A_49 : memref<128xi32, #tpu.memory_space<vmem>>) semaphore(%arg12 : memref<!tpu.dma_semaphore, #tpu.memory_space<semaphore_mem>>)
    %dma_start3A_53 = arith.constant 128 : i32
    %dma_start3A_54 = tpu.memref_slice %arg7[%dma_start3A_53] : memref<10240xi32, #tpu.memory_space<vmem>> -> memref<128xi32, #tpu.memory_space<vmem>>
    %dma_start3A_55 = arith.constant 0 : i32
    %dma_start3A_56 = arith.constant 0 : i32
    %dma_start3A_57 = tpu.memref_slice %arg2[%dma_start3A_55, %dma_start3A_56] : memref<10000x128xf32, #tpu.memory_space<hbm>> -> memref<10000x128xf32, #tpu.memory_space<hbm>>
    tpu.enqueue_indirect_dma source(%dma_start3A_57 : memref<10000x128xf32, #tpu.memory_space<hbm>>) target(%arg10 : memref<128x128xf32, #tpu.memory_space<vmem>>) offsets(%dma_start3A_54 : memref<128xi32, #tpu.memory_space<vmem>>) semaphore(%arg13 : memref<!tpu.dma_semaphore, #tpu.memory_space<semaphore_mem>>)
    %scan3A = arith.constant 0 : i32
    %scan3A_58 = arith.constant 0 : i32
    %scan3A_59 = arith.constant 40 : i32
    %scan3A_60 = arith.addi %scan3A_58, %scan3A_59 : i32
    %scan3A_61 = arith.constant 1 : i32
    scf.for %scan3A_74 = %scan3A_58 to %scan3A_60 step %scan3A_61  : i32 {
      %mul3A_75 = arith.constant 2 : i32
      %mul3A_76 = arith.muli %mul3A_75, %scan3A_74 : i32
      %add3A_77 = arith.constant 1 : i32
      %add3A_78 = arith.addi %mul3A_76, %add3A_77 : i32
      %dma_wait3A = arith.constant 0 : i32
      %dma_wait3A_79 = tpu.memref_slice %arg7[%dma_wait3A] : memref<10240xi32, #tpu.memory_space<vmem>> -> memref<128xi32, #tpu.memory_space<vmem>>
      %dma_wait3A_80 = arith.constant 0 : i32
      %dma_wait3A_81 = arith.constant 0 : i32
      %dma_wait3A_82 = tpu.memref_slice %arg2[%dma_wait3A_80, %dma_wait3A_81] : memref<10000x128xf32, #tpu.memory_space<hbm>> -> memref<10000x128xf32, #tpu.memory_space<hbm>>
      tpu.wait_indirect_dma semaphore(%arg12 : memref<!tpu.dma_semaphore, #tpu.memory_space<semaphore_mem>>) src(%dma_wait3A_82 : memref<10000x128xf32, #tpu.memory_space<hbm>>) dst(%arg9 : memref<128x128xf32, #tpu.memory_space<vmem>>)
      %dma_wait3A_83 = arith.constant 0 : i32
      %dma_wait3A_84 = arith.constant 0 : i32
      %dma_wait3A_85 = tpu.memref_slice %arg8[%dma_wait3A_83, %dma_wait3A_84] : memref<2x128xi32, #tpu.memory_space<vmem>> -> memref<1x128xi32, #tpu.memory_space<vmem>>
      %dma_wait3A_86 = tpu.memref_squeeze %dma_wait3A_85 : memref<1x128xi32, #tpu.memory_space<vmem>> -> memref<128xi32, #tpu.memory_space<vmem>>
      %dma_wait3A_87 = tpu.memref_slice %arg4[%mul3A_2] : memref<327680xi32, #tpu.memory_space<hbm>> -> memref<128xi32, #tpu.memory_space<hbm>>
      %dma_wait3A_88 = arith.constant 0 : i32
      %dma_wait3A_89 = tpu.memref_slice %arg8[%dma_wait3A_83, %dma_wait3A_88] : memref<2x128xi32, #tpu.memory_space<vmem>> -> memref<1x128xi32, #tpu.memory_space<vmem>>
      %dma_wait3A_90 = tpu.memref_squeeze %dma_wait3A_89 : memref<1x128xi32, #tpu.memory_space<vmem>> -> memref<128xi32, #tpu.memory_space<vmem>>
      %dma_wait3A_91 = tpu.memref_slice %arg4[%mul3A_2] : memref<327680xi32, #tpu.memory_space<hbm>> -> memref<128xi32, #tpu.memory_space<hbm>>
      tpu.wait_dma2 semaphore(%arg14 : memref<!tpu.dma_semaphore, #tpu.memory_space<semaphore_mem>>) src(%dma_wait3A_91 : memref<128xi32, #tpu.memory_space<hbm>>) dst(%dma_wait3A_90 : memref<128xi32, #tpu.memory_space<vmem>>)
      %run_scoped3A = arith.constant 0 : i32
      "tpu.region"() ({
        %run_scoped3A_121 = tpu.sem_alloc : memref<!tpu.dma_semaphore, #tpu.memory_space<semaphore_mem>>
        %dma_start3A_122 = arith.constant 0 : i32
        %dma_start3A_123 = tpu.memref_slice %arg8[%run_scoped3A, %dma_start3A_122] : memref<2x128xi32, #tpu.memory_space<vmem>> -> memref<1x128xi32, #tpu.memory_space<vmem>>
        %dma_start3A_124 = tpu.memref_squeeze %dma_start3A_123 : memref<1x128xi32, #tpu.memory_space<vmem>> -> memref<128xi32, #tpu.memory_space<vmem>>
        %dma_start3A_125 = arith.constant 0 : i32
        %dma_start3A_126 = arith.constant 0 : i32
        %dma_start3A_127 = tpu.memref_slice %arg11[%dma_start3A_125, %dma_start3A_126] : memref<10112x128xf32, #tpu.memory_space<vmem_shared>> -> memref<10112x128xf32, #tpu.memory_space<vmem_shared>>
        tpu.enqueue_indirect_dma source(%arg9 : memref<128x128xf32, #tpu.memory_space<vmem>>) target(%dma_start3A_127 : memref<10112x128xf32, #tpu.memory_space<vmem_shared>>) offsets(%dma_start3A_124 : memref<128xi32, #tpu.memory_space<vmem>>) semaphore(%run_scoped3A_121 : memref<!tpu.dma_semaphore, #tpu.memory_space<semaphore_mem>>) {add = true}
        %dma_wait3A_128 = arith.constant 0 : i32
        %dma_wait3A_129 = tpu.memref_slice %arg8[%run_scoped3A, %dma_wait3A_128] : memref<2x128xi32, #tpu.memory_space<vmem>> -> memref<1x128xi32, #tpu.memory_space<vmem>>
        %dma_wait3A_130 = tpu.memref_squeeze %dma_wait3A_129 : memref<1x128xi32, #tpu.memory_space<vmem>> -> memref<128xi32, #tpu.memory_space<vmem>>
        %dma_wait3A_131 = arith.constant 0 : i32
        %dma_wait3A_132 = arith.constant 0 : i32
        %dma_wait3A_133 = tpu.memref_slice %arg11[%dma_wait3A_131, %dma_wait3A_132] : memref<10112x128xf32, #tpu.memory_space<vmem_shared>> -> memref<10112x128xf32, #tpu.memory_space<vmem_shared>>
        tpu.wait_indirect_dma semaphore(%run_scoped3A_121 : memref<!tpu.dma_semaphore, #tpu.memory_space<semaphore_mem>>) src(%arg9 : memref<128x128xf32, #tpu.memory_space<vmem>>) dst(%dma_wait3A_133 : memref<10112x128xf32, #tpu.memory_space<vmem_shared>>)
        tpu.yield
      }) : () -> ()
      %add3A_92 = arith.constant 2 : i32
      %add3A_93 = arith.addi %mul3A_76, %add3A_92 : i32
      %lt3A_94 = arith.constant 80 : i32
      %lt3A_95 = arith.cmpi slt, %add3A_93, %lt3A_94 : i32
      %convert_element_type3A_96 = arith.extui %lt3A_95 : i1 to i32
      %cond3A_97 = arith.constant 0 : i32
      %cond3A_98 = arith.cmpi ne, %convert_element_type3A_96, %cond3A_97 : i32
      scf.if %cond3A_98 {
        %add3A_121 = arith.constant 2 : i32
        %add3A_122 = arith.addi %mul3A_76, %add3A_121 : i32
        %mul3A_123 = arith.constant 128 : i32
        %mul3A_124 = arith.muli %add3A_122, %mul3A_123 : i32
        %dma_start3A_125 = tpu.memref_slice %arg7[%mul3A_124] : memref<10240xi32, #tpu.memory_space<vmem>> -> memref<128xi32, #tpu.memory_space<vmem>>
        %dma_start3A_126 = arith.constant 0 : i32
        %dma_start3A_127 = arith.constant 0 : i32
        %dma_start3A_128 = tpu.memref_slice %arg2[%dma_start3A_126, %dma_start3A_127] : memref<10000x128xf32, #tpu.memory_space<hbm>> -> memref<10000x128xf32, #tpu.memory_space<hbm>>
        tpu.enqueue_indirect_dma source(%dma_start3A_128 : memref<10000x128xf32, #tpu.memory_space<hbm>>) target(%arg9 : memref<128x128xf32, #tpu.memory_space<vmem>>) offsets(%dma_start3A_125 : memref<128xi32, #tpu.memory_space<vmem>>) semaphore(%arg12 : memref<!tpu.dma_semaphore, #tpu.memory_space<semaphore_mem>>)
        %add3A_129 = arith.constant 2 : i32
        %add3A_130 = arith.addi %mul3A_76, %add3A_129 : i32
        %mul3A_131 = arith.constant 128 : i32
        %mul3A_132 = arith.muli %add3A_130, %mul3A_131 : i32
        %add3A_133 = arith.addi %mul3A_2, %mul3A_132 : i32
        %dma_start3A_134 = arith.constant 0 : i32
        %dma_start3A_135 = arith.constant 0 : i32
        %dma_start3A_136 = tpu.memref_slice %arg8[%dma_start3A_134, %dma_start3A_135] : memref<2x128xi32, #tpu.memory_space<vmem>> -> memref<1x128xi32, #tpu.memory_space<vmem>>
        %dma_start3A_137 = tpu.memref_squeeze %dma_start3A_136 : memref<1x128xi32, #tpu.memory_space<vmem>> -> memref<128xi32, #tpu.memory_space<vmem>>
        %dma_start3A_138 = tpu.memref_slice %arg4[%add3A_133] : memref<327680xi32, #tpu.memory_space<hbm>> -> memref<128xi32, #tpu.memory_space<hbm>>
        %dma_start3A_139 = arith.constant 0 : i32
        %dma_start3A_140 = tpu.memref_slice %arg8[%dma_start3A_134, %dma_start3A_139] : memref<2x128xi32, #tpu.memory_space<vmem>> -> memref<1x128xi32, #tpu.memory_space<vmem>>
        %dma_start3A_141 = tpu.memref_squeeze %dma_start3A_140 : memref<1x128xi32, #tpu.memory_space<vmem>> -> memref<128xi32, #tpu.memory_space<vmem>>
        %dma_start3A_142 = tpu.memref_slice %arg4[%add3A_133] : memref<327680xi32, #tpu.memory_space<hbm>> -> memref<128xi32, #tpu.memory_space<hbm>>
        tpu.enqueue_dma source(%dma_start3A_142 : memref<128xi32, #tpu.memory_space<hbm>>) target(%dma_start3A_141 : memref<128xi32, #tpu.memory_space<vmem>>) target_semaphore(%arg14 : memref<!tpu.dma_semaphore, #tpu.memory_space<semaphore_mem>>)
      } else {
      }
      %dma_wait3A_99 = arith.constant 0 : i32
      %dma_wait3A_100 = tpu.memref_slice %arg7[%dma_wait3A_99] : memref<10240xi32, #tpu.memory_space<vmem>> -> memref<128xi32, #tpu.memory_space<vmem>>
      %dma_wait3A_101 = arith.constant 0 : i32
      %dma_wait3A_102 = arith.constant 0 : i32
      %dma_wait3A_103 = tpu.memref_slice %arg2[%dma_wait3A_101, %dma_wait3A_102] : memref<10000x128xf32, #tpu.memory_space<hbm>> -> memref<10000x128xf32, #tpu.memory_space<hbm>>
      tpu.wait_indirect_dma semaphore(%arg13 : memref<!tpu.dma_semaphore, #tpu.memory_space<semaphore_mem>>) src(%dma_wait3A_103 : memref<10000x128xf32, #tpu.memory_space<hbm>>) dst(%arg10 : memref<128x128xf32, #tpu.memory_space<vmem>>)
      %dma_wait3A_104 = arith.constant 1 : i32
      %dma_wait3A_105 = arith.constant 0 : i32
      %dma_wait3A_106 = tpu.memref_slice %arg8[%dma_wait3A_104, %dma_wait3A_105] : memref<2x128xi32, #tpu.memory_space<vmem>> -> memref<1x128xi32, #tpu.memory_space<vmem>>
      %dma_wait3A_107 = tpu.memref_squeeze %dma_wait3A_106 : memref<1x128xi32, #tpu.memory_space<vmem>> -> memref<128xi32, #tpu.memory_space<vmem>>
      %dma_wait3A_108 = tpu.memref_slice %arg4[%mul3A_2] : memref<327680xi32, #tpu.memory_space<hbm>> -> memref<128xi32, #tpu.memory_space<hbm>>
      %dma_wait3A_109 = arith.constant 0 : i32
      %dma_wait3A_110 = tpu.memref_slice %arg8[%dma_wait3A_104, %dma_wait3A_109] : memref<2x128xi32, #tpu.memory_space<vmem>> -> memref<1x128xi32, #tpu.memory_space<vmem>>
      %dma_wait3A_111 = tpu.memref_squeeze %dma_wait3A_110 : memref<1x128xi32, #tpu.memory_space<vmem>> -> memref<128xi32, #tpu.memory_space<vmem>>
      %dma_wait3A_112 = tpu.memref_slice %arg4[%mul3A_2] : memref<327680xi32, #tpu.memory_space<hbm>> -> memref<128xi32, #tpu.memory_space<hbm>>
      tpu.wait_dma2 semaphore(%arg15 : memref<!tpu.dma_semaphore, #tpu.memory_space<semaphore_mem>>) src(%dma_wait3A_112 : memref<128xi32, #tpu.memory_space<hbm>>) dst(%dma_wait3A_111 : memref<128xi32, #tpu.memory_space<vmem>>)
      %run_scoped3A_113 = arith.constant 1 : i32
      "tpu.region"() ({
        %run_scoped3A_121 = tpu.sem_alloc : memref<!tpu.dma_semaphore, #tpu.memory_space<semaphore_mem>>
        %dma_start3A_122 = arith.constant 0 : i32
        %dma_start3A_123 = tpu.memref_slice %arg8[%run_scoped3A_113, %dma_start3A_122] : memref<2x128xi32, #tpu.memory_space<vmem>> -> memref<1x128xi32, #tpu.memory_space<vmem>>
        %dma_start3A_124 = tpu.memref_squeeze %dma_start3A_123 : memref<1x128xi32, #tpu.memory_space<vmem>> -> memref<128xi32, #tpu.memory_space<vmem>>
        %dma_start3A_125 = arith.constant 0 : i32
        %dma_start3A_126 = arith.constant 0 : i32
        %dma_start3A_127 = tpu.memref_slice %arg11[%dma_start3A_125, %dma_start3A_126] : memref<10112x128xf32, #tpu.memory_space<vmem_shared>> -> memref<10112x128xf32, #tpu.memory_space<vmem_shared>>
        tpu.enqueue_indirect_dma source(%arg10 : memref<128x128xf32, #tpu.memory_space<vmem>>) target(%dma_start3A_127 : memref<10112x128xf32, #tpu.memory_space<vmem_shared>>) offsets(%dma_start3A_124 : memref<128xi32, #tpu.memory_space<vmem>>) semaphore(%run_scoped3A_121 : memref<!tpu.dma_semaphore, #tpu.memory_space<semaphore_mem>>) {add = true}
        %dma_wait3A_128 = arith.constant 0 : i32
        %dma_wait3A_129 = tpu.memref_slice %arg8[%run_scoped3A_113, %dma_wait3A_128] : memref<2x128xi32, #tpu.memory_space<vmem>> -> memref<1x128xi32, #tpu.memory_space<vmem>>
        %dma_wait3A_130 = tpu.memref_squeeze %dma_wait3A_129 : memref<1x128xi32, #tpu.memory_space<vmem>> -> memref<128xi32, #tpu.memory_space<vmem>>
        %dma_wait3A_131 = arith.constant 0 : i32
        %dma_wait3A_132 = arith.constant 0 : i32
        %dma_wait3A_133 = tpu.memref_slice %arg11[%dma_wait3A_131, %dma_wait3A_132] : memref<10112x128xf32, #tpu.memory_space<vmem_shared>> -> memref<10112x128xf32, #tpu.memory_space<vmem_shared>>
        tpu.wait_indirect_dma semaphore(%run_scoped3A_121 : memref<!tpu.dma_semaphore, #tpu.memory_space<semaphore_mem>>) src(%arg10 : memref<128x128xf32, #tpu.memory_space<vmem>>) dst(%dma_wait3A_133 : memref<10112x128xf32, #tpu.memory_space<vmem_shared>>)
        tpu.yield
      }) : () -> ()
      %add3A_114 = arith.constant 2 : i32
      %add3A_115 = arith.addi %add3A_78, %add3A_114 : i32
      %lt3A_116 = arith.constant 80 : i32
      %lt3A_117 = arith.cmpi slt, %add3A_115, %lt3A_116 : i32
      %convert_element_type3A_118 = arith.extui %lt3A_117 : i1 to i32
      %cond3A_119 = arith.constant 0 : i32
      %cond3A_120 = arith.cmpi ne, %convert_element_type3A_118, %cond3A_119 : i32
      scf.if %cond3A_120 {
        %add3A_121 = arith.constant 2 : i32
        %add3A_122 = arith.addi %add3A_78, %add3A_121 : i32
        %mul3A_123 = arith.constant 128 : i32
        %mul3A_124 = arith.muli %add3A_122, %mul3A_123 : i32
        %dma_start3A_125 = tpu.memref_slice %arg7[%mul3A_124] : memref<10240xi32, #tpu.memory_space<vmem>> -> memref<128xi32, #tpu.memory_space<vmem>>
        %dma_start3A_126 = arith.constant 0 : i32
        %dma_start3A_127 = arith.constant 0 : i32
        %dma_start3A_128 = tpu.memref_slice %arg2[%dma_start3A_126, %dma_start3A_127] : memref<10000x128xf32, #tpu.memory_space<hbm>> -> memref<10000x128xf32, #tpu.memory_space<hbm>>
        tpu.enqueue_indirect_dma source(%dma_start3A_128 : memref<10000x128xf32, #tpu.memory_space<hbm>>) target(%arg10 : memref<128x128xf32, #tpu.memory_space<vmem>>) offsets(%dma_start3A_125 : memref<128xi32, #tpu.memory_space<vmem>>) semaphore(%arg13 : memref<!tpu.dma_semaphore, #tpu.memory_space<semaphore_mem>>)
        %add3A_129 = arith.constant 2 : i32
        %add3A_130 = arith.addi %add3A_78, %add3A_129 : i32
        %mul3A_131 = arith.constant 128 : i32
        %mul3A_132 = arith.muli %add3A_130, %mul3A_131 : i32
        %add3A_133 = arith.addi %mul3A_2, %mul3A_132 : i32
        %dma_start3A_134 = arith.constant 1 : i32
        %dma_start3A_135 = arith.constant 0 : i32
        %dma_start3A_136 = tpu.memref_slice %arg8[%dma_start3A_134, %dma_start3A_135] : memref<2x128xi32, #tpu.memory_space<vmem>> -> memref<1x128xi32, #tpu.memory_space<vmem>>
        %dma_start3A_137 = tpu.memref_squeeze %dma_start3A_136 : memref<1x128xi32, #tpu.memory_space<vmem>> -> memref<128xi32, #tpu.memory_space<vmem>>
        %dma_start3A_138 = tpu.memref_slice %arg4[%add3A_133] : memref<327680xi32, #tpu.memory_space<hbm>> -> memref<128xi32, #tpu.memory_space<hbm>>
        %dma_start3A_139 = arith.constant 0 : i32
        %dma_start3A_140 = tpu.memref_slice %arg8[%dma_start3A_134, %dma_start3A_139] : memref<2x128xi32, #tpu.memory_space<vmem>> -> memref<1x128xi32, #tpu.memory_space<vmem>>
        %dma_start3A_141 = tpu.memref_squeeze %dma_start3A_140 : memref<1x128xi32, #tpu.memory_space<vmem>> -> memref<128xi32, #tpu.memory_space<vmem>>
        %dma_start3A_142 = tpu.memref_slice %arg4[%add3A_133] : memref<327680xi32, #tpu.memory_space<hbm>> -> memref<128xi32, #tpu.memory_space<hbm>>
        tpu.enqueue_dma source(%dma_start3A_142 : memref<128xi32, #tpu.memory_space<hbm>>) target(%dma_start3A_141 : memref<128xi32, #tpu.memory_space<vmem>>) target_semaphore(%arg15 : memref<!tpu.dma_semaphore, #tpu.memory_space<semaphore_mem>>)
      } else {
      }
    }
    %scan3A_62 = arith.constant 40 : i32
    %barrier3A_63 = arith.constant 0 : index
    tpu.barrier barrier_id(%barrier3A_63)
    %lt3A_64 = arith.constant 15 : i32
    %lt3A_65 = arith.cmpi slt, %arg1, %lt3A_64 : i32
    %convert_element_type3A_66 = arith.extui %lt3A_65 : i1 to i32
    %cond3A_67 = arith.constant 0 : i32
    %cond3A_68 = arith.cmpi ne, %convert_element_type3A_66, %cond3A_67 : i32
    scf.if %cond3A_68 {
      %mul3A_74 = arith.constant 632 : i32
      %mul3A_75 = arith.muli %arg1, %mul3A_74 : i32
      %mul3A_76 = arith.constant 632 : i32
      %mul3A_77 = arith.muli %arg1, %mul3A_76 : i32
      "tpu.region"() ({
        %run_scoped3A = tpu.sem_alloc : memref<!tpu.dma_semaphore, #tpu.memory_space<semaphore_mem>>
        %dma_start3A_78 = arith.constant 0 : i32
        %dma_start3A_79 = tpu.memref_slice %arg6[%arg0, %mul3A_77, %dma_start3A_78] : memref<2x10000x128xf32, #tpu.memory_space<hbm>> -> memref<1x632x128xf32, #tpu.memory_space<hbm>>
        %dma_start3A_80 = tpu.memref_squeeze %dma_start3A_79 : memref<1x632x128xf32, #tpu.memory_space<hbm>> -> memref<632x128xf32, #tpu.memory_space<hbm>>
        %dma_start3A_81 = arith.constant 0 : i32
        %dma_start3A_82 = tpu.memref_slice %arg11[%mul3A_75, %dma_start3A_81] : memref<10112x128xf32, #tpu.memory_space<vmem_shared>> -> memref<632x128xf32, #tpu.memory_space<vmem_shared>>
        tpu.enqueue_dma source(%dma_start3A_82 : memref<632x128xf32, #tpu.memory_space<vmem_shared>>) target(%dma_start3A_80 : memref<632x128xf32, #tpu.memory_space<hbm>>) target_semaphore(%run_scoped3A : memref<!tpu.dma_semaphore, #tpu.memory_space<semaphore_mem>>)
        %dma_wait3A = arith.constant 0 : i32
        %dma_wait3A_83 = tpu.memref_slice %arg6[%arg0, %mul3A_77, %dma_wait3A] : memref<2x10000x128xf32, #tpu.memory_space<hbm>> -> memref<1x632x128xf32, #tpu.memory_space<hbm>>
        %dma_wait3A_84 = tpu.memref_squeeze %dma_wait3A_83 : memref<1x632x128xf32, #tpu.memory_space<hbm>> -> memref<632x128xf32, #tpu.memory_space<hbm>>
        %dma_wait3A_85 = arith.constant 0 : i32
        %dma_wait3A_86 = tpu.memref_slice %arg11[%mul3A_75, %dma_wait3A_85] : memref<10112x128xf32, #tpu.memory_space<vmem_shared>> -> memref<632x128xf32, #tpu.memory_space<vmem_shared>>
        tpu.wait_dma2 semaphore(%run_scoped3A : memref<!tpu.dma_semaphore, #tpu.memory_space<semaphore_mem>>) src(%dma_wait3A_86 : memref<632x128xf32, #tpu.memory_space<vmem_shared>>) dst(%dma_wait3A_84 : memref<632x128xf32, #tpu.memory_space<hbm>>)
        tpu.yield
      }) : () -> ()
    } else {
    }
    %eq3A_69 = arith.constant 15 : i32
    %eq3A_70 = arith.cmpi eq, %arg1, %eq3A_69 : i32
    %convert_element_type3A_71 = arith.extui %eq3A_70 : i1 to i32
    %cond3A_72 = arith.constant 0 : i32
    %cond3A_73 = arith.cmpi ne, %convert_element_type3A_71, %cond3A_72 : i32
    scf.if %cond3A_73 {
      %mul3A_74 = arith.constant 632 : i32
      %mul3A_75 = arith.muli %arg1, %mul3A_74 : i32
      %mul3A_76 = arith.constant 632 : i32
      %mul3A_77 = arith.muli %arg1, %mul3A_76 : i32
      "tpu.region"() ({
        %run_scoped3A = tpu.sem_alloc : memref<!tpu.dma_semaphore, #tpu.memory_space<semaphore_mem>>
        %dma_start3A_78 = arith.constant 0 : i32
        %dma_start3A_79 = tpu.memref_slice %arg6[%arg0, %mul3A_77, %dma_start3A_78] : memref<2x10000x128xf32, #tpu.memory_space<hbm>> -> memref<1x520x128xf32, #tpu.memory_space<hbm>>
        %dma_start3A_80 = tpu.memref_squeeze %dma_start3A_79 : memref<1x520x128xf32, #tpu.memory_space<hbm>> -> memref<520x128xf32, #tpu.memory_space<hbm>>
        %dma_start3A_81 = arith.constant 0 : i32
        %dma_start3A_82 = tpu.memref_slice %arg11[%mul3A_75, %dma_start3A_81] : memref<10112x128xf32, #tpu.memory_space<vmem_shared>> -> memref<520x128xf32, #tpu.memory_space<vmem_shared>>
        tpu.enqueue_dma source(%dma_start3A_82 : memref<520x128xf32, #tpu.memory_space<vmem_shared>>) target(%dma_start3A_80 : memref<520x128xf32, #tpu.memory_space<hbm>>) target_semaphore(%run_scoped3A : memref<!tpu.dma_semaphore, #tpu.memory_space<semaphore_mem>>)
        %dma_wait3A = arith.constant 0 : i32
        %dma_wait3A_83 = tpu.memref_slice %arg6[%arg0, %mul3A_77, %dma_wait3A] : memref<2x10000x128xf32, #tpu.memory_space<hbm>> -> memref<1x520x128xf32, #tpu.memory_space<hbm>>
        %dma_wait3A_84 = tpu.memref_squeeze %dma_wait3A_83 : memref<1x520x128xf32, #tpu.memory_space<hbm>> -> memref<520x128xf32, #tpu.memory_space<hbm>>
        %dma_wait3A_85 = arith.constant 0 : i32
        %dma_wait3A_86 = tpu.memref_slice %arg11[%mul3A_75, %dma_wait3A_85] : memref<10112x128xf32, #tpu.memory_space<vmem_shared>> -> memref<520x128xf32, #tpu.memory_space<vmem_shared>>
        tpu.wait_dma2 semaphore(%run_scoped3A : memref<!tpu.dma_semaphore, #tpu.memory_space<semaphore_mem>>) src(%dma_wait3A_86 : memref<520x128xf32, #tpu.memory_space<vmem_shared>>) dst(%dma_wait3A_84 : memref<520x128xf32, #tpu.memory_space<hbm>>)
        tpu.yield
      }) : () -> ()
    } else {
    }
    return
  }
}

#map = affine_map<(d0, d1) -> (0, 0)>
#map1 = affine_map<(d0, d1) -> (0)>
#map2 = affine_map<(d0, d1) -> (0, 0, 0)>
module attributes {stable_mosaic.version = 14 : i64} {
  func.func @_agg(%arg0: i32, %arg1: i32, %arg2: memref<10000x128xf32, #tpu.memory_space<hbm>>, %arg3: memref<327680xi32, #tpu.memory_space<hbm>>, %arg4: memref<327680xi32, #tpu.memory_space<hbm>>, %arg5: memref<632x128xf32, #tpu.memory_space<hbm>>, %arg6: memref<2x10000x128xf32, #tpu.memory_space<hbm>>, %arg7: memref<10240xi32, #tpu.memory_space<vmem>>, %arg8: memref<2x128xi32, #tpu.memory_space<vmem>>, %arg9: memref<128x128xf32, #tpu.memory_space<vmem>>, %arg10: memref<128x128xf32, #tpu.memory_space<vmem>>, %arg11: memref<10112x128xf32, #tpu.memory_space<vmem_shared>>, %arg12: memref<!tpu.dma_semaphore, #tpu.memory_space<semaphore_mem>>, %arg13: memref<!tpu.dma_semaphore, #tpu.memory_space<semaphore_mem>>, %arg14: memref<!tpu.dma_semaphore, #tpu.memory_space<semaphore_mem>>, %arg15: memref<!tpu.dma_semaphore, #tpu.memory_space<semaphore_mem>>) attributes {dimension_semantics = [#tpu.dimension_semantics<core_parallel>, #tpu.dimension_semantics<subcore_parallel>], iteration_bounds = array<i64: 2, 16>, scalar_prefetch = 0 : i64, scratch_operands = 9 : i64, tpu.core_type = #tpu.core_type<sc_vector_subcore>, window_params = [{transform_indices = #map}, {transform_indices = #map1}, {transform_indices = #map1}, {transform_indices = #map}, {transform_indices = #map2}]} {
    %mul3A = arith.constant 2 : i32
    %mul3A_0 = arith.muli %arg1, %mul3A : i32
    %add3A = arith.addi %mul3A_0, %arg0 : i32
    %mul3A_1 = arith.constant 10240 : i32
    %mul3A_2 = arith.muli %add3A, %mul3A_1 : i32
    "tpu.region"() ({
      %run_scoped3A = tpu.sem_alloc : memref<!tpu.dma_semaphore, #tpu.memory_space<semaphore_mem>>
      %dma_start3A_74 = tpu.memref_slice %arg3[%mul3A_2] : memref<327680xi32, #tpu.memory_space<hbm>> -> memref<10240xi32, #tpu.memory_space<hbm>>
      %dma_start3A_75 = tpu.memref_slice %arg3[%mul3A_2] : memref<327680xi32, #tpu.memory_space<hbm>> -> memref<10240xi32, #tpu.memory_space<hbm>>
      tpu.enqueue_dma source(%dma_start3A_75 : memref<10240xi32, #tpu.memory_space<hbm>>) target(%arg7 : memref<10240xi32, #tpu.memory_space<vmem>>) target_semaphore(%run_scoped3A : memref<!tpu.dma_semaphore, #tpu.memory_space<semaphore_mem>>)
      %dma_wait3A = tpu.memref_slice %arg3[%mul3A_2] : memref<327680xi32, #tpu.memory_space<hbm>> -> memref<10240xi32, #tpu.memory_space<hbm>>
      %dma_wait3A_76 = tpu.memref_slice %arg3[%mul3A_2] : memref<327680xi32, #tpu.memory_space<hbm>> -> memref<10240xi32, #tpu.memory_space<hbm>>
      tpu.wait_dma2 semaphore(%run_scoped3A : memref<!tpu.dma_semaphore, #tpu.memory_space<semaphore_mem>>) src(%dma_wait3A_76 : memref<10240xi32, #tpu.memory_space<hbm>>) dst(%arg7 : memref<10240xi32, #tpu.memory_space<vmem>>)
      tpu.yield
    }) : () -> ()
    %eq3A = arith.constant 0 : i32
    %eq3A_3 = arith.cmpi eq, %arg0, %eq3A : i32
    %lt3A = arith.constant 15 : i32
    %lt3A_4 = arith.cmpi slt, %arg1, %lt3A : i32
    %and3A = arith.andi %eq3A_3, %lt3A_4 : i1
    %convert_element_type3A = arith.extui %and3A : i1 to i32
    %cond3A = arith.constant 0 : i32
    %cond3A_5 = arith.cmpi ne, %convert_element_type3A, %cond3A : i32
    scf.if %cond3A_5 {
      %mul3A_74 = arith.constant 632 : i32
      %mul3A_75 = arith.muli %arg1, %mul3A_74 : i32
      %mul3A_76 = arith.constant 632 : i32
      %mul3A_77 = arith.muli %arg1, %mul3A_76 : i32
      "tpu.region"() ({
        %run_scoped3A = tpu.sem_alloc : memref<!tpu.dma_semaphore, #tpu.memory_space<semaphore_mem>>
        %dma_start3A_78 = arith.constant 0 : i32
        %dma_start3A_79 = tpu.memref_slice %arg11[%mul3A_77, %dma_start3A_78] : memref<10112x128xf32, #tpu.memory_space<vmem_shared>> -> memref<632x128xf32, #tpu.memory_space<vmem_shared>>
        %dma_start3A_80 = arith.constant 0 : i32
        %dma_start3A_81 = tpu.memref_slice %arg2[%mul3A_75, %dma_start3A_80] : memref<10000x128xf32, #tpu.memory_space<hbm>> -> memref<632x128xf32, #tpu.memory_space<hbm>>
        tpu.enqueue_dma source(%dma_start3A_81 : memref<632x128xf32, #tpu.memory_space<hbm>>) target(%dma_start3A_79 : memref<632x128xf32, #tpu.memory_space<vmem_shared>>) target_semaphore(%run_scoped3A : memref<!tpu.dma_semaphore, #tpu.memory_space<semaphore_mem>>)
        %dma_wait3A = arith.constant 0 : i32
        %dma_wait3A_82 = tpu.memref_slice %arg11[%mul3A_77, %dma_wait3A] : memref<10112x128xf32, #tpu.memory_space<vmem_shared>> -> memref<632x128xf32, #tpu.memory_space<vmem_shared>>
        %dma_wait3A_83 = arith.constant 0 : i32
        %dma_wait3A_84 = tpu.memref_slice %arg2[%mul3A_75, %dma_wait3A_83] : memref<10000x128xf32, #tpu.memory_space<hbm>> -> memref<632x128xf32, #tpu.memory_space<hbm>>
        tpu.wait_dma2 semaphore(%run_scoped3A : memref<!tpu.dma_semaphore, #tpu.memory_space<semaphore_mem>>) src(%dma_wait3A_84 : memref<632x128xf32, #tpu.memory_space<hbm>>) dst(%dma_wait3A_82 : memref<632x128xf32, #tpu.memory_space<vmem_shared>>)
        tpu.yield
      }) : () -> ()
    } else {
    }
    %eq3A_6 = arith.constant 0 : i32
    %eq3A_7 = arith.cmpi eq, %arg0, %eq3A_6 : i32
    %eq3A_8 = arith.constant 15 : i32
    %eq3A_9 = arith.cmpi eq, %arg1, %eq3A_8 : i32
    %and3A_10 = arith.andi %eq3A_7, %eq3A_9 : i1
    %convert_element_type3A_11 = arith.extui %and3A_10 : i1 to i32
    %cond3A_12 = arith.constant 0 : i32
    %cond3A_13 = arith.cmpi ne, %convert_element_type3A_11, %cond3A_12 : i32
    scf.if %cond3A_13 {
      %mul3A_74 = arith.constant 632 : i32
      %mul3A_75 = arith.muli %arg1, %mul3A_74 : i32
      %mul3A_76 = arith.constant 632 : i32
      %mul3A_77 = arith.muli %arg1, %mul3A_76 : i32
      "tpu.region"() ({
        %run_scoped3A = tpu.sem_alloc : memref<!tpu.dma_semaphore, #tpu.memory_space<semaphore_mem>>
        %dma_start3A_78 = arith.constant 0 : i32
        %dma_start3A_79 = tpu.memref_slice %arg11[%mul3A_77, %dma_start3A_78] : memref<10112x128xf32, #tpu.memory_space<vmem_shared>> -> memref<520x128xf32, #tpu.memory_space<vmem_shared>>
        %dma_start3A_80 = arith.constant 0 : i32
        %dma_start3A_81 = tpu.memref_slice %arg2[%mul3A_75, %dma_start3A_80] : memref<10000x128xf32, #tpu.memory_space<hbm>> -> memref<520x128xf32, #tpu.memory_space<hbm>>
        tpu.enqueue_dma source(%dma_start3A_81 : memref<520x128xf32, #tpu.memory_space<hbm>>) target(%dma_start3A_79 : memref<520x128xf32, #tpu.memory_space<vmem_shared>>) target_semaphore(%run_scoped3A : memref<!tpu.dma_semaphore, #tpu.memory_space<semaphore_mem>>)
        %dma_wait3A = arith.constant 0 : i32
        %dma_wait3A_82 = tpu.memref_slice %arg11[%mul3A_77, %dma_wait3A] : memref<10112x128xf32, #tpu.memory_space<vmem_shared>> -> memref<520x128xf32, #tpu.memory_space<vmem_shared>>
        %dma_wait3A_83 = arith.constant 0 : i32
        %dma_wait3A_84 = tpu.memref_slice %arg2[%mul3A_75, %dma_wait3A_83] : memref<10000x128xf32, #tpu.memory_space<hbm>> -> memref<520x128xf32, #tpu.memory_space<hbm>>
        tpu.wait_dma2 semaphore(%run_scoped3A : memref<!tpu.dma_semaphore, #tpu.memory_space<semaphore_mem>>) src(%dma_wait3A_84 : memref<520x128xf32, #tpu.memory_space<hbm>>) dst(%dma_wait3A_82 : memref<520x128xf32, #tpu.memory_space<vmem_shared>>)
        tpu.yield
      }) : () -> ()
    } else {
    }
    %ne3A = arith.constant 0 : i32
    %ne3A_14 = arith.cmpi ne, %arg0, %ne3A : i32
    %lt3A_15 = arith.constant 15 : i32
    %lt3A_16 = arith.cmpi slt, %arg1, %lt3A_15 : i32
    %and3A_17 = arith.andi %ne3A_14, %lt3A_16 : i1
    %convert_element_type3A_18 = arith.extui %and3A_17 : i1 to i32
    %cond3A_19 = arith.constant 0 : i32
    %cond3A_20 = arith.cmpi ne, %convert_element_type3A_18, %cond3A_19 : i32
    scf.if %cond3A_20 {
      %mul3A_74 = arith.constant 632 : i32
      %mul3A_75 = arith.muli %arg1, %mul3A_74 : i32
      "tpu.region"() ({
        %run_scoped3A = tpu.sem_alloc : memref<!tpu.dma_semaphore, #tpu.memory_space<semaphore_mem>>
        %dma_start3A_76 = arith.constant 0 : i32
        %dma_start3A_77 = tpu.memref_slice %arg11[%mul3A_75, %dma_start3A_76] : memref<10112x128xf32, #tpu.memory_space<vmem_shared>> -> memref<632x128xf32, #tpu.memory_space<vmem_shared>>
        tpu.enqueue_dma source(%arg5 : memref<632x128xf32, #tpu.memory_space<hbm>>) target(%dma_start3A_77 : memref<632x128xf32, #tpu.memory_space<vmem_shared>>) target_semaphore(%run_scoped3A : memref<!tpu.dma_semaphore, #tpu.memory_space<semaphore_mem>>)
        %dma_wait3A = arith.constant 0 : i32
        %dma_wait3A_78 = tpu.memref_slice %arg11[%mul3A_75, %dma_wait3A] : memref<10112x128xf32, #tpu.memory_space<vmem_shared>> -> memref<632x128xf32, #tpu.memory_space<vmem_shared>>
        tpu.wait_dma2 semaphore(%run_scoped3A : memref<!tpu.dma_semaphore, #tpu.memory_space<semaphore_mem>>) src(%arg5 : memref<632x128xf32, #tpu.memory_space<hbm>>) dst(%dma_wait3A_78 : memref<632x128xf32, #tpu.memory_space<vmem_shared>>)
        tpu.yield
      }) : () -> ()
    } else {
    }
    %ne3A_21 = arith.constant 0 : i32
    %ne3A_22 = arith.cmpi ne, %arg0, %ne3A_21 : i32
    %eq3A_23 = arith.constant 15 : i32
    %eq3A_24 = arith.cmpi eq, %arg1, %eq3A_23 : i32
    %and3A_25 = arith.andi %ne3A_22, %eq3A_24 : i1
    %convert_element_type3A_26 = arith.extui %and3A_25 : i1 to i32
    %cond3A_27 = arith.constant 0 : i32
    %cond3A_28 = arith.cmpi ne, %convert_element_type3A_26, %cond3A_27 : i32
    scf.if %cond3A_28 {
      %mul3A_74 = arith.constant 632 : i32
      %mul3A_75 = arith.muli %arg1, %mul3A_74 : i32
      "tpu.region"() ({
        %run_scoped3A = tpu.sem_alloc : memref<!tpu.dma_semaphore, #tpu.memory_space<semaphore_mem>>
        %dma_start3A_76 = arith.constant 0 : i32
        %dma_start3A_77 = tpu.memref_slice %arg11[%mul3A_75, %dma_start3A_76] : memref<10112x128xf32, #tpu.memory_space<vmem_shared>> -> memref<520x128xf32, #tpu.memory_space<vmem_shared>>
        %dma_start3A_78 = arith.constant 0 : i32
        %dma_start3A_79 = arith.constant 0 : i32
        %dma_start3A_80 = tpu.memref_slice %arg5[%dma_start3A_78, %dma_start3A_79] : memref<632x128xf32, #tpu.memory_space<hbm>> -> memref<520x128xf32, #tpu.memory_space<hbm>>
        tpu.enqueue_dma source(%dma_start3A_80 : memref<520x128xf32, #tpu.memory_space<hbm>>) target(%dma_start3A_77 : memref<520x128xf32, #tpu.memory_space<vmem_shared>>) target_semaphore(%run_scoped3A : memref<!tpu.dma_semaphore, #tpu.memory_space<semaphore_mem>>)
        %dma_wait3A = arith.constant 0 : i32
        %dma_wait3A_81 = tpu.memref_slice %arg11[%mul3A_75, %dma_wait3A] : memref<10112x128xf32, #tpu.memory_space<vmem_shared>> -> memref<520x128xf32, #tpu.memory_space<vmem_shared>>
        %dma_wait3A_82 = arith.constant 0 : i32
        %dma_wait3A_83 = arith.constant 0 : i32
        %dma_wait3A_84 = tpu.memref_slice %arg5[%dma_wait3A_82, %dma_wait3A_83] : memref<632x128xf32, #tpu.memory_space<hbm>> -> memref<520x128xf32, #tpu.memory_space<hbm>>
        tpu.wait_dma2 semaphore(%run_scoped3A : memref<!tpu.dma_semaphore, #tpu.memory_space<semaphore_mem>>) src(%dma_wait3A_84 : memref<520x128xf32, #tpu.memory_space<hbm>>) dst(%dma_wait3A_81 : memref<520x128xf32, #tpu.memory_space<vmem_shared>>)
        tpu.yield
      }) : () -> ()
    } else {
    }
    %barrier3A = arith.constant 0 : index
    tpu.barrier barrier_id(%barrier3A)
    %dma_start3A = arith.constant 0 : i32
    %dma_start3A_29 = arith.constant 0 : i32
    %dma_start3A_30 = tpu.memref_slice %arg8[%dma_start3A, %dma_start3A_29] : memref<2x128xi32, #tpu.memory_space<vmem>> -> memref<1x128xi32, #tpu.memory_space<vmem>>
    %dma_start3A_31 = tpu.memref_squeeze %dma_start3A_30 : memref<1x128xi32, #tpu.memory_space<vmem>> -> memref<128xi32, #tpu.memory_space<vmem>>
    %dma_start3A_32 = tpu.memref_slice %arg4[%mul3A_2] : memref<327680xi32, #tpu.memory_space<hbm>> -> memref<128xi32, #tpu.memory_space<hbm>>
    %dma_start3A_33 = arith.constant 0 : i32
    %dma_start3A_34 = tpu.memref_slice %arg8[%dma_start3A, %dma_start3A_33] : memref<2x128xi32, #tpu.memory_space<vmem>> -> memref<1x128xi32, #tpu.memory_space<vmem>>
    %dma_start3A_35 = tpu.memref_squeeze %dma_start3A_34 : memref<1x128xi32, #tpu.memory_space<vmem>> -> memref<128xi32, #tpu.memory_space<vmem>>
    %dma_start3A_36 = tpu.memref_slice %arg4[%mul3A_2] : memref<327680xi32, #tpu.memory_space<hbm>> -> memref<128xi32, #tpu.memory_space<hbm>>
    tpu.enqueue_dma source(%dma_start3A_36 : memref<128xi32, #tpu.memory_space<hbm>>) target(%dma_start3A_35 : memref<128xi32, #tpu.memory_space<vmem>>) target_semaphore(%arg14 : memref<!tpu.dma_semaphore, #tpu.memory_space<semaphore_mem>>)
    %add3A_37 = arith.constant 128 : i32
    %add3A_38 = arith.addi %mul3A_2, %add3A_37 : i32
    %dma_start3A_39 = arith.constant 1 : i32
    %dma_start3A_40 = arith.constant 0 : i32
    %dma_start3A_41 = tpu.memref_slice %arg8[%dma_start3A_39, %dma_start3A_40] : memref<2x128xi32, #tpu.memory_space<vmem>> -> memref<1x128xi32, #tpu.memory_space<vmem>>
    %dma_start3A_42 = tpu.memref_squeeze %dma_start3A_41 : memref<1x128xi32, #tpu.memory_space<vmem>> -> memref<128xi32, #tpu.memory_space<vmem>>
    %dma_start3A_43 = tpu.memref_slice %arg4[%add3A_38] : memref<327680xi32, #tpu.memory_space<hbm>> -> memref<128xi32, #tpu.memory_space<hbm>>
    %dma_start3A_44 = arith.constant 0 : i32
    %dma_start3A_45 = tpu.memref_slice %arg8[%dma_start3A_39, %dma_start3A_44] : memref<2x128xi32, #tpu.memory_space<vmem>> -> memref<1x128xi32, #tpu.memory_space<vmem>>
    %dma_start3A_46 = tpu.memref_squeeze %dma_start3A_45 : memref<1x128xi32, #tpu.memory_space<vmem>> -> memref<128xi32, #tpu.memory_space<vmem>>
    %dma_start3A_47 = tpu.memref_slice %arg4[%add3A_38] : memref<327680xi32, #tpu.memory_space<hbm>> -> memref<128xi32, #tpu.memory_space<hbm>>
    tpu.enqueue_dma source(%dma_start3A_47 : memref<128xi32, #tpu.memory_space<hbm>>) target(%dma_start3A_46 : memref<128xi32, #tpu.memory_space<vmem>>) target_semaphore(%arg15 : memref<!tpu.dma_semaphore, #tpu.memory_space<semaphore_mem>>)
    %dma_start3A_48 = arith.constant 0 : i32
    %dma_start3A_49 = tpu.memref_slice %arg7[%dma_start3A_48] : memref<10240xi32, #tpu.memory_space<vmem>> -> memref<128xi32, #tpu.memory_space<vmem>>
    %dma_start3A_50 = arith.constant 0 : i32
    %dma_start3A_51 = arith.constant 0 : i32
    %dma_start3A_52 = tpu.memref_slice %arg2[%dma_start3A_50, %dma_start3A_51] : memref<10000x128xf32, #tpu.memory_space<hbm>> -> memref<10000x128xf32, #tpu.memory_space<hbm>>
    tpu.enqueue_indirect_dma source(%dma_start3A_52 : memref<10000x128xf32, #tpu.memory_space<hbm>>) target(%arg9 : memref<128x128xf32, #tpu.memory_space<vmem>>) offsets(%dma_start3A_49 : memref<128xi32, #tpu.memory_space<vmem>>) semaphore(%arg12 : memref<!tpu.dma_semaphore, #tpu.memory_space<semaphore_mem>>)
    %dma_start3A_53 = arith.constant 128 : i32
    %dma_start3A_54 = tpu.memref_slice %arg7[%dma_start3A_53] : memref<10240xi32, #tpu.memory_space<vmem>> -> memref<128xi32, #tpu.memory_space<vmem>>
    %dma_start3A_55 = arith.constant 0 : i32
    %dma_start3A_56 = arith.constant 0 : i32
    %dma_start3A_57 = tpu.memref_slice %arg2[%dma_start3A_55, %dma_start3A_56] : memref<10000x128xf32, #tpu.memory_space<hbm>> -> memref<10000x128xf32, #tpu.memory_space<hbm>>
    tpu.enqueue_indirect_dma source(%dma_start3A_57 : memref<10000x128xf32, #tpu.memory_space<hbm>>) target(%arg10 : memref<128x128xf32, #tpu.memory_space<vmem>>) offsets(%dma_start3A_54 : memref<128xi32, #tpu.memory_space<vmem>>) semaphore(%arg13 : memref<!tpu.dma_semaphore, #tpu.memory_space<semaphore_mem>>)
    %scan3A = arith.constant 0 : i32
    %scan3A_58 = arith.constant 0 : i32
    %scan3A_59 = arith.constant 40 : i32
    %scan3A_60 = arith.addi %scan3A_58, %scan3A_59 : i32
    %scan3A_61 = arith.constant 1 : i32
    scf.for %scan3A_74 = %scan3A_58 to %scan3A_60 step %scan3A_61  : i32 {
      %mul3A_75 = arith.constant 2 : i32
      %mul3A_76 = arith.muli %mul3A_75, %scan3A_74 : i32
      %add3A_77 = arith.constant 1 : i32
      %add3A_78 = arith.addi %mul3A_76, %add3A_77 : i32
      %dma_wait3A = arith.constant 0 : i32
      %dma_wait3A_79 = tpu.memref_slice %arg7[%dma_wait3A] : memref<10240xi32, #tpu.memory_space<vmem>> -> memref<128xi32, #tpu.memory_space<vmem>>
      %dma_wait3A_80 = arith.constant 0 : i32
      %dma_wait3A_81 = arith.constant 0 : i32
      %dma_wait3A_82 = tpu.memref_slice %arg2[%dma_wait3A_80, %dma_wait3A_81] : memref<10000x128xf32, #tpu.memory_space<hbm>> -> memref<10000x128xf32, #tpu.memory_space<hbm>>
      tpu.wait_indirect_dma semaphore(%arg12 : memref<!tpu.dma_semaphore, #tpu.memory_space<semaphore_mem>>) src(%dma_wait3A_82 : memref<10000x128xf32, #tpu.memory_space<hbm>>) dst(%arg9 : memref<128x128xf32, #tpu.memory_space<vmem>>)
      %dma_wait3A_83 = arith.constant 0 : i32
      %dma_wait3A_84 = arith.constant 0 : i32
      %dma_wait3A_85 = tpu.memref_slice %arg8[%dma_wait3A_83, %dma_wait3A_84] : memref<2x128xi32, #tpu.memory_space<vmem>> -> memref<1x128xi32, #tpu.memory_space<vmem>>
      %dma_wait3A_86 = tpu.memref_squeeze %dma_wait3A_85 : memref<1x128xi32, #tpu.memory_space<vmem>> -> memref<128xi32, #tpu.memory_space<vmem>>
      %dma_wait3A_87 = tpu.memref_slice %arg4[%mul3A_2] : memref<327680xi32, #tpu.memory_space<hbm>> -> memref<128xi32, #tpu.memory_space<hbm>>
      %dma_wait3A_88 = arith.constant 0 : i32
      %dma_wait3A_89 = tpu.memref_slice %arg8[%dma_wait3A_83, %dma_wait3A_88] : memref<2x128xi32, #tpu.memory_space<vmem>> -> memref<1x128xi32, #tpu.memory_space<vmem>>
      %dma_wait3A_90 = tpu.memref_squeeze %dma_wait3A_89 : memref<1x128xi32, #tpu.memory_space<vmem>> -> memref<128xi32, #tpu.memory_space<vmem>>
      %dma_wait3A_91 = tpu.memref_slice %arg4[%mul3A_2] : memref<327680xi32, #tpu.memory_space<hbm>> -> memref<128xi32, #tpu.memory_space<hbm>>
      tpu.wait_dma2 semaphore(%arg14 : memref<!tpu.dma_semaphore, #tpu.memory_space<semaphore_mem>>) src(%dma_wait3A_91 : memref<128xi32, #tpu.memory_space<hbm>>) dst(%dma_wait3A_90 : memref<128xi32, #tpu.memory_space<vmem>>)
      %run_scoped3A = arith.constant 0 : i32
      "tpu.region"() ({
        %run_scoped3A_121 = tpu.sem_alloc : memref<!tpu.dma_semaphore, #tpu.memory_space<semaphore_mem>>
        %dma_start3A_122 = arith.constant 0 : i32
        %dma_start3A_123 = tpu.memref_slice %arg8[%run_scoped3A, %dma_start3A_122] : memref<2x128xi32, #tpu.memory_space<vmem>> -> memref<1x128xi32, #tpu.memory_space<vmem>>
        %dma_start3A_124 = tpu.memref_squeeze %dma_start3A_123 : memref<1x128xi32, #tpu.memory_space<vmem>> -> memref<128xi32, #tpu.memory_space<vmem>>
        %dma_start3A_125 = arith.constant 0 : i32
        %dma_start3A_126 = arith.constant 0 : i32
        %dma_start3A_127 = tpu.memref_slice %arg11[%dma_start3A_125, %dma_start3A_126] : memref<10112x128xf32, #tpu.memory_space<vmem_shared>> -> memref<10112x128xf32, #tpu.memory_space<vmem_shared>>
        tpu.enqueue_indirect_dma source(%arg9 : memref<128x128xf32, #tpu.memory_space<vmem>>) target(%dma_start3A_127 : memref<10112x128xf32, #tpu.memory_space<vmem_shared>>) offsets(%dma_start3A_124 : memref<128xi32, #tpu.memory_space<vmem>>) semaphore(%run_scoped3A_121 : memref<!tpu.dma_semaphore, #tpu.memory_space<semaphore_mem>>) {add = true}
        %dma_wait3A_128 = arith.constant 0 : i32
        %dma_wait3A_129 = tpu.memref_slice %arg8[%run_scoped3A, %dma_wait3A_128] : memref<2x128xi32, #tpu.memory_space<vmem>> -> memref<1x128xi32, #tpu.memory_space<vmem>>
        %dma_wait3A_130 = tpu.memref_squeeze %dma_wait3A_129 : memref<1x128xi32, #tpu.memory_space<vmem>> -> memref<128xi32, #tpu.memory_space<vmem>>
        %dma_wait3A_131 = arith.constant 0 : i32
        %dma_wait3A_132 = arith.constant 0 : i32
        %dma_wait3A_133 = tpu.memref_slice %arg11[%dma_wait3A_131, %dma_wait3A_132] : memref<10112x128xf32, #tpu.memory_space<vmem_shared>> -> memref<10112x128xf32, #tpu.memory_space<vmem_shared>>
        tpu.wait_indirect_dma semaphore(%run_scoped3A_121 : memref<!tpu.dma_semaphore, #tpu.memory_space<semaphore_mem>>) src(%arg9 : memref<128x128xf32, #tpu.memory_space<vmem>>) dst(%dma_wait3A_133 : memref<10112x128xf32, #tpu.memory_space<vmem_shared>>)
        tpu.yield
      }) : () -> ()
      %add3A_92 = arith.constant 2 : i32
      %add3A_93 = arith.addi %mul3A_76, %add3A_92 : i32
      %lt3A_94 = arith.constant 80 : i32
      %lt3A_95 = arith.cmpi slt, %add3A_93, %lt3A_94 : i32
      %convert_element_type3A_96 = arith.extui %lt3A_95 : i1 to i32
      %cond3A_97 = arith.constant 0 : i32
      %cond3A_98 = arith.cmpi ne, %convert_element_type3A_96, %cond3A_97 : i32
      scf.if %cond3A_98 {
        %add3A_121 = arith.constant 2 : i32
        %add3A_122 = arith.addi %mul3A_76, %add3A_121 : i32
        %mul3A_123 = arith.constant 128 : i32
        %mul3A_124 = arith.muli %add3A_122, %mul3A_123 : i32
        %dma_start3A_125 = tpu.memref_slice %arg7[%mul3A_124] : memref<10240xi32, #tpu.memory_space<vmem>> -> memref<128xi32, #tpu.memory_space<vmem>>
        %dma_start3A_126 = arith.constant 0 : i32
        %dma_start3A_127 = arith.constant 0 : i32
        %dma_start3A_128 = tpu.memref_slice %arg2[%dma_start3A_126, %dma_start3A_127] : memref<10000x128xf32, #tpu.memory_space<hbm>> -> memref<10000x128xf32, #tpu.memory_space<hbm>>
        tpu.enqueue_indirect_dma source(%dma_start3A_128 : memref<10000x128xf32, #tpu.memory_space<hbm>>) target(%arg9 : memref<128x128xf32, #tpu.memory_space<vmem>>) offsets(%dma_start3A_125 : memref<128xi32, #tpu.memory_space<vmem>>) semaphore(%arg12 : memref<!tpu.dma_semaphore, #tpu.memory_space<semaphore_mem>>)
        %add3A_129 = arith.constant 2 : i32
        %add3A_130 = arith.addi %mul3A_76, %add3A_129 : i32
        %mul3A_131 = arith.constant 128 : i32
        %mul3A_132 = arith.muli %add3A_130, %mul3A_131 : i32
        %add3A_133 = arith.addi %mul3A_2, %mul3A_132 : i32
        %dma_start3A_134 = arith.constant 0 : i32
        %dma_start3A_135 = arith.constant 0 : i32
        %dma_start3A_136 = tpu.memref_slice %arg8[%dma_start3A_134, %dma_start3A_135] : memref<2x128xi32, #tpu.memory_space<vmem>> -> memref<1x128xi32, #tpu.memory_space<vmem>>
        %dma_start3A_137 = tpu.memref_squeeze %dma_start3A_136 : memref<1x128xi32, #tpu.memory_space<vmem>> -> memref<128xi32, #tpu.memory_space<vmem>>
        %dma_start3A_138 = tpu.memref_slice %arg4[%add3A_133] : memref<327680xi32, #tpu.memory_space<hbm>> -> memref<128xi32, #tpu.memory_space<hbm>>
        %dma_start3A_139 = arith.constant 0 : i32
        %dma_start3A_140 = tpu.memref_slice %arg8[%dma_start3A_134, %dma_start3A_139] : memref<2x128xi32, #tpu.memory_space<vmem>> -> memref<1x128xi32, #tpu.memory_space<vmem>>
        %dma_start3A_141 = tpu.memref_squeeze %dma_start3A_140 : memref<1x128xi32, #tpu.memory_space<vmem>> -> memref<128xi32, #tpu.memory_space<vmem>>
        %dma_start3A_142 = tpu.memref_slice %arg4[%add3A_133] : memref<327680xi32, #tpu.memory_space<hbm>> -> memref<128xi32, #tpu.memory_space<hbm>>
        tpu.enqueue_dma source(%dma_start3A_142 : memref<128xi32, #tpu.memory_space<hbm>>) target(%dma_start3A_141 : memref<128xi32, #tpu.memory_space<vmem>>) target_semaphore(%arg14 : memref<!tpu.dma_semaphore, #tpu.memory_space<semaphore_mem>>)
      } else {
      }
      %dma_wait3A_99 = arith.constant 0 : i32
      %dma_wait3A_100 = tpu.memref_slice %arg7[%dma_wait3A_99] : memref<10240xi32, #tpu.memory_space<vmem>> -> memref<128xi32, #tpu.memory_space<vmem>>
      %dma_wait3A_101 = arith.constant 0 : i32
      %dma_wait3A_102 = arith.constant 0 : i32
      %dma_wait3A_103 = tpu.memref_slice %arg2[%dma_wait3A_101, %dma_wait3A_102] : memref<10000x128xf32, #tpu.memory_space<hbm>> -> memref<10000x128xf32, #tpu.memory_space<hbm>>
      tpu.wait_indirect_dma semaphore(%arg13 : memref<!tpu.dma_semaphore, #tpu.memory_space<semaphore_mem>>) src(%dma_wait3A_103 : memref<10000x128xf32, #tpu.memory_space<hbm>>) dst(%arg10 : memref<128x128xf32, #tpu.memory_space<vmem>>)
      %dma_wait3A_104 = arith.constant 1 : i32
      %dma_wait3A_105 = arith.constant 0 : i32
      %dma_wait3A_106 = tpu.memref_slice %arg8[%dma_wait3A_104, %dma_wait3A_105] : memref<2x128xi32, #tpu.memory_space<vmem>> -> memref<1x128xi32, #tpu.memory_space<vmem>>
      %dma_wait3A_107 = tpu.memref_squeeze %dma_wait3A_106 : memref<1x128xi32, #tpu.memory_space<vmem>> -> memref<128xi32, #tpu.memory_space<vmem>>
      %dma_wait3A_108 = tpu.memref_slice %arg4[%mul3A_2] : memref<327680xi32, #tpu.memory_space<hbm>> -> memref<128xi32, #tpu.memory_space<hbm>>
      %dma_wait3A_109 = arith.constant 0 : i32
      %dma_wait3A_110 = tpu.memref_slice %arg8[%dma_wait3A_104, %dma_wait3A_109] : memref<2x128xi32, #tpu.memory_space<vmem>> -> memref<1x128xi32, #tpu.memory_space<vmem>>
      %dma_wait3A_111 = tpu.memref_squeeze %dma_wait3A_110 : memref<1x128xi32, #tpu.memory_space<vmem>> -> memref<128xi32, #tpu.memory_space<vmem>>
      %dma_wait3A_112 = tpu.memref_slice %arg4[%mul3A_2] : memref<327680xi32, #tpu.memory_space<hbm>> -> memref<128xi32, #tpu.memory_space<hbm>>
      tpu.wait_dma2 semaphore(%arg15 : memref<!tpu.dma_semaphore, #tpu.memory_space<semaphore_mem>>) src(%dma_wait3A_112 : memref<128xi32, #tpu.memory_space<hbm>>) dst(%dma_wait3A_111 : memref<128xi32, #tpu.memory_space<vmem>>)
      %run_scoped3A_113 = arith.constant 1 : i32
      "tpu.region"() ({
        %run_scoped3A_121 = tpu.sem_alloc : memref<!tpu.dma_semaphore, #tpu.memory_space<semaphore_mem>>
        %dma_start3A_122 = arith.constant 0 : i32
        %dma_start3A_123 = tpu.memref_slice %arg8[%run_scoped3A_113, %dma_start3A_122] : memref<2x128xi32, #tpu.memory_space<vmem>> -> memref<1x128xi32, #tpu.memory_space<vmem>>
        %dma_start3A_124 = tpu.memref_squeeze %dma_start3A_123 : memref<1x128xi32, #tpu.memory_space<vmem>> -> memref<128xi32, #tpu.memory_space<vmem>>
        %dma_start3A_125 = arith.constant 0 : i32
        %dma_start3A_126 = arith.constant 0 : i32
        %dma_start3A_127 = tpu.memref_slice %arg11[%dma_start3A_125, %dma_start3A_126] : memref<10112x128xf32, #tpu.memory_space<vmem_shared>> -> memref<10112x128xf32, #tpu.memory_space<vmem_shared>>
        tpu.enqueue_indirect_dma source(%arg10 : memref<128x128xf32, #tpu.memory_space<vmem>>) target(%dma_start3A_127 : memref<10112x128xf32, #tpu.memory_space<vmem_shared>>) offsets(%dma_start3A_124 : memref<128xi32, #tpu.memory_space<vmem>>) semaphore(%run_scoped3A_121 : memref<!tpu.dma_semaphore, #tpu.memory_space<semaphore_mem>>) {add = true}
        %dma_wait3A_128 = arith.constant 0 : i32
        %dma_wait3A_129 = tpu.memref_slice %arg8[%run_scoped3A_113, %dma_wait3A_128] : memref<2x128xi32, #tpu.memory_space<vmem>> -> memref<1x128xi32, #tpu.memory_space<vmem>>
        %dma_wait3A_130 = tpu.memref_squeeze %dma_wait3A_129 : memref<1x128xi32, #tpu.memory_space<vmem>> -> memref<128xi32, #tpu.memory_space<vmem>>
        %dma_wait3A_131 = arith.constant 0 : i32
        %dma_wait3A_132 = arith.constant 0 : i32
        %dma_wait3A_133 = tpu.memref_slice %arg11[%dma_wait3A_131, %dma_wait3A_132] : memref<10112x128xf32, #tpu.memory_space<vmem_shared>> -> memref<10112x128xf32, #tpu.memory_space<vmem_shared>>
        tpu.wait_indirect_dma semaphore(%run_scoped3A_121 : memref<!tpu.dma_semaphore, #tpu.memory_space<semaphore_mem>>) src(%arg10 : memref<128x128xf32, #tpu.memory_space<vmem>>) dst(%dma_wait3A_133 : memref<10112x128xf32, #tpu.memory_space<vmem_shared>>)
        tpu.yield
      }) : () -> ()
      %add3A_114 = arith.constant 2 : i32
      %add3A_115 = arith.addi %add3A_78, %add3A_114 : i32
      %lt3A_116 = arith.constant 80 : i32
      %lt3A_117 = arith.cmpi slt, %add3A_115, %lt3A_116 : i32
      %convert_element_type3A_118 = arith.extui %lt3A_117 : i1 to i32
      %cond3A_119 = arith.constant 0 : i32
      %cond3A_120 = arith.cmpi ne, %convert_element_type3A_118, %cond3A_119 : i32
      scf.if %cond3A_120 {
        %add3A_121 = arith.constant 2 : i32
        %add3A_122 = arith.addi %add3A_78, %add3A_121 : i32
        %mul3A_123 = arith.constant 128 : i32
        %mul3A_124 = arith.muli %add3A_122, %mul3A_123 : i32
        %dma_start3A_125 = tpu.memref_slice %arg7[%mul3A_124] : memref<10240xi32, #tpu.memory_space<vmem>> -> memref<128xi32, #tpu.memory_space<vmem>>
        %dma_start3A_126 = arith.constant 0 : i32
        %dma_start3A_127 = arith.constant 0 : i32
        %dma_start3A_128 = tpu.memref_slice %arg2[%dma_start3A_126, %dma_start3A_127] : memref<10000x128xf32, #tpu.memory_space<hbm>> -> memref<10000x128xf32, #tpu.memory_space<hbm>>
        tpu.enqueue_indirect_dma source(%dma_start3A_128 : memref<10000x128xf32, #tpu.memory_space<hbm>>) target(%arg10 : memref<128x128xf32, #tpu.memory_space<vmem>>) offsets(%dma_start3A_125 : memref<128xi32, #tpu.memory_space<vmem>>) semaphore(%arg13 : memref<!tpu.dma_semaphore, #tpu.memory_space<semaphore_mem>>)
        %add3A_129 = arith.constant 2 : i32
        %add3A_130 = arith.addi %add3A_78, %add3A_129 : i32
        %mul3A_131 = arith.constant 128 : i32
        %mul3A_132 = arith.muli %add3A_130, %mul3A_131 : i32
        %add3A_133 = arith.addi %mul3A_2, %mul3A_132 : i32
        %dma_start3A_134 = arith.constant 1 : i32
        %dma_start3A_135 = arith.constant 0 : i32
        %dma_start3A_136 = tpu.memref_slice %arg8[%dma_start3A_134, %dma_start3A_135] : memref<2x128xi32, #tpu.memory_space<vmem>> -> memref<1x128xi32, #tpu.memory_space<vmem>>
        %dma_start3A_137 = tpu.memref_squeeze %dma_start3A_136 : memref<1x128xi32, #tpu.memory_space<vmem>> -> memref<128xi32, #tpu.memory_space<vmem>>
        %dma_start3A_138 = tpu.memref_slice %arg4[%add3A_133] : memref<327680xi32, #tpu.memory_space<hbm>> -> memref<128xi32, #tpu.memory_space<hbm>>
        %dma_start3A_139 = arith.constant 0 : i32
        %dma_start3A_140 = tpu.memref_slice %arg8[%dma_start3A_134, %dma_start3A_139] : memref<2x128xi32, #tpu.memory_space<vmem>> -> memref<1x128xi32, #tpu.memory_space<vmem>>
        %dma_start3A_141 = tpu.memref_squeeze %dma_start3A_140 : memref<1x128xi32, #tpu.memory_space<vmem>> -> memref<128xi32, #tpu.memory_space<vmem>>
        %dma_start3A_142 = tpu.memref_slice %arg4[%add3A_133] : memref<327680xi32, #tpu.memory_space<hbm>> -> memref<128xi32, #tpu.memory_space<hbm>>
        tpu.enqueue_dma source(%dma_start3A_142 : memref<128xi32, #tpu.memory_space<hbm>>) target(%dma_start3A_141 : memref<128xi32, #tpu.memory_space<vmem>>) target_semaphore(%arg15 : memref<!tpu.dma_semaphore, #tpu.memory_space<semaphore_mem>>)
      } else {
      }
    }
    %scan3A_62 = arith.constant 40 : i32
    %barrier3A_63 = arith.constant 0 : index
    tpu.barrier barrier_id(%barrier3A_63)
    %lt3A_64 = arith.constant 15 : i32
    %lt3A_65 = arith.cmpi slt, %arg1, %lt3A_64 : i32
    %convert_element_type3A_66 = arith.extui %lt3A_65 : i1 to i32
    %cond3A_67 = arith.constant 0 : i32
    %cond3A_68 = arith.cmpi ne, %convert_element_type3A_66, %cond3A_67 : i32
    scf.if %cond3A_68 {
      %mul3A_74 = arith.constant 632 : i32
      %mul3A_75 = arith.muli %arg1, %mul3A_74 : i32
      %mul3A_76 = arith.constant 632 : i32
      %mul3A_77 = arith.muli %arg1, %mul3A_76 : i32
      "tpu.region"() ({
        %run_scoped3A = tpu.sem_alloc : memref<!tpu.dma_semaphore, #tpu.memory_space<semaphore_mem>>
        %dma_start3A_78 = arith.constant 0 : i32
        %dma_start3A_79 = tpu.memref_slice %arg6[%arg0, %mul3A_77, %dma_start3A_78] : memref<2x10000x128xf32, #tpu.memory_space<hbm>> -> memref<1x632x128xf32, #tpu.memory_space<hbm>>
        %dma_start3A_80 = tpu.memref_squeeze %dma_start3A_79 : memref<1x632x128xf32, #tpu.memory_space<hbm>> -> memref<632x128xf32, #tpu.memory_space<hbm>>
        %dma_start3A_81 = arith.constant 0 : i32
        %dma_start3A_82 = tpu.memref_slice %arg11[%mul3A_75, %dma_start3A_81] : memref<10112x128xf32, #tpu.memory_space<vmem_shared>> -> memref<632x128xf32, #tpu.memory_space<vmem_shared>>
        tpu.enqueue_dma source(%dma_start3A_82 : memref<632x128xf32, #tpu.memory_space<vmem_shared>>) target(%dma_start3A_80 : memref<632x128xf32, #tpu.memory_space<hbm>>) target_semaphore(%run_scoped3A : memref<!tpu.dma_semaphore, #tpu.memory_space<semaphore_mem>>)
        %dma_wait3A = arith.constant 0 : i32
        %dma_wait3A_83 = tpu.memref_slice %arg6[%arg0, %mul3A_77, %dma_wait3A] : memref<2x10000x128xf32, #tpu.memory_space<hbm>> -> memref<1x632x128xf32, #tpu.memory_space<hbm>>
        %dma_wait3A_84 = tpu.memref_squeeze %dma_wait3A_83 : memref<1x632x128xf32, #tpu.memory_space<hbm>> -> memref<632x128xf32, #tpu.memory_space<hbm>>
        %dma_wait3A_85 = arith.constant 0 : i32
        %dma_wait3A_86 = tpu.memref_slice %arg11[%mul3A_75, %dma_wait3A_85] : memref<10112x128xf32, #tpu.memory_space<vmem_shared>> -> memref<632x128xf32, #tpu.memory_space<vmem_shared>>
        tpu.wait_dma2 semaphore(%run_scoped3A : memref<!tpu.dma_semaphore, #tpu.memory_space<semaphore_mem>>) src(%dma_wait3A_86 : memref<632x128xf32, #tpu.memory_space<vmem_shared>>) dst(%dma_wait3A_84 : memref<632x128xf32, #tpu.memory_space<hbm>>)
        tpu.yield
      }) : () -> ()
    } else {
    }
    %eq3A_69 = arith.constant 15 : i32
    %eq3A_70 = arith.cmpi eq, %arg1, %eq3A_69 : i32
    %convert_element_type3A_71 = arith.extui %eq3A_70 : i1 to i32
    %cond3A_72 = arith.constant 0 : i32
    %cond3A_73 = arith.cmpi ne, %convert_element_type3A_71, %cond3A_72 : i32
    scf.if %cond3A_73 {
      %mul3A_74 = arith.constant 632 : i32
      %mul3A_75 = arith.muli %arg1, %mul3A_74 : i32
      %mul3A_76 = arith.constant 632 : i32
      %mul3A_77 = arith.muli %arg1, %mul3A_76 : i32
      "tpu.region"() ({
        %run_scoped3A = tpu.sem_alloc : memref<!tpu.dma_semaphore, #tpu.memory_space<semaphore_mem>>
        %dma_start3A_78 = arith.constant 0 : i32
        %dma_start3A_79 = tpu.memref_slice %arg6[%arg0, %mul3A_77, %dma_start3A_78] : memref<2x10000x128xf32, #tpu.memory_space<hbm>> -> memref<1x520x128xf32, #tpu.memory_space<hbm>>
        %dma_start3A_80 = tpu.memref_squeeze %dma_start3A_79 : memref<1x520x128xf32, #tpu.memory_space<hbm>> -> memref<520x128xf32, #tpu.memory_space<hbm>>
        %dma_start3A_81 = arith.constant 0 : i32
        %dma_start3A_82 = tpu.memref_slice %arg11[%mul3A_75, %dma_start3A_81] : memref<10112x128xf32, #tpu.memory_space<vmem_shared>> -> memref<520x128xf32, #tpu.memory_space<vmem_shared>>
        tpu.enqueue_dma source(%dma_start3A_82 : memref<520x128xf32, #tpu.memory_space<vmem_shared>>) target(%dma_start3A_80 : memref<520x128xf32, #tpu.memory_space<hbm>>) target_semaphore(%run_scoped3A : memref<!tpu.dma_semaphore, #tpu.memory_space<semaphore_mem>>)
        %dma_wait3A = arith.constant 0 : i32
        %dma_wait3A_83 = tpu.memref_slice %arg6[%arg0, %mul3A_77, %dma_wait3A] : memref<2x10000x128xf32, #tpu.memory_space<hbm>> -> memref<1x520x128xf32, #tpu.memory_space<hbm>>
        %dma_wait3A_84 = tpu.memref_squeeze %dma_wait3A_83 : memref<1x520x128xf32, #tpu.memory_space<hbm>> -> memref<520x128xf32, #tpu.memory_space<hbm>>
        %dma_wait3A_85 = arith.constant 0 : i32
        %dma_wait3A_86 = tpu.memref_slice %arg11[%mul3A_75, %dma_wait3A_85] : memref<10112x128xf32, #tpu.memory_space<vmem_shared>> -> memref<520x128xf32, #tpu.memory_space<vmem_shared>>
        tpu.wait_dma2 semaphore(%run_scoped3A : memref<!tpu.dma_semaphore, #tpu.memory_space<semaphore_mem>>) src(%dma_wait3A_86 : memref<520x128xf32, #tpu.memory_space<vmem_shared>>) dst(%dma_wait3A_84 : memref<520x128xf32, #tpu.memory_space<hbm>>)
        tpu.yield
      }) : () -> ()
    } else {
    }
    return
  }
}

module attributes {stable_mosaic.version = 14 : i64} {
  func.func @_tc_first_body(%arg0: i32, %arg1: memref<1000x128xf32, #tpu.memory_space<vmem>>, %arg2: memref<2x1000x1xf32, #tpu.memory_space<vmem>>, %arg3: memref<128x128xf32, #tpu.memory_space<vmem>>, %arg4: memref<1000x128xf32, #tpu.memory_space<vmem>>) attributes {dimension_semantics = [#tpu.dimension_semantics<arbitrary>], iteration_bounds = array<i64: 10>, scalar_prefetch = 0 : i64, scratch_operands = 0 : i64, tpu.core_type = #tpu.core_type<tc>, window_params = [{transform_indices = @transform_0, window_bounds = array<i64: 1000, 128>}, {transform_indices = @transform_1, window_bounds = array<i64: 2, 1000, 1>}, {pipeline_mode = #tpu.pipeline_mode<synchronous>, transform_indices = @transform_2, window_bounds = array<i64: 128, 128>}, {transform_indices = @transform_3, window_bounds = array<i64: 1000, 128>}]} {
    %get3A = arith.constant 0 : index
    %get3A_0 = arith.constant 0 : index
    %get3A_1 = arith.constant 0 : index
    %get3A_2 = vector.load %arg2[%get3A, %get3A_0, %get3A_1] : memref<2x1000x1xf32, #tpu.memory_space<vmem>>, vector<1x1000x1xf32>
    %get3A_3 = vector.shape_cast %get3A_2 : vector<1x1000x1xf32> to vector<1000x1xf32>
    %get3A_4 = arith.constant 1 : index
    %get3A_5 = arith.constant 0 : index
    %get3A_6 = arith.constant 0 : index
    %get3A_7 = vector.load %arg2[%get3A_4, %get3A_5, %get3A_6] : memref<2x1000x1xf32, #tpu.memory_space<vmem>>, vector<1x1000x1xf32>
    %get3A_8 = vector.shape_cast %get3A_7 : vector<1x1000x1xf32> to vector<1000x1xf32>
    %add3A = arith.addf %get3A_3, %get3A_8 : vector<1000x1xf32>
    %add3A_9 = arith.constant 1.000000e+00 : f32
    %add3A_10 = vector.broadcast %add3A_9 : f32 to vector<1000x1xf32>
    %add3A_11 = arith.addf %add3A, %add3A_10 : vector<1000x1xf32>
    %rsqrt3A = math.rsqrt %add3A_11 : vector<1000x1xf32>
    %get3A_12 = arith.constant 0 : index
    %get3A_13 = arith.constant 0 : index
    %get3A_14 = vector.load %arg1[%get3A_12, %get3A_13] : memref<1000x128xf32, #tpu.memory_space<vmem>>, vector<1000x128xf32>
    %get3A_15 = arith.constant 0 : index
    %get3A_16 = arith.constant 0 : index
    %get3A_17 = vector.load %arg3[%get3A_15, %get3A_16] : memref<128x128xf32, #tpu.memory_space<vmem>>, vector<128x128xf32>
    %dot_general3A = arith.constant dense<0.000000e+00> : vector<1000x128xf32>
    %dot_general3A_18 = tpu.matmul %get3A_14, %get3A_17, %dot_general3A {dimension_numbers = #tpu.dot_dimension_numbers<[1], [0], [0], [1], [0, 0, 1, 1], [], []>, transpose_lhs_hint = false} : vector<1000x128xf32>, vector<128x128xf32>, vector<1000x128xf32> -> vector<1000x128xf32>
    %mul3A = vector.broadcast %rsqrt3A : vector<1000x1xf32> to vector<1000x128xf32>
    %mul3A_19 = arith.mulf %dot_general3A_18, %mul3A : vector<1000x128xf32>
    %swap3A = arith.constant 0 : index
    %swap3A_20 = arith.constant 0 : index
    %swap3A_21 = vector.load %arg4[%swap3A, %swap3A_20] : memref<1000x128xf32, #tpu.memory_space<vmem>>, vector<1000x128xf32>
    tpu.vector_store %arg4[%swap3A, %swap3A_20], %mul3A_19 {strides = array<i32>} : memref<1000x128xf32, #tpu.memory_space<vmem>>, vector<1000x128xf32>,
    return
  }
  func.func @transform_0(%arg0: i32) -> (i32, i32) {
    %c0_i32 = arith.constant 0 : i32
    %c0_i32_0 = arith.constant 0 : i32
    return %arg0, %c0_i32 : i32, i32
  }
  func.func @transform_1(%arg0: i32) -> (i32, i32, i32) {
    %c0_i32 = arith.constant 0 : i32
    %c0_i32_0 = arith.constant 0 : i32
    %c0_i32_1 = arith.constant 0 : i32
    return %c0_i32, %arg0, %c0_i32_0 : i32, i32, i32
  }
  func.func @transform_2(%arg0: i32) -> (i32, i32) {
    %c0_i32 = arith.constant 0 : i32
    %c0_i32_0 = arith.constant 0 : i32
    %c0_i32_1 = arith.constant 0 : i32
    return %c0_i32, %c0_i32_0 : i32, i32
  }
  func.func @transform_3(%arg0: i32) -> (i32, i32) {
    %c0_i32 = arith.constant 0 : i32
    %c0_i32_0 = arith.constant 0 : i32
    return %arg0, %c0_i32 : i32, i32
  }
}

module attributes {stable_mosaic.version = 14 : i64} {
  func.func @_tc_mid_body(%arg0: i32, %arg1: memref<2x1000x128xf32, #tpu.memory_space<vmem>>, %arg2: memref<2x1000x1xf32, #tpu.memory_space<vmem>>, %arg3: memref<1x128xf32, #tpu.memory_space<vmem>>, %arg4: memref<128x128xf32, #tpu.memory_space<vmem>>, %arg5: memref<1000x128xf32, #tpu.memory_space<vmem>>) attributes {dimension_semantics = [#tpu.dimension_semantics<arbitrary>], iteration_bounds = array<i64: 10>, scalar_prefetch = 0 : i64, scratch_operands = 0 : i64, tpu.core_type = #tpu.core_type<tc>, window_params = [{transform_indices = @transform_0, window_bounds = array<i64: 2, 1000, 128>}, {transform_indices = @transform_1, window_bounds = array<i64: 2, 1000, 1>}, {pipeline_mode = #tpu.pipeline_mode<synchronous>, transform_indices = @transform_2, window_bounds = array<i64: 1, 128>}, {pipeline_mode = #tpu.pipeline_mode<synchronous>, transform_indices = @transform_3, window_bounds = array<i64: 128, 128>}, {transform_indices = @transform_4, window_bounds = array<i64: 1000, 128>}]} {
    %get3A = arith.constant 0 : index
    %get3A_0 = arith.constant 0 : index
    %get3A_1 = arith.constant 0 : index
    %get3A_2 = vector.load %arg2[%get3A, %get3A_0, %get3A_1] : memref<2x1000x1xf32, #tpu.memory_space<vmem>>, vector<1x1000x1xf32>
    %get3A_3 = vector.shape_cast %get3A_2 : vector<1x1000x1xf32> to vector<1000x1xf32>
    %get3A_4 = arith.constant 1 : index
    %get3A_5 = arith.constant 0 : index
    %get3A_6 = arith.constant 0 : index
    %get3A_7 = vector.load %arg2[%get3A_4, %get3A_5, %get3A_6] : memref<2x1000x1xf32, #tpu.memory_space<vmem>>, vector<1x1000x1xf32>
    %get3A_8 = vector.shape_cast %get3A_7 : vector<1x1000x1xf32> to vector<1000x1xf32>
    %add3A = arith.addf %get3A_3, %get3A_8 : vector<1000x1xf32>
    %add3A_9 = arith.constant 1.000000e+00 : f32
    %add3A_10 = vector.broadcast %add3A_9 : f32 to vector<1000x1xf32>
    %add3A_11 = arith.addf %add3A, %add3A_10 : vector<1000x1xf32>
    %rsqrt3A = math.rsqrt %add3A_11 : vector<1000x1xf32>
    %get3A_12 = arith.constant 0 : index
    %get3A_13 = arith.constant 0 : index
    %get3A_14 = arith.constant 0 : index
    %get3A_15 = vector.load %arg1[%get3A_12, %get3A_13, %get3A_14] : memref<2x1000x128xf32, #tpu.memory_space<vmem>>, vector<1x1000x128xf32>
    %get3A_16 = vector.shape_cast %get3A_15 : vector<1x1000x128xf32> to vector<1000x128xf32>
    %get3A_17 = arith.constant 1 : index
    %get3A_18 = arith.constant 0 : index
    %get3A_19 = arith.constant 0 : index
    %get3A_20 = vector.load %arg1[%get3A_17, %get3A_18, %get3A_19] : memref<2x1000x128xf32, #tpu.memory_space<vmem>>, vector<1x1000x128xf32>
    %get3A_21 = vector.shape_cast %get3A_20 : vector<1x1000x128xf32> to vector<1000x128xf32>
    %add3A_22 = arith.addf %get3A_16, %get3A_21 : vector<1000x128xf32>
    %mul3A = vector.broadcast %rsqrt3A : vector<1000x1xf32> to vector<1000x128xf32>
    %mul3A_23 = arith.mulf %add3A_22, %mul3A : vector<1000x128xf32>
    %get3A_24 = arith.constant 0 : index
    %get3A_25 = arith.constant 0 : index
    %get3A_26 = vector.load %arg3[%get3A_24, %get3A_25] : memref<1x128xf32, #tpu.memory_space<vmem>>, vector<1x128xf32>
    %get3A_27 = vector.shape_cast %get3A_26 : vector<1x128xf32> to vector<128xf32>
    %broadcast_in_dim3A = vector.shape_cast %get3A_27 : vector<128xf32> to vector<1x128xf32>
    %add3A_28 = vector.broadcast %broadcast_in_dim3A : vector<1x128xf32> to vector<1000x128xf32>
    %add3A_29 = arith.addf %mul3A_23, %add3A_28 : vector<1000x128xf32>
    %max3A = arith.constant 0.000000e+00 : f32
    %max3A_30 = vector.broadcast %max3A : f32 to vector<1000x128xf32>
    %max3A_31 = arith.maximumf %add3A_29, %max3A_30 : vector<1000x128xf32>
    %get3A_32 = arith.constant 0 : index
    %get3A_33 = arith.constant 0 : index
    %get3A_34 = vector.load %arg4[%get3A_32, %get3A_33] : memref<128x128xf32, #tpu.memory_space<vmem>>, vector<128x128xf32>
    %dot_general3A = arith.constant dense<0.000000e+00> : vector<1000x128xf32>
    %dot_general3A_35 = tpu.matmul %max3A_31, %get3A_34, %dot_general3A {dimension_numbers = #tpu.dot_dimension_numbers<[1], [0], [0], [1], [0, 0, 1, 1], [], []>, transpose_lhs_hint = false} : vector<1000x128xf32>, vector<128x128xf32>, vector<1000x128xf32> -> vector<1000x128xf32>
    %mul3A_36 = vector.broadcast %rsqrt3A : vector<1000x1xf32> to vector<1000x128xf32>
    %mul3A_37 = arith.mulf %dot_general3A_35, %mul3A_36 : vector<1000x128xf32>
    %swap3A = arith.constant 0 : index
    %swap3A_38 = arith.constant 0 : index
    %swap3A_39 = vector.load %arg5[%swap3A, %swap3A_38] : memref<1000x128xf32, #tpu.memory_space<vmem>>, vector<1000x128xf32>
    tpu.vector_store %arg5[%swap3A, %swap3A_38], %mul3A_37 {strides = array<i32>} : memref<1000x128xf32, #tpu.memory_space<vmem>>, vector<1000x128xf32>,
    return
  }
  func.func @transform_0(%arg0: i32) -> (i32, i32, i32) {
    %c0_i32 = arith.constant 0 : i32
    %c0_i32_0 = arith.constant 0 : i32
    %c0_i32_1 = arith.constant 0 : i32
    return %c0_i32, %arg0, %c0_i32_0 : i32, i32, i32
  }
  func.func @transform_1(%arg0: i32) -> (i32, i32, i32) {
    %c0_i32 = arith.constant 0 : i32
    %c0_i32_0 = arith.constant 0 : i32
    %c0_i32_1 = arith.constant 0 : i32
    return %c0_i32, %arg0, %c0_i32_0 : i32, i32, i32
  }
  func.func @transform_2(%arg0: i32) -> (i32, i32) {
    %c0_i32 = arith.constant 0 : i32
    %c0_i32_0 = arith.constant 0 : i32
    %c0_i32_1 = arith.constant 0 : i32
    return %c0_i32, %c0_i32_0 : i32, i32
  }
  func.func @transform_3(%arg0: i32) -> (i32, i32) {
    %c0_i32 = arith.constant 0 : i32
    %c0_i32_0 = arith.constant 0 : i32
    %c0_i32_1 = arith.constant 0 : i32
    return %c0_i32, %c0_i32_0 : i32, i32
  }
  func.func @transform_4(%arg0: i32) -> (i32, i32) {
    %c0_i32 = arith.constant 0 : i32
    %c0_i32_0 = arith.constant 0 : i32
    return %arg0, %c0_i32 : i32, i32
  }
}

module attributes {stable_mosaic.version = 14 : i64} {
  func.func @body(%arg0: i32, %arg1: memref<2x1000x128xf32, #tpu.memory_space<vmem>>, %arg2: memref<2x1000x1xf32, #tpu.memory_space<vmem>>, %arg3: memref<1x128xf32, #tpu.memory_space<vmem>>, %arg4: memref<1000x128xf32, #tpu.memory_space<vmem>>) attributes {dimension_semantics = [#tpu.dimension_semantics<arbitrary>], iteration_bounds = array<i64: 10>, scalar_prefetch = 0 : i64, scratch_operands = 0 : i64, tpu.core_type = #tpu.core_type<tc>, window_params = [{transform_indices = @transform_0, window_bounds = array<i64: 2, 1000, 128>}, {transform_indices = @transform_1, window_bounds = array<i64: 2, 1000, 1>}, {pipeline_mode = #tpu.pipeline_mode<synchronous>, transform_indices = @transform_2, window_bounds = array<i64: 1, 128>}, {transform_indices = @transform_3, window_bounds = array<i64: 1000, 128>}]} {
    %get3A = arith.constant 0 : index
    %get3A_0 = arith.constant 0 : index
    %get3A_1 = arith.constant 0 : index
    %get3A_2 = vector.load %arg2[%get3A, %get3A_0, %get3A_1] : memref<2x1000x1xf32, #tpu.memory_space<vmem>>, vector<1x1000x1xf32>
    %get3A_3 = vector.shape_cast %get3A_2 : vector<1x1000x1xf32> to vector<1000x1xf32>
    %get3A_4 = arith.constant 1 : index
    %get3A_5 = arith.constant 0 : index
    %get3A_6 = arith.constant 0 : index
    %get3A_7 = vector.load %arg2[%get3A_4, %get3A_5, %get3A_6] : memref<2x1000x1xf32, #tpu.memory_space<vmem>>, vector<1x1000x1xf32>
    %get3A_8 = vector.shape_cast %get3A_7 : vector<1x1000x1xf32> to vector<1000x1xf32>
    %add3A = arith.addf %get3A_3, %get3A_8 : vector<1000x1xf32>
    %add3A_9 = arith.constant 1.000000e+00 : f32
    %add3A_10 = vector.broadcast %add3A_9 : f32 to vector<1000x1xf32>
    %add3A_11 = arith.addf %add3A, %add3A_10 : vector<1000x1xf32>
    %rsqrt3A = math.rsqrt %add3A_11 : vector<1000x1xf32>
    %get3A_12 = arith.constant 0 : index
    %get3A_13 = arith.constant 0 : index
    %get3A_14 = arith.constant 0 : index
    %get3A_15 = vector.load %arg1[%get3A_12, %get3A_13, %get3A_14] : memref<2x1000x128xf32, #tpu.memory_space<vmem>>, vector<1x1000x128xf32>
    %get3A_16 = vector.shape_cast %get3A_15 : vector<1x1000x128xf32> to vector<1000x128xf32>
    %get3A_17 = arith.constant 1 : index
    %get3A_18 = arith.constant 0 : index
    %get3A_19 = arith.constant 0 : index
    %get3A_20 = vector.load %arg1[%get3A_17, %get3A_18, %get3A_19] : memref<2x1000x128xf32, #tpu.memory_space<vmem>>, vector<1x1000x128xf32>
    %get3A_21 = vector.shape_cast %get3A_20 : vector<1x1000x128xf32> to vector<1000x128xf32>
    %add3A_22 = arith.addf %get3A_16, %get3A_21 : vector<1000x128xf32>
    %mul3A = vector.broadcast %rsqrt3A : vector<1000x1xf32> to vector<1000x128xf32>
    %mul3A_23 = arith.mulf %add3A_22, %mul3A : vector<1000x128xf32>
    %get3A_24 = arith.constant 0 : index
    %get3A_25 = arith.constant 0 : index
    %get3A_26 = vector.load %arg3[%get3A_24, %get3A_25] : memref<1x128xf32, #tpu.memory_space<vmem>>, vector<1x128xf32>
    %get3A_27 = vector.shape_cast %get3A_26 : vector<1x128xf32> to vector<128xf32>
    %broadcast_in_dim3A = vector.shape_cast %get3A_27 : vector<128xf32> to vector<1x128xf32>
    %add3A_28 = vector.broadcast %broadcast_in_dim3A : vector<1x128xf32> to vector<1000x128xf32>
    %add3A_29 = arith.addf %mul3A_23, %add3A_28 : vector<1000x128xf32>
    %iota3A = tpu.iota {dimensions = array<i32: 1>} : vector<1000x128xi32>
    %lt3A = arith.constant 40 : i32
    %lt3A_30 = vector.broadcast %lt3A : i32 to vector<1000x128xi32>
    %lt3A_31 = arith.cmpi slt, %iota3A, %lt3A_30 : vector<1000x128xi32>
    %jit3A = arith.constant -1.000000e+30 : f32
    %broadcast_in_dim3A_32 = vector.broadcast %jit3A : f32 to vector<1000x128xf32>
    %select_n3A = arith.select %lt3A_31, %add3A_29, %broadcast_in_dim3A_32 : vector<1000x128xi1>, vector<1000x128xf32>
    %reduce_max3A = arith.constant dense<0xFF800000> : vector<1000xf32>
    %reduce_max3A_33 = vector.multi_reduction <maximumf>, %select_n3A, %reduce_max3A [1] : vector<1000x128xf32> to vector<1000xf32>
    %broadcast_in_dim3A_34 = vector.shape_cast %reduce_max3A_33 : vector<1000xf32> to vector<1000x1xf32>
    %sub3A = vector.broadcast %broadcast_in_dim3A_34 : vector<1000x1xf32> to vector<1000x128xf32>
    %sub3A_35 = arith.subf %select_n3A, %sub3A : vector<1000x128xf32>
    %exp3A = math.exp %sub3A_35 : vector<1000x128xf32>
    %reduce_sum3A = arith.constant dense<0.000000e+00> : vector<1000xf32>
    %reduce_sum3A_36 = vector.multi_reduction <add>, %exp3A, %reduce_sum3A [1] : vector<1000x128xf32> to vector<1000xf32>
    %broadcast_in_dim3A_37 = vector.shape_cast %reduce_sum3A_36 : vector<1000xf32> to vector<1000x1xf32>
    %log3A = math.log %broadcast_in_dim3A_37 : vector<1000x1xf32>
    %add3A_38 = arith.addf %broadcast_in_dim3A_34, %log3A : vector<1000x1xf32>
    %sub3A_39 = vector.broadcast %add3A_38 : vector<1000x1xf32> to vector<1000x128xf32>
    %sub3A_40 = arith.subf %add3A_29, %sub3A_39 : vector<1000x128xf32>
    %swap3A = arith.constant 0 : index
    %swap3A_41 = arith.constant 0 : index
    %swap3A_42 = vector.load %arg4[%swap3A, %swap3A_41] : memref<1000x128xf32, #tpu.memory_space<vmem>>, vector<1000x128xf32>
    tpu.vector_store %arg4[%swap3A, %swap3A_41], %sub3A_40 {strides = array<i32>} : memref<1000x128xf32, #tpu.memory_space<vmem>>, vector<1000x128xf32>,
    return
  }
  func.func @transform_0(%arg0: i32) -> (i32, i32, i32) {
    %c0_i32 = arith.constant 0 : i32
    %c0_i32_0 = arith.constant 0 : i32
    %c0_i32_1 = arith.constant 0 : i32
    return %c0_i32, %arg0, %c0_i32_0 : i32, i32, i32
  }
  func.func @transform_1(%arg0: i32) -> (i32, i32, i32) {
    %c0_i32 = arith.constant 0 : i32
    %c0_i32_0 = arith.constant 0 : i32
    %c0_i32_1 = arith.constant 0 : i32
    return %c0_i32, %arg0, %c0_i32_0 : i32, i32, i32
  }
  func.func @transform_2(%arg0: i32) -> (i32, i32) {
    %c0_i32 = arith.constant 0 : i32
    %c0_i32_0 = arith.constant 0 : i32
    %c0_i32_1 = arith.constant 0 : i32
    return %c0_i32, %c0_i32_0 : i32, i32
  }
  func.func @transform_3(%arg0: i32) -> (i32, i32) {
    %c0_i32 = arith.constant 0 : i32
    %c0_i32_0 = arith.constant 0 : i32
    return %arg0, %c0_i32 : i32, i32
  }
}

</mosaic_0001>

<sc_bundles>
// kernel: kernel.16.cloned.1.call-start
scs
__scs_entry_jumppad:
0x0: {  	(pc) =	sbr.rel $0x88, $3  }
0x1: {  	(tag) =	ssettag $0x0;
	lr =	simm.s32 $0x1  }
0x2: {  	[smem:$0x3F93] =	sst lr;
	_ =	strace $0xD0000000  }
0x3: {  	_ = 	snop  }
0x4: {  	_ = 	snop  }
0x5: {  	_ = 	snop  }
0x6: {  	_ = 	snop  }
0x7: {  	_ = 	snop  }
__scs_overlays_trampoline_lowered:
0x8: {  	[smem:$0x3FA2] =	sst s0  }
0x9: {  	[smem:$0x3FA3] =	sst s1  }
0xa: {  	[smem:$0x3FA4] =	sst s2  }
0xb: {  	[smem:$0x3FA5] =	sst s3  }
0xc: {  	[smem:$0x3FA6] =	sst s4  }
0xd: {  	[smem:$0x3FA7] =	sst s5  }
0xe: {  	[smem:$0x3FA8] =	sst s6  }
0xf: {  	[smem:$0x3FA9] =	sst s7  }
0x10: {  	[smem:$0x3FAA] =	sst s8  }
0x11: {  	[smem:$0x3FAB] =	sst s9;
	s0 =	simm.s32 @!p0 $0x0  }
0x12: {  	s1 =	sld [smem:$0x3F91];
	s0 =	simm.s32 @p0 $0x1  }
0x13: {  	[smem:$0x3FAC] =	sst s0;
	s0 =	simm.s32 @!p1 $0x0  }
0x14: {  	s2 =	sld [smem:$0x3F90];
	s0 =	simm.s32 @p1 $0x1  }
0x15: {  	[smem:$0x3FAD] =	sst s0;
	s0 =	simm.s32 @!p2 $0x0  }
0x16: {  	s3 =	sld [smem:$0x3FDB];
	s0 =	simm.s32 @p2 $0x1  }
0x17: {  	s4 =	simm.s32 $0x1BF5;
	[smem:$0x3FAF] =	sst s0  }
0x18: {  	s0 =	sld [smem:$0x3F92];
	_ =	swait.ge [sflag:s4], $0x0  }
0x19: {  	s7 =	sld [smem:$0x3F93]  }
0x1a: {  	s8 =	sadd.s32 $0xFFFFE003, lr  }
0x1b: {  	s9 =	sadd.s32 $0xFFFFFEF7, lr;
	s5 =	simm.s32 $0xFFFFFFFF;
	p2 =	slt.u32 s8, $0xFFFFF086  }
0x1c: {  	p1 =	slt.u32 s9, $0xF7A;
	s5 =	simm.s32 @!p2 $0x0  }
0x1d: {  	s5 =	simm.s32 @p1 $0x1;
	p0 =	seq.s32 s7, s2  }
0x1e: {  	s7 =	smul.u32 @!p0 $0xF7A, s2;
	p2 =	seq.s32 @!p0 s5, $0x0  }
0x1f: {  	s9 =	smul.u32 $0xF7A, s1;
	s8 =	simm.s32 @!p0 $0x1BF5;
	p2 =	por !p2, p0  }
0x20: {  	[sflag:s8] =	ssyncset.s32 @!p0 $0xFFFFF086;
	s6 =	sadd.s32 @!p0 s3, s7;
	s7 =	simm.s32 @!p0 $0x108  }
0x21: {  	s3 =	sadd.s32 s3, s9;
	s6 =	sadd.s32 @!p0 $0x88, s6;
	s7 =	simm.s32 @p2 $0x1082  }
0x22: {  	[simem:s7], [sflag:s8] =	dma.local @!p0 [hbm:s6], $0xF7A  }
0x23: {  	s9 =	sor.u32 $0xD0000000, s2;
	s6 =	simm.s32 $0x108;
	_ =	swait.ge @!p0 [sflag:s8], $0x0  }
0x24: {  	s3 =	sadd.s32 $0x88, s3;
	s6 =	simm.s32 @!p1 $0x1082;
	[sflag:s4] =	ssyncset.s32 $0xFFFFF086  }
0x25: {  	[simem:s6], [sflag:s4] =	dma.local [hbm:s3], $0xF7A  }
0x26: {  	[smem:$0x3F93] =	sst s1;
	(tag) =	ssettag s2;
	_ =	strace s9  }
0x27: {  	s1 =	sld [smem:$0x3FA3]  }
0x28: {  	s2 =	sld [smem:$0x3FA4]  }
0x29: {  	s4 =	sld [smem:$0x3FA6]  }
0x2a: {  	p0 =	seq.s32 s5, $0x0;
	s5 =	sld [smem:$0x3FA7]  }
0x2b: {  	s6 =	sld [smem:$0x3FA8]  }
0x2c: {  	s7 =	sld [smem:$0x3FA9]  }
0x2d: {  	s3 =	simm.s32 $0x108;
	s8 =	sld [smem:$0x3FAA]  }
0x2e: {  	s3 =	simm.s32 @!p0 $0x1082;
	s9 =	sld [smem:$0x3FAB]  }
0x2f: {  	lr =	sadd.s32 s0, s3;
	s0 =	sld [smem:$0x3FA2]  }
0x30: {  	s3 =	sld [smem:$0x3FA5]  }
0x31: {  	[smem:$0x3FAE] =	sst s10  }
0x32: {  	s10 =	sld [smem:$0x3FAC];
	_ =	sdelay $0x3  }
0x33: {  	p0 =	seq.s32 s10, $0x1;
	s10 =	sld [smem:$0x3FAE];
	_ =	sdelay $0x3  }
0x34: {  	[smem:$0x3FAE] =	sst s10  }
0x35: {  	s10 =	sld [smem:$0x3FAD];
	_ =	sdelay $0x3  }
0x36: {  	p1 =	seq.s32 s10, $0x1;
	s10 =	sld [smem:$0x3FAE];
	_ =	sdelay $0x3  }
0x37: {  	[smem:$0x3FAE] =	sst s10  }
0x38: {  	s10 =	sld [smem:$0x3FAF]  }
0x39: {  	_ = 	snop;
	(pc) =	sbr.ind lr, $3  }
0x3a: {  	_ = 	snop  }
0x3b: {  	_ = 	snop  }
0x3c: {  	p2 =	seq.s32 s10, $0x1;
	s10 =	sld [smem:$0x3FAE]  }
0x3d: {  	_ =	shalt  }
0x3e: {  	_ =	shalt  }
0x3f: {  	_ =	shalt  }
0x40: {  	_ =	shalt  }
0x41: {  	_ =	shalt  }
0x42: {  	_ =	shalt  }
0x43: {  	_ =	shalt  }
0x44: {  	_ =	shalt  }
0x45: {  	_ =	shalt  }
0x46: {  	_ =	shalt  }
0x47: {  	_ =	shalt  }
0x48: {  	_ =	shalt  }
0x49: {  	_ =	shalt  }
0x4a: {  	_ =	shalt  }
0x4b: {  	_ =	shalt  }
0x4c: {  	_ =	shalt  }
0x4d: {  	_ =	shalt  }
0x4e: {  	_ =	shalt  }
0x4f: {  	_ =	shalt  }
0x50: {  	_ =	shalt  }
0x51: {  	_ =	shalt  }
0x52: {  	_ =	shalt  }
0x53: {  	_ =	shalt  }
0x54: {  	_ =	shalt  }
0x55: {  	_ =	shalt  }
0x56: {  	_ =	shalt  }
0x57: {  	_ =	shalt  }
0x58: {  	_ =	shalt  }
0x59: {  	_ =	shalt  }
0x5a: {  	_ =	shalt  }
0x5b: {  	_ =	shalt  }
0x5c: {  	_ =	shalt  }
0x5d: {  	_ =	shalt  }
0x5e: {  	_ =	shalt  }
0x5f: {  	_ =	shalt  }
0x60: {  	_ =	shalt  }
0x61: {  	_ =	shalt  }
0x62: {  	_ =	shalt  }
0x63: {  	_ =	shalt  }
0x64: {  	_ =	shalt  }
0x65: {  	_ =	shalt  }
0x66: {  	_ =	shalt  }
0x67: {  	_ =	shalt  }
0x68: {  	_ =	shalt  }
0x69: {  	_ =	shalt  }
0x6a: {  	_ =	shalt  }
0x6b: {  	_ =	shalt  }
0x6c: {  	_ =	shalt  }
0x6d: {  	_ =	shalt  }
0x6e: {  	_ =	shalt  }
0x6f: {  	_ =	shalt  }
0x70: {  	_ =	shalt  }
0x71: {  	_ =	shalt  }
0x72: {  	_ =	shalt  }
0x73: {  	_ =	shalt  }
0x74: {  	_ =	shalt  }
0x75: {  	_ =	shalt  }
0x76: {  	_ =	shalt  }
0x77: {  	_ =	shalt  }
0x78: {  	_ =	shalt  }
0x79: {  	_ =	shalt  }
0x7a: {  	_ =	shalt  }
0x7b: {  	_ =	shalt  }
0x7c: {  	_ =	shalt  }
0x7d: {  	_ =	shalt  }
0x7e: {  	_ =	shalt  }
0x7f: {  	_ =	shalt  }
0x80: {  	_ =	shalt  }
0x81: {  	_ =	shalt  }
0x82: {  	_ =	shalt  }
0x83: {  	_ =	shalt  }
0x84: {  	_ =	shalt  }
0x85: {  	_ =	shalt  }
0x86: {  	_ =	shalt  }
0x87: {  	_ =	shalt  }
.Lfunc_end0:
.L_simem_size_0:
called_computation_lowered:
.L_overlay_start_0:
0x88: {  	s2 =	sld [smem:$0x3FD9]  }
0x89: {  	s3 =	sld [smem:$0x3FFE];
	_ =	sdelay $0x1  }
0x8a: {  	s1 =	srdreg.scid  }
0x8b: {  	s0 =	sand.u32 $0x1, s1  }
0x8c: {  	s17 =	sshll.u32 s0, $0xA;
	s2 =	sadd.s32 s3, s2  }
0x8d: {  	s2 =	sadd.s32 s2, s17  }
0x8e: {  	[smem:$0x3FBA] =	sst s2  }
0x8f: {  	_ = 	snop  }
0x90: {  	s2 =	sld [smem:$0x3FD0];
	(tm) =	ssettm $0x1  }
0x91: {  	s18 =	sld [smem:$0x3FFB];
	_ =	sdelay $0x3  }
0x92: {  	_ =	strace s18  }
0x93: {  	s3 =	sld [smem:$0x3FFC];
	_ =	sdelay $0x3  }
0x94: {  	_ =	strace s3  }
0x95: {  	s3 =	sld [smem:$0x3FFD];
	_ =	sdelay $0x3  }
0x96: {  	_ =	strace s3  }
0x97: {  	_ =	strace $0x8FFFFFFF  }
0x98: {  	s19 =	sld [smem:$0x3FDB];
	_ =	sdelay $0x1  }
0x99: {  	s4 =	simm.s32 $_scs_section_size  }
0x9a: {  	s5 =	simm.s32 $_size__tile_overlayer_lowered;
	s6 =	simm.s32 $_tile_overlayer_lowered  }
0x9b: {  	s22 =	simm.s32 $0x1BFF;
	s21 =	sshll.u32 s6, $0x1;
	s3 =	sadd.s32 s4, s19  }
0x9c: {  	s7 =	simm.s32 $0x0;
	s20 =	sshll.u32 s5, $0x1;
	s5 =	sadd.s32 s21, s3  }
0x9d: {  	[timem:s7], [sflag:s22] =	dma.local [hbm:s5], s20  }
0x9e: {  	_ =	swait.ge [sflag:s22], s20  }
0x9f: {  	s4 =	ssub.s32 $0x0, s20;
	[sflag:s22] =	ssyncset.done $0x0  }
0xa0: {  	[sflag:s22] =	ssyncadd.s32 s4;
	_ =	sdelay $0x1  }
0xa1: {  	s23 =	simm.s32 $0x1B8B  }
0xa2: {  	_ =	swait.ge [sflag:s23], $0x1  }
0xa3: {  	[sflag:s23] =	ssyncset.done $0x0  }
0xa4: {  	s25 =	simm.s32 $0x1B8E;
	s24 =	sld [smem:$0x3FFE];
	[sflag:s23] =	ssyncadd.s32 $0xFFFFFFFF  }
0xa5: {  	s26 =	simm.s32 $execute0_lowered;
	[smem:$0x3FD2] =	sst s25  }
0xa6: {  	s5 =	sshll.u32 s26, $0x1;
	_ =	strace $0x80000046;
	[dreg:$0x1] =	wrdreg $0xFFFFFFFF  }
0xa7: {  	s28 =	simm.s32 $_size_execute0_lowered;
	s3 =	sadd.s32 s3, s5;
	[dreg:$0x0] =	wrdreg $0x0  }
0xa8: {  	s5 =	sshll.u32 s28, $0x1;
	[dreg:$0x2] =	wrdreg s3  }
0xa9: {  	[dreg:$0x3] =	wrdreg s5  }
0xaa: {  	[dreg:$0x4] =	wrdreg $0xC0  }
0xab: {  	_ =	task [dreg:s7], $0x5FFFF  }
0xac: {  	[dreg:$0x1] =	wrdreg $0xFFFFFFFF  }
0xad: {  	[dreg:$0x0] =	wrdreg $0x60  }
0xae: {  	[dreg:$0x2] =	wrdreg s2  }
0xaf: {  	[dreg:$0x3] =	wrdreg s24  }
0xb0: {  	[dreg:$0x4] =	wrdreg $0x4000  }
0xb1: {  	[dreg:$0x5] =	wrdreg $0x9  }
0xb2: {  	_ =	task.clear_ibuf [dreg:s7], $0x6FFFF;
	_ =	strace $0x90000046  }
0xb3: {  	s29 =	simm.s32 $0x9;
	_ =	strace $0x80000048  }
0xb4: {  	_ =	swait.ge [sflag:s29], $0x1  }
0xb5: {  	[sflag:s29] =	ssyncadd.s32 $0xFFFFFFFF  }
0xb6: {  	_ =	strace $0x90000048  }
0xb7: {  	_ =	sfence  }
0xb8: {  	s30 =	sld [smem:$0x0];
	_ =	sdelay $0x2  }
0xb9: {  	s31 =	sshll.u32 s1, $0xD;
	s1 =	sshrl.u32 s1, $0x2  }
0xba: {  	s3 =	sand.u32 $0x4000, s31;
	s1 =	sadd.s32 s1, s30  }
0xbb: {  	s0 =	sor.u32 s3, s0;
	s1 =	sshll.u32 s1, $0x11  }
0xbc: {  	s0 =	sor.u32 s1, s0  }
0xbd: {  	s0 =	sadd.s32 $0x8F2B, s0  }
0xbe: {  	[sflag:s0] =	ssyncadd.remote.s32 $0x1  }
0xbf: {  	_ =	sfence.sel $0xFFFF  }
0xc0: {  	[dreg:$0x0] =	wrdreg $0xFFFFFFFF;
	(pc) =	sbr.abs _section_cstart, $3  }
0xc1: {  	[dreg:$0x1] =	wrdreg $0xFFFFFFFF  }
0xc2: {  	_ =	task.clear_ibuf [dreg:s7], $0x2FFFF;
	_ =	strace $0x9FFFFFFF  }
0xc3: {  	(tm) =	ssettm $0x7FFFFFFF  }
tec
execute0_lowered:
.L_overlay_start_1:
0x0: {  	(tag) =	ssettag $0x1  }
0x1: {  	s12 =	rddreg [dreg:$0x0]  }
0x2: {  	s5 =	rddreg [dreg:$0x1]  }
0x3: {  	s2 =	rddreg [dreg:$0x2]  }
0x4: {  	s0 =	rddreg [dreg:$0x3];
	s1 =	stileid.u32  }
0x5: {  	s4 =	srdreg.scid;
	s3 =	simm.s32 $0x0;
	s15 =	simm.s32 $0x180  }
0x6: {  	s16 =	simm.s32 $0x80;
	s17 =	simm.s32 $0x1;
	s18 =	simm.s32 $0x2  }
0x7: {  	s19 =	simm.s32 $0x0;
	s7 =	smul.u32 $0x278, s1;
	s6 =	sand.u32 $0x1, s4  }
0x8: {  	[smem:$0x7FF] =	sst s3;
	s9 =	sshll.u32 s1, $0x1;
	s11 =	smul.u32 $0x5000, s1  }
0x9: {  	s4 =	smul.u32 $0x2780, s6;
	_ =	strace $0x80000047;
	s9 =	sor.u32 s6, s9  }
0xa: {  	s29 =	ssub.s32 $0x2, s6;
	s14 =	smul.u32 $0x2800, s6;
	s8 =	sshrl.u32 s7, $0x3  }
0xb: {  	s9 =	smul.u32 $0x2800, s9;
	s13 =	sshrl.u32 s29, $0x1;
	s8 =	sadd.s32 s8, s5  }
0xc: {  	s10 =	sadd.s32 s7, s4;
	s4 =	sadd.s32 $0xF600, s5;
	s13 =	ssub.s32 s29, s13  }
0xd: {  	s7 =	sadd.s32 s7, s2;
	s11 =	sadd.s32 s14, s11;
	s10 =	sshrl.u32 s10, $0x3  }
0xe: {  	s9 =	sshrl.u32 s9, $0x3;
	s14 =	sor.u32 $0x180, s11;
	s11 =	sor.u32 $0x100, s11  }
0xf: {  	s10 =	sadd.s32 s10, s5;
	s5 =	sadd.s32 $0xF000, s8;
	s6 =	sadd.s32 s12, s9  }
0x10: {  	s30 =	sshrl.u32 s14, $0x3;
	s31 =	sshrl.u32 s11, $0x3;
	s14 =	simm.s32 $0x3  }
0x11: {  	s8 =	sadd.s32 $0x10, s6;
	s9 =	sadd.s32 $0xF800, s10;
	s10 =	smax.u32 s13, $0x1  }
0x12: {  	s11 =	sadd.s32 s30, s12;
	s12 =	sadd.s32 s31, s12;
	s13 =	simm.s32 $0x100  }
.LBB2_1:
0x13: {  	[tilespmem:s13], [sflag:$0x3] =	stream.linear.gather [hbm4b:s4+s3], $0x80, $0x38;
	[tilespmem:$0x678] =	vst v63  }
0x14: {  	_ =	swait.ge [sflag:s14], $0x80  }
0x15: {  	[sflag:s14] =	ssyncset.done $0x0  }
0x16: {  	[sflag:s14] =	ssyncadd.s32 $0xFFFFFF80  }
0x17: {  	[tilespmem:s15], [sflag:$0x3] =	stream.linear.gather [hbm4b:s5+s3], $0x278, $0x38;
	[tilespmem:$0x678] =	vst v63  }
0x18: {  	_ =	swait.ge [sflag:s14], $0x278  }
0x19: {  	[sflag:s14] =	ssyncset.done $0x0  }
0x1a: {  	[sflag:s14] =	ssyncadd.s32 $0xFFFFFD88  }
0x1b: {  	[spmem:s7] =	stream.linear.scatter [tilespmem:s15], [sflag:$0x3], $0x278, $0x38;
	[tilespmem:$0x678] =	vst v63  }
0x1c: {  	_ =	swait.ge [sflag:s14], $0x278  }
0x1d: {  	[sflag:s14] =	ssyncset.done $0x0  }
0x1e: {  	[sflag:s14] =	ssyncadd.s32 $0xFFFFFD88  }
0x1f: {  	[bflag:$0x0] =	sbarrier.arrive $0xFFFF  }
0x20: {  	[tilespmem:s3], [sflag:$0x1] =	stream.linear.gather [hbm4b:s6+s3], $0x80, $0x38;
	[tilespmem:$0x678] =	vst v63  }
0x21: {  	_ = 	snop  }
0x22: {  	[tilespmem:s16], [sflag:$0x2] =	stream.linear.gather [hbm4b:s8+s3], $0x80, $0x38;
	[tilespmem:$0x678] =	vst v63  }
0x23: {  	_ =	swait.ge [sflag:s17], $0x80  }
0x24: {  	[sflag:s17] =	ssyncset.done $0x0  }
0x25: {  	[sflag:s17] =	ssyncadd.s32 $0xFFFFFF80  }
0x26: {  	[spmem:s2] =	stream.indirect.scatter.add.f32 [tilespmem:s13], [sflag:$0x3], $0x1, s3, s16, $0xb8;
	[tilespmem:$0x678] =	vst v63  }
0x27: {  	_ =	swait.ge [sflag:s14], $0x80  }
0x28: {  	[sflag:s14] =	ssyncset.done $0x0  }
0x29: {  	s20 =	sadd.s32 $0x0, s12;
	[sflag:s14] =	ssyncadd.s32 $0xFFFFFF80  }
0x2a: {  	[tilespmem:s3], [sflag:$0x1] =	stream.linear.gather [hbm4b:s20+s3], $0x80, $0x38;
	[tilespmem:$0x678] =	vst v63  }
0x2b: {  	_ =	swait.ge [sflag:s18], $0x80  }
0x2c: {  	[sflag:s18] =	ssyncset.done $0x0  }
0x2d: {  	[sflag:s18] =	ssyncadd.s32 $0xFFFFFF80  }
0x2e: {  	[spmem:s2] =	stream.indirect.scatter.add.f32 [tilespmem:s13], [sflag:$0x3], $0x1, s16, s16, $0xb8;
	[tilespmem:$0x678] =	vst v63  }
0x2f: {  	_ =	swait.ge [sflag:s14], $0x80  }
0x30: {  	[sflag:s14] =	ssyncset.done $0x0  }
0x31: {  	s21 =	sadd.s32 $0x0, s11;
	s20 =	simm.s32 $0x20;
	[sflag:s14] =	ssyncadd.s32 $0xFFFFFF80  }
.LBB2_2:
0x32: {  	[tilespmem:s16], [sflag:$0x2] =	stream.linear.gather [hbm4b:s21+s3], $0x80, $0x38;
	[tilespmem:$0x678] =	vst v63  }
0x33: {  	s21 =	smov.u32 s20  }
0x34: {  	p0 =	sne.s32 s20, $0x4C0;
	s20 =	sadd.s32 $0x20, s20;
	_ =	swait.ge [sflag:s17], $0x80  }
0x35: {  	[sflag:s17] =	ssyncset.done $0x0  }
0x36: {  	[sflag:s17] =	ssyncadd.s32 $0xFFFFFF80  }
0x37: {  	[spmem:s2] =	stream.indirect.scatter.add.f32 [tilespmem:s13], [sflag:$0x3], $0x1, s3, s16, $0xb8;
	[tilespmem:$0x678] =	vst v63  }
0x38: {  	_ =	swait.ge [sflag:s14], $0x80  }
0x39: {  	[sflag:s14] =	ssyncset.done $0x0  }
0x3a: {  	s22 =	sadd.s32 s21, s12;
	[sflag:s14] =	ssyncadd.s32 $0xFFFFFF80  }
0x3b: {  	[tilespmem:s3], [sflag:$0x1] =	stream.linear.gather [hbm4b:s22+s3], $0x80, $0x38;
	[tilespmem:$0x678] =	vst v63  }
0x3c: {  	_ =	swait.ge [sflag:s18], $0x80  }
0x3d: {  	[sflag:s18] =	ssyncset.done $0x0  }
.Ltmp0:
0x3e: {  	[sflag:s18] =	ssyncadd.s32 $0xFFFFFF80;
	(pc) =	sbr.rel @p0 .LBB2_2-.Ltmp0, $4  }
0x3f: {  	[spmem:s2] =	stream.indirect.scatter.add.f32 [tilespmem:s13], [sflag:$0x3], $0x1, s16, s16, $0xb8;
	[tilespmem:$0x678] =	vst v63  }
0x40: {  	_ =	swait.ge [sflag:s14], $0x80  }
0x41: {  	[sflag:s14] =	ssyncset.done $0x0  }
0x42: {  	s21 =	sadd.s32 s21, s11;
	[sflag:s14] =	ssyncadd.s32 $0xFFFFFF80  }
0x43: {  	[tilespmem:s16], [sflag:$0x2] =	stream.linear.gather [hbm4b:s21+s3], $0x80, $0x38;
	[tilespmem:$0x678] =	vst v63  }
0x44: {  	_ =	swait.ge [sflag:s17], $0x80  }
0x45: {  	[sflag:s17] =	ssyncset.done $0x0  }
0x46: {  	[sflag:s17] =	ssyncadd.s32 $0xFFFFFF80  }
0x47: {  	[spmem:s2] =	stream.indirect.scatter.add.f32 [tilespmem:s13], [sflag:$0x3], $0x1, s3, s16, $0xb8;
	[tilespmem:$0x678] =	vst v63  }
0x48: {  	_ =	swait.ge [sflag:s14], $0x80  }
0x49: {  	[sflag:s14] =	ssyncset.done $0x0  }
0x4a: {  	[sflag:s14] =	ssyncadd.s32 $0xFFFFFF80  }
0x4b: {  	_ =	swait.ge [sflag:s18], $0x80  }
0x4c: {  	[sflag:s18] =	ssyncset.done $0x0  }
0x4d: {  	[sflag:s18] =	ssyncadd.s32 $0xFFFFFF80  }
0x4e: {  	[spmem:s2] =	stream.indirect.scatter.add.f32 [tilespmem:s13], [sflag:$0x3], $0x1, s16, s16, $0xb8;
	[tilespmem:$0x678] =	vst v63  }
0x4f: {  	_ =	swait.ge [sflag:s14], $0x80  }
0x50: {  	[sflag:s14] =	ssyncset.done $0x0  }
0x51: {  	[sflag:s14] =	ssyncadd.s32 $0xFFFFFF80  }
0x52: {  	[bflag:$0x0] =	sbarrier.arrive $0xFFFF  }
0x53: {  	[tilespmem:s15], [sflag:$0x3] =	stream.linear.gather [spmem:s7], $0x278, $0x38;
	[tilespmem:$0x678] =	vst v63  }
0x54: {  	s19 =	sadd.s32 $0x1, s19;
	_ =	swait.ge [sflag:s14], $0x278  }
0x55: {  	p0 =	sne.s32 s19, s10;
	[sflag:s14] =	ssyncset.done $0x0  }
.Ltmp1:
0x56: {  	[sflag:s14] =	ssyncadd.s32 $0xFFFFFD88;
	(pc) =	sbr.rel @p0 .LBB2_1-.Ltmp1, $4  }
0x57: {  	[hbm4b:s9+s3] =	stream.linear.scatter [tilespmem:s15], [sflag:$0x3], $0x278, $0x38;
	[tilespmem:$0x678] =	vst v63  }
0x58: {  	_ =	swait.ge [sflag:s14], $0x278  }
0x59: {  	[sflag:s14] =	ssyncset.done $0x0  }
0x5a: {  	[sflag:s14] =	ssyncadd.s32 $0xFFFFFD88  }
0x5b: {  	_ =	sfence.sel $0x180000  }
0x5c: {  	[bflag:$0x0] =	sbarrier.arrive $0xFFFF  }
0x5d: {  	p0 =	sne.s32 s1, $0x0;
	_ =	strace $0x90000047  }
0x5e: {  	s0 =	sadd.s32 @!p0 $0x100000, s0;
	[bflag:$0x2] =	sbarrier.arrive $0xFFFF  }
0x5f: {  	[sflag:s0] =	ssyncadd.tile.s32 @!p0 $0x1;
	_ =	shalt  }
.Lfunc_end2:
_tile_overlayer_lowered:
.L_overlay_start_2:
0x60: {  	(tag) =	ssettag $0x2  }
0x61: {  	s0 =	rddreg [dreg:$0x0];
	s2 =	stileid.u32  }
0x62: {  	s1 =	rddreg [dreg:$0x1];
	p0 =	sne.s32 s2, $0x0  }
0x63: {  	s3 =	rddreg [dreg:$0x2];
	[bflag:$0x3] =	sbarrier.arrive $0xFFFF;
	s2 =	simm.s32 @!p0 $0x1C03  }
0x64: {  	[timem:s3], [sflag:s2] =	dma.local @!p0 [hbm:s0], s1  }
0x65: {  	s0 =	simm.s32 @!p0 $0x3  }
0x66: {  	_ =	swait.ge @!p0 [sflag:s0], s1  }
0x67: {  	s1 =	ssub.s32 @!p0 $0x0, s1;
	[sflag:s0] =	ssyncset.done @!p0 $0x0  }
0x68: {  	[sflag:s0] =	ssyncadd.s32 @!p0 s1  }
0x69: {  	[bflag:$0x3] =	sbarrier.arrive $0xFFFF  }
0x6a: {  	_ =	shalt  }

// kernel: kernel.19.cloned.1.call-start
scs
__scs_entry_jumppad:
0x0: {  	(pc) =	sbr.rel $0x88, $3  }
0x1: {  	(tag) =	ssettag $0x0;
	lr =	simm.s32 $0x1  }
0x2: {  	[smem:$0x3F93] =	sst lr;
	_ =	strace $0xD0000000  }
0x3: {  	_ = 	snop  }
0x4: {  	_ = 	snop  }
0x5: {  	_ = 	snop  }
0x6: {  	_ = 	snop  }
0x7: {  	_ = 	snop  }
__scs_overlays_trampoline_lowered:
0x8: {  	[smem:$0x3FA2] =	sst s0  }
0x9: {  	[smem:$0x3FA3] =	sst s1  }
0xa: {  	[smem:$0x3FA4] =	sst s2  }
0xb: {  	[smem:$0x3FA5] =	sst s3  }
0xc: {  	[smem:$0x3FA6] =	sst s4  }
0xd: {  	[smem:$0x3FA7] =	sst s5  }
0xe: {  	[smem:$0x3FA8] =	sst s6  }
0xf: {  	[smem:$0x3FA9] =	sst s7  }
0x10: {  	[smem:$0x3FAA] =	sst s8  }
0x11: {  	[smem:$0x3FAB] =	sst s9;
	s0 =	simm.s32 @!p0 $0x0  }
0x12: {  	s1 =	sld [smem:$0x3F91];
	s0 =	simm.s32 @p0 $0x1  }
0x13: {  	[smem:$0x3FAC] =	sst s0;
	s0 =	simm.s32 @!p1 $0x0  }
0x14: {  	s2 =	sld [smem:$0x3F90];
	s0 =	simm.s32 @p1 $0x1  }
0x15: {  	[smem:$0x3FAD] =	sst s0;
	s0 =	simm.s32 @!p2 $0x0  }
0x16: {  	s3 =	sld [smem:$0x3FDB];
	s0 =	simm.s32 @p2 $0x1  }
0x17: {  	s4 =	simm.s32 $0x1BF5;
	[smem:$0x3FAF] =	sst s0  }
0x18: {  	s0 =	sld [smem:$0x3F92];
	_ =	swait.ge [sflag:s4], $0x0  }
0x19: {  	s7 =	sld [smem:$0x3F93]  }
0x1a: {  	s8 =	sadd.s32 $0xFFFFE003, lr  }
0x1b: {  	s9 =	sadd.s32 $0xFFFFFEF7, lr;
	s5 =	simm.s32 $0xFFFFFFFF;
	p2 =	slt.u32 s8, $0xFFFFF086  }
0x1c: {  	p1 =	slt.u32 s9, $0xF7A;
	s5 =	simm.s32 @!p2 $0x0  }
0x1d: {  	s5 =	simm.s32 @p1 $0x1;
	p0 =	seq.s32 s7, s2  }
0x1e: {  	s7 =	smul.u32 @!p0 $0xF7A, s2;
	p2 =	seq.s32 @!p0 s5, $0x0  }
0x1f: {  	s9 =	smul.u32 $0xF7A, s1;
	s8 =	simm.s32 @!p0 $0x1BF5;
	p2 =	por !p2, p0  }
0x20: {  	[sflag:s8] =	ssyncset.s32 @!p0 $0xFFFFF086;
	s6 =	sadd.s32 @!p0 s3, s7;
	s7 =	simm.s32 @!p0 $0x108  }
0x21: {  	s3 =	sadd.s32 s3, s9;
	s6 =	sadd.s32 @!p0 $0x88, s6;
	s7 =	simm.s32 @p2 $0x1082  }
0x22: {  	[simem:s7], [sflag:s8] =	dma.local @!p0 [hbm:s6], $0xF7A  }
0x23: {  	s9 =	sor.u32 $0xD0000000, s2;
	s6 =	simm.s32 $0x108;
	_ =	swait.ge @!p0 [sflag:s8], $0x0  }
0x24: {  	s3 =	sadd.s32 $0x88, s3;
	s6 =	simm.s32 @!p1 $0x1082;
	[sflag:s4] =	ssyncset.s32 $0xFFFFF086  }
0x25: {  	[simem:s6], [sflag:s4] =	dma.local [hbm:s3], $0xF7A  }
0x26: {  	[smem:$0x3F93] =	sst s1;
	(tag) =	ssettag s2;
	_ =	strace s9  }
0x27: {  	s1 =	sld [smem:$0x3FA3]  }
0x28: {  	s2 =	sld [smem:$0x3FA4]  }
0x29: {  	s4 =	sld [smem:$0x3FA6]  }
0x2a: {  	p0 =	seq.s32 s5, $0x0;
	s5 =	sld [smem:$0x3FA7]  }
0x2b: {  	s6 =	sld [smem:$0x3FA8]  }
0x2c: {  	s7 =	sld [smem:$0x3FA9]  }
0x2d: {  	s3 =	simm.s32 $0x108;
	s8 =	sld [smem:$0x3FAA]  }
0x2e: {  	s3 =	simm.s32 @!p0 $0x1082;
	s9 =	sld [smem:$0x3FAB]  }
0x2f: {  	lr =	sadd.s32 s0, s3;
	s0 =	sld [smem:$0x3FA2]  }
0x30: {  	s3 =	sld [smem:$0x3FA5]  }
0x31: {  	[smem:$0x3FAE] =	sst s10  }
0x32: {  	s10 =	sld [smem:$0x3FAC];
	_ =	sdelay $0x3  }
0x33: {  	p0 =	seq.s32 s10, $0x1;
	s10 =	sld [smem:$0x3FAE];
	_ =	sdelay $0x3  }
0x34: {  	[smem:$0x3FAE] =	sst s10  }
0x35: {  	s10 =	sld [smem:$0x3FAD];
	_ =	sdelay $0x3  }
0x36: {  	p1 =	seq.s32 s10, $0x1;
	s10 =	sld [smem:$0x3FAE];
	_ =	sdelay $0x3  }
0x37: {  	[smem:$0x3FAE] =	sst s10  }
0x38: {  	s10 =	sld [smem:$0x3FAF]  }
0x39: {  	_ = 	snop;
	(pc) =	sbr.ind lr, $3  }
0x3a: {  	_ = 	snop  }
0x3b: {  	_ = 	snop  }
0x3c: {  	p2 =	seq.s32 s10, $0x1;
	s10 =	sld [smem:$0x3FAE]  }
0x3d: {  	_ =	shalt  }
0x3e: {  	_ =	shalt  }
0x3f: {  	_ =	shalt  }
0x40: {  	_ =	shalt  }
0x41: {  	_ =	shalt  }
0x42: {  	_ =	shalt  }
0x43: {  	_ =	shalt  }
0x44: {  	_ =	shalt  }
0x45: {  	_ =	shalt  }
0x46: {  	_ =	shalt  }
0x47: {  	_ =	shalt  }
0x48: {  	_ =	shalt  }
0x49: {  	_ =	shalt  }
0x4a: {  	_ =	shalt  }
0x4b: {  	_ =	shalt  }
0x4c: {  	_ =	shalt  }
0x4d: {  	_ =	shalt  }
0x4e: {  	_ =	shalt  }
0x4f: {  	_ =	shalt  }
0x50: {  	_ =	shalt  }
0x51: {  	_ =	shalt  }
0x52: {  	_ =	shalt  }
0x53: {  	_ =	shalt  }
0x54: {  	_ =	shalt  }
0x55: {  	_ =	shalt  }
0x56: {  	_ =	shalt  }
0x57: {  	_ =	shalt  }
0x58: {  	_ =	shalt  }
0x59: {  	_ =	shalt  }
0x5a: {  	_ =	shalt  }
0x5b: {  	_ =	shalt  }
0x5c: {  	_ =	shalt  }
0x5d: {  	_ =	shalt  }
0x5e: {  	_ =	shalt  }
0x5f: {  	_ =	shalt  }
0x60: {  	_ =	shalt  }
0x61: {  	_ =	shalt  }
0x62: {  	_ =	shalt  }
0x63: {  	_ =	shalt  }
0x64: {  	_ =	shalt  }
0x65: {  	_ =	shalt  }
0x66: {  	_ =	shalt  }
0x67: {  	_ =	shalt  }
0x68: {  	_ =	shalt  }
0x69: {  	_ =	shalt  }
0x6a: {  	_ =	shalt  }
0x6b: {  	_ =	shalt  }
0x6c: {  	_ =	shalt  }
0x6d: {  	_ =	shalt  }
0x6e: {  	_ =	shalt  }
0x6f: {  	_ =	shalt  }
0x70: {  	_ =	shalt  }
0x71: {  	_ =	shalt  }
0x72: {  	_ =	shalt  }
0x73: {  	_ =	shalt  }
0x74: {  	_ =	shalt  }
0x75: {  	_ =	shalt  }
0x76: {  	_ =	shalt  }
0x77: {  	_ =	shalt  }
0x78: {  	_ =	shalt  }
0x79: {  	_ =	shalt  }
0x7a: {  	_ =	shalt  }
0x7b: {  	_ =	shalt  }
0x7c: {  	_ =	shalt  }
0x7d: {  	_ =	shalt  }
0x7e: {  	_ =	shalt  }
0x7f: {  	_ =	shalt  }
0x80: {  	_ =	shalt  }
0x81: {  	_ =	shalt  }
0x82: {  	_ =	shalt  }
0x83: {  	_ =	shalt  }
0x84: {  	_ =	shalt  }
0x85: {  	_ =	shalt  }
0x86: {  	_ =	shalt  }
0x87: {  	_ =	shalt  }
.Lfunc_end0:
.L_simem_size_0:
called_computation.1_lowered:
.L_overlay_start_0:
0x88: {  	s2 =	sld [smem:$0x3FD9]  }
0x89: {  	s3 =	sld [smem:$0x3FFE];
	_ =	sdelay $0x1  }
0x8a: {  	s1 =	srdreg.scid  }
0x8b: {  	s0 =	sand.u32 $0x1, s1  }
0x8c: {  	s17 =	sshll.u32 s0, $0xA;
	s2 =	sadd.s32 s3, s2  }
0x8d: {  	s2 =	sadd.s32 s2, s17  }
0x8e: {  	[smem:$0x3FBA] =	sst s2  }
0x8f: {  	_ = 	snop  }
0x90: {  	s2 =	sld [smem:$0x3FD0];
	(tm) =	ssettm $0x1  }
0x91: {  	s18 =	sld [smem:$0x3FFB];
	_ =	sdelay $0x3  }
0x92: {  	_ =	strace s18  }
0x93: {  	s3 =	sld [smem:$0x3FFC];
	_ =	sdelay $0x3  }
0x94: {  	_ =	strace s3  }
0x95: {  	s3 =	sld [smem:$0x3FFD];
	_ =	sdelay $0x3  }
0x96: {  	_ =	strace s3  }
0x97: {  	_ =	strace $0x8FFFFFFF  }
0x98: {  	s19 =	sld [smem:$0x3FDB];
	_ =	sdelay $0x1  }
0x99: {  	s4 =	simm.s32 $_scs_section_size  }
0x9a: {  	s5 =	simm.s32 $_size__tile_overlayer_lowered;
	s6 =	simm.s32 $_tile_overlayer_lowered  }
0x9b: {  	s22 =	simm.s32 $0x1BFF;
	s21 =	sshll.u32 s6, $0x1;
	s3 =	sadd.s32 s4, s19  }
0x9c: {  	s7 =	simm.s32 $0x0;
	s20 =	sshll.u32 s5, $0x1;
	s5 =	sadd.s32 s21, s3  }
0x9d: {  	[timem:s7], [sflag:s22] =	dma.local [hbm:s5], s20  }
0x9e: {  	_ =	swait.ge [sflag:s22], s20  }
0x9f: {  	s4 =	ssub.s32 $0x0, s20;
	[sflag:s22] =	ssyncset.done $0x0  }
0xa0: {  	[sflag:s22] =	ssyncadd.s32 s4;
	_ =	sdelay $0x1  }
0xa1: {  	s23 =	simm.s32 $0x1B8B  }
0xa2: {  	_ =	swait.ge [sflag:s23], $0x1  }
0xa3: {  	[sflag:s23] =	ssyncset.done $0x0  }
0xa4: {  	s25 =	simm.s32 $0x1B8E;
	s24 =	sld [smem:$0x3FFE];
	[sflag:s23] =	ssyncadd.s32 $0xFFFFFFFF  }
0xa5: {  	s26 =	simm.s32 $execute0_lowered;
	[smem:$0x3FD2] =	sst s25  }
0xa6: {  	s5 =	sshll.u32 s26, $0x1;
	_ =	strace $0x80000049;
	[dreg:$0x1] =	wrdreg $0xFFFFFFFF  }
0xa7: {  	s28 =	simm.s32 $_size_execute0_lowered;
	s3 =	sadd.s32 s3, s5;
	[dreg:$0x0] =	wrdreg $0x0  }
0xa8: {  	s5 =	sshll.u32 s28, $0x1;
	[dreg:$0x2] =	wrdreg s3  }
0xa9: {  	[dreg:$0x3] =	wrdreg s5  }
0xaa: {  	[dreg:$0x4] =	wrdreg $0xC0  }
0xab: {  	_ =	task [dreg:s7], $0x5FFFF  }
0xac: {  	[dreg:$0x1] =	wrdreg $0xFFFFFFFF  }
0xad: {  	[dreg:$0x0] =	wrdreg $0x60  }
0xae: {  	[dreg:$0x2] =	wrdreg s24  }
0xaf: {  	[dreg:$0x3] =	wrdreg s2  }
0xb0: {  	[dreg:$0x4] =	wrdreg $0xA9000  }
0xb1: {  	[dreg:$0x5] =	wrdreg $0x9  }
0xb2: {  	_ =	task.clear_ibuf [dreg:s7], $0x6FFFF;
	_ =	strace $0x90000049  }
0xb3: {  	s29 =	simm.s32 $0x9;
	_ =	strace $0x8000004B  }
0xb4: {  	_ =	swait.ge [sflag:s29], $0x1  }
0xb5: {  	[sflag:s29] =	ssyncadd.s32 $0xFFFFFFFF  }
0xb6: {  	_ =	strace $0x9000004B  }
0xb7: {  	_ =	sfence  }
0xb8: {  	s30 =	sld [smem:$0x0];
	_ =	sdelay $0x2  }
0xb9: {  	s31 =	sshll.u32 s1, $0xD;
	s1 =	sshrl.u32 s1, $0x2  }
0xba: {  	s3 =	sand.u32 $0x4000, s31;
	s1 =	sadd.s32 s1, s30  }
0xbb: {  	s0 =	sor.u32 s3, s0;
	s1 =	sshll.u32 s1, $0x11  }
0xbc: {  	s0 =	sor.u32 s1, s0  }
0xbd: {  	s0 =	sadd.s32 $0x8F2B, s0  }
0xbe: {  	[sflag:s0] =	ssyncadd.remote.s32 $0x1  }
0xbf: {  	_ =	sfence.sel $0xFFFF  }
0xc0: {  	[dreg:$0x0] =	wrdreg $0xFFFFFFFF;
	(pc) =	sbr.abs _section_cstart, $3  }
0xc1: {  	[dreg:$0x1] =	wrdreg $0xFFFFFFFF  }
0xc2: {  	_ =	task.clear_ibuf [dreg:s7], $0x2FFFF;
	_ =	strace $0x9FFFFFFF  }
0xc3: {  	(tm) =	ssettm $0x7FFFFFFF  }
tec
execute0_lowered:
.L_overlay_start_1:
0x0: {  	(tag) =	ssettag $0x1  }
0x1: {  	s1 =	rddreg [dreg:$0x0]  }
0x2: {  	s2 =	srdreg.scid;
	s0 =	stileid.u32  }
0x3: {  	s8 =	rddreg [dreg:$0x1];
	s18 =	simm.s32 $0x5;
	s28 =	simm.s32 $0x1  }
0x4: {  	s29 =	simm.s32 $0x3;
	s30 =	simm.s32 $0x2;
	s31 =	simm.s32 $0x4  }
0x5: {  	s10 =	sand.u32 $0x1, s2;
	s3 =	sshll.u32 s0, $0x1;
	s22 =	smul.u32 $0x4F000, s0  }
0x6: {  	s2 =	rddreg [dreg:$0x2];
	s5 =	sadd.s32 $0x85200, s1;
	s23 =	smul.u32 $0x2780, s0  }
0x7: {  	s14 =	sadd.s32 $0x87A00, s1;
	p4 =	sne.s32 s0, $0xF;
	s12 =	smul.u32 $0x13C00, s0  }
0x8: {  	p0 =	seq.s32 s0, $0xF;
	s24 =	smul.u32 $0x5000, s0;
	s25 =	sshll.u32 s0, $0x6  }
0x9: {  	s4 =	sor.u32 s10, s3;
	s3 =	simm.s32 $0x0;
	s13 =	smul.u32 $0x138800, s10  }
0xa: {  	s6 =	ssub.s32 $0x2, s10;
	p1 =	seq.s32 s10, $0x0;
	s4 =	smul.u32 $0x2800, s4  }
0xb: {  	[smem:$0x7FF] =	sst s3;
	s9 =	sshrl.u32 s6, $0x1;
	p2 =	por !p1, !p4  }
0xc: {  	p3 =	por !p1, !p0;
	_ =	strace $0x8000004A;
	s15 =	ssub.s32 s6, s9  }
0xd: {  	p1 =	por !p2, !p2;
	p2 =	por !p3, !p3;
	s9 =	sshrl.u32 s22, $0x2  }
0xe: {  	p3 =	seq.s32 s10, $0x1;
	s16 =	sadd.s32 s12, s13;
	s10 =	smul.u32 $0x2800, s10  }
0xf: {  	s17 =	sshrl.u32 s13, $0x3;
	s22 =	simm.s32 $0x2800;
	s11 =	sshrl.u32 s4, $0x3  }
0x10: {  	s4 =	sadd.s32 $0x5E000, s1;
	s9 =	sadd.s32 s9, s2;
	p4 =	por !p4, !p3  }
0x11: {  	s16 =	sshrl.u32 s16, $0x3;
	s15 =	smax.u32 s15, $0x1;
	s7 =	sadd.s32 s11, s1  }
0x12: {  	s1 =	sadd.s32 $0x83080, s1;
	p4 =	por !p4, !p4;
	s11 =	sadd.s32 s8, s11  }
0x13: {  	s13 =	sadd.s32 s14, s16;
	s14 =	sadd.s32 s14, s17;
	s26 =	sshrl.u32 s9, $0x3  }
0x14: {  	s6 =	sadd.s32 $0x5000, s7;
	s7 =	sadd.s32 $0x128400, s2;
	[dreg:$0x4] =	wrdreg s1  }
0x15: {  	s1 =	sadd.s32 s4, s23;
	s12 =	sadd.s32 $0x10, s11;
	[dreg:$0x7] =	wrdreg s26  }
0x16: {  	s14 =	sadd.s32 $0x25080, s14;
	[dreg:$0x5] =	wrdreg s1;
	s1 =	sadd.s32 s10, s24  }
0x17: {  	s23 =	simm.s32 $0x2880;
	s10 =	sor.u32 $0x100, s1;
	s1 =	sor.u32 $0x180, s1  }
0x18: {  	s26 =	simm.s32 $0x6900;
	s24 =	simm.s32 $0x80;
	s1 =	sshrl.u32 s1, $0x3  }
0x19: {  	s10 =	sshrl.u32 s10, $0x3;
	s17 =	sadd.s32 s1, s8;
	s1 =	sor.u32 $0x1C05, s25  }
0x1a: {  	s16 =	sadd.s32 s10, s8;
	[dreg:$0x6] =	wrdreg s1;
	s1 =	sshll.u32 @p4 s0, $0x6  }
0x1b: {  	s25 =	simm.s32 $0x2900;
	s21 =	sor.u32 @p4 $0x1C05, s1;
	s1 =	simm.s32 $0x0  }
.LBB2_1:
.Ltmp0:
0x1c: {  	(pc) =	sbr.rel @!p1 .LBB2_4-.Ltmp0, $4  }
0x1d: {  	[tilespmem:s3], [sflag:$0x5] =	stream.linear.gather [hbm4b:s6+s3], $0x2800, $0x38;
	[tilespmem:$0x1E500] =	vst v63  }
0x1e: {  	_ =	swait.ge [sflag:s18], $0x2800  }
0x1f: {  	[sflag:s18] =	ssyncset.done $0x0  }
0x20: {  	[sflag:s18] =	ssyncadd.s32 $0xFFFFD800  }
0x21: {  	s8 =	rddreg [dreg:$0x5]  }
0x22: {  	s10 =	rddreg [dreg:$0x6]  }
.Ltmp1:
0x23: {  	s19 =	rddreg [dreg:$0x7];
	(pc) =	sbr.rel .LBB2_3-.Ltmp1, $4  }
0x24: {  	[spmem:s19], [sflag:s10] =	dma.local [hbm:s8], $0x2780  }
0x25: {  	_ =	swait.ge [sflag:s18], $0x2780  }
0x26: {  	[sflag:s18] =	ssyncset.done $0x0  }
0x27: {  	p5 =	por $0x0, $0x0;
	[sflag:s18] =	ssyncadd.s32 $0xFFFFD880  }
.LBB2_4:
.Ltmp2:
0x28: {  	(pc) =	sbr.rel @!p2 .LBB2_3-.Ltmp2, $2  }
0x29: {  	_ =	sdelay $0x2  }
0x2a: {  	p5 =	por p0, p0  }
.Ltmp3:
0x2b: {  	(pc) =	sbr.rel .LBB2_6-.Ltmp3, $2  }
0x2c: {  	_ =	sdelay $0x2  }
0x2d: {  	p5 =	por $0x1, $0x1;
	s10 =	simm.s32 $0xF;
	s8 =	rddreg [dreg:$0x4]  }
.LBB2_3:
0x2e: {  	s8 =	sshrl.u32 @p4 s9, $0x3;
	p6 =	por @p4 $0x1, $0x1  }
0x2f: {  	[spmem:s8], [sflag:s21] =	dma.local @p4 [hbm:s5], $0x2780  }
0x30: {  	p6 =	por @!p4 p3, p3  }
0x31: {  	p6 =	por !p6, !p5  }
0x32: {  	p6 =	por !p6, !p6  }
.Ltmp4:
0x33: {  	_ = 	snop;
	(pc) =	sbr.rel @!p6 .LBB2_7-.Ltmp4, $4  }
0x34: {  	s8 =	simm.s32 @p4 $0x5  }
0x35: {  	_ =	swait.ge @p4 [sflag:s8], $0x2780  }
0x36: {  	[sflag:s8] =	ssyncset.done @p4 $0x0  }
0x37: {  	s10 =	stileid.u32;
	[sflag:s8] =	ssyncadd.s32 @p4 $0xFFFFD880;
	s8 =	smov.u32 s5  }
.LBB2_6:
0x38: {  	s10 =	sshll.u32 s10, $0x6  }
0x39: {  	s19 =	sshrl.u32 s7, $0x3;
	s10 =	sor.u32 $0x1C05, s10  }
0x3a: {  	[spmem:s19], [sflag:s10] =	dma.local [hbm:s8], $0x2080  }
0x3b: {  	_ =	swait.ge [sflag:s18], $0x2080  }
0x3c: {  	[sflag:s18] =	ssyncset.done $0x0  }
0x3d: {  	[sflag:s18] =	ssyncadd.s32 $0xFFFFDF80  }
.LBB2_7:
0x3e: {  	[bflag:$0x0] =	sbarrier.arrive $0xFFFF;
	s8 =	simm.s32 $0x0  }
0x3f: {  	[tilespmem:s22], [sflag:$0x3] =	stream.linear.gather [hbm4b:s11+s8], $0x80, $0x38;
	[tilespmem:$0x1E500] =	vst v63  }
0x40: {  	_ = 	snop  }
0x41: {  	[tilespmem:s23], [sflag:$0x4] =	stream.linear.gather [hbm4b:s12+s8], $0x80, $0x38;
	[tilespmem:$0x1E500] =	vst v63  }
0x42: {  	_ = 	snop  }
0x43: {  	[tilespmem:s25], [sflag:$0x1] =	stream.indirect.gather [hbm4b:s4+s24], $0x80, s8, s24, $0xb8;
	[tilespmem:$0x1E500] =	vst v63  }
0x44: {  	_ = 	snop  }
0x45: {  	[tilespmem:s26], [sflag:$0x2] =	stream.indirect.gather [hbm4b:s4+s24], $0x80, s24, s24, $0xb8;
	[tilespmem:$0x1E500] =	vst v63  }
0x46: {  	_ =	swait.ge [sflag:s28], $0x4000  }
0x47: {  	[sflag:s28] =	ssyncset.done $0x0  }
0x48: {  	[sflag:s28] =	ssyncadd.s32 $0xFFFFC000  }
0x49: {  	_ =	swait.ge [sflag:s29], $0x80  }
0x4a: {  	[sflag:s29] =	ssyncset.done $0x0  }
0x4b: {  	[sflag:s29] =	ssyncadd.s32 $0xFFFFFF80  }
0x4c: {  	[spmem:s2] =	stream.indirect.scatter.add.f32 [tilespmem:s25], [sflag:$0x5], $0x80, s22, s24, $0xb8;
	[tilespmem:$0x1E500] =	vst v63  }
0x4d: {  	_ =	swait.ge [sflag:s18], $0x4000  }
0x4e: {  	[sflag:s18] =	ssyncset.done $0x0  }
0x4f: {  	s10 =	simm.s32 $0x100;
	[sflag:s18] =	ssyncadd.s32 $0xFFFFC000  }
0x50: {  	[tilespmem:s25], [sflag:$0x1] =	stream.indirect.gather [hbm4b:s4+s24], $0x80, s10, s24, $0xb8;
	[tilespmem:$0x1E500] =	vst v63  }
0x51: {  	s19 =	sadd.s32 $0x0, s16  }
0x52: {  	[tilespmem:s22], [sflag:$0x3] =	stream.linear.gather [hbm4b:s19+s3], $0x80, $0x38;
	[tilespmem:$0x1E500] =	vst v63  }
0x53: {  	_ =	swait.ge [sflag:s30], $0x4000  }
0x54: {  	[sflag:s30] =	ssyncset.done $0x0  }
0x55: {  	[sflag:s30] =	ssyncadd.s32 $0xFFFFC000  }
0x56: {  	_ =	swait.ge [sflag:s31], $0x80  }
0x57: {  	[sflag:s31] =	ssyncset.done $0x0  }
0x58: {  	[sflag:s31] =	ssyncadd.s32 $0xFFFFFF80  }
0x59: {  	[spmem:s2] =	stream.indirect.scatter.add.f32 [tilespmem:s26], [sflag:$0x5], $0x80, s23, s24, $0xb8;
	[tilespmem:$0x1E500] =	vst v63  }
0x5a: {  	_ =	swait.ge [sflag:s18], $0x4000  }
0x5b: {  	s20 =	simm.s32 $0x180;
	s8 =	simm.s32 $0x20;
	[sflag:s18] =	ssyncset.done $0x0  }
0x5c: {  	s10 =	simm.s32 $0x200;
	s19 =	sadd.s32 $0x0, s17;
	[sflag:s18] =	ssyncadd.s32 $0xFFFFC000  }
0x5d: {  	[tilespmem:s26], [sflag:$0x2] =	stream.indirect.gather [hbm4b:s4+s24], $0x80, s20, s24, $0xb8;
	[tilespmem:$0x1E500] =	vst v63  }
.LBB2_8:
0x5e: {  	[tilespmem:s23], [sflag:$0x4] =	stream.linear.gather [hbm4b:s19+s3], $0x80, $0x38;
	[tilespmem:$0x1E500] =	vst v63  }
0x5f: {  	s19 =	smov.u32 s8  }
0x60: {  	p6 =	sne.s32 s8, $0x4C0;
	s8 =	sadd.s32 $0x20, s8;
	_ =	swait.ge [sflag:s28], $0x4000  }
0x61: {  	[sflag:s28] =	ssyncset.done $0x0  }
0x62: {  	[sflag:s28] =	ssyncadd.s32 $0xFFFFC000  }
0x63: {  	_ =	swait.ge [sflag:s29], $0x80  }
0x64: {  	[sflag:s29] =	ssyncset.done $0x0  }
0x65: {  	[sflag:s29] =	ssyncadd.s32 $0xFFFFFF80  }
0x66: {  	[spmem:s2] =	stream.indirect.scatter.add.f32 [tilespmem:s25], [sflag:$0x5], $0x80, s22, s24, $0xb8;
	[tilespmem:$0x1E500] =	vst v63  }
0x67: {  	_ =	swait.ge [sflag:s18], $0x4000  }
0x68: {  	[sflag:s18] =	ssyncset.done $0x0  }
0x69: {  	[sflag:s18] =	ssyncadd.s32 $0xFFFFC000  }
0x6a: {  	[tilespmem:s25], [sflag:$0x1] =	stream.indirect.gather [hbm4b:s4+s24], $0x80, s10, s24, $0xb8;
	[tilespmem:$0x1E500] =	vst v63  }
0x6b: {  	s20 =	sadd.s32 s19, s16  }
0x6c: {  	[tilespmem:s22], [sflag:$0x3] =	stream.linear.gather [hbm4b:s20+s3], $0x80, $0x38;
	[tilespmem:$0x1E500] =	vst v63  }
0x6d: {  	_ =	swait.ge [sflag:s30], $0x4000  }
0x6e: {  	[sflag:s30] =	ssyncset.done $0x0  }
0x6f: {  	[sflag:s30] =	ssyncadd.s32 $0xFFFFC000  }
0x70: {  	_ =	swait.ge [sflag:s31], $0x80  }
0x71: {  	[sflag:s31] =	ssyncset.done $0x0  }
0x72: {  	[sflag:s31] =	ssyncadd.s32 $0xFFFFFF80  }
0x73: {  	[spmem:s2] =	stream.indirect.scatter.add.f32 [tilespmem:s26], [sflag:$0x5], $0x80, s23, s24, $0xb8;
	[tilespmem:$0x1E500] =	vst v63  }
.Ltmp5:
0x74: {  	_ =	swait.ge [sflag:s18], $0x4000;
	(pc) =	sbr.rel @p6 .LBB2_8-.Ltmp5, $4  }
0x75: {  	[sflag:s18] =	ssyncset.done $0x0  }
0x76: {  	s20 =	sadd.s32 $0x80, s10;
	[sflag:s18] =	ssyncadd.s32 $0xFFFFC000  }
0x77: {  	[tilespmem:s26], [sflag:$0x2] =	stream.indirect.gather [hbm4b:s4+s24], $0x80, s20, s24, $0xb8;
	[tilespmem:$0x1E500] =	vst v63  }
0x78: {  	s19 =	sadd.s32 s19, s17;
	s10 =	sadd.s32 $0x100, s10  }
0x79: {  	[tilespmem:s23], [sflag:$0x4] =	stream.linear.gather [hbm4b:s19+s3], $0x80, $0x38;
	[tilespmem:$0x1E500] =	vst v63  }
0x7a: {  	_ =	swait.ge [sflag:s28], $0x4000  }
0x7b: {  	[sflag:s28] =	ssyncset.done $0x0  }
0x7c: {  	[sflag:s28] =	ssyncadd.s32 $0xFFFFC000  }
0x7d: {  	_ =	swait.ge [sflag:s29], $0x80  }
0x7e: {  	[sflag:s29] =	ssyncset.done $0x0  }
0x7f: {  	[sflag:s29] =	ssyncadd.s32 $0xFFFFFF80  }
0x80: {  	[spmem:s2] =	stream.indirect.scatter.add.f32 [tilespmem:s25], [sflag:$0x5], $0x80, s22, s24, $0xb8;
	[tilespmem:$0x1E500] =	vst v63  }
0x81: {  	_ =	swait.ge [sflag:s18], $0x4000  }
0x82: {  	[sflag:s18] =	ssyncset.done $0x0  }
0x83: {  	[sflag:s18] =	ssyncadd.s32 $0xFFFFC000  }
0x84: {  	_ =	swait.ge [sflag:s30], $0x4000  }
0x85: {  	[sflag:s30] =	ssyncset.done $0x0  }
0x86: {  	[sflag:s30] =	ssyncadd.s32 $0xFFFFC000  }
0x87: {  	_ =	swait.ge [sflag:s31], $0x80  }
0x88: {  	[sflag:s31] =	ssyncset.done $0x0  }
0x89: {  	[sflag:s31] =	ssyncadd.s32 $0xFFFFFF80  }
0x8a: {  	[spmem:s2] =	stream.indirect.scatter.add.f32 [tilespmem:s26], [sflag:$0x5], $0x80, s23, s24, $0xb8;
	[tilespmem:$0x1E500] =	vst v63  }
0x8b: {  	_ =	swait.ge [sflag:s18], $0x4000  }
0x8c: {  	[sflag:s18] =	ssyncset.done $0x0  }
0x8d: {  	s8 =	sshll.u32 @!p0 s0, $0x6;
	[sflag:s18] =	ssyncadd.s32 $0xFFFFC000  }
0x8e: {  	s10 =	sshrl.u32 @!p0 s9, $0x3;
	s8 =	sor.u32 @!p0 $0x1C05, s8;
	[bflag:$0x0] =	sbarrier.arrive $0xFFFF  }
0x8f: {  	[hbm:s13], [sflag:s8] =	dma.local @!p0 [spmem:s10], $0x2780  }
0x90: {  	s8 =	simm.s32 @!p0 $0x5  }
0x91: {  	s1 =	sadd.s32 $0x1, s1;
	_ =	swait.ge @!p0 [sflag:s8], $0x2780  }
0x92: {  	p6 =	sne.s32 s1, s15;
	s10 =	sshll.u32 @p5 s0, $0x6;
	[sflag:s8] =	ssyncset.done @!p0 $0x0  }
0x93: {  	[sflag:s8] =	ssyncadd.s32 @!p0 $0xFFFFD880;
	s8 =	sor.u32 @p5 $0x1C05, s10;
	s10 =	sshrl.u32 @p5 s7, $0x3  }
0x94: {  	[hbm:s14], [sflag:s8] =	dma.local @p5 [spmem:s10], $0x2080  }
.Ltmp6:
0x95: {  	_ = 	snop;
	(pc) =	sbr.rel @p6 .LBB2_1-.Ltmp6, $4  }
0x96: {  	s8 =	simm.s32 @p5 $0x5  }
0x97: {  	_ =	swait.ge @p5 [sflag:s8], $0x2080  }
0x98: {  	[sflag:s8] =	ssyncset.done @p5 $0x0  }
0x99: {  	[sflag:s8] =	ssyncadd.s32 @p5 $0xFFFFDF80  }
0x9a: {  	_ =	sfence.sel $0x180000  }
0x9b: {  	[bflag:$0x0] =	sbarrier.arrive $0xFFFF  }
0x9c: {  	_ =	strace $0x9000004A  }
0x9d: {  	[bflag:$0x2] =	sbarrier.arrive $0xFFFF  }
0x9e: {  	p0 =	sne.s32 s0, $0x0;
	s0 =	rddreg [dreg:$0x3]  }
0x9f: {  	s0 =	sadd.s32 @!p0 $0x100000, s0  }
0xa0: {  	[sflag:s0] =	ssyncadd.tile.s32 @!p0 $0x1;
	_ =	shalt  }
.Lfunc_end2:
_tile_overlayer_lowered:
.L_overlay_start_2:
0xa1: {  	(tag) =	ssettag $0x2  }
0xa2: {  	s0 =	rddreg [dreg:$0x0];
	s2 =	stileid.u32  }
0xa3: {  	s1 =	rddreg [dreg:$0x1];
	p0 =	sne.s32 s2, $0x0  }
0xa4: {  	s3 =	rddreg [dreg:$0x2];
	[bflag:$0x3] =	sbarrier.arrive $0xFFFF;
	s2 =	simm.s32 @!p0 $0x1C05  }
0xa5: {  	[timem:s3], [sflag:s2] =	dma.local @!p0 [hbm:s0], s1  }
0xa6: {  	s0 =	simm.s32 @!p0 $0x5  }
0xa7: {  	_ =	swait.ge @!p0 [sflag:s0], s1  }
0xa8: {  	s1 =	ssub.s32 @!p0 $0x0, s1;
	[sflag:s0] =	ssyncset.done @!p0 $0x0  }
0xa9: {  	[sflag:s0] =	ssyncadd.s32 @!p0 s1  }
0xaa: {  	[bflag:$0x3] =	sbarrier.arrive $0xFFFF  }
0xab: {  	_ =	shalt  }

// kernel: kernel.22.cloned.1.call-start
scs
__scs_entry_jumppad:
0x0: {  	(pc) =	sbr.rel $0x88, $3  }
0x1: {  	(tag) =	ssettag $0x0;
	lr =	simm.s32 $0x1  }
0x2: {  	[smem:$0x3F93] =	sst lr;
	_ =	strace $0xD0000000  }
0x3: {  	_ = 	snop  }
0x4: {  	_ = 	snop  }
0x5: {  	_ = 	snop  }
0x6: {  	_ = 	snop  }
0x7: {  	_ = 	snop  }
__scs_overlays_trampoline_lowered:
0x8: {  	[smem:$0x3FA2] =	sst s0  }
0x9: {  	[smem:$0x3FA3] =	sst s1  }
0xa: {  	[smem:$0x3FA4] =	sst s2  }
0xb: {  	[smem:$0x3FA5] =	sst s3  }
0xc: {  	[smem:$0x3FA6] =	sst s4  }
0xd: {  	[smem:$0x3FA7] =	sst s5  }
0xe: {  	[smem:$0x3FA8] =	sst s6  }
0xf: {  	[smem:$0x3FA9] =	sst s7  }
0x10: {  	[smem:$0x3FAA] =	sst s8  }
0x11: {  	[smem:$0x3FAB] =	sst s9;
	s0 =	simm.s32 @!p0 $0x0  }
0x12: {  	s1 =	sld [smem:$0x3F91];
	s0 =	simm.s32 @p0 $0x1  }
0x13: {  	[smem:$0x3FAC] =	sst s0;
	s0 =	simm.s32 @!p1 $0x0  }
0x14: {  	s2 =	sld [smem:$0x3F90];
	s0 =	simm.s32 @p1 $0x1  }
0x15: {  	[smem:$0x3FAD] =	sst s0;
	s0 =	simm.s32 @!p2 $0x0  }
0x16: {  	s3 =	sld [smem:$0x3FDB];
	s0 =	simm.s32 @p2 $0x1  }
0x17: {  	s4 =	simm.s32 $0x1BF5;
	[smem:$0x3FAF] =	sst s0  }
0x18: {  	s0 =	sld [smem:$0x3F92];
	_ =	swait.ge [sflag:s4], $0x0  }
0x19: {  	s7 =	sld [smem:$0x3F93]  }
0x1a: {  	s8 =	sadd.s32 $0xFFFFE003, lr  }
0x1b: {  	s9 =	sadd.s32 $0xFFFFFEF7, lr;
	s5 =	simm.s32 $0xFFFFFFFF;
	p2 =	slt.u32 s8, $0xFFFFF086  }
0x1c: {  	p1 =	slt.u32 s9, $0xF7A;
	s5 =	simm.s32 @!p2 $0x0  }
0x1d: {  	s5 =	simm.s32 @p1 $0x1;
	p0 =	seq.s32 s7, s2  }
0x1e: {  	s7 =	smul.u32 @!p0 $0xF7A, s2;
	p2 =	seq.s32 @!p0 s5, $0x0  }
0x1f: {  	s9 =	smul.u32 $0xF7A, s1;
	s8 =	simm.s32 @!p0 $0x1BF5;
	p2 =	por !p2, p0  }
0x20: {  	[sflag:s8] =	ssyncset.s32 @!p0 $0xFFFFF086;
	s6 =	sadd.s32 @!p0 s3, s7;
	s7 =	simm.s32 @!p0 $0x108  }
0x21: {  	s3 =	sadd.s32 s3, s9;
	s6 =	sadd.s32 @!p0 $0x88, s6;
	s7 =	simm.s32 @p2 $0x1082  }
0x22: {  	[simem:s7], [sflag:s8] =	dma.local @!p0 [hbm:s6], $0xF7A  }
0x23: {  	s9 =	sor.u32 $0xD0000000, s2;
	s6 =	simm.s32 $0x108;
	_ =	swait.ge @!p0 [sflag:s8], $0x0  }
0x24: {  	s3 =	sadd.s32 $0x88, s3;
	s6 =	simm.s32 @!p1 $0x1082;
	[sflag:s4] =	ssyncset.s32 $0xFFFFF086  }
0x25: {  	[simem:s6], [sflag:s4] =	dma.local [hbm:s3], $0xF7A  }
0x26: {  	[smem:$0x3F93] =	sst s1;
	(tag) =	ssettag s2;
	_ =	strace s9  }
0x27: {  	s1 =	sld [smem:$0x3FA3]  }
0x28: {  	s2 =	sld [smem:$0x3FA4]  }
0x29: {  	s4 =	sld [smem:$0x3FA6]  }
0x2a: {  	p0 =	seq.s32 s5, $0x0;
	s5 =	sld [smem:$0x3FA7]  }
0x2b: {  	s6 =	sld [smem:$0x3FA8]  }
0x2c: {  	s7 =	sld [smem:$0x3FA9]  }
0x2d: {  	s3 =	simm.s32 $0x108;
	s8 =	sld [smem:$0x3FAA]  }
0x2e: {  	s3 =	simm.s32 @!p0 $0x1082;
	s9 =	sld [smem:$0x3FAB]  }
0x2f: {  	lr =	sadd.s32 s0, s3;
	s0 =	sld [smem:$0x3FA2]  }
0x30: {  	s3 =	sld [smem:$0x3FA5]  }
0x31: {  	[smem:$0x3FAE] =	sst s10  }
0x32: {  	s10 =	sld [smem:$0x3FAC];
	_ =	sdelay $0x3  }
0x33: {  	p0 =	seq.s32 s10, $0x1;
	s10 =	sld [smem:$0x3FAE];
	_ =	sdelay $0x3  }
0x34: {  	[smem:$0x3FAE] =	sst s10  }
0x35: {  	s10 =	sld [smem:$0x3FAD];
	_ =	sdelay $0x3  }
0x36: {  	p1 =	seq.s32 s10, $0x1;
	s10 =	sld [smem:$0x3FAE];
	_ =	sdelay $0x3  }
0x37: {  	[smem:$0x3FAE] =	sst s10  }
0x38: {  	s10 =	sld [smem:$0x3FAF]  }
0x39: {  	_ = 	snop;
	(pc) =	sbr.ind lr, $3  }
0x3a: {  	_ = 	snop  }
0x3b: {  	_ = 	snop  }
0x3c: {  	p2 =	seq.s32 s10, $0x1;
	s10 =	sld [smem:$0x3FAE]  }
0x3d: {  	_ =	shalt  }
0x3e: {  	_ =	shalt  }
0x3f: {  	_ =	shalt  }
0x40: {  	_ =	shalt  }
0x41: {  	_ =	shalt  }
0x42: {  	_ =	shalt  }
0x43: {  	_ =	shalt  }
0x44: {  	_ =	shalt  }
0x45: {  	_ =	shalt  }
0x46: {  	_ =	shalt  }
0x47: {  	_ =	shalt  }
0x48: {  	_ =	shalt  }
0x49: {  	_ =	shalt  }
0x4a: {  	_ =	shalt  }
0x4b: {  	_ =	shalt  }
0x4c: {  	_ =	shalt  }
0x4d: {  	_ =	shalt  }
0x4e: {  	_ =	shalt  }
0x4f: {  	_ =	shalt  }
0x50: {  	_ =	shalt  }
0x51: {  	_ =	shalt  }
0x52: {  	_ =	shalt  }
0x53: {  	_ =	shalt  }
0x54: {  	_ =	shalt  }
0x55: {  	_ =	shalt  }
0x56: {  	_ =	shalt  }
0x57: {  	_ =	shalt  }
0x58: {  	_ =	shalt  }
0x59: {  	_ =	shalt  }
0x5a: {  	_ =	shalt  }
0x5b: {  	_ =	shalt  }
0x5c: {  	_ =	shalt  }
0x5d: {  	_ =	shalt  }
0x5e: {  	_ =	shalt  }
0x5f: {  	_ =	shalt  }
0x60: {  	_ =	shalt  }
0x61: {  	_ =	shalt  }
0x62: {  	_ =	shalt  }
0x63: {  	_ =	shalt  }
0x64: {  	_ =	shalt  }
0x65: {  	_ =	shalt  }
0x66: {  	_ =	shalt  }
0x67: {  	_ =	shalt  }
0x68: {  	_ =	shalt  }
0x69: {  	_ =	shalt  }
0x6a: {  	_ =	shalt  }
0x6b: {  	_ =	shalt  }
0x6c: {  	_ =	shalt  }
0x6d: {  	_ =	shalt  }
0x6e: {  	_ =	shalt  }
0x6f: {  	_ =	shalt  }
0x70: {  	_ =	shalt  }
0x71: {  	_ =	shalt  }
0x72: {  	_ =	shalt  }
0x73: {  	_ =	shalt  }
0x74: {  	_ =	shalt  }
0x75: {  	_ =	shalt  }
0x76: {  	_ =	shalt  }
0x77: {  	_ =	shalt  }
0x78: {  	_ =	shalt  }
0x79: {  	_ =	shalt  }
0x7a: {  	_ =	shalt  }
0x7b: {  	_ =	shalt  }
0x7c: {  	_ =	shalt  }
0x7d: {  	_ =	shalt  }
0x7e: {  	_ =	shalt  }
0x7f: {  	_ =	shalt  }
0x80: {  	_ =	shalt  }
0x81: {  	_ =	shalt  }
0x82: {  	_ =	shalt  }
0x83: {  	_ =	shalt  }
0x84: {  	_ =	shalt  }
0x85: {  	_ =	shalt  }
0x86: {  	_ =	shalt  }
0x87: {  	_ =	shalt  }
.Lfunc_end0:
.L_simem_size_0:
called_computation.2_lowered:
.L_overlay_start_0:
0x88: {  	s2 =	sld [smem:$0x3FD9]  }
0x89: {  	s3 =	sld [smem:$0x3FFE];
	_ =	sdelay $0x1  }
0x8a: {  	s1 =	srdreg.scid  }
0x8b: {  	s0 =	sand.u32 $0x1, s1  }
0x8c: {  	s17 =	sshll.u32 s0, $0xA;
	s2 =	sadd.s32 s3, s2  }
0x8d: {  	s2 =	sadd.s32 s2, s17  }
0x8e: {  	[smem:$0x3FBA] =	sst s2  }
0x8f: {  	_ = 	snop  }
0x90: {  	s2 =	sld [smem:$0x3FD0];
	(tm) =	ssettm $0x1  }
0x91: {  	s18 =	sld [smem:$0x3FFB];
	_ =	sdelay $0x3  }
0x92: {  	_ =	strace s18  }
0x93: {  	s3 =	sld [smem:$0x3FFC];
	_ =	sdelay $0x3  }
0x94: {  	_ =	strace s3  }
0x95: {  	s3 =	sld [smem:$0x3FFD];
	_ =	sdelay $0x3  }
0x96: {  	_ =	strace s3  }
0x97: {  	_ =	strace $0x8FFFFFFF  }
0x98: {  	s19 =	sld [smem:$0x3FDB];
	_ =	sdelay $0x1  }
0x99: {  	s4 =	simm.s32 $_scs_section_size  }
0x9a: {  	s5 =	simm.s32 $_size__tile_overlayer_lowered;
	s6 =	simm.s32 $_tile_overlayer_lowered  }
0x9b: {  	s22 =	simm.s32 $0x1BFF;
	s21 =	sshll.u32 s6, $0x1;
	s3 =	sadd.s32 s4, s19  }
0x9c: {  	s7 =	simm.s32 $0x0;
	s20 =	sshll.u32 s5, $0x1;
	s5 =	sadd.s32 s21, s3  }
0x9d: {  	[timem:s7], [sflag:s22] =	dma.local [hbm:s5], s20  }
0x9e: {  	_ =	swait.ge [sflag:s22], s20  }
0x9f: {  	s4 =	ssub.s32 $0x0, s20;
	[sflag:s22] =	ssyncset.done $0x0  }
0xa0: {  	[sflag:s22] =	ssyncadd.s32 s4;
	_ =	sdelay $0x1  }
0xa1: {  	s23 =	simm.s32 $0x1B8B  }
0xa2: {  	_ =	swait.ge [sflag:s23], $0x1  }
0xa3: {  	[sflag:s23] =	ssyncset.done $0x0  }
0xa4: {  	s25 =	simm.s32 $0x1B8E;
	s24 =	sld [smem:$0x3FFE];
	[sflag:s23] =	ssyncadd.s32 $0xFFFFFFFF  }
0xa5: {  	s26 =	simm.s32 $execute0_lowered;
	[smem:$0x3FD2] =	sst s25  }
0xa6: {  	s5 =	sshll.u32 s26, $0x1;
	_ =	strace $0x8000004C;
	[dreg:$0x1] =	wrdreg $0xFFFFFFFF  }
0xa7: {  	s28 =	simm.s32 $_size_execute0_lowered;
	s3 =	sadd.s32 s3, s5;
	[dreg:$0x0] =	wrdreg $0x0  }
0xa8: {  	s5 =	sshll.u32 s28, $0x1;
	[dreg:$0x2] =	wrdreg s3  }
0xa9: {  	[dreg:$0x3] =	wrdreg s5  }
0xaa: {  	[dreg:$0x4] =	wrdreg $0xC0  }
0xab: {  	_ =	task [dreg:s7], $0x5FFFF  }
0xac: {  	[dreg:$0x1] =	wrdreg $0xFFFFFFFF  }
0xad: {  	[dreg:$0x0] =	wrdreg $0x60  }
0xae: {  	[dreg:$0x2] =	wrdreg s24  }
0xaf: {  	[dreg:$0x3] =	wrdreg s2  }
0xb0: {  	[dreg:$0x4] =	wrdreg $0xA9000  }
0xb1: {  	[dreg:$0x5] =	wrdreg $0x9  }
0xb2: {  	_ =	task.clear_ibuf [dreg:s7], $0x6FFFF;
	_ =	strace $0x9000004C  }
0xb3: {  	s29 =	simm.s32 $0x9;
	_ =	strace $0x8000004E  }
0xb4: {  	_ =	swait.ge [sflag:s29], $0x1  }
0xb5: {  	[sflag:s29] =	ssyncadd.s32 $0xFFFFFFFF  }
0xb6: {  	_ =	strace $0x9000004E  }
0xb7: {  	_ =	sfence  }
0xb8: {  	s30 =	sld [smem:$0x0];
	_ =	sdelay $0x2  }
0xb9: {  	s31 =	sshll.u32 s1, $0xD;
	s1 =	sshrl.u32 s1, $0x2  }
0xba: {  	s3 =	sand.u32 $0x4000, s31;
	s1 =	sadd.s32 s1, s30  }
0xbb: {  	s0 =	sor.u32 s3, s0;
	s1 =	sshll.u32 s1, $0x11  }
0xbc: {  	s0 =	sor.u32 s1, s0  }
0xbd: {  	s0 =	sadd.s32 $0x8F2B, s0  }
0xbe: {  	[sflag:s0] =	ssyncadd.remote.s32 $0x1  }
0xbf: {  	_ =	sfence.sel $0xFFFF  }
0xc0: {  	[dreg:$0x0] =	wrdreg $0xFFFFFFFF;
	(pc) =	sbr.abs _section_cstart, $3  }
0xc1: {  	[dreg:$0x1] =	wrdreg $0xFFFFFFFF  }
0xc2: {  	_ =	task.clear_ibuf [dreg:s7], $0x2FFFF;
	_ =	strace $0x9FFFFFFF  }
0xc3: {  	(tm) =	ssettm $0x7FFFFFFF  }
tec
execute0_lowered:
.L_overlay_start_1:
0x0: {  	(tag) =	ssettag $0x1  }
0x1: {  	s1 =	rddreg [dreg:$0x0]  }
0x2: {  	s2 =	srdreg.scid;
	s0 =	stileid.u32  }
0x3: {  	s8 =	rddreg [dreg:$0x1];
	s18 =	simm.s32 $0x5;
	s28 =	simm.s32 $0x1  }
0x4: {  	s29 =	simm.s32 $0x3;
	s30 =	simm.s32 $0x2;
	s31 =	simm.s32 $0x4  }
0x5: {  	s10 =	sand.u32 $0x1, s2;
	s3 =	sshll.u32 s0, $0x1;
	s22 =	smul.u32 $0x4F000, s0  }
0x6: {  	s2 =	rddreg [dreg:$0x2];
	s5 =	sadd.s32 $0x85200, s1;
	s23 =	smul.u32 $0x2780, s0  }
0x7: {  	s14 =	sadd.s32 $0x87A00, s1;
	p4 =	sne.s32 s0, $0xF;
	s12 =	smul.u32 $0x13C00, s0  }
0x8: {  	p0 =	seq.s32 s0, $0xF;
	s24 =	smul.u32 $0x5000, s0;
	s25 =	sshll.u32 s0, $0x6  }
0x9: {  	s4 =	sor.u32 s10, s3;
	s3 =	simm.s32 $0x0;
	s13 =	smul.u32 $0x138800, s10  }
0xa: {  	s6 =	ssub.s32 $0x2, s10;
	p1 =	seq.s32 s10, $0x0;
	s4 =	smul.u32 $0x2800, s4  }
0xb: {  	[smem:$0x7FF] =	sst s3;
	s9 =	sshrl.u32 s6, $0x1;
	p2 =	por !p1, !p4  }
0xc: {  	p3 =	por !p1, !p0;
	_ =	strace $0x8000004D;
	s15 =	ssub.s32 s6, s9  }
0xd: {  	p1 =	por !p2, !p2;
	p2 =	por !p3, !p3;
	s9 =	sshrl.u32 s22, $0x2  }
0xe: {  	p3 =	seq.s32 s10, $0x1;
	s16 =	sadd.s32 s12, s13;
	s10 =	smul.u32 $0x2800, s10  }
0xf: {  	s17 =	sshrl.u32 s13, $0x3;
	s22 =	simm.s32 $0x2800;
	s11 =	sshrl.u32 s4, $0x3  }
0x10: {  	s4 =	sadd.s32 $0x5E000, s1;
	s9 =	sadd.s32 s9, s2;
	p4 =	por !p4, !p3  }
0x11: {  	s16 =	sshrl.u32 s16, $0x3;
	s15 =	smax.u32 s15, $0x1;
	s7 =	sadd.s32 s11, s1  }
0x12: {  	s1 =	sadd.s32 $0x83080, s1;
	p4 =	por !p4, !p4;
	s11 =	sadd.s32 s8, s11  }
0x13: {  	s13 =	sadd.s32 s14, s16;
	s14 =	sadd.s32 s14, s17;
	s26 =	sshrl.u32 s9, $0x3  }
0x14: {  	s6 =	sadd.s32 $0x5000, s7;
	s7 =	sadd.s32 $0x128400, s2;
	[dreg:$0x4] =	wrdreg s1  }
0x15: {  	s1 =	sadd.s32 s4, s23;
	s12 =	sadd.s32 $0x10, s11;
	[dreg:$0x7] =	wrdreg s26  }
0x16: {  	s14 =	sadd.s32 $0x25080, s14;
	[dreg:$0x5] =	wrdreg s1;
	s1 =	sadd.s32 s10, s24  }
0x17: {  	s23 =	simm.s32 $0x2880;
	s10 =	sor.u32 $0x100, s1;
	s1 =	sor.u32 $0x180, s1  }
0x18: {  	s26 =	simm.s32 $0x6900;
	s24 =	simm.s32 $0x80;
	s1 =	sshrl.u32 s1, $0x3  }
0x19: {  	s10 =	sshrl.u32 s10, $0x3;
	s17 =	sadd.s32 s1, s8;
	s1 =	sor.u32 $0x1C05, s25  }
0x1a: {  	s16 =	sadd.s32 s10, s8;
	[dreg:$0x6] =	wrdreg s1;
	s1 =	sshll.u32 @p4 s0, $0x6  }
0x1b: {  	s25 =	simm.s32 $0x2900;
	s21 =	sor.u32 @p4 $0x1C05, s1;
	s1 =	simm.s32 $0x0  }
.LBB2_1:
.Ltmp0:
0x1c: {  	(pc) =	sbr.rel @!p1 .LBB2_4-.Ltmp0, $4  }
0x1d: {  	[tilespmem:s3], [sflag:$0x5] =	stream.linear.gather [hbm4b:s6+s3], $0x2800, $0x38;
	[tilespmem:$0x1E500] =	vst v63  }
0x1e: {  	_ =	swait.ge [sflag:s18], $0x2800  }
0x1f: {  	[sflag:s18] =	ssyncset.done $0x0  }
0x20: {  	[sflag:s18] =	ssyncadd.s32 $0xFFFFD800  }
0x21: {  	s8 =	rddreg [dreg:$0x5]  }
0x22: {  	s10 =	rddreg [dreg:$0x6]  }
.Ltmp1:
0x23: {  	s19 =	rddreg [dreg:$0x7];
	(pc) =	sbr.rel .LBB2_3-.Ltmp1, $4  }
0x24: {  	[spmem:s19], [sflag:s10] =	dma.local [hbm:s8], $0x2780  }
0x25: {  	_ =	swait.ge [sflag:s18], $0x2780  }
0x26: {  	[sflag:s18] =	ssyncset.done $0x0  }
0x27: {  	p5 =	por $0x0, $0x0;
	[sflag:s18] =	ssyncadd.s32 $0xFFFFD880  }
.LBB2_4:
.Ltmp2:
0x28: {  	(pc) =	sbr.rel @!p2 .LBB2_3-.Ltmp2, $2  }
0x29: {  	_ =	sdelay $0x2  }
0x2a: {  	p5 =	por p0, p0  }
.Ltmp3:
0x2b: {  	(pc) =	sbr.rel .LBB2_6-.Ltmp3, $2  }
0x2c: {  	_ =	sdelay $0x2  }
0x2d: {  	p5 =	por $0x1, $0x1;
	s10 =	simm.s32 $0xF;
	s8 =	rddreg [dreg:$0x4]  }
.LBB2_3:
0x2e: {  	s8 =	sshrl.u32 @p4 s9, $0x3;
	p6 =	por @p4 $0x1, $0x1  }
0x2f: {  	[spmem:s8], [sflag:s21] =	dma.local @p4 [hbm:s5], $0x2780  }
0x30: {  	p6 =	por @!p4 p3, p3  }
0x31: {  	p6 =	por !p6, !p5  }
0x32: {  	p6 =	por !p6, !p6  }
.Ltmp4:
0x33: {  	_ = 	snop;
	(pc) =	sbr.rel @!p6 .LBB2_7-.Ltmp4, $4  }
0x34: {  	s8 =	simm.s32 @p4 $0x5  }
0x35: {  	_ =	swait.ge @p4 [sflag:s8], $0x2780  }
0x36: {  	[sflag:s8] =	ssyncset.done @p4 $0x0  }
0x37: {  	s10 =	stileid.u32;
	[sflag:s8] =	ssyncadd.s32 @p4 $0xFFFFD880;
	s8 =	smov.u32 s5  }
.LBB2_6:
0x38: {  	s10 =	sshll.u32 s10, $0x6  }
0x39: {  	s19 =	sshrl.u32 s7, $0x3;
	s10 =	sor.u32 $0x1C05, s10  }
0x3a: {  	[spmem:s19], [sflag:s10] =	dma.local [hbm:s8], $0x2080  }
0x3b: {  	_ =	swait.ge [sflag:s18], $0x2080  }
0x3c: {  	[sflag:s18] =	ssyncset.done $0x0  }
0x3d: {  	[sflag:s18] =	ssyncadd.s32 $0xFFFFDF80  }
.LBB2_7:
0x3e: {  	[bflag:$0x0] =	sbarrier.arrive $0xFFFF;
	s8 =	simm.s32 $0x0  }
0x3f: {  	[tilespmem:s22], [sflag:$0x3] =	stream.linear.gather [hbm4b:s11+s8], $0x80, $0x38;
	[tilespmem:$0x1E500] =	vst v63  }
0x40: {  	_ = 	snop  }
0x41: {  	[tilespmem:s23], [sflag:$0x4] =	stream.linear.gather [hbm4b:s12+s8], $0x80, $0x38;
	[tilespmem:$0x1E500] =	vst v63  }
0x42: {  	_ = 	snop  }
0x43: {  	[tilespmem:s25], [sflag:$0x1] =	stream.indirect.gather [hbm4b:s4+s24], $0x80, s8, s24, $0xb8;
	[tilespmem:$0x1E500] =	vst v63  }
0x44: {  	_ = 	snop  }
0x45: {  	[tilespmem:s26], [sflag:$0x2] =	stream.indirect.gather [hbm4b:s4+s24], $0x80, s24, s24, $0xb8;
	[tilespmem:$0x1E500] =	vst v63  }
0x46: {  	_ =	swait.ge [sflag:s28], $0x4000  }
0x47: {  	[sflag:s28] =	ssyncset.done $0x0  }
0x48: {  	[sflag:s28] =	ssyncadd.s32 $0xFFFFC000  }
0x49: {  	_ =	swait.ge [sflag:s29], $0x80  }
0x4a: {  	[sflag:s29] =	ssyncset.done $0x0  }
0x4b: {  	[sflag:s29] =	ssyncadd.s32 $0xFFFFFF80  }
0x4c: {  	[spmem:s2] =	stream.indirect.scatter.add.f32 [tilespmem:s25], [sflag:$0x5], $0x80, s22, s24, $0xb8;
	[tilespmem:$0x1E500] =	vst v63  }
0x4d: {  	_ =	swait.ge [sflag:s18], $0x4000  }
0x4e: {  	[sflag:s18] =	ssyncset.done $0x0  }
0x4f: {  	s10 =	simm.s32 $0x100;
	[sflag:s18] =	ssyncadd.s32 $0xFFFFC000  }
0x50: {  	[tilespmem:s25], [sflag:$0x1] =	stream.indirect.gather [hbm4b:s4+s24], $0x80, s10, s24, $0xb8;
	[tilespmem:$0x1E500] =	vst v63  }
0x51: {  	s19 =	sadd.s32 $0x0, s16  }
0x52: {  	[tilespmem:s22], [sflag:$0x3] =	stream.linear.gather [hbm4b:s19+s3], $0x80, $0x38;
	[tilespmem:$0x1E500] =	vst v63  }
0x53: {  	_ =	swait.ge [sflag:s30], $0x4000  }
0x54: {  	[sflag:s30] =	ssyncset.done $0x0  }
0x55: {  	[sflag:s30] =	ssyncadd.s32 $0xFFFFC000  }
0x56: {  	_ =	swait.ge [sflag:s31], $0x80  }
0x57: {  	[sflag:s31] =	ssyncset.done $0x0  }
0x58: {  	[sflag:s31] =	ssyncadd.s32 $0xFFFFFF80  }
0x59: {  	[spmem:s2] =	stream.indirect.scatter.add.f32 [tilespmem:s26], [sflag:$0x5], $0x80, s23, s24, $0xb8;
	[tilespmem:$0x1E500] =	vst v63  }
0x5a: {  	_ =	swait.ge [sflag:s18], $0x4000  }
0x5b: {  	s20 =	simm.s32 $0x180;
	s8 =	simm.s32 $0x20;
	[sflag:s18] =	ssyncset.done $0x0  }
0x5c: {  	s10 =	simm.s32 $0x200;
	s19 =	sadd.s32 $0x0, s17;
	[sflag:s18] =	ssyncadd.s32 $0xFFFFC000  }
0x5d: {  	[tilespmem:s26], [sflag:$0x2] =	stream.indirect.gather [hbm4b:s4+s24], $0x80, s20, s24, $0xb8;
	[tilespmem:$0x1E500] =	vst v63  }
.LBB2_8:
0x5e: {  	[tilespmem:s23], [sflag:$0x4] =	stream.linear.gather [hbm4b:s19+s3], $0x80, $0x38;
	[tilespmem:$0x1E500] =	vst v63  }
0x5f: {  	s19 =	smov.u32 s8  }
0x60: {  	p6 =	sne.s32 s8, $0x4C0;
	s8 =	sadd.s32 $0x20, s8;
	_ =	swait.ge [sflag:s28], $0x4000  }
0x61: {  	[sflag:s28] =	ssyncset.done $0x0  }
0x62: {  	[sflag:s28] =	ssyncadd.s32 $0xFFFFC000  }
0x63: {  	_ =	swait.ge [sflag:s29], $0x80  }
0x64: {  	[sflag:s29] =	ssyncset.done $0x0  }
0x65: {  	[sflag:s29] =	ssyncadd.s32 $0xFFFFFF80  }
0x66: {  	[spmem:s2] =	stream.indirect.scatter.add.f32 [tilespmem:s25], [sflag:$0x5], $0x80, s22, s24, $0xb8;
	[tilespmem:$0x1E500] =	vst v63  }
0x67: {  	_ =	swait.ge [sflag:s18], $0x4000  }
0x68: {  	[sflag:s18] =	ssyncset.done $0x0  }
0x69: {  	[sflag:s18] =	ssyncadd.s32 $0xFFFFC000  }
0x6a: {  	[tilespmem:s25], [sflag:$0x1] =	stream.indirect.gather [hbm4b:s4+s24], $0x80, s10, s24, $0xb8;
	[tilespmem:$0x1E500] =	vst v63  }
0x6b: {  	s20 =	sadd.s32 s19, s16  }
0x6c: {  	[tilespmem:s22], [sflag:$0x3] =	stream.linear.gather [hbm4b:s20+s3], $0x80, $0x38;
	[tilespmem:$0x1E500] =	vst v63  }
0x6d: {  	_ =	swait.ge [sflag:s30], $0x4000  }
0x6e: {  	[sflag:s30] =	ssyncset.done $0x0  }
0x6f: {  	[sflag:s30] =	ssyncadd.s32 $0xFFFFC000  }
0x70: {  	_ =	swait.ge [sflag:s31], $0x80  }
0x71: {  	[sflag:s31] =	ssyncset.done $0x0  }
0x72: {  	[sflag:s31] =	ssyncadd.s32 $0xFFFFFF80  }
0x73: {  	[spmem:s2] =	stream.indirect.scatter.add.f32 [tilespmem:s26], [sflag:$0x5], $0x80, s23, s24, $0xb8;
	[tilespmem:$0x1E500] =	vst v63  }
.Ltmp5:
0x74: {  	_ =	swait.ge [sflag:s18], $0x4000;
	(pc) =	sbr.rel @p6 .LBB2_8-.Ltmp5, $4  }
0x75: {  	[sflag:s18] =	ssyncset.done $0x0  }
0x76: {  	s20 =	sadd.s32 $0x80, s10;
	[sflag:s18] =	ssyncadd.s32 $0xFFFFC000  }
0x77: {  	[tilespmem:s26], [sflag:$0x2] =	stream.indirect.gather [hbm4b:s4+s24], $0x80, s20, s24, $0xb8;
	[tilespmem:$0x1E500] =	vst v63  }
0x78: {  	s19 =	sadd.s32 s19, s17;
	s10 =	sadd.s32 $0x100, s10  }
0x79: {  	[tilespmem:s23], [sflag:$0x4] =	stream.linear.gather [hbm4b:s19+s3], $0x80, $0x38;
	[tilespmem:$0x1E500] =	vst v63  }
0x7a: {  	_ =	swait.ge [sflag:s28], $0x4000  }
0x7b: {  	[sflag:s28] =	ssyncset.done $0x0  }
0x7c: {  	[sflag:s28] =	ssyncadd.s32 $0xFFFFC000  }
0x7d: {  	_ =	swait.ge [sflag:s29], $0x80  }
0x7e: {  	[sflag:s29] =	ssyncset.done $0x0  }
0x7f: {  	[sflag:s29] =	ssyncadd.s32 $0xFFFFFF80  }
0x80: {  	[spmem:s2] =	stream.indirect.scatter.add.f32 [tilespmem:s25], [sflag:$0x5], $0x80, s22, s24, $0xb8;
	[tilespmem:$0x1E500] =	vst v63  }
0x81: {  	_ =	swait.ge [sflag:s18], $0x4000  }
0x82: {  	[sflag:s18] =	ssyncset.done $0x0  }
0x83: {  	[sflag:s18] =	ssyncadd.s32 $0xFFFFC000  }
0x84: {  	_ =	swait.ge [sflag:s30], $0x4000  }
0x85: {  	[sflag:s30] =	ssyncset.done $0x0  }
0x86: {  	[sflag:s30] =	ssyncadd.s32 $0xFFFFC000  }
0x87: {  	_ =	swait.ge [sflag:s31], $0x80  }
0x88: {  	[sflag:s31] =	ssyncset.done $0x0  }
0x89: {  	[sflag:s31] =	ssyncadd.s32 $0xFFFFFF80  }
0x8a: {  	[spmem:s2] =	stream.indirect.scatter.add.f32 [tilespmem:s26], [sflag:$0x5], $0x80, s23, s24, $0xb8;
	[tilespmem:$0x1E500] =	vst v63  }
0x8b: {  	_ =	swait.ge [sflag:s18], $0x4000  }
0x8c: {  	[sflag:s18] =	ssyncset.done $0x0  }
0x8d: {  	s8 =	sshll.u32 @!p0 s0, $0x6;
	[sflag:s18] =	ssyncadd.s32 $0xFFFFC000  }
0x8e: {  	s10 =	sshrl.u32 @!p0 s9, $0x3;
	s8 =	sor.u32 @!p0 $0x1C05, s8;
	[bflag:$0x0] =	sbarrier.arrive $0xFFFF  }
0x8f: {  	[hbm:s13], [sflag:s8] =	dma.local @!p0 [spmem:s10], $0x2780  }
0x90: {  	s8 =	simm.s32 @!p0 $0x5  }
0x91: {  	s1 =	sadd.s32 $0x1, s1;
	_ =	swait.ge @!p0 [sflag:s8], $0x2780  }
0x92: {  	p6 =	sne.s32 s1, s15;
	s10 =	sshll.u32 @p5 s0, $0x6;
	[sflag:s8] =	ssyncset.done @!p0 $0x0  }
0x93: {  	[sflag:s8] =	ssyncadd.s32 @!p0 $0xFFFFD880;
	s8 =	sor.u32 @p5 $0x1C05, s10;
	s10 =	sshrl.u32 @p5 s7, $0x3  }
0x94: {  	[hbm:s14], [sflag:s8] =	dma.local @p5 [spmem:s10], $0x2080  }
.Ltmp6:
0x95: {  	_ = 	snop;
	(pc) =	sbr.rel @p6 .LBB2_1-.Ltmp6, $4  }
0x96: {  	s8 =	simm.s32 @p5 $0x5  }
0x97: {  	_ =	swait.ge @p5 [sflag:s8], $0x2080  }
0x98: {  	[sflag:s8] =	ssyncset.done @p5 $0x0  }
0x99: {  	[sflag:s8] =	ssyncadd.s32 @p5 $0xFFFFDF80  }
0x9a: {  	_ =	sfence.sel $0x180000  }
0x9b: {  	[bflag:$0x0] =	sbarrier.arrive $0xFFFF  }
0x9c: {  	_ =	strace $0x9000004D  }
0x9d: {  	[bflag:$0x2] =	sbarrier.arrive $0xFFFF  }
0x9e: {  	p0 =	sne.s32 s0, $0x0;
	s0 =	rddreg [dreg:$0x3]  }
0x9f: {  	s0 =	sadd.s32 @!p0 $0x100000, s0  }
0xa0: {  	[sflag:s0] =	ssyncadd.tile.s32 @!p0 $0x1;
	_ =	shalt  }
.Lfunc_end2:
_tile_overlayer_lowered:
.L_overlay_start_2:
0xa1: {  	(tag) =	ssettag $0x2  }
0xa2: {  	s0 =	rddreg [dreg:$0x0];
	s2 =	stileid.u32  }
0xa3: {  	s1 =	rddreg [dreg:$0x1];
	p0 =	sne.s32 s2, $0x0  }
0xa4: {  	s3 =	rddreg [dreg:$0x2];
	[bflag:$0x3] =	sbarrier.arrive $0xFFFF;
	s2 =	simm.s32 @!p0 $0x1C05  }
0xa5: {  	[timem:s3], [sflag:s2] =	dma.local @!p0 [hbm:s0], s1  }
0xa6: {  	s0 =	simm.s32 @!p0 $0x5  }
0xa7: {  	_ =	swait.ge @!p0 [sflag:s0], s1  }
0xa8: {  	s1 =	ssub.s32 @!p0 $0x0, s1;
	[sflag:s0] =	ssyncset.done @!p0 $0x0  }
0xa9: {  	[sflag:s0] =	ssyncadd.s32 @!p0 s1  }
0xaa: {  	[bflag:$0x3] =	sbarrier.arrive $0xFFFF  }
0xab: {  	_ =	shalt  }

// kernel: kernel.25.cloned.1.call-start
scs
__scs_entry_jumppad:
0x0: {  	(pc) =	sbr.rel $0x88, $3  }
0x1: {  	(tag) =	ssettag $0x0;
	lr =	simm.s32 $0x1  }
0x2: {  	[smem:$0x3F93] =	sst lr;
	_ =	strace $0xD0000000  }
0x3: {  	_ = 	snop  }
0x4: {  	_ = 	snop  }
0x5: {  	_ = 	snop  }
0x6: {  	_ = 	snop  }
0x7: {  	_ = 	snop  }
__scs_overlays_trampoline_lowered:
0x8: {  	[smem:$0x3FA2] =	sst s0  }
0x9: {  	[smem:$0x3FA3] =	sst s1  }
0xa: {  	[smem:$0x3FA4] =	sst s2  }
0xb: {  	[smem:$0x3FA5] =	sst s3  }
0xc: {  	[smem:$0x3FA6] =	sst s4  }
0xd: {  	[smem:$0x3FA7] =	sst s5  }
0xe: {  	[smem:$0x3FA8] =	sst s6  }
0xf: {  	[smem:$0x3FA9] =	sst s7  }
0x10: {  	[smem:$0x3FAA] =	sst s8  }
0x11: {  	[smem:$0x3FAB] =	sst s9;
	s0 =	simm.s32 @!p0 $0x0  }
0x12: {  	s1 =	sld [smem:$0x3F91];
	s0 =	simm.s32 @p0 $0x1  }
0x13: {  	[smem:$0x3FAC] =	sst s0;
	s0 =	simm.s32 @!p1 $0x0  }
0x14: {  	s2 =	sld [smem:$0x3F90];
	s0 =	simm.s32 @p1 $0x1  }
0x15: {  	[smem:$0x3FAD] =	sst s0;
	s0 =	simm.s32 @!p2 $0x0  }
0x16: {  	s3 =	sld [smem:$0x3FDB];
	s0 =	simm.s32 @p2 $0x1  }
0x17: {  	s4 =	simm.s32 $0x1BF5;
	[smem:$0x3FAF] =	sst s0  }
0x18: {  	s0 =	sld [smem:$0x3F92];
	_ =	swait.ge [sflag:s4], $0x0  }
0x19: {  	s7 =	sld [smem:$0x3F93]  }
0x1a: {  	s8 =	sadd.s32 $0xFFFFE003, lr  }
0x1b: {  	s9 =	sadd.s32 $0xFFFFFEF7, lr;
	s5 =	simm.s32 $0xFFFFFFFF;
	p2 =	slt.u32 s8, $0xFFFFF086  }
0x1c: {  	p1 =	slt.u32 s9, $0xF7A;
	s5 =	simm.s32 @!p2 $0x0  }
0x1d: {  	s5 =	simm.s32 @p1 $0x1;
	p0 =	seq.s32 s7, s2  }
0x1e: {  	s7 =	smul.u32 @!p0 $0xF7A, s2;
	p2 =	seq.s32 @!p0 s5, $0x0  }
0x1f: {  	s9 =	smul.u32 $0xF7A, s1;
	s8 =	simm.s32 @!p0 $0x1BF5;
	p2 =	por !p2, p0  }
0x20: {  	[sflag:s8] =	ssyncset.s32 @!p0 $0xFFFFF086;
	s6 =	sadd.s32 @!p0 s3, s7;
	s7 =	simm.s32 @!p0 $0x108  }
0x21: {  	s3 =	sadd.s32 s3, s9;
	s6 =	sadd.s32 @!p0 $0x88, s6;
	s7 =	simm.s32 @p2 $0x1082  }
0x22: {  	[simem:s7], [sflag:s8] =	dma.local @!p0 [hbm:s6], $0xF7A  }
0x23: {  	s9 =	sor.u32 $0xD0000000, s2;
	s6 =	simm.s32 $0x108;
	_ =	swait.ge @!p0 [sflag:s8], $0x0  }
0x24: {  	s3 =	sadd.s32 $0x88, s3;
	s6 =	simm.s32 @!p1 $0x1082;
	[sflag:s4] =	ssyncset.s32 $0xFFFFF086  }
0x25: {  	[simem:s6], [sflag:s4] =	dma.local [hbm:s3], $0xF7A  }
0x26: {  	[smem:$0x3F93] =	sst s1;
	(tag) =	ssettag s2;
	_ =	strace s9  }
0x27: {  	s1 =	sld [smem:$0x3FA3]  }
0x28: {  	s2 =	sld [smem:$0x3FA4]  }
0x29: {  	s4 =	sld [smem:$0x3FA6]  }
0x2a: {  	p0 =	seq.s32 s5, $0x0;
	s5 =	sld [smem:$0x3FA7]  }
0x2b: {  	s6 =	sld [smem:$0x3FA8]  }
0x2c: {  	s7 =	sld [smem:$0x3FA9]  }
0x2d: {  	s3 =	simm.s32 $0x108;
	s8 =	sld [smem:$0x3FAA]  }
0x2e: {  	s3 =	simm.s32 @!p0 $0x1082;
	s9 =	sld [smem:$0x3FAB]  }
0x2f: {  	lr =	sadd.s32 s0, s3;
	s0 =	sld [smem:$0x3FA2]  }
0x30: {  	s3 =	sld [smem:$0x3FA5]  }
0x31: {  	[smem:$0x3FAE] =	sst s10  }
0x32: {  	s10 =	sld [smem:$0x3FAC];
	_ =	sdelay $0x3  }
0x33: {  	p0 =	seq.s32 s10, $0x1;
	s10 =	sld [smem:$0x3FAE];
	_ =	sdelay $0x3  }
0x34: {  	[smem:$0x3FAE] =	sst s10  }
0x35: {  	s10 =	sld [smem:$0x3FAD];
	_ =	sdelay $0x3  }
0x36: {  	p1 =	seq.s32 s10, $0x1;
	s10 =	sld [smem:$0x3FAE];
	_ =	sdelay $0x3  }
0x37: {  	[smem:$0x3FAE] =	sst s10  }
0x38: {  	s10 =	sld [smem:$0x3FAF]  }
0x39: {  	_ = 	snop;
	(pc) =	sbr.ind lr, $3  }
0x3a: {  	_ = 	snop  }
0x3b: {  	_ = 	snop  }
0x3c: {  	p2 =	seq.s32 s10, $0x1;
	s10 =	sld [smem:$0x3FAE]  }
0x3d: {  	_ =	shalt  }
0x3e: {  	_ =	shalt  }
0x3f: {  	_ =	shalt  }
0x40: {  	_ =	shalt  }
0x41: {  	_ =	shalt  }
0x42: {  	_ =	shalt  }
0x43: {  	_ =	shalt  }
0x44: {  	_ =	shalt  }
0x45: {  	_ =	shalt  }
0x46: {  	_ =	shalt  }
0x47: {  	_ =	shalt  }
0x48: {  	_ =	shalt  }
0x49: {  	_ =	shalt  }
0x4a: {  	_ =	shalt  }
0x4b: {  	_ =	shalt  }
0x4c: {  	_ =	shalt  }
0x4d: {  	_ =	shalt  }
0x4e: {  	_ =	shalt  }
0x4f: {  	_ =	shalt  }
0x50: {  	_ =	shalt  }
0x51: {  	_ =	shalt  }
0x52: {  	_ =	shalt  }
0x53: {  	_ =	shalt  }
0x54: {  	_ =	shalt  }
0x55: {  	_ =	shalt  }
0x56: {  	_ =	shalt  }
0x57: {  	_ =	shalt  }
0x58: {  	_ =	shalt  }
0x59: {  	_ =	shalt  }
0x5a: {  	_ =	shalt  }
0x5b: {  	_ =	shalt  }
0x5c: {  	_ =	shalt  }
0x5d: {  	_ =	shalt  }
0x5e: {  	_ =	shalt  }
0x5f: {  	_ =	shalt  }
0x60: {  	_ =	shalt  }
0x61: {  	_ =	shalt  }
0x62: {  	_ =	shalt  }
0x63: {  	_ =	shalt  }
0x64: {  	_ =	shalt  }
0x65: {  	_ =	shalt  }
0x66: {  	_ =	shalt  }
0x67: {  	_ =	shalt  }
0x68: {  	_ =	shalt  }
0x69: {  	_ =	shalt  }
0x6a: {  	_ =	shalt  }
0x6b: {  	_ =	shalt  }
0x6c: {  	_ =	shalt  }
0x6d: {  	_ =	shalt  }
0x6e: {  	_ =	shalt  }
0x6f: {  	_ =	shalt  }
0x70: {  	_ =	shalt  }
0x71: {  	_ =	shalt  }
0x72: {  	_ =	shalt  }
0x73: {  	_ =	shalt  }
0x74: {  	_ =	shalt  }
0x75: {  	_ =	shalt  }
0x76: {  	_ =	shalt  }
0x77: {  	_ =	shalt  }
0x78: {  	_ =	shalt  }
0x79: {  	_ =	shalt  }
0x7a: {  	_ =	shalt  }
0x7b: {  	_ =	shalt  }
0x7c: {  	_ =	shalt  }
0x7d: {  	_ =	shalt  }
0x7e: {  	_ =	shalt  }
0x7f: {  	_ =	shalt  }
0x80: {  	_ =	shalt  }
0x81: {  	_ =	shalt  }
0x82: {  	_ =	shalt  }
0x83: {  	_ =	shalt  }
0x84: {  	_ =	shalt  }
0x85: {  	_ =	shalt  }
0x86: {  	_ =	shalt  }
0x87: {  	_ =	shalt  }
.Lfunc_end0:
.L_simem_size_0:
called_computation.3_lowered:
.L_overlay_start_0:
0x88: {  	s2 =	sld [smem:$0x3FD9]  }
0x89: {  	s3 =	sld [smem:$0x3FFE];
	_ =	sdelay $0x1  }
0x8a: {  	s1 =	srdreg.scid  }
0x8b: {  	s0 =	sand.u32 $0x1, s1  }
0x8c: {  	s17 =	sshll.u32 s0, $0xA;
	s2 =	sadd.s32 s3, s2  }
0x8d: {  	s2 =	sadd.s32 s2, s17  }
0x8e: {  	[smem:$0x3FBA] =	sst s2  }
0x8f: {  	_ = 	snop  }
0x90: {  	s2 =	sld [smem:$0x3FD0];
	(tm) =	ssettm $0x1  }
0x91: {  	s18 =	sld [smem:$0x3FFB];
	_ =	sdelay $0x3  }
0x92: {  	_ =	strace s18  }
0x93: {  	s3 =	sld [smem:$0x3FFC];
	_ =	sdelay $0x3  }
0x94: {  	_ =	strace s3  }
0x95: {  	s3 =	sld [smem:$0x3FFD];
	_ =	sdelay $0x3  }
0x96: {  	_ =	strace s3  }
0x97: {  	_ =	strace $0x8FFFFFFF  }
0x98: {  	s19 =	sld [smem:$0x3FDB];
	_ =	sdelay $0x1  }
0x99: {  	s4 =	simm.s32 $_scs_section_size  }
0x9a: {  	s5 =	simm.s32 $_size__tile_overlayer_lowered;
	s6 =	simm.s32 $_tile_overlayer_lowered  }
0x9b: {  	s22 =	simm.s32 $0x1BFF;
	s21 =	sshll.u32 s6, $0x1;
	s3 =	sadd.s32 s4, s19  }
0x9c: {  	s7 =	simm.s32 $0x0;
	s20 =	sshll.u32 s5, $0x1;
	s5 =	sadd.s32 s21, s3  }
0x9d: {  	[timem:s7], [sflag:s22] =	dma.local [hbm:s5], s20  }
0x9e: {  	_ =	swait.ge [sflag:s22], s20  }
0x9f: {  	s4 =	ssub.s32 $0x0, s20;
	[sflag:s22] =	ssyncset.done $0x0  }
0xa0: {  	[sflag:s22] =	ssyncadd.s32 s4;
	_ =	sdelay $0x1  }
0xa1: {  	s23 =	simm.s32 $0x1B8B  }
0xa2: {  	_ =	swait.ge [sflag:s23], $0x1  }
0xa3: {  	[sflag:s23] =	ssyncset.done $0x0  }
0xa4: {  	s25 =	simm.s32 $0x1B8E;
	s24 =	sld [smem:$0x3FFE];
	[sflag:s23] =	ssyncadd.s32 $0xFFFFFFFF  }
0xa5: {  	s26 =	simm.s32 $execute0_lowered;
	[smem:$0x3FD2] =	sst s25  }
0xa6: {  	s5 =	sshll.u32 s26, $0x1;
	_ =	strace $0x8000004F;
	[dreg:$0x1] =	wrdreg $0xFFFFFFFF  }
0xa7: {  	s28 =	simm.s32 $_size_execute0_lowered;
	s3 =	sadd.s32 s3, s5;
	[dreg:$0x0] =	wrdreg $0x0  }
0xa8: {  	s5 =	sshll.u32 s28, $0x1;
	[dreg:$0x2] =	wrdreg s3  }
0xa9: {  	[dreg:$0x3] =	wrdreg s5  }
0xaa: {  	[dreg:$0x4] =	wrdreg $0xC0  }
0xab: {  	_ =	task [dreg:s7], $0x5FFFF  }
0xac: {  	[dreg:$0x1] =	wrdreg $0xFFFFFFFF  }
0xad: {  	[dreg:$0x0] =	wrdreg $0x60  }
0xae: {  	[dreg:$0x2] =	wrdreg s24  }
0xaf: {  	[dreg:$0x3] =	wrdreg s2  }
0xb0: {  	[dreg:$0x4] =	wrdreg $0xA9000  }
0xb1: {  	[dreg:$0x5] =	wrdreg $0x9  }
0xb2: {  	_ =	task.clear_ibuf [dreg:s7], $0x6FFFF;
	_ =	strace $0x9000004F  }
0xb3: {  	s29 =	simm.s32 $0x9;
	_ =	strace $0x80000051  }
0xb4: {  	_ =	swait.ge [sflag:s29], $0x1  }
0xb5: {  	[sflag:s29] =	ssyncadd.s32 $0xFFFFFFFF  }
0xb6: {  	_ =	strace $0x90000051  }
0xb7: {  	_ =	sfence  }
0xb8: {  	s30 =	sld [smem:$0x0];
	_ =	sdelay $0x2  }
0xb9: {  	s31 =	sshll.u32 s1, $0xD;
	s1 =	sshrl.u32 s1, $0x2  }
0xba: {  	s3 =	sand.u32 $0x4000, s31;
	s1 =	sadd.s32 s1, s30  }
0xbb: {  	s0 =	sor.u32 s3, s0;
	s1 =	sshll.u32 s1, $0x11  }
0xbc: {  	s0 =	sor.u32 s1, s0  }
0xbd: {  	s0 =	sadd.s32 $0x8F2B, s0  }
0xbe: {  	[sflag:s0] =	ssyncadd.remote.s32 $0x1  }
0xbf: {  	_ =	sfence.sel $0xFFFF  }
0xc0: {  	[dreg:$0x0] =	wrdreg $0xFFFFFFFF;
	(pc) =	sbr.abs _section_cstart, $3  }
0xc1: {  	[dreg:$0x1] =	wrdreg $0xFFFFFFFF  }
0xc2: {  	_ =	task.clear_ibuf [dreg:s7], $0x2FFFF;
	_ =	strace $0x9FFFFFFF  }
0xc3: {  	(tm) =	ssettm $0x7FFFFFFF  }
tec
execute0_lowered:
.L_overlay_start_1:
0x0: {  	(tag) =	ssettag $0x1  }
0x1: {  	s1 =	rddreg [dreg:$0x0]  }
0x2: {  	s2 =	srdreg.scid;
	s0 =	stileid.u32  }
0x3: {  	s8 =	rddreg [dreg:$0x1];
	s18 =	simm.s32 $0x5;
	s28 =	simm.s32 $0x1  }
0x4: {  	s29 =	simm.s32 $0x3;
	s30 =	simm.s32 $0x2;
	s31 =	simm.s32 $0x4  }
0x5: {  	s10 =	sand.u32 $0x1, s2;
	s3 =	sshll.u32 s0, $0x1;
	s22 =	smul.u32 $0x4F000, s0  }
0x6: {  	s2 =	rddreg [dreg:$0x2];
	s5 =	sadd.s32 $0x85200, s1;
	s23 =	smul.u32 $0x2780, s0  }
0x7: {  	s14 =	sadd.s32 $0x87A00, s1;
	p4 =	sne.s32 s0, $0xF;
	s12 =	smul.u32 $0x13C00, s0  }
0x8: {  	p0 =	seq.s32 s0, $0xF;
	s24 =	smul.u32 $0x5000, s0;
	s25 =	sshll.u32 s0, $0x6  }
0x9: {  	s4 =	sor.u32 s10, s3;
	s3 =	simm.s32 $0x0;
	s13 =	smul.u32 $0x138800, s10  }
0xa: {  	s6 =	ssub.s32 $0x2, s10;
	p1 =	seq.s32 s10, $0x0;
	s4 =	smul.u32 $0x2800, s4  }
0xb: {  	[smem:$0x7FF] =	sst s3;
	s9 =	sshrl.u32 s6, $0x1;
	p2 =	por !p1, !p4  }
0xc: {  	p3 =	por !p1, !p0;
	_ =	strace $0x80000050;
	s15 =	ssub.s32 s6, s9  }
0xd: {  	p1 =	por !p2, !p2;
	p2 =	por !p3, !p3;
	s9 =	sshrl.u32 s22, $0x2  }
0xe: {  	p3 =	seq.s32 s10, $0x1;
	s16 =	sadd.s32 s12, s13;
	s10 =	smul.u32 $0x2800, s10  }
0xf: {  	s17 =	sshrl.u32 s13, $0x3;
	s22 =	simm.s32 $0x2800;
	s11 =	sshrl.u32 s4, $0x3  }
0x10: {  	s4 =	sadd.s32 $0x5E000, s1;
	s9 =	sadd.s32 s9, s2;
	p4 =	por !p4, !p3  }
0x11: {  	s16 =	sshrl.u32 s16, $0x3;
	s15 =	smax.u32 s15, $0x1;
	s7 =	sadd.s32 s11, s1  }
0x12: {  	s1 =	sadd.s32 $0x83080, s1;
	p4 =	por !p4, !p4;
	s11 =	sadd.s32 s8, s11  }
0x13: {  	s13 =	sadd.s32 s14, s16;
	s14 =	sadd.s32 s14, s17;
	s26 =	sshrl.u32 s9, $0x3  }
0x14: {  	s6 =	sadd.s32 $0x5000, s7;
	s7 =	sadd.s32 $0x128400, s2;
	[dreg:$0x4] =	wrdreg s1  }
0x15: {  	s1 =	sadd.s32 s4, s23;
	s12 =	sadd.s32 $0x10, s11;
	[dreg:$0x7] =	wrdreg s26  }
0x16: {  	s14 =	sadd.s32 $0x25080, s14;
	[dreg:$0x5] =	wrdreg s1;
	s1 =	sadd.s32 s10, s24  }
0x17: {  	s23 =	simm.s32 $0x2880;
	s10 =	sor.u32 $0x100, s1;
	s1 =	sor.u32 $0x180, s1  }
0x18: {  	s26 =	simm.s32 $0x6900;
	s24 =	simm.s32 $0x80;
	s1 =	sshrl.u32 s1, $0x3  }
0x19: {  	s10 =	sshrl.u32 s10, $0x3;
	s17 =	sadd.s32 s1, s8;
	s1 =	sor.u32 $0x1C05, s25  }
0x1a: {  	s16 =	sadd.s32 s10, s8;
	[dreg:$0x6] =	wrdreg s1;
	s1 =	sshll.u32 @p4 s0, $0x6  }
0x1b: {  	s25 =	simm.s32 $0x2900;
	s21 =	sor.u32 @p4 $0x1C05, s1;
	s1 =	simm.s32 $0x0  }
.LBB2_1:
.Ltmp0:
0x1c: {  	(pc) =	sbr.rel @!p1 .LBB2_4-.Ltmp0, $4  }
0x1d: {  	[tilespmem:s3], [sflag:$0x5] =	stream.linear.gather [hbm4b:s6+s3], $0x2800, $0x38;
	[tilespmem:$0x1E500] =	vst v63  }
0x1e: {  	_ =	swait.ge [sflag:s18], $0x2800  }
0x1f: {  	[sflag:s18] =	ssyncset.done $0x0  }
0x20: {  	[sflag:s18] =	ssyncadd.s32 $0xFFFFD800  }
0x21: {  	s8 =	rddreg [dreg:$0x5]  }
0x22: {  	s10 =	rddreg [dreg:$0x6]  }
.Ltmp1:
0x23: {  	s19 =	rddreg [dreg:$0x7];
	(pc) =	sbr.rel .LBB2_3-.Ltmp1, $4  }
0x24: {  	[spmem:s19], [sflag:s10] =	dma.local [hbm:s8], $0x2780  }
0x25: {  	_ =	swait.ge [sflag:s18], $0x2780  }
0x26: {  	[sflag:s18] =	ssyncset.done $0x0  }
0x27: {  	p5 =	por $0x0, $0x0;
	[sflag:s18] =	ssyncadd.s32 $0xFFFFD880  }
.LBB2_4:
.Ltmp2:
0x28: {  	(pc) =	sbr.rel @!p2 .LBB2_3-.Ltmp2, $2  }
0x29: {  	_ =	sdelay $0x2  }
0x2a: {  	p5 =	por p0, p0  }
.Ltmp3:
0x2b: {  	(pc) =	sbr.rel .LBB2_6-.Ltmp3, $2  }
0x2c: {  	_ =	sdelay $0x2  }
0x2d: {  	p5 =	por $0x1, $0x1;
	s10 =	simm.s32 $0xF;
	s8 =	rddreg [dreg:$0x4]  }
.LBB2_3:
0x2e: {  	s8 =	sshrl.u32 @p4 s9, $0x3;
	p6 =	por @p4 $0x1, $0x1  }
0x2f: {  	[spmem:s8], [sflag:s21] =	dma.local @p4 [hbm:s5], $0x2780  }
0x30: {  	p6 =	por @!p4 p3, p3  }
0x31: {  	p6 =	por !p6, !p5  }
0x32: {  	p6 =	por !p6, !p6  }
.Ltmp4:
0x33: {  	_ = 	snop;
	(pc) =	sbr.rel @!p6 .LBB2_7-.Ltmp4, $4  }
0x34: {  	s8 =	simm.s32 @p4 $0x5  }
0x35: {  	_ =	swait.ge @p4 [sflag:s8], $0x2780  }
0x36: {  	[sflag:s8] =	ssyncset.done @p4 $0x0  }
0x37: {  	s10 =	stileid.u32;
	[sflag:s8] =	ssyncadd.s32 @p4 $0xFFFFD880;
	s8 =	smov.u32 s5  }
.LBB2_6:
0x38: {  	s10 =	sshll.u32 s10, $0x6  }
0x39: {  	s19 =	sshrl.u32 s7, $0x3;
	s10 =	sor.u32 $0x1C05, s10  }
0x3a: {  	[spmem:s19], [sflag:s10] =	dma.local [hbm:s8], $0x2080  }
0x3b: {  	_ =	swait.ge [sflag:s18], $0x2080  }
0x3c: {  	[sflag:s18] =	ssyncset.done $0x0  }
0x3d: {  	[sflag:s18] =	ssyncadd.s32 $0xFFFFDF80  }
.LBB2_7:
0x3e: {  	[bflag:$0x0] =	sbarrier.arrive $0xFFFF;
	s8 =	simm.s32 $0x0  }
0x3f: {  	[tilespmem:s22], [sflag:$0x3] =	stream.linear.gather [hbm4b:s11+s8], $0x80, $0x38;
	[tilespmem:$0x1E500] =	vst v63  }
0x40: {  	_ = 	snop  }
0x41: {  	[tilespmem:s23], [sflag:$0x4] =	stream.linear.gather [hbm4b:s12+s8], $0x80, $0x38;
	[tilespmem:$0x1E500] =	vst v63  }
0x42: {  	_ = 	snop  }
0x43: {  	[tilespmem:s25], [sflag:$0x1] =	stream.indirect.gather [hbm4b:s4+s24], $0x80, s8, s24, $0xb8;
	[tilespmem:$0x1E500] =	vst v63  }
0x44: {  	_ = 	snop  }
0x45: {  	[tilespmem:s26], [sflag:$0x2] =	stream.indirect.gather [hbm4b:s4+s24], $0x80, s24, s24, $0xb8;
	[tilespmem:$0x1E500] =	vst v63  }
0x46: {  	_ =	swait.ge [sflag:s28], $0x4000  }
0x47: {  	[sflag:s28] =	ssyncset.done $0x0  }
0x48: {  	[sflag:s28] =	ssyncadd.s32 $0xFFFFC000  }
0x49: {  	_ =	swait.ge [sflag:s29], $0x80  }
0x4a: {  	[sflag:s29] =	ssyncset.done $0x0  }
0x4b: {  	[sflag:s29] =	ssyncadd.s32 $0xFFFFFF80  }
0x4c: {  	[spmem:s2] =	stream.indirect.scatter.add.f32 [tilespmem:s25], [sflag:$0x5], $0x80, s22, s24, $0xb8;
	[tilespmem:$0x1E500] =	vst v63  }
0x4d: {  	_ =	swait.ge [sflag:s18], $0x4000  }
0x4e: {  	[sflag:s18] =	ssyncset.done $0x0  }
0x4f: {  	s10 =	simm.s32 $0x100;
	[sflag:s18] =	ssyncadd.s32 $0xFFFFC000  }
0x50: {  	[tilespmem:s25], [sflag:$0x1] =	stream.indirect.gather [hbm4b:s4+s24], $0x80, s10, s24, $0xb8;
	[tilespmem:$0x1E500] =	vst v63  }
0x51: {  	s19 =	sadd.s32 $0x0, s16  }
0x52: {  	[tilespmem:s22], [sflag:$0x3] =	stream.linear.gather [hbm4b:s19+s3], $0x80, $0x38;
	[tilespmem:$0x1E500] =	vst v63  }
0x53: {  	_ =	swait.ge [sflag:s30], $0x4000  }
0x54: {  	[sflag:s30] =	ssyncset.done $0x0  }
0x55: {  	[sflag:s30] =	ssyncadd.s32 $0xFFFFC000  }
0x56: {  	_ =	swait.ge [sflag:s31], $0x80  }
0x57: {  	[sflag:s31] =	ssyncset.done $0x0  }
0x58: {  	[sflag:s31] =	ssyncadd.s32 $0xFFFFFF80  }
0x59: {  	[spmem:s2] =	stream.indirect.scatter.add.f32 [tilespmem:s26], [sflag:$0x5], $0x80, s23, s24, $0xb8;
	[tilespmem:$0x1E500] =	vst v63  }
0x5a: {  	_ =	swait.ge [sflag:s18], $0x4000  }
0x5b: {  	s20 =	simm.s32 $0x180;
	s8 =	simm.s32 $0x20;
	[sflag:s18] =	ssyncset.done $0x0  }
0x5c: {  	s10 =	simm.s32 $0x200;
	s19 =	sadd.s32 $0x0, s17;
	[sflag:s18] =	ssyncadd.s32 $0xFFFFC000  }
0x5d: {  	[tilespmem:s26], [sflag:$0x2] =	stream.indirect.gather [hbm4b:s4+s24], $0x80, s20, s24, $0xb8;
	[tilespmem:$0x1E500] =	vst v63  }
.LBB2_8:
0x5e: {  	[tilespmem:s23], [sflag:$0x4] =	stream.linear.gather [hbm4b:s19+s3], $0x80, $0x38;
	[tilespmem:$0x1E500] =	vst v63  }
0x5f: {  	s19 =	smov.u32 s8  }
0x60: {  	p6 =	sne.s32 s8, $0x4C0;
	s8 =	sadd.s32 $0x20, s8;
	_ =	swait.ge [sflag:s28], $0x4000  }
0x61: {  	[sflag:s28] =	ssyncset.done $0x0  }
0x62: {  	[sflag:s28] =	ssyncadd.s32 $0xFFFFC000  }
0x63: {  	_ =	swait.ge [sflag:s29], $0x80  }
0x64: {  	[sflag:s29] =	ssyncset.done $0x0  }
0x65: {  	[sflag:s29] =	ssyncadd.s32 $0xFFFFFF80  }
0x66: {  	[spmem:s2] =	stream.indirect.scatter.add.f32 [tilespmem:s25], [sflag:$0x5], $0x80, s22, s24, $0xb8;
	[tilespmem:$0x1E500] =	vst v63  }
0x67: {  	_ =	swait.ge [sflag:s18], $0x4000  }
0x68: {  	[sflag:s18] =	ssyncset.done $0x0  }
0x69: {  	[sflag:s18] =	ssyncadd.s32 $0xFFFFC000  }
0x6a: {  	[tilespmem:s25], [sflag:$0x1] =	stream.indirect.gather [hbm4b:s4+s24], $0x80, s10, s24, $0xb8;
	[tilespmem:$0x1E500] =	vst v63  }
0x6b: {  	s20 =	sadd.s32 s19, s16  }
0x6c: {  	[tilespmem:s22], [sflag:$0x3] =	stream.linear.gather [hbm4b:s20+s3], $0x80, $0x38;
	[tilespmem:$0x1E500] =	vst v63  }
0x6d: {  	_ =	swait.ge [sflag:s30], $0x4000  }
0x6e: {  	[sflag:s30] =	ssyncset.done $0x0  }
0x6f: {  	[sflag:s30] =	ssyncadd.s32 $0xFFFFC000  }
0x70: {  	_ =	swait.ge [sflag:s31], $0x80  }
0x71: {  	[sflag:s31] =	ssyncset.done $0x0  }
0x72: {  	[sflag:s31] =	ssyncadd.s32 $0xFFFFFF80  }
0x73: {  	[spmem:s2] =	stream.indirect.scatter.add.f32 [tilespmem:s26], [sflag:$0x5], $0x80, s23, s24, $0xb8;
	[tilespmem:$0x1E500] =	vst v63  }
.Ltmp5:
0x74: {  	_ =	swait.ge [sflag:s18], $0x4000;
	(pc) =	sbr.rel @p6 .LBB2_8-.Ltmp5, $4  }
0x75: {  	[sflag:s18] =	ssyncset.done $0x0  }
0x76: {  	s20 =	sadd.s32 $0x80, s10;
	[sflag:s18] =	ssyncadd.s32 $0xFFFFC000  }
0x77: {  	[tilespmem:s26], [sflag:$0x2] =	stream.indirect.gather [hbm4b:s4+s24], $0x80, s20, s24, $0xb8;
	[tilespmem:$0x1E500] =	vst v63  }
0x78: {  	s19 =	sadd.s32 s19, s17;
	s10 =	sadd.s32 $0x100, s10  }
0x79: {  	[tilespmem:s23], [sflag:$0x4] =	stream.linear.gather [hbm4b:s19+s3], $0x80, $0x38;
	[tilespmem:$0x1E500] =	vst v63  }
0x7a: {  	_ =	swait.ge [sflag:s28], $0x4000  }
0x7b: {  	[sflag:s28] =	ssyncset.done $0x0  }
0x7c: {  	[sflag:s28] =	ssyncadd.s32 $0xFFFFC000  }
0x7d: {  	_ =	swait.ge [sflag:s29], $0x80  }
0x7e: {  	[sflag:s29] =	ssyncset.done $0x0  }
0x7f: {  	[sflag:s29] =	ssyncadd.s32 $0xFFFFFF80  }
0x80: {  	[spmem:s2] =	stream.indirect.scatter.add.f32 [tilespmem:s25], [sflag:$0x5], $0x80, s22, s24, $0xb8;
	[tilespmem:$0x1E500] =	vst v63  }
0x81: {  	_ =	swait.ge [sflag:s18], $0x4000  }
0x82: {  	[sflag:s18] =	ssyncset.done $0x0  }
0x83: {  	[sflag:s18] =	ssyncadd.s32 $0xFFFFC000  }
0x84: {  	_ =	swait.ge [sflag:s30], $0x4000  }
0x85: {  	[sflag:s30] =	ssyncset.done $0x0  }
0x86: {  	[sflag:s30] =	ssyncadd.s32 $0xFFFFC000  }
0x87: {  	_ =	swait.ge [sflag:s31], $0x80  }
0x88: {  	[sflag:s31] =	ssyncset.done $0x0  }
0x89: {  	[sflag:s31] =	ssyncadd.s32 $0xFFFFFF80  }
0x8a: {  	[spmem:s2] =	stream.indirect.scatter.add.f32 [tilespmem:s26], [sflag:$0x5], $0x80, s23, s24, $0xb8;
	[tilespmem:$0x1E500] =	vst v63  }
0x8b: {  	_ =	swait.ge [sflag:s18], $0x4000  }
0x8c: {  	[sflag:s18] =	ssyncset.done $0x0  }
0x8d: {  	s8 =	sshll.u32 @!p0 s0, $0x6;
	[sflag:s18] =	ssyncadd.s32 $0xFFFFC000  }
0x8e: {  	s10 =	sshrl.u32 @!p0 s9, $0x3;
	s8 =	sor.u32 @!p0 $0x1C05, s8;
	[bflag:$0x0] =	sbarrier.arrive $0xFFFF  }
0x8f: {  	[hbm:s13], [sflag:s8] =	dma.local @!p0 [spmem:s10], $0x2780  }
0x90: {  	s8 =	simm.s32 @!p0 $0x5  }
0x91: {  	s1 =	sadd.s32 $0x1, s1;
	_ =	swait.ge @!p0 [sflag:s8], $0x2780  }
0x92: {  	p6 =	sne.s32 s1, s15;
	s10 =	sshll.u32 @p5 s0, $0x6;
	[sflag:s8] =	ssyncset.done @!p0 $0x0  }
0x93: {  	[sflag:s8] =	ssyncadd.s32 @!p0 $0xFFFFD880;
	s8 =	sor.u32 @p5 $0x1C05, s10;
	s10 =	sshrl.u32 @p5 s7, $0x3  }
0x94: {  	[hbm:s14], [sflag:s8] =	dma.local @p5 [spmem:s10], $0x2080  }
.Ltmp6:
0x95: {  	_ = 	snop;
	(pc) =	sbr.rel @p6 .LBB2_1-.Ltmp6, $4  }
0x96: {  	s8 =	simm.s32 @p5 $0x5  }
0x97: {  	_ =	swait.ge @p5 [sflag:s8], $0x2080  }
0x98: {  	[sflag:s8] =	ssyncset.done @p5 $0x0  }
0x99: {  	[sflag:s8] =	ssyncadd.s32 @p5 $0xFFFFDF80  }
0x9a: {  	_ =	sfence.sel $0x180000  }
0x9b: {  	[bflag:$0x0] =	sbarrier.arrive $0xFFFF  }
0x9c: {  	_ =	strace $0x90000050  }
0x9d: {  	[bflag:$0x2] =	sbarrier.arrive $0xFFFF  }
0x9e: {  	p0 =	sne.s32 s0, $0x0;
	s0 =	rddreg [dreg:$0x3]  }
0x9f: {  	s0 =	sadd.s32 @!p0 $0x100000, s0  }
0xa0: {  	[sflag:s0] =	ssyncadd.tile.s32 @!p0 $0x1;
	_ =	shalt  }
.Lfunc_end2:
_tile_overlayer_lowered:
.L_overlay_start_2:
0xa1: {  	(tag) =	ssettag $0x2  }
0xa2: {  	s0 =	rddreg [dreg:$0x0];
	s2 =	stileid.u32  }
0xa3: {  	s1 =	rddreg [dreg:$0x1];
	p0 =	sne.s32 s2, $0x0  }
0xa4: {  	s3 =	rddreg [dreg:$0x2];
	[bflag:$0x3] =	sbarrier.arrive $0xFFFF;
	s2 =	simm.s32 @!p0 $0x1C05  }
0xa5: {  	[timem:s3], [sflag:s2] =	dma.local @!p0 [hbm:s0], s1  }
0xa6: {  	s0 =	simm.s32 @!p0 $0x5  }
0xa7: {  	_ =	swait.ge @!p0 [sflag:s0], s1  }
0xa8: {  	s1 =	ssub.s32 @!p0 $0x0, s1;
	[sflag:s0] =	ssyncset.done @!p0 $0x0  }
0xa9: {  	[sflag:s0] =	ssyncadd.s32 @!p0 s1  }
0xaa: {  	[bflag:$0x3] =	sbarrier.arrive $0xFFFF  }
0xab: {  	_ =	shalt  }

// kernel: kernel.28.cloned.1.call-start
scs
__scs_entry_jumppad:
0x0: {  	(pc) =	sbr.rel $0x88, $3  }
0x1: {  	(tag) =	ssettag $0x0;
	lr =	simm.s32 $0x1  }
0x2: {  	[smem:$0x3F93] =	sst lr;
	_ =	strace $0xD0000000  }
0x3: {  	_ = 	snop  }
0x4: {  	_ = 	snop  }
0x5: {  	_ = 	snop  }
0x6: {  	_ = 	snop  }
0x7: {  	_ = 	snop  }
__scs_overlays_trampoline_lowered:
0x8: {  	[smem:$0x3FA2] =	sst s0  }
0x9: {  	[smem:$0x3FA3] =	sst s1  }
0xa: {  	[smem:$0x3FA4] =	sst s2  }
0xb: {  	[smem:$0x3FA5] =	sst s3  }
0xc: {  	[smem:$0x3FA6] =	sst s4  }
0xd: {  	[smem:$0x3FA7] =	sst s5  }
0xe: {  	[smem:$0x3FA8] =	sst s6  }
0xf: {  	[smem:$0x3FA9] =	sst s7  }
0x10: {  	[smem:$0x3FAA] =	sst s8  }
0x11: {  	[smem:$0x3FAB] =	sst s9;
	s0 =	simm.s32 @!p0 $0x0  }
0x12: {  	s1 =	sld [smem:$0x3F91];
	s0 =	simm.s32 @p0 $0x1  }
0x13: {  	[smem:$0x3FAC] =	sst s0;
	s0 =	simm.s32 @!p1 $0x0  }
0x14: {  	s2 =	sld [smem:$0x3F90];
	s0 =	simm.s32 @p1 $0x1  }
0x15: {  	[smem:$0x3FAD] =	sst s0;
	s0 =	simm.s32 @!p2 $0x0  }
0x16: {  	s3 =	sld [smem:$0x3FDB];
	s0 =	simm.s32 @p2 $0x1  }
0x17: {  	s4 =	simm.s32 $0x1BF5;
	[smem:$0x3FAF] =	sst s0  }
0x18: {  	s0 =	sld [smem:$0x3F92];
	_ =	swait.ge [sflag:s4], $0x0  }
0x19: {  	s7 =	sld [smem:$0x3F93]  }
0x1a: {  	s8 =	sadd.s32 $0xFFFFE003, lr  }
0x1b: {  	s9 =	sadd.s32 $0xFFFFFEF7, lr;
	s5 =	simm.s32 $0xFFFFFFFF;
	p2 =	slt.u32 s8, $0xFFFFF086  }
0x1c: {  	p1 =	slt.u32 s9, $0xF7A;
	s5 =	simm.s32 @!p2 $0x0  }
0x1d: {  	s5 =	simm.s32 @p1 $0x1;
	p0 =	seq.s32 s7, s2  }
0x1e: {  	s7 =	smul.u32 @!p0 $0xF7A, s2;
	p2 =	seq.s32 @!p0 s5, $0x0  }
0x1f: {  	s9 =	smul.u32 $0xF7A, s1;
	s8 =	simm.s32 @!p0 $0x1BF5;
	p2 =	por !p2, p0  }
0x20: {  	[sflag:s8] =	ssyncset.s32 @!p0 $0xFFFFF086;
	s6 =	sadd.s32 @!p0 s3, s7;
	s7 =	simm.s32 @!p0 $0x108  }
0x21: {  	s3 =	sadd.s32 s3, s9;
	s6 =	sadd.s32 @!p0 $0x88, s6;
	s7 =	simm.s32 @p2 $0x1082  }
0x22: {  	[simem:s7], [sflag:s8] =	dma.local @!p0 [hbm:s6], $0xF7A  }
0x23: {  	s9 =	sor.u32 $0xD0000000, s2;
	s6 =	simm.s32 $0x108;
	_ =	swait.ge @!p0 [sflag:s8], $0x0  }
0x24: {  	s3 =	sadd.s32 $0x88, s3;
	s6 =	simm.s32 @!p1 $0x1082;
	[sflag:s4] =	ssyncset.s32 $0xFFFFF086  }
0x25: {  	[simem:s6], [sflag:s4] =	dma.local [hbm:s3], $0xF7A  }
0x26: {  	[smem:$0x3F93] =	sst s1;
	(tag) =	ssettag s2;
	_ =	strace s9  }
0x27: {  	s1 =	sld [smem:$0x3FA3]  }
0x28: {  	s2 =	sld [smem:$0x3FA4]  }
0x29: {  	s4 =	sld [smem:$0x3FA6]  }
0x2a: {  	p0 =	seq.s32 s5, $0x0;
	s5 =	sld [smem:$0x3FA7]  }
0x2b: {  	s6 =	sld [smem:$0x3FA8]  }
0x2c: {  	s7 =	sld [smem:$0x3FA9]  }
0x2d: {  	s3 =	simm.s32 $0x108;
	s8 =	sld [smem:$0x3FAA]  }
0x2e: {  	s3 =	simm.s32 @!p0 $0x1082;
	s9 =	sld [smem:$0x3FAB]  }
0x2f: {  	lr =	sadd.s32 s0, s3;
	s0 =	sld [smem:$0x3FA2]  }
0x30: {  	s3 =	sld [smem:$0x3FA5]  }
0x31: {  	[smem:$0x3FAE] =	sst s10  }
0x32: {  	s10 =	sld [smem:$0x3FAC];
	_ =	sdelay $0x3  }
0x33: {  	p0 =	seq.s32 s10, $0x1;
	s10 =	sld [smem:$0x3FAE];
	_ =	sdelay $0x3  }
0x34: {  	[smem:$0x3FAE] =	sst s10  }
0x35: {  	s10 =	sld [smem:$0x3FAD];
	_ =	sdelay $0x3  }
0x36: {  	p1 =	seq.s32 s10, $0x1;
	s10 =	sld [smem:$0x3FAE];
	_ =	sdelay $0x3  }
0x37: {  	[smem:$0x3FAE] =	sst s10  }
0x38: {  	s10 =	sld [smem:$0x3FAF]  }
0x39: {  	_ = 	snop;
	(pc) =	sbr.ind lr, $3  }
0x3a: {  	_ = 	snop  }
0x3b: {  	_ = 	snop  }
0x3c: {  	p2 =	seq.s32 s10, $0x1;
	s10 =	sld [smem:$0x3FAE]  }
0x3d: {  	_ =	shalt  }
0x3e: {  	_ =	shalt  }
0x3f: {  	_ =	shalt  }
0x40: {  	_ =	shalt  }
0x41: {  	_ =	shalt  }
0x42: {  	_ =	shalt  }
0x43: {  	_ =	shalt  }
0x44: {  	_ =	shalt  }
0x45: {  	_ =	shalt  }
0x46: {  	_ =	shalt  }
0x47: {  	_ =	shalt  }
0x48: {  	_ =	shalt  }
0x49: {  	_ =	shalt  }
0x4a: {  	_ =	shalt  }
0x4b: {  	_ =	shalt  }
0x4c: {  	_ =	shalt  }
0x4d: {  	_ =	shalt  }
0x4e: {  	_ =	shalt  }
0x4f: {  	_ =	shalt  }
0x50: {  	_ =	shalt  }
0x51: {  	_ =	shalt  }
0x52: {  	_ =	shalt  }
0x53: {  	_ =	shalt  }
0x54: {  	_ =	shalt  }
0x55: {  	_ =	shalt  }
0x56: {  	_ =	shalt  }
0x57: {  	_ =	shalt  }
0x58: {  	_ =	shalt  }
0x59: {  	_ =	shalt  }
0x5a: {  	_ =	shalt  }
0x5b: {  	_ =	shalt  }
0x5c: {  	_ =	shalt  }
0x5d: {  	_ =	shalt  }
0x5e: {  	_ =	shalt  }
0x5f: {  	_ =	shalt  }
0x60: {  	_ =	shalt  }
0x61: {  	_ =	shalt  }
0x62: {  	_ =	shalt  }
0x63: {  	_ =	shalt  }
0x64: {  	_ =	shalt  }
0x65: {  	_ =	shalt  }
0x66: {  	_ =	shalt  }
0x67: {  	_ =	shalt  }
0x68: {  	_ =	shalt  }
0x69: {  	_ =	shalt  }
0x6a: {  	_ =	shalt  }
0x6b: {  	_ =	shalt  }
0x6c: {  	_ =	shalt  }
0x6d: {  	_ =	shalt  }
0x6e: {  	_ =	shalt  }
0x6f: {  	_ =	shalt  }
0x70: {  	_ =	shalt  }
0x71: {  	_ =	shalt  }
0x72: {  	_ =	shalt  }
0x73: {  	_ =	shalt  }
0x74: {  	_ =	shalt  }
0x75: {  	_ =	shalt  }
0x76: {  	_ =	shalt  }
0x77: {  	_ =	shalt  }
0x78: {  	_ =	shalt  }
0x79: {  	_ =	shalt  }
0x7a: {  	_ =	shalt  }
0x7b: {  	_ =	shalt  }
0x7c: {  	_ =	shalt  }
0x7d: {  	_ =	shalt  }
0x7e: {  	_ =	shalt  }
0x7f: {  	_ =	shalt  }
0x80: {  	_ =	shalt  }
0x81: {  	_ =	shalt  }
0x82: {  	_ =	shalt  }
0x83: {  	_ =	shalt  }
0x84: {  	_ =	shalt  }
0x85: {  	_ =	shalt  }
0x86: {  	_ =	shalt  }
0x87: {  	_ =	shalt  }
.Lfunc_end0:
.L_simem_size_0:
called_computation.4_lowered:
.L_overlay_start_0:
0x88: {  	s2 =	sld [smem:$0x3FD9]  }
0x89: {  	s3 =	sld [smem:$0x3FFE];
	_ =	sdelay $0x1  }
0x8a: {  	s1 =	srdreg.scid  }
0x8b: {  	s0 =	sand.u32 $0x1, s1  }
0x8c: {  	s17 =	sshll.u32 s0, $0xA;
	s2 =	sadd.s32 s3, s2  }
0x8d: {  	s2 =	sadd.s32 s2, s17  }
0x8e: {  	[smem:$0x3FBA] =	sst s2  }
0x8f: {  	_ = 	snop  }
0x90: {  	s2 =	sld [smem:$0x3FD0];
	(tm) =	ssettm $0x1  }
0x91: {  	s18 =	sld [smem:$0x3FFB];
	_ =	sdelay $0x3  }
0x92: {  	_ =	strace s18  }
0x93: {  	s3 =	sld [smem:$0x3FFC];
	_ =	sdelay $0x3  }
0x94: {  	_ =	strace s3  }
0x95: {  	s3 =	sld [smem:$0x3FFD];
	_ =	sdelay $0x3  }
0x96: {  	_ =	strace s3  }
0x97: {  	_ =	strace $0x8FFFFFFF  }
0x98: {  	s19 =	sld [smem:$0x3FDB];
	_ =	sdelay $0x1  }
0x99: {  	s4 =	simm.s32 $_scs_section_size  }
0x9a: {  	s5 =	simm.s32 $_size__tile_overlayer_lowered;
	s6 =	simm.s32 $_tile_overlayer_lowered  }
0x9b: {  	s22 =	simm.s32 $0x1BFF;
	s21 =	sshll.u32 s6, $0x1;
	s3 =	sadd.s32 s4, s19  }
0x9c: {  	s7 =	simm.s32 $0x0;
	s20 =	sshll.u32 s5, $0x1;
	s5 =	sadd.s32 s21, s3  }
0x9d: {  	[timem:s7], [sflag:s22] =	dma.local [hbm:s5], s20  }
0x9e: {  	_ =	swait.ge [sflag:s22], s20  }
0x9f: {  	s4 =	ssub.s32 $0x0, s20;
	[sflag:s22] =	ssyncset.done $0x0  }
0xa0: {  	[sflag:s22] =	ssyncadd.s32 s4;
	_ =	sdelay $0x1  }
0xa1: {  	s23 =	simm.s32 $0x1B8B  }
0xa2: {  	_ =	swait.ge [sflag:s23], $0x1  }
0xa3: {  	[sflag:s23] =	ssyncset.done $0x0  }
0xa4: {  	s25 =	simm.s32 $0x1B8E;
	s24 =	sld [smem:$0x3FFE];
	[sflag:s23] =	ssyncadd.s32 $0xFFFFFFFF  }
0xa5: {  	s26 =	simm.s32 $execute0_lowered;
	[smem:$0x3FD2] =	sst s25  }
0xa6: {  	s5 =	sshll.u32 s26, $0x1;
	_ =	strace $0x80000052;
	[dreg:$0x1] =	wrdreg $0xFFFFFFFF  }
0xa7: {  	s28 =	simm.s32 $_size_execute0_lowered;
	s3 =	sadd.s32 s3, s5;
	[dreg:$0x0] =	wrdreg $0x0  }
0xa8: {  	s5 =	sshll.u32 s28, $0x1;
	[dreg:$0x2] =	wrdreg s3  }
0xa9: {  	[dreg:$0x3] =	wrdreg s5  }
0xaa: {  	[dreg:$0x4] =	wrdreg $0xC0  }
0xab: {  	_ =	task [dreg:s7], $0x5FFFF  }
0xac: {  	[dreg:$0x1] =	wrdreg $0xFFFFFFFF  }
0xad: {  	[dreg:$0x0] =	wrdreg $0x60  }
0xae: {  	[dreg:$0x2] =	wrdreg s24  }
0xaf: {  	[dreg:$0x3] =	wrdreg s2  }
0xb0: {  	[dreg:$0x4] =	wrdreg $0xA9000  }
0xb1: {  	[dreg:$0x5] =	wrdreg $0x9  }
0xb2: {  	_ =	task.clear_ibuf [dreg:s7], $0x6FFFF;
	_ =	strace $0x90000052  }
0xb3: {  	s29 =	simm.s32 $0x9;
	_ =	strace $0x80000054  }
0xb4: {  	_ =	swait.ge [sflag:s29], $0x1  }
0xb5: {  	[sflag:s29] =	ssyncadd.s32 $0xFFFFFFFF  }
0xb6: {  	_ =	strace $0x90000054  }
0xb7: {  	_ =	sfence  }
0xb8: {  	s30 =	sld [smem:$0x0];
	_ =	sdelay $0x2  }
0xb9: {  	s31 =	sshll.u32 s1, $0xD;
	s1 =	sshrl.u32 s1, $0x2  }
0xba: {  	s3 =	sand.u32 $0x4000, s31;
	s1 =	sadd.s32 s1, s30  }
0xbb: {  	s0 =	sor.u32 s3, s0;
	s1 =	sshll.u32 s1, $0x11  }
0xbc: {  	s0 =	sor.u32 s1, s0  }
0xbd: {  	s0 =	sadd.s32 $0x8F2B, s0  }
0xbe: {  	[sflag:s0] =	ssyncadd.remote.s32 $0x1  }
0xbf: {  	_ =	sfence.sel $0xFFFF  }
0xc0: {  	[dreg:$0x0] =	wrdreg $0xFFFFFFFF;
	(pc) =	sbr.abs _section_cstart, $3  }
0xc1: {  	[dreg:$0x1] =	wrdreg $0xFFFFFFFF  }
0xc2: {  	_ =	task.clear_ibuf [dreg:s7], $0x2FFFF;
	_ =	strace $0x9FFFFFFF  }
0xc3: {  	(tm) =	ssettm $0x7FFFFFFF  }
tec
execute0_lowered:
.L_overlay_start_1:
0x0: {  	(tag) =	ssettag $0x1  }
0x1: {  	s1 =	rddreg [dreg:$0x0]  }
0x2: {  	s2 =	srdreg.scid;
	s0 =	stileid.u32  }
0x3: {  	s8 =	rddreg [dreg:$0x1];
	s18 =	simm.s32 $0x5;
	s28 =	simm.s32 $0x1  }
0x4: {  	s29 =	simm.s32 $0x3;
	s30 =	simm.s32 $0x2;
	s31 =	simm.s32 $0x4  }
0x5: {  	s10 =	sand.u32 $0x1, s2;
	s3 =	sshll.u32 s0, $0x1;
	s22 =	smul.u32 $0x4F000, s0  }
0x6: {  	s2 =	rddreg [dreg:$0x2];
	s5 =	sadd.s32 $0x85200, s1;
	s23 =	smul.u32 $0x2780, s0  }
0x7: {  	s14 =	sadd.s32 $0x87A00, s1;
	p4 =	sne.s32 s0, $0xF;
	s12 =	smul.u32 $0x13C00, s0  }
0x8: {  	p0 =	seq.s32 s0, $0xF;
	s24 =	smul.u32 $0x5000, s0;
	s25 =	sshll.u32 s0, $0x6  }
0x9: {  	s4 =	sor.u32 s10, s3;
	s3 =	simm.s32 $0x0;
	s13 =	smul.u32 $0x138800, s10  }
0xa: {  	s6 =	ssub.s32 $0x2, s10;
	p1 =	seq.s32 s10, $0x0;
	s4 =	smul.u32 $0x2800, s4  }
0xb: {  	[smem:$0x7FF] =	sst s3;
	s9 =	sshrl.u32 s6, $0x1;
	p2 =	por !p1, !p4  }
0xc: {  	p3 =	por !p1, !p0;
	_ =	strace $0x80000053;
	s15 =	ssub.s32 s6, s9  }
0xd: {  	p1 =	por !p2, !p2;
	p2 =	por !p3, !p3;
	s9 =	sshrl.u32 s22, $0x2  }
0xe: {  	p3 =	seq.s32 s10, $0x1;
	s16 =	sadd.s32 s12, s13;
	s10 =	smul.u32 $0x2800, s10  }
0xf: {  	s17 =	sshrl.u32 s13, $0x3;
	s22 =	simm.s32 $0x2800;
	s11 =	sshrl.u32 s4, $0x3  }
0x10: {  	s4 =	sadd.s32 $0x5E000, s1;
	s9 =	sadd.s32 s9, s2;
	p4 =	por !p4, !p3  }
0x11: {  	s16 =	sshrl.u32 s16, $0x3;
	s15 =	smax.u32 s15, $0x1;
	s7 =	sadd.s32 s11, s1  }
0x12: {  	s1 =	sadd.s32 $0x83080, s1;
	p4 =	por !p4, !p4;
	s11 =	sadd.s32 s8, s11  }
0x13: {  	s13 =	sadd.s32 s14, s16;
	s14 =	sadd.s32 s14, s17;
	s26 =	sshrl.u32 s9, $0x3  }
0x14: {  	s6 =	sadd.s32 $0x5000, s7;
	s7 =	sadd.s32 $0x128400, s2;
	[dreg:$0x4] =	wrdreg s1  }
0x15: {  	s1 =	sadd.s32 s4, s23;
	s12 =	sadd.s32 $0x10, s11;
	[dreg:$0x7] =	wrdreg s26  }
0x16: {  	s14 =	sadd.s32 $0x25080, s14;
	[dreg:$0x5] =	wrdreg s1;
	s1 =	sadd.s32 s10, s24  }
0x17: {  	s23 =	simm.s32 $0x2880;
	s10 =	sor.u32 $0x100, s1;
	s1 =	sor.u32 $0x180, s1  }
0x18: {  	s26 =	simm.s32 $0x6900;
	s24 =	simm.s32 $0x80;
	s1 =	sshrl.u32 s1, $0x3  }
0x19: {  	s10 =	sshrl.u32 s10, $0x3;
	s17 =	sadd.s32 s1, s8;
	s1 =	sor.u32 $0x1C05, s25  }
0x1a: {  	s16 =	sadd.s32 s10, s8;
	[dreg:$0x6] =	wrdreg s1;
	s1 =	sshll.u32 @p4 s0, $0x6  }
0x1b: {  	s25 =	simm.s32 $0x2900;
	s21 =	sor.u32 @p4 $0x1C05, s1;
	s1 =	simm.s32 $0x0  }
.LBB2_1:
.Ltmp0:
0x1c: {  	(pc) =	sbr.rel @!p1 .LBB2_4-.Ltmp0, $4  }
0x1d: {  	[tilespmem:s3], [sflag:$0x5] =	stream.linear.gather [hbm4b:s6+s3], $0x2800, $0x38;
	[tilespmem:$0x1E500] =	vst v63  }
0x1e: {  	_ =	swait.ge [sflag:s18], $0x2800  }
0x1f: {  	[sflag:s18] =	ssyncset.done $0x0  }
0x20: {  	[sflag:s18] =	ssyncadd.s32 $0xFFFFD800  }
0x21: {  	s8 =	rddreg [dreg:$0x5]  }
0x22: {  	s10 =	rddreg [dreg:$0x6]  }
.Ltmp1:
0x23: {  	s19 =	rddreg [dreg:$0x7];
	(pc) =	sbr.rel .LBB2_3-.Ltmp1, $4  }
0x24: {  	[spmem:s19], [sflag:s10] =	dma.local [hbm:s8], $0x2780  }
0x25: {  	_ =	swait.ge [sflag:s18], $0x2780  }
0x26: {  	[sflag:s18] =	ssyncset.done $0x0  }
0x27: {  	p5 =	por $0x0, $0x0;
	[sflag:s18] =	ssyncadd.s32 $0xFFFFD880  }
.LBB2_4:
.Ltmp2:
0x28: {  	(pc) =	sbr.rel @!p2 .LBB2_3-.Ltmp2, $2  }
0x29: {  	_ =	sdelay $0x2  }
0x2a: {  	p5 =	por p0, p0  }
.Ltmp3:
0x2b: {  	(pc) =	sbr.rel .LBB2_6-.Ltmp3, $2  }
0x2c: {  	_ =	sdelay $0x2  }
0x2d: {  	p5 =	por $0x1, $0x1;
	s10 =	simm.s32 $0xF;
	s8 =	rddreg [dreg:$0x4]  }
.LBB2_3:
0x2e: {  	s8 =	sshrl.u32 @p4 s9, $0x3;
	p6 =	por @p4 $0x1, $0x1  }
0x2f: {  	[spmem:s8], [sflag:s21] =	dma.local @p4 [hbm:s5], $0x2780  }
0x30: {  	p6 =	por @!p4 p3, p3  }
0x31: {  	p6 =	por !p6, !p5  }
0x32: {  	p6 =	por !p6, !p6  }
.Ltmp4:
0x33: {  	_ = 	snop;
	(pc) =	sbr.rel @!p6 .LBB2_7-.Ltmp4, $4  }
0x34: {  	s8 =	simm.s32 @p4 $0x5  }
0x35: {  	_ =	swait.ge @p4 [sflag:s8], $0x2780  }
0x36: {  	[sflag:s8] =	ssyncset.done @p4 $0x0  }
0x37: {  	s10 =	stileid.u32;
	[sflag:s8] =	ssyncadd.s32 @p4 $0xFFFFD880;
	s8 =	smov.u32 s5  }
.LBB2_6:
0x38: {  	s10 =	sshll.u32 s10, $0x6  }
0x39: {  	s19 =	sshrl.u32 s7, $0x3;
	s10 =	sor.u32 $0x1C05, s10  }
0x3a: {  	[spmem:s19], [sflag:s10] =	dma.local [hbm:s8], $0x2080  }
0x3b: {  	_ =	swait.ge [sflag:s18], $0x2080  }
0x3c: {  	[sflag:s18] =	ssyncset.done $0x0  }
0x3d: {  	[sflag:s18] =	ssyncadd.s32 $0xFFFFDF80  }
.LBB2_7:
0x3e: {  	[bflag:$0x0] =	sbarrier.arrive $0xFFFF;
	s8 =	simm.s32 $0x0  }
0x3f: {  	[tilespmem:s22], [sflag:$0x3] =	stream.linear.gather [hbm4b:s11+s8], $0x80, $0x38;
	[tilespmem:$0x1E500] =	vst v63  }
0x40: {  	_ = 	snop  }
0x41: {  	[tilespmem:s23], [sflag:$0x4] =	stream.linear.gather [hbm4b:s12+s8], $0x80, $0x38;
	[tilespmem:$0x1E500] =	vst v63  }
0x42: {  	_ = 	snop  }
0x43: {  	[tilespmem:s25], [sflag:$0x1] =	stream.indirect.gather [hbm4b:s4+s24], $0x80, s8, s24, $0xb8;
	[tilespmem:$0x1E500] =	vst v63  }
0x44: {  	_ = 	snop  }
0x45: {  	[tilespmem:s26], [sflag:$0x2] =	stream.indirect.gather [hbm4b:s4+s24], $0x80, s24, s24, $0xb8;
	[tilespmem:$0x1E500] =	vst v63  }
0x46: {  	_ =	swait.ge [sflag:s28], $0x4000  }
0x47: {  	[sflag:s28] =	ssyncset.done $0x0  }
0x48: {  	[sflag:s28] =	ssyncadd.s32 $0xFFFFC000  }
0x49: {  	_ =	swait.ge [sflag:s29], $0x80  }
0x4a: {  	[sflag:s29] =	ssyncset.done $0x0  }
0x4b: {  	[sflag:s29] =	ssyncadd.s32 $0xFFFFFF80  }
0x4c: {  	[spmem:s2] =	stream.indirect.scatter.add.f32 [tilespmem:s25], [sflag:$0x5], $0x80, s22, s24, $0xb8;
	[tilespmem:$0x1E500] =	vst v63  }
0x4d: {  	_ =	swait.ge [sflag:s18], $0x4000  }
0x4e: {  	[sflag:s18] =	ssyncset.done $0x0  }
0x4f: {  	s10 =	simm.s32 $0x100;
	[sflag:s18] =	ssyncadd.s32 $0xFFFFC000  }
0x50: {  	[tilespmem:s25], [sflag:$0x1] =	stream.indirect.gather [hbm4b:s4+s24], $0x80, s10, s24, $0xb8;
	[tilespmem:$0x1E500] =	vst v63  }
0x51: {  	s19 =	sadd.s32 $0x0, s16  }
0x52: {  	[tilespmem:s22], [sflag:$0x3] =	stream.linear.gather [hbm4b:s19+s3], $0x80, $0x38;
	[tilespmem:$0x1E500] =	vst v63  }
0x53: {  	_ =	swait.ge [sflag:s30], $0x4000  }
0x54: {  	[sflag:s30] =	ssyncset.done $0x0  }
0x55: {  	[sflag:s30] =	ssyncadd.s32 $0xFFFFC000  }
0x56: {  	_ =	swait.ge [sflag:s31], $0x80  }
0x57: {  	[sflag:s31] =	ssyncset.done $0x0  }
0x58: {  	[sflag:s31] =	ssyncadd.s32 $0xFFFFFF80  }
0x59: {  	[spmem:s2] =	stream.indirect.scatter.add.f32 [tilespmem:s26], [sflag:$0x5], $0x80, s23, s24, $0xb8;
	[tilespmem:$0x1E500] =	vst v63  }
0x5a: {  	_ =	swait.ge [sflag:s18], $0x4000  }
0x5b: {  	s20 =	simm.s32 $0x180;
	s8 =	simm.s32 $0x20;
	[sflag:s18] =	ssyncset.done $0x0  }
0x5c: {  	s10 =	simm.s32 $0x200;
	s19 =	sadd.s32 $0x0, s17;
	[sflag:s18] =	ssyncadd.s32 $0xFFFFC000  }
0x5d: {  	[tilespmem:s26], [sflag:$0x2] =	stream.indirect.gather [hbm4b:s4+s24], $0x80, s20, s24, $0xb8;
	[tilespmem:$0x1E500] =	vst v63  }
.LBB2_8:
0x5e: {  	[tilespmem:s23], [sflag:$0x4] =	stream.linear.gather [hbm4b:s19+s3], $0x80, $0x38;
	[tilespmem:$0x1E500] =	vst v63  }
0x5f: {  	s19 =	smov.u32 s8  }
0x60: {  	p6 =	sne.s32 s8, $0x4C0;
	s8 =	sadd.s32 $0x20, s8;
	_ =	swait.ge [sflag:s28], $0x4000  }
0x61: {  	[sflag:s28] =	ssyncset.done $0x0  }
0x62: {  	[sflag:s28] =	ssyncadd.s32 $0xFFFFC000  }
0x63: {  	_ =	swait.ge [sflag:s29], $0x80  }
0x64: {  	[sflag:s29] =	ssyncset.done $0x0  }
0x65: {  	[sflag:s29] =	ssyncadd.s32 $0xFFFFFF80  }
0x66: {  	[spmem:s2] =	stream.indirect.scatter.add.f32 [tilespmem:s25], [sflag:$0x5], $0x80, s22, s24, $0xb8;
	[tilespmem:$0x1E500] =	vst v63  }
0x67: {  	_ =	swait.ge [sflag:s18], $0x4000  }
0x68: {  	[sflag:s18] =	ssyncset.done $0x0  }
0x69: {  	[sflag:s18] =	ssyncadd.s32 $0xFFFFC000  }
0x6a: {  	[tilespmem:s25], [sflag:$0x1] =	stream.indirect.gather [hbm4b:s4+s24], $0x80, s10, s24, $0xb8;
	[tilespmem:$0x1E500] =	vst v63  }
0x6b: {  	s20 =	sadd.s32 s19, s16  }
0x6c: {  	[tilespmem:s22], [sflag:$0x3] =	stream.linear.gather [hbm4b:s20+s3], $0x80, $0x38;
	[tilespmem:$0x1E500] =	vst v63  }
0x6d: {  	_ =	swait.ge [sflag:s30], $0x4000  }
0x6e: {  	[sflag:s30] =	ssyncset.done $0x0  }
0x6f: {  	[sflag:s30] =	ssyncadd.s32 $0xFFFFC000  }
0x70: {  	_ =	swait.ge [sflag:s31], $0x80  }
0x71: {  	[sflag:s31] =	ssyncset.done $0x0  }
0x72: {  	[sflag:s31] =	ssyncadd.s32 $0xFFFFFF80  }
0x73: {  	[spmem:s2] =	stream.indirect.scatter.add.f32 [tilespmem:s26], [sflag:$0x5], $0x80, s23, s24, $0xb8;
	[tilespmem:$0x1E500] =	vst v63  }
.Ltmp5:
0x74: {  	_ =	swait.ge [sflag:s18], $0x4000;
	(pc) =	sbr.rel @p6 .LBB2_8-.Ltmp5, $4  }
0x75: {  	[sflag:s18] =	ssyncset.done $0x0  }
0x76: {  	s20 =	sadd.s32 $0x80, s10;
	[sflag:s18] =	ssyncadd.s32 $0xFFFFC000  }
0x77: {  	[tilespmem:s26], [sflag:$0x2] =	stream.indirect.gather [hbm4b:s4+s24], $0x80, s20, s24, $0xb8;
	[tilespmem:$0x1E500] =	vst v63  }
0x78: {  	s19 =	sadd.s32 s19, s17;
	s10 =	sadd.s32 $0x100, s10  }
0x79: {  	[tilespmem:s23], [sflag:$0x4] =	stream.linear.gather [hbm4b:s19+s3], $0x80, $0x38;
	[tilespmem:$0x1E500] =	vst v63  }
0x7a: {  	_ =	swait.ge [sflag:s28], $0x4000  }
0x7b: {  	[sflag:s28] =	ssyncset.done $0x0  }
0x7c: {  	[sflag:s28] =	ssyncadd.s32 $0xFFFFC000  }
0x7d: {  	_ =	swait.ge [sflag:s29], $0x80  }
0x7e: {  	[sflag:s29] =	ssyncset.done $0x0  }
0x7f: {  	[sflag:s29] =	ssyncadd.s32 $0xFFFFFF80  }
0x80: {  	[spmem:s2] =	stream.indirect.scatter.add.f32 [tilespmem:s25], [sflag:$0x5], $0x80, s22, s24, $0xb8;
	[tilespmem:$0x1E500] =	vst v63  }
0x81: {  	_ =	swait.ge [sflag:s18], $0x4000  }
0x82: {  	[sflag:s18] =	ssyncset.done $0x0  }
0x83: {  	[sflag:s18] =	ssyncadd.s32 $0xFFFFC000  }
0x84: {  	_ =	swait.ge [sflag:s30], $0x4000  }
0x85: {  	[sflag:s30] =	ssyncset.done $0x0  }
0x86: {  	[sflag:s30] =	ssyncadd.s32 $0xFFFFC000  }
0x87: {  	_ =	swait.ge [sflag:s31], $0x80  }
0x88: {  	[sflag:s31] =	ssyncset.done $0x0  }
0x89: {  	[sflag:s31] =	ssyncadd.s32 $0xFFFFFF80  }
0x8a: {  	[spmem:s2] =	stream.indirect.scatter.add.f32 [tilespmem:s26], [sflag:$0x5], $0x80, s23, s24, $0xb8;
	[tilespmem:$0x1E500] =	vst v63  }
0x8b: {  	_ =	swait.ge [sflag:s18], $0x4000  }
0x8c: {  	[sflag:s18] =	ssyncset.done $0x0  }
0x8d: {  	s8 =	sshll.u32 @!p0 s0, $0x6;
	[sflag:s18] =	ssyncadd.s32 $0xFFFFC000  }
0x8e: {  	s10 =	sshrl.u32 @!p0 s9, $0x3;
	s8 =	sor.u32 @!p0 $0x1C05, s8;
	[bflag:$0x0] =	sbarrier.arrive $0xFFFF  }
0x8f: {  	[hbm:s13], [sflag:s8] =	dma.local @!p0 [spmem:s10], $0x2780  }
0x90: {  	s8 =	simm.s32 @!p0 $0x5  }
0x91: {  	s1 =	sadd.s32 $0x1, s1;
	_ =	swait.ge @!p0 [sflag:s8], $0x2780  }
0x92: {  	p6 =	sne.s32 s1, s15;
	s10 =	sshll.u32 @p5 s0, $0x6;
	[sflag:s8] =	ssyncset.done @!p0 $0x0  }
0x93: {  	[sflag:s8] =	ssyncadd.s32 @!p0 $0xFFFFD880;
	s8 =	sor.u32 @p5 $0x1C05, s10;
	s10 =	sshrl.u32 @p5 s7, $0x3  }
0x94: {  	[hbm:s14], [sflag:s8] =	dma.local @p5 [spmem:s10], $0x2080  }
.Ltmp6:
0x95: {  	_ = 	snop;
	(pc) =	sbr.rel @p6 .LBB2_1-.Ltmp6, $4  }
0x96: {  	s8 =	simm.s32 @p5 $0x5  }
0x97: {  	_ =	swait.ge @p5 [sflag:s8], $0x2080  }
0x98: {  	[sflag:s8] =	ssyncset.done @p5 $0x0  }
0x99: {  	[sflag:s8] =	ssyncadd.s32 @p5 $0xFFFFDF80  }
0x9a: {  	_ =	sfence.sel $0x180000  }
0x9b: {  	[bflag:$0x0] =	sbarrier.arrive $0xFFFF  }
0x9c: {  	_ =	strace $0x90000053  }
0x9d: {  	[bflag:$0x2] =	sbarrier.arrive $0xFFFF  }
0x9e: {  	p0 =	sne.s32 s0, $0x0;
	s0 =	rddreg [dreg:$0x3]  }
0x9f: {  	s0 =	sadd.s32 @!p0 $0x100000, s0  }
0xa0: {  	[sflag:s0] =	ssyncadd.tile.s32 @!p0 $0x1;
	_ =	shalt  }
.Lfunc_end2:
_tile_overlayer_lowered:
.L_overlay_start_2:
0xa1: {  	(tag) =	ssettag $0x2  }
0xa2: {  	s0 =	rddreg [dreg:$0x0];
	s2 =	stileid.u32  }
0xa3: {  	s1 =	rddreg [dreg:$0x1];
	p0 =	sne.s32 s2, $0x0  }
0xa4: {  	s3 =	rddreg [dreg:$0x2];
	[bflag:$0x3] =	sbarrier.arrive $0xFFFF;
	s2 =	simm.s32 @!p0 $0x1C05  }
0xa5: {  	[timem:s3], [sflag:s2] =	dma.local @!p0 [hbm:s0], s1  }
0xa6: {  	s0 =	simm.s32 @!p0 $0x5  }
0xa7: {  	_ =	swait.ge @!p0 [sflag:s0], s1  }
0xa8: {  	s1 =	ssub.s32 @!p0 $0x0, s1;
	[sflag:s0] =	ssyncset.done @!p0 $0x0  }
0xa9: {  	[sflag:s0] =	ssyncadd.s32 @!p0 s1  }
0xaa: {  	[bflag:$0x3] =	sbarrier.arrive $0xFFFF  }
0xab: {  	_ =	shalt  }

// kernel: kernel.31.cloned.1.call-start
scs
__scs_entry_jumppad:
0x0: {  	(pc) =	sbr.rel $0x88, $3  }
0x1: {  	(tag) =	ssettag $0x0;
	lr =	simm.s32 $0x1  }
0x2: {  	[smem:$0x3F93] =	sst lr;
	_ =	strace $0xD0000000  }
0x3: {  	_ = 	snop  }
0x4: {  	_ = 	snop  }
0x5: {  	_ = 	snop  }
0x6: {  	_ = 	snop  }
0x7: {  	_ = 	snop  }
__scs_overlays_trampoline_lowered:
0x8: {  	[smem:$0x3FA2] =	sst s0  }
0x9: {  	[smem:$0x3FA3] =	sst s1  }
0xa: {  	[smem:$0x3FA4] =	sst s2  }
0xb: {  	[smem:$0x3FA5] =	sst s3  }
0xc: {  	[smem:$0x3FA6] =	sst s4  }
0xd: {  	[smem:$0x3FA7] =	sst s5  }
0xe: {  	[smem:$0x3FA8] =	sst s6  }
0xf: {  	[smem:$0x3FA9] =	sst s7  }
0x10: {  	[smem:$0x3FAA] =	sst s8  }
0x11: {  	[smem:$0x3FAB] =	sst s9;
	s0 =	simm.s32 @!p0 $0x0  }
0x12: {  	s1 =	sld [smem:$0x3F91];
	s0 =	simm.s32 @p0 $0x1  }
0x13: {  	[smem:$0x3FAC] =	sst s0;
	s0 =	simm.s32 @!p1 $0x0  }
0x14: {  	s2 =	sld [smem:$0x3F90];
	s0 =	simm.s32 @p1 $0x1  }
0x15: {  	[smem:$0x3FAD] =	sst s0;
	s0 =	simm.s32 @!p2 $0x0  }
0x16: {  	s3 =	sld [smem:$0x3FDB];
	s0 =	simm.s32 @p2 $0x1  }
0x17: {  	s4 =	simm.s32 $0x1BF5;
	[smem:$0x3FAF] =	sst s0  }
0x18: {  	s0 =	sld [smem:$0x3F92];
	_ =	swait.ge [sflag:s4], $0x0  }
0x19: {  	s7 =	sld [smem:$0x3F93]  }
0x1a: {  	s8 =	sadd.s32 $0xFFFFE003, lr  }
0x1b: {  	s9 =	sadd.s32 $0xFFFFFEF7, lr;
	s5 =	simm.s32 $0xFFFFFFFF;
	p2 =	slt.u32 s8, $0xFFFFF086  }
0x1c: {  	p1 =	slt.u32 s9, $0xF7A;
	s5 =	simm.s32 @!p2 $0x0  }
0x1d: {  	s5 =	simm.s32 @p1 $0x1;
	p0 =	seq.s32 s7, s2  }
0x1e: {  	s7 =	smul.u32 @!p0 $0xF7A, s2;
	p2 =	seq.s32 @!p0 s5, $0x0  }
0x1f: {  	s9 =	smul.u32 $0xF7A, s1;
	s8 =	simm.s32 @!p0 $0x1BF5;
	p2 =	por !p2, p0  }
0x20: {  	[sflag:s8] =	ssyncset.s32 @!p0 $0xFFFFF086;
	s6 =	sadd.s32 @!p0 s3, s7;
	s7 =	simm.s32 @!p0 $0x108  }
0x21: {  	s3 =	sadd.s32 s3, s9;
	s6 =	sadd.s32 @!p0 $0x88, s6;
	s7 =	simm.s32 @p2 $0x1082  }
0x22: {  	[simem:s7], [sflag:s8] =	dma.local @!p0 [hbm:s6], $0xF7A  }
0x23: {  	s9 =	sor.u32 $0xD0000000, s2;
	s6 =	simm.s32 $0x108;
	_ =	swait.ge @!p0 [sflag:s8], $0x0  }
0x24: {  	s3 =	sadd.s32 $0x88, s3;
	s6 =	simm.s32 @!p1 $0x1082;
	[sflag:s4] =	ssyncset.s32 $0xFFFFF086  }
0x25: {  	[simem:s6], [sflag:s4] =	dma.local [hbm:s3], $0xF7A  }
0x26: {  	[smem:$0x3F93] =	sst s1;
	(tag) =	ssettag s2;
	_ =	strace s9  }
0x27: {  	s1 =	sld [smem:$0x3FA3]  }
0x28: {  	s2 =	sld [smem:$0x3FA4]  }
0x29: {  	s4 =	sld [smem:$0x3FA6]  }
0x2a: {  	p0 =	seq.s32 s5, $0x0;
	s5 =	sld [smem:$0x3FA7]  }
0x2b: {  	s6 =	sld [smem:$0x3FA8]  }
0x2c: {  	s7 =	sld [smem:$0x3FA9]  }
0x2d: {  	s3 =	simm.s32 $0x108;
	s8 =	sld [smem:$0x3FAA]  }
0x2e: {  	s3 =	simm.s32 @!p0 $0x1082;
	s9 =	sld [smem:$0x3FAB]  }
0x2f: {  	lr =	sadd.s32 s0, s3;
	s0 =	sld [smem:$0x3FA2]  }
0x30: {  	s3 =	sld [smem:$0x3FA5]  }
0x31: {  	[smem:$0x3FAE] =	sst s10  }
0x32: {  	s10 =	sld [smem:$0x3FAC];
	_ =	sdelay $0x3  }
0x33: {  	p0 =	seq.s32 s10, $0x1;
	s10 =	sld [smem:$0x3FAE];
	_ =	sdelay $0x3  }
0x34: {  	[smem:$0x3FAE] =	sst s10  }
0x35: {  	s10 =	sld [smem:$0x3FAD];
	_ =	sdelay $0x3  }
0x36: {  	p1 =	seq.s32 s10, $0x1;
	s10 =	sld [smem:$0x3FAE];
	_ =	sdelay $0x3  }
0x37: {  	[smem:$0x3FAE] =	sst s10  }
0x38: {  	s10 =	sld [smem:$0x3FAF]  }
0x39: {  	_ = 	snop;
	(pc) =	sbr.ind lr, $3  }
0x3a: {  	_ = 	snop  }
0x3b: {  	_ = 	snop  }
0x3c: {  	p2 =	seq.s32 s10, $0x1;
	s10 =	sld [smem:$0x3FAE]  }
0x3d: {  	_ =	shalt  }
0x3e: {  	_ =	shalt  }
0x3f: {  	_ =	shalt  }
0x40: {  	_ =	shalt  }
0x41: {  	_ =	shalt  }
0x42: {  	_ =	shalt  }
0x43: {  	_ =	shalt  }
0x44: {  	_ =	shalt  }
0x45: {  	_ =	shalt  }
0x46: {  	_ =	shalt  }
0x47: {  	_ =	shalt  }
0x48: {  	_ =	shalt  }
0x49: {  	_ =	shalt  }
0x4a: {  	_ =	shalt  }
0x4b: {  	_ =	shalt  }
0x4c: {  	_ =	shalt  }
0x4d: {  	_ =	shalt  }
0x4e: {  	_ =	shalt  }
0x4f: {  	_ =	shalt  }
0x50: {  	_ =	shalt  }
0x51: {  	_ =	shalt  }
0x52: {  	_ =	shalt  }
0x53: {  	_ =	shalt  }
0x54: {  	_ =	shalt  }
0x55: {  	_ =	shalt  }
0x56: {  	_ =	shalt  }
0x57: {  	_ =	shalt  }
0x58: {  	_ =	shalt  }
0x59: {  	_ =	shalt  }
0x5a: {  	_ =	shalt  }
0x5b: {  	_ =	shalt  }
0x5c: {  	_ =	shalt  }
0x5d: {  	_ =	shalt  }
0x5e: {  	_ =	shalt  }
0x5f: {  	_ =	shalt  }
0x60: {  	_ =	shalt  }
0x61: {  	_ =	shalt  }
0x62: {  	_ =	shalt  }
0x63: {  	_ =	shalt  }
0x64: {  	_ =	shalt  }
0x65: {  	_ =	shalt  }
0x66: {  	_ =	shalt  }
0x67: {  	_ =	shalt  }
0x68: {  	_ =	shalt  }
0x69: {  	_ =	shalt  }
0x6a: {  	_ =	shalt  }
0x6b: {  	_ =	shalt  }
0x6c: {  	_ =	shalt  }
0x6d: {  	_ =	shalt  }
0x6e: {  	_ =	shalt  }
0x6f: {  	_ =	shalt  }
0x70: {  	_ =	shalt  }
0x71: {  	_ =	shalt  }
0x72: {  	_ =	shalt  }
0x73: {  	_ =	shalt  }
0x74: {  	_ =	shalt  }
0x75: {  	_ =	shalt  }
0x76: {  	_ =	shalt  }
0x77: {  	_ =	shalt  }
0x78: {  	_ =	shalt  }
0x79: {  	_ =	shalt  }
0x7a: {  	_ =	shalt  }
0x7b: {  	_ =	shalt  }
0x7c: {  	_ =	shalt  }
0x7d: {  	_ =	shalt  }
0x7e: {  	_ =	shalt  }
0x7f: {  	_ =	shalt  }
0x80: {  	_ =	shalt  }
0x81: {  	_ =	shalt  }
0x82: {  	_ =	shalt  }
0x83: {  	_ =	shalt  }
0x84: {  	_ =	shalt  }
0x85: {  	_ =	shalt  }
0x86: {  	_ =	shalt  }
0x87: {  	_ =	shalt  }
.Lfunc_end0:
.L_simem_size_0:
called_computation.5_lowered:
.L_overlay_start_0:
0x88: {  	s2 =	sld [smem:$0x3FD9]  }
0x89: {  	s3 =	sld [smem:$0x3FFE];
	_ =	sdelay $0x1  }
0x8a: {  	s1 =	srdreg.scid  }
0x8b: {  	s0 =	sand.u32 $0x1, s1  }
0x8c: {  	s17 =	sshll.u32 s0, $0xA;
	s2 =	sadd.s32 s3, s2  }
0x8d: {  	s2 =	sadd.s32 s2, s17  }
0x8e: {  	[smem:$0x3FBA] =	sst s2  }
0x8f: {  	_ = 	snop  }
0x90: {  	s2 =	sld [smem:$0x3FD0];
	(tm) =	ssettm $0x1  }
0x91: {  	s18 =	sld [smem:$0x3FFB];
	_ =	sdelay $0x3  }
0x92: {  	_ =	strace s18  }
0x93: {  	s3 =	sld [smem:$0x3FFC];
	_ =	sdelay $0x3  }
0x94: {  	_ =	strace s3  }
0x95: {  	s3 =	sld [smem:$0x3FFD];
	_ =	sdelay $0x3  }
0x96: {  	_ =	strace s3  }
0x97: {  	_ =	strace $0x8FFFFFFF  }
0x98: {  	s19 =	sld [smem:$0x3FDB];
	_ =	sdelay $0x1  }
0x99: {  	s4 =	simm.s32 $_scs_section_size  }
0x9a: {  	s5 =	simm.s32 $_size__tile_overlayer_lowered;
	s6 =	simm.s32 $_tile_overlayer_lowered  }
0x9b: {  	s22 =	simm.s32 $0x1BFF;
	s21 =	sshll.u32 s6, $0x1;
	s3 =	sadd.s32 s4, s19  }
0x9c: {  	s7 =	simm.s32 $0x0;
	s20 =	sshll.u32 s5, $0x1;
	s5 =	sadd.s32 s21, s3  }
0x9d: {  	[timem:s7], [sflag:s22] =	dma.local [hbm:s5], s20  }
0x9e: {  	_ =	swait.ge [sflag:s22], s20  }
0x9f: {  	s4 =	ssub.s32 $0x0, s20;
	[sflag:s22] =	ssyncset.done $0x0  }
0xa0: {  	[sflag:s22] =	ssyncadd.s32 s4;
	_ =	sdelay $0x1  }
0xa1: {  	s23 =	simm.s32 $0x1B8B  }
0xa2: {  	_ =	swait.ge [sflag:s23], $0x1  }
0xa3: {  	[sflag:s23] =	ssyncset.done $0x0  }
0xa4: {  	s25 =	simm.s32 $0x1B8E;
	s24 =	sld [smem:$0x3FFE];
	[sflag:s23] =	ssyncadd.s32 $0xFFFFFFFF  }
0xa5: {  	s26 =	simm.s32 $execute0_lowered;
	[smem:$0x3FD2] =	sst s25  }
0xa6: {  	s5 =	sshll.u32 s26, $0x1;
	_ =	strace $0x80000055;
	[dreg:$0x1] =	wrdreg $0xFFFFFFFF  }
0xa7: {  	s28 =	simm.s32 $_size_execute0_lowered;
	s3 =	sadd.s32 s3, s5;
	[dreg:$0x0] =	wrdreg $0x0  }
0xa8: {  	s5 =	sshll.u32 s28, $0x1;
	[dreg:$0x2] =	wrdreg s3  }
0xa9: {  	[dreg:$0x3] =	wrdreg s5  }
0xaa: {  	[dreg:$0x4] =	wrdreg $0xC0  }
0xab: {  	_ =	task [dreg:s7], $0x5FFFF  }
0xac: {  	[dreg:$0x1] =	wrdreg $0xFFFFFFFF  }
0xad: {  	[dreg:$0x0] =	wrdreg $0x60  }
0xae: {  	[dreg:$0x2] =	wrdreg s24  }
0xaf: {  	[dreg:$0x3] =	wrdreg s2  }
0xb0: {  	[dreg:$0x4] =	wrdreg $0xA9000  }
0xb1: {  	[dreg:$0x5] =	wrdreg $0x9  }
0xb2: {  	_ =	task.clear_ibuf [dreg:s7], $0x6FFFF;
	_ =	strace $0x90000055  }
0xb3: {  	s29 =	simm.s32 $0x9;
	_ =	strace $0x80000057  }
0xb4: {  	_ =	swait.ge [sflag:s29], $0x1  }
0xb5: {  	[sflag:s29] =	ssyncadd.s32 $0xFFFFFFFF  }
0xb6: {  	_ =	strace $0x90000057  }
0xb7: {  	_ =	sfence  }
0xb8: {  	s30 =	sld [smem:$0x0];
	_ =	sdelay $0x2  }
0xb9: {  	s31 =	sshll.u32 s1, $0xD;
	s1 =	sshrl.u32 s1, $0x2  }
0xba: {  	s3 =	sand.u32 $0x4000, s31;
	s1 =	sadd.s32 s1, s30  }
0xbb: {  	s0 =	sor.u32 s3, s0;
	s1 =	sshll.u32 s1, $0x11  }
0xbc: {  	s0 =	sor.u32 s1, s0  }
0xbd: {  	s0 =	sadd.s32 $0x8F2B, s0  }
0xbe: {  	[sflag:s0] =	ssyncadd.remote.s32 $0x1  }
0xbf: {  	_ =	sfence.sel $0xFFFF  }
0xc0: {  	[dreg:$0x0] =	wrdreg $0xFFFFFFFF;
	(pc) =	sbr.abs _section_cstart, $3  }
0xc1: {  	[dreg:$0x1] =	wrdreg $0xFFFFFFFF  }
0xc2: {  	_ =	task.clear_ibuf [dreg:s7], $0x2FFFF;
	_ =	strace $0x9FFFFFFF  }
0xc3: {  	(tm) =	ssettm $0x7FFFFFFF  }
tec
execute0_lowered:
.L_overlay_start_1:
0x0: {  	(tag) =	ssettag $0x1  }
0x1: {  	s1 =	rddreg [dreg:$0x0]  }
0x2: {  	s2 =	srdreg.scid;
	s0 =	stileid.u32  }
0x3: {  	s8 =	rddreg [dreg:$0x1];
	s18 =	simm.s32 $0x5;
	s28 =	simm.s32 $0x1  }
0x4: {  	s29 =	simm.s32 $0x3;
	s30 =	simm.s32 $0x2;
	s31 =	simm.s32 $0x4  }
0x5: {  	s10 =	sand.u32 $0x1, s2;
	s3 =	sshll.u32 s0, $0x1;
	s22 =	smul.u32 $0x4F000, s0  }
0x6: {  	s2 =	rddreg [dreg:$0x2];
	s5 =	sadd.s32 $0x85200, s1;
	s23 =	smul.u32 $0x2780, s0  }
0x7: {  	s14 =	sadd.s32 $0x87A00, s1;
	p4 =	sne.s32 s0, $0xF;
	s12 =	smul.u32 $0x13C00, s0  }
0x8: {  	p0 =	seq.s32 s0, $0xF;
	s24 =	smul.u32 $0x5000, s0;
	s25 =	sshll.u32 s0, $0x6  }
0x9: {  	s4 =	sor.u32 s10, s3;
	s3 =	simm.s32 $0x0;
	s13 =	smul.u32 $0x138800, s10  }
0xa: {  	s6 =	ssub.s32 $0x2, s10;
	p1 =	seq.s32 s10, $0x0;
	s4 =	smul.u32 $0x2800, s4  }
0xb: {  	[smem:$0x7FF] =	sst s3;
	s9 =	sshrl.u32 s6, $0x1;
	p2 =	por !p1, !p4  }
0xc: {  	p3 =	por !p1, !p0;
	_ =	strace $0x80000056;
	s15 =	ssub.s32 s6, s9  }
0xd: {  	p1 =	por !p2, !p2;
	p2 =	por !p3, !p3;
	s9 =	sshrl.u32 s22, $0x2  }
0xe: {  	p3 =	seq.s32 s10, $0x1;
	s16 =	sadd.s32 s12, s13;
	s10 =	smul.u32 $0x2800, s10  }
0xf: {  	s17 =	sshrl.u32 s13, $0x3;
	s22 =	simm.s32 $0x2800;
	s11 =	sshrl.u32 s4, $0x3  }
0x10: {  	s4 =	sadd.s32 $0x5E000, s1;
	s9 =	sadd.s32 s9, s2;
	p4 =	por !p4, !p3  }
0x11: {  	s16 =	sshrl.u32 s16, $0x3;
	s15 =	smax.u32 s15, $0x1;
	s7 =	sadd.s32 s11, s1  }
0x12: {  	s1 =	sadd.s32 $0x83080, s1;
	p4 =	por !p4, !p4;
	s11 =	sadd.s32 s8, s11  }
0x13: {  	s13 =	sadd.s32 s14, s16;
	s14 =	sadd.s32 s14, s17;
	s26 =	sshrl.u32 s9, $0x3  }
0x14: {  	s6 =	sadd.s32 $0x5000, s7;
	s7 =	sadd.s32 $0x128400, s2;
	[dreg:$0x4] =	wrdreg s1  }
0x15: {  	s1 =	sadd.s32 s4, s23;
	s12 =	sadd.s32 $0x10, s11;
	[dreg:$0x7] =	wrdreg s26  }
0x16: {  	s14 =	sadd.s32 $0x25080, s14;
	[dreg:$0x5] =	wrdreg s1;
	s1 =	sadd.s32 s10, s24  }
0x17: {  	s23 =	simm.s32 $0x2880;
	s10 =	sor.u32 $0x100, s1;
	s1 =	sor.u32 $0x180, s1  }
0x18: {  	s26 =	simm.s32 $0x6900;
	s24 =	simm.s32 $0x80;
	s1 =	sshrl.u32 s1, $0x3  }
0x19: {  	s10 =	sshrl.u32 s10, $0x3;
	s17 =	sadd.s32 s1, s8;
	s1 =	sor.u32 $0x1C05, s25  }
0x1a: {  	s16 =	sadd.s32 s10, s8;
	[dreg:$0x6] =	wrdreg s1;
	s1 =	sshll.u32 @p4 s0, $0x6  }
0x1b: {  	s25 =	simm.s32 $0x2900;
	s21 =	sor.u32 @p4 $0x1C05, s1;
	s1 =	simm.s32 $0x0  }
.LBB2_1:
.Ltmp0:
0x1c: {  	(pc) =	sbr.rel @!p1 .LBB2_4-.Ltmp0, $4  }
0x1d: {  	[tilespmem:s3], [sflag:$0x5] =	stream.linear.gather [hbm4b:s6+s3], $0x2800, $0x38;
	[tilespmem:$0x1E500] =	vst v63  }
0x1e: {  	_ =	swait.ge [sflag:s18], $0x2800  }
0x1f: {  	[sflag:s18] =	ssyncset.done $0x0  }
0x20: {  	[sflag:s18] =	ssyncadd.s32 $0xFFFFD800  }
0x21: {  	s8 =	rddreg [dreg:$0x5]  }
0x22: {  	s10 =	rddreg [dreg:$0x6]  }
.Ltmp1:
0x23: {  	s19 =	rddreg [dreg:$0x7];
	(pc) =	sbr.rel .LBB2_3-.Ltmp1, $4  }
0x24: {  	[spmem:s19], [sflag:s10] =	dma.local [hbm:s8], $0x2780  }
0x25: {  	_ =	swait.ge [sflag:s18], $0x2780  }
0x26: {  	[sflag:s18] =	ssyncset.done $0x0  }
0x27: {  	p5 =	por $0x0, $0x0;
	[sflag:s18] =	ssyncadd.s32 $0xFFFFD880  }
.LBB2_4:
.Ltmp2:
0x28: {  	(pc) =	sbr.rel @!p2 .LBB2_3-.Ltmp2, $2  }
0x29: {  	_ =	sdelay $0x2  }
0x2a: {  	p5 =	por p0, p0  }
.Ltmp3:
0x2b: {  	(pc) =	sbr.rel .LBB2_6-.Ltmp3, $2  }
0x2c: {  	_ =	sdelay $0x2  }
0x2d: {  	p5 =	por $0x1, $0x1;
	s10 =	simm.s32 $0xF;
	s8 =	rddreg [dreg:$0x4]  }
.LBB2_3:
0x2e: {  	s8 =	sshrl.u32 @p4 s9, $0x3;
	p6 =	por @p4 $0x1, $0x1  }
0x2f: {  	[spmem:s8], [sflag:s21] =	dma.local @p4 [hbm:s5], $0x2780  }
0x30: {  	p6 =	por @!p4 p3, p3  }
0x31: {  	p6 =	por !p6, !p5  }
0x32: {  	p6 =	por !p6, !p6  }
.Ltmp4:
0x33: {  	_ = 	snop;
	(pc) =	sbr.rel @!p6 .LBB2_7-.Ltmp4, $4  }
0x34: {  	s8 =	simm.s32 @p4 $0x5  }
0x35: {  	_ =	swait.ge @p4 [sflag:s8], $0x2780  }
0x36: {  	[sflag:s8] =	ssyncset.done @p4 $0x0  }
0x37: {  	s10 =	stileid.u32;
	[sflag:s8] =	ssyncadd.s32 @p4 $0xFFFFD880;
	s8 =	smov.u32 s5  }
.LBB2_6:
0x38: {  	s10 =	sshll.u32 s10, $0x6  }
0x39: {  	s19 =	sshrl.u32 s7, $0x3;
	s10 =	sor.u32 $0x1C05, s10  }
0x3a: {  	[spmem:s19], [sflag:s10] =	dma.local [hbm:s8], $0x2080  }
0x3b: {  	_ =	swait.ge [sflag:s18], $0x2080  }
0x3c: {  	[sflag:s18] =	ssyncset.done $0x0  }
0x3d: {  	[sflag:s18] =	ssyncadd.s32 $0xFFFFDF80  }
.LBB2_7:
0x3e: {  	[bflag:$0x0] =	sbarrier.arrive $0xFFFF;
	s8 =	simm.s32 $0x0  }
0x3f: {  	[tilespmem:s22], [sflag:$0x3] =	stream.linear.gather [hbm4b:s11+s8], $0x80, $0x38;
	[tilespmem:$0x1E500] =	vst v63  }
0x40: {  	_ = 	snop  }
0x41: {  	[tilespmem:s23], [sflag:$0x4] =	stream.linear.gather [hbm4b:s12+s8], $0x80, $0x38;
	[tilespmem:$0x1E500] =	vst v63  }
0x42: {  	_ = 	snop  }
0x43: {  	[tilespmem:s25], [sflag:$0x1] =	stream.indirect.gather [hbm4b:s4+s24], $0x80, s8, s24, $0xb8;
	[tilespmem:$0x1E500] =	vst v63  }
0x44: {  	_ = 	snop  }
0x45: {  	[tilespmem:s26], [sflag:$0x2] =	stream.indirect.gather [hbm4b:s4+s24], $0x80, s24, s24, $0xb8;
	[tilespmem:$0x1E500] =	vst v63  }
0x46: {  	_ =	swait.ge [sflag:s28], $0x4000  }
0x47: {  	[sflag:s28] =	ssyncset.done $0x0  }
0x48: {  	[sflag:s28] =	ssyncadd.s32 $0xFFFFC000  }
0x49: {  	_ =	swait.ge [sflag:s29], $0x80  }
0x4a: {  	[sflag:s29] =	ssyncset.done $0x0  }
0x4b: {  	[sflag:s29] =	ssyncadd.s32 $0xFFFFFF80  }
0x4c: {  	[spmem:s2] =	stream.indirect.scatter.add.f32 [tilespmem:s25], [sflag:$0x5], $0x80, s22, s24, $0xb8;
	[tilespmem:$0x1E500] =	vst v63  }
0x4d: {  	_ =	swait.ge [sflag:s18], $0x4000  }
0x4e: {  	[sflag:s18] =	ssyncset.done $0x0  }
0x4f: {  	s10 =	simm.s32 $0x100;
	[sflag:s18] =	ssyncadd.s32 $0xFFFFC000  }
0x50: {  	[tilespmem:s25], [sflag:$0x1] =	stream.indirect.gather [hbm4b:s4+s24], $0x80, s10, s24, $0xb8;
	[tilespmem:$0x1E500] =	vst v63  }
0x51: {  	s19 =	sadd.s32 $0x0, s16  }
0x52: {  	[tilespmem:s22], [sflag:$0x3] =	stream.linear.gather [hbm4b:s19+s3], $0x80, $0x38;
	[tilespmem:$0x1E500] =	vst v63  }
0x53: {  	_ =	swait.ge [sflag:s30], $0x4000  }
0x54: {  	[sflag:s30] =	ssyncset.done $0x0  }
0x55: {  	[sflag:s30] =	ssyncadd.s32 $0xFFFFC000  }
0x56: {  	_ =	swait.ge [sflag:s31], $0x80  }
0x57: {  	[sflag:s31] =	ssyncset.done $0x0  }
0x58: {  	[sflag:s31] =	ssyncadd.s32 $0xFFFFFF80  }
0x59: {  	[spmem:s2] =	stream.indirect.scatter.add.f32 [tilespmem:s26], [sflag:$0x5], $0x80, s23, s24, $0xb8;
	[tilespmem:$0x1E500] =	vst v63  }
0x5a: {  	_ =	swait.ge [sflag:s18], $0x4000  }
0x5b: {  	s20 =	simm.s32 $0x180;
	s8 =	simm.s32 $0x20;
	[sflag:s18] =	ssyncset.done $0x0  }
0x5c: {  	s10 =	simm.s32 $0x200;
	s19 =	sadd.s32 $0x0, s17;
	[sflag:s18] =	ssyncadd.s32 $0xFFFFC000  }
0x5d: {  	[tilespmem:s26], [sflag:$0x2] =	stream.indirect.gather [hbm4b:s4+s24], $0x80, s20, s24, $0xb8;
	[tilespmem:$0x1E500] =	vst v63  }
.LBB2_8:
0x5e: {  	[tilespmem:s23], [sflag:$0x4] =	stream.linear.gather [hbm4b:s19+s3], $0x80, $0x38;
	[tilespmem:$0x1E500] =	vst v63  }
0x5f: {  	s19 =	smov.u32 s8  }
0x60: {  	p6 =	sne.s32 s8, $0x4C0;
	s8 =	sadd.s32 $0x20, s8;
	_ =	swait.ge [sflag:s28], $0x4000  }
0x61: {  	[sflag:s28] =	ssyncset.done $0x0  }
0x62: {  	[sflag:s28] =	ssyncadd.s32 $0xFFFFC000  }
0x63: {  	_ =	swait.ge [sflag:s29], $0x80  }
0x64: {  	[sflag:s29] =	ssyncset.done $0x0  }
0x65: {  	[sflag:s29] =	ssyncadd.s32 $0xFFFFFF80  }
0x66: {  	[spmem:s2] =	stream.indirect.scatter.add.f32 [tilespmem:s25], [sflag:$0x5], $0x80, s22, s24, $0xb8;
	[tilespmem:$0x1E500] =	vst v63  }
0x67: {  	_ =	swait.ge [sflag:s18], $0x4000  }
0x68: {  	[sflag:s18] =	ssyncset.done $0x0  }
0x69: {  	[sflag:s18] =	ssyncadd.s32 $0xFFFFC000  }
0x6a: {  	[tilespmem:s25], [sflag:$0x1] =	stream.indirect.gather [hbm4b:s4+s24], $0x80, s10, s24, $0xb8;
	[tilespmem:$0x1E500] =	vst v63  }
0x6b: {  	s20 =	sadd.s32 s19, s16  }
0x6c: {  	[tilespmem:s22], [sflag:$0x3] =	stream.linear.gather [hbm4b:s20+s3], $0x80, $0x38;
	[tilespmem:$0x1E500] =	vst v63  }
0x6d: {  	_ =	swait.ge [sflag:s30], $0x4000  }
0x6e: {  	[sflag:s30] =	ssyncset.done $0x0  }
0x6f: {  	[sflag:s30] =	ssyncadd.s32 $0xFFFFC000  }
0x70: {  	_ =	swait.ge [sflag:s31], $0x80  }
0x71: {  	[sflag:s31] =	ssyncset.done $0x0  }
0x72: {  	[sflag:s31] =	ssyncadd.s32 $0xFFFFFF80  }
0x73: {  	[spmem:s2] =	stream.indirect.scatter.add.f32 [tilespmem:s26], [sflag:$0x5], $0x80, s23, s24, $0xb8;
	[tilespmem:$0x1E500] =	vst v63  }
.Ltmp5:
0x74: {  	_ =	swait.ge [sflag:s18], $0x4000;
	(pc) =	sbr.rel @p6 .LBB2_8-.Ltmp5, $4  }
0x75: {  	[sflag:s18] =	ssyncset.done $0x0  }
0x76: {  	s20 =	sadd.s32 $0x80, s10;
	[sflag:s18] =	ssyncadd.s32 $0xFFFFC000  }
0x77: {  	[tilespmem:s26], [sflag:$0x2] =	stream.indirect.gather [hbm4b:s4+s24], $0x80, s20, s24, $0xb8;
	[tilespmem:$0x1E500] =	vst v63  }
0x78: {  	s19 =	sadd.s32 s19, s17;
	s10 =	sadd.s32 $0x100, s10  }
0x79: {  	[tilespmem:s23], [sflag:$0x4] =	stream.linear.gather [hbm4b:s19+s3], $0x80, $0x38;
	[tilespmem:$0x1E500] =	vst v63  }
0x7a: {  	_ =	swait.ge [sflag:s28], $0x4000  }
0x7b: {  	[sflag:s28] =	ssyncset.done $0x0  }
0x7c: {  	[sflag:s28] =	ssyncadd.s32 $0xFFFFC000  }
0x7d: {  	_ =	swait.ge [sflag:s29], $0x80  }
0x7e: {  	[sflag:s29] =	ssyncset.done $0x0  }
0x7f: {  	[sflag:s29] =	ssyncadd.s32 $0xFFFFFF80  }
0x80: {  	[spmem:s2] =	stream.indirect.scatter.add.f32 [tilespmem:s25], [sflag:$0x5], $0x80, s22, s24, $0xb8;
	[tilespmem:$0x1E500] =	vst v63  }
0x81: {  	_ =	swait.ge [sflag:s18], $0x4000  }
0x82: {  	[sflag:s18] =	ssyncset.done $0x0  }
0x83: {  	[sflag:s18] =	ssyncadd.s32 $0xFFFFC000  }
0x84: {  	_ =	swait.ge [sflag:s30], $0x4000  }
0x85: {  	[sflag:s30] =	ssyncset.done $0x0  }
0x86: {  	[sflag:s30] =	ssyncadd.s32 $0xFFFFC000  }
0x87: {  	_ =	swait.ge [sflag:s31], $0x80  }
0x88: {  	[sflag:s31] =	ssyncset.done $0x0  }
0x89: {  	[sflag:s31] =	ssyncadd.s32 $0xFFFFFF80  }
0x8a: {  	[spmem:s2] =	stream.indirect.scatter.add.f32 [tilespmem:s26], [sflag:$0x5], $0x80, s23, s24, $0xb8;
	[tilespmem:$0x1E500] =	vst v63  }
0x8b: {  	_ =	swait.ge [sflag:s18], $0x4000  }
0x8c: {  	[sflag:s18] =	ssyncset.done $0x0  }
0x8d: {  	s8 =	sshll.u32 @!p0 s0, $0x6;
	[sflag:s18] =	ssyncadd.s32 $0xFFFFC000  }
0x8e: {  	s10 =	sshrl.u32 @!p0 s9, $0x3;
	s8 =	sor.u32 @!p0 $0x1C05, s8;
	[bflag:$0x0] =	sbarrier.arrive $0xFFFF  }
0x8f: {  	[hbm:s13], [sflag:s8] =	dma.local @!p0 [spmem:s10], $0x2780  }
0x90: {  	s8 =	simm.s32 @!p0 $0x5  }
0x91: {  	s1 =	sadd.s32 $0x1, s1;
	_ =	swait.ge @!p0 [sflag:s8], $0x2780  }
0x92: {  	p6 =	sne.s32 s1, s15;
	s10 =	sshll.u32 @p5 s0, $0x6;
	[sflag:s8] =	ssyncset.done @!p0 $0x0  }
0x93: {  	[sflag:s8] =	ssyncadd.s32 @!p0 $0xFFFFD880;
	s8 =	sor.u32 @p5 $0x1C05, s10;
	s10 =	sshrl.u32 @p5 s7, $0x3  }
0x94: {  	[hbm:s14], [sflag:s8] =	dma.local @p5 [spmem:s10], $0x2080  }
.Ltmp6:
0x95: {  	_ = 	snop;
	(pc) =	sbr.rel @p6 .LBB2_1-.Ltmp6, $4  }
0x96: {  	s8 =	simm.s32 @p5 $0x5  }
0x97: {  	_ =	swait.ge @p5 [sflag:s8], $0x2080  }
0x98: {  	[sflag:s8] =	ssyncset.done @p5 $0x0  }
0x99: {  	[sflag:s8] =	ssyncadd.s32 @p5 $0xFFFFDF80  }
0x9a: {  	_ =	sfence.sel $0x180000  }
0x9b: {  	[bflag:$0x0] =	sbarrier.arrive $0xFFFF  }
0x9c: {  	_ =	strace $0x90000056  }
0x9d: {  	[bflag:$0x2] =	sbarrier.arrive $0xFFFF  }
0x9e: {  	p0 =	sne.s32 s0, $0x0;
	s0 =	rddreg [dreg:$0x3]  }
0x9f: {  	s0 =	sadd.s32 @!p0 $0x100000, s0  }
0xa0: {  	[sflag:s0] =	ssyncadd.tile.s32 @!p0 $0x1;
	_ =	shalt  }
.Lfunc_end2:
_tile_overlayer_lowered:
.L_overlay_start_2:
0xa1: {  	(tag) =	ssettag $0x2  }
0xa2: {  	s0 =	rddreg [dreg:$0x0];
	s2 =	stileid.u32  }
0xa3: {  	s1 =	rddreg [dreg:$0x1];
	p0 =	sne.s32 s2, $0x0  }
0xa4: {  	s3 =	rddreg [dreg:$0x2];
	[bflag:$0x3] =	sbarrier.arrive $0xFFFF;
	s2 =	simm.s32 @!p0 $0x1C05  }
0xa5: {  	[timem:s3], [sflag:s2] =	dma.local @!p0 [hbm:s0], s1  }
0xa6: {  	s0 =	simm.s32 @!p0 $0x5  }
0xa7: {  	_ =	swait.ge @!p0 [sflag:s0], s1  }
0xa8: {  	s1 =	ssub.s32 @!p0 $0x0, s1;
	[sflag:s0] =	ssyncset.done @!p0 $0x0  }
0xa9: {  	[sflag:s0] =	ssyncadd.s32 @!p0 s1  }
0xaa: {  	[bflag:$0x3] =	sbarrier.arrive $0xFFFF  }
0xab: {  	_ =	shalt  }

// kernel: kernel.34.cloned.1.call-start
scs
__scs_entry_jumppad:
0x0: {  	(pc) =	sbr.rel $0x88, $3  }
0x1: {  	(tag) =	ssettag $0x0;
	lr =	simm.s32 $0x1  }
0x2: {  	[smem:$0x3F93] =	sst lr;
	_ =	strace $0xD0000000  }
0x3: {  	_ = 	snop  }
0x4: {  	_ = 	snop  }
0x5: {  	_ = 	snop  }
0x6: {  	_ = 	snop  }
0x7: {  	_ = 	snop  }
__scs_overlays_trampoline_lowered:
0x8: {  	[smem:$0x3FA2] =	sst s0  }
0x9: {  	[smem:$0x3FA3] =	sst s1  }
0xa: {  	[smem:$0x3FA4] =	sst s2  }
0xb: {  	[smem:$0x3FA5] =	sst s3  }
0xc: {  	[smem:$0x3FA6] =	sst s4  }
0xd: {  	[smem:$0x3FA7] =	sst s5  }
0xe: {  	[smem:$0x3FA8] =	sst s6  }
0xf: {  	[smem:$0x3FA9] =	sst s7  }
0x10: {  	[smem:$0x3FAA] =	sst s8  }
0x11: {  	[smem:$0x3FAB] =	sst s9;
	s0 =	simm.s32 @!p0 $0x0  }
0x12: {  	s1 =	sld [smem:$0x3F91];
	s0 =	simm.s32 @p0 $0x1  }
0x13: {  	[smem:$0x3FAC] =	sst s0;
	s0 =	simm.s32 @!p1 $0x0  }
0x14: {  	s2 =	sld [smem:$0x3F90];
	s0 =	simm.s32 @p1 $0x1  }
0x15: {  	[smem:$0x3FAD] =	sst s0;
	s0 =	simm.s32 @!p2 $0x0  }
0x16: {  	s3 =	sld [smem:$0x3FDB];
	s0 =	simm.s32 @p2 $0x1  }
0x17: {  	s4 =	simm.s32 $0x1BF5;
	[smem:$0x3FAF] =	sst s0  }
0x18: {  	s0 =	sld [smem:$0x3F92];
	_ =	swait.ge [sflag:s4], $0x0  }
0x19: {  	s7 =	sld [smem:$0x3F93]  }
0x1a: {  	s8 =	sadd.s32 $0xFFFFE003, lr  }
0x1b: {  	s9 =	sadd.s32 $0xFFFFFEF7, lr;
	s5 =	simm.s32 $0xFFFFFFFF;
	p2 =	slt.u32 s8, $0xFFFFF086  }
0x1c: {  	p1 =	slt.u32 s9, $0xF7A;
	s5 =	simm.s32 @!p2 $0x0  }
0x1d: {  	s5 =	simm.s32 @p1 $0x1;
	p0 =	seq.s32 s7, s2  }
0x1e: {  	s7 =	smul.u32 @!p0 $0xF7A, s2;
	p2 =	seq.s32 @!p0 s5, $0x0  }
0x1f: {  	s9 =	smul.u32 $0xF7A, s1;
	s8 =	simm.s32 @!p0 $0x1BF5;
	p2 =	por !p2, p0  }
0x20: {  	[sflag:s8] =	ssyncset.s32 @!p0 $0xFFFFF086;
	s6 =	sadd.s32 @!p0 s3, s7;
	s7 =	simm.s32 @!p0 $0x108  }
0x21: {  	s3 =	sadd.s32 s3, s9;
	s6 =	sadd.s32 @!p0 $0x88, s6;
	s7 =	simm.s32 @p2 $0x1082  }
0x22: {  	[simem:s7], [sflag:s8] =	dma.local @!p0 [hbm:s6], $0xF7A  }
0x23: {  	s9 =	sor.u32 $0xD0000000, s2;
	s6 =	simm.s32 $0x108;
	_ =	swait.ge @!p0 [sflag:s8], $0x0  }
0x24: {  	s3 =	sadd.s32 $0x88, s3;
	s6 =	simm.s32 @!p1 $0x1082;
	[sflag:s4] =	ssyncset.s32 $0xFFFFF086  }
0x25: {  	[simem:s6], [sflag:s4] =	dma.local [hbm:s3], $0xF7A  }
0x26: {  	[smem:$0x3F93] =	sst s1;
	(tag) =	ssettag s2;
	_ =	strace s9  }
0x27: {  	s1 =	sld [smem:$0x3FA3]  }
0x28: {  	s2 =	sld [smem:$0x3FA4]  }
0x29: {  	s4 =	sld [smem:$0x3FA6]  }
0x2a: {  	p0 =	seq.s32 s5, $0x0;
	s5 =	sld [smem:$0x3FA7]  }
0x2b: {  	s6 =	sld [smem:$0x3FA8]  }
0x2c: {  	s7 =	sld [smem:$0x3FA9]  }
0x2d: {  	s3 =	simm.s32 $0x108;
	s8 =	sld [smem:$0x3FAA]  }
0x2e: {  	s3 =	simm.s32 @!p0 $0x1082;
	s9 =	sld [smem:$0x3FAB]  }
0x2f: {  	lr =	sadd.s32 s0, s3;
	s0 =	sld [smem:$0x3FA2]  }
0x30: {  	s3 =	sld [smem:$0x3FA5]  }
0x31: {  	[smem:$0x3FAE] =	sst s10  }
0x32: {  	s10 =	sld [smem:$0x3FAC];
	_ =	sdelay $0x3  }
0x33: {  	p0 =	seq.s32 s10, $0x1;
	s10 =	sld [smem:$0x3FAE];
	_ =	sdelay $0x3  }
0x34: {  	[smem:$0x3FAE] =	sst s10  }
0x35: {  	s10 =	sld [smem:$0x3FAD];
	_ =	sdelay $0x3  }
0x36: {  	p1 =	seq.s32 s10, $0x1;
	s10 =	sld [smem:$0x3FAE];
	_ =	sdelay $0x3  }
0x37: {  	[smem:$0x3FAE] =	sst s10  }
0x38: {  	s10 =	sld [smem:$0x3FAF]  }
0x39: {  	_ = 	snop;
	(pc) =	sbr.ind lr, $3  }
0x3a: {  	_ = 	snop  }
0x3b: {  	_ = 	snop  }
0x3c: {  	p2 =	seq.s32 s10, $0x1;
	s10 =	sld [smem:$0x3FAE]  }
0x3d: {  	_ =	shalt  }
0x3e: {  	_ =	shalt  }
0x3f: {  	_ =	shalt  }
0x40: {  	_ =	shalt  }
0x41: {  	_ =	shalt  }
0x42: {  	_ =	shalt  }
0x43: {  	_ =	shalt  }
0x44: {  	_ =	shalt  }
0x45: {  	_ =	shalt  }
0x46: {  	_ =	shalt  }
0x47: {  	_ =	shalt  }
0x48: {  	_ =	shalt  }
0x49: {  	_ =	shalt  }
0x4a: {  	_ =	shalt  }
0x4b: {  	_ =	shalt  }
0x4c: {  	_ =	shalt  }
0x4d: {  	_ =	shalt  }
0x4e: {  	_ =	shalt  }
0x4f: {  	_ =	shalt  }
0x50: {  	_ =	shalt  }
0x51: {  	_ =	shalt  }
0x52: {  	_ =	shalt  }
0x53: {  	_ =	shalt  }
0x54: {  	_ =	shalt  }
0x55: {  	_ =	shalt  }
0x56: {  	_ =	shalt  }
0x57: {  	_ =	shalt  }
0x58: {  	_ =	shalt  }
0x59: {  	_ =	shalt  }
0x5a: {  	_ =	shalt  }
0x5b: {  	_ =	shalt  }
0x5c: {  	_ =	shalt  }
0x5d: {  	_ =	shalt  }
0x5e: {  	_ =	shalt  }
0x5f: {  	_ =	shalt  }
0x60: {  	_ =	shalt  }
0x61: {  	_ =	shalt  }
0x62: {  	_ =	shalt  }
0x63: {  	_ =	shalt  }
0x64: {  	_ =	shalt  }
0x65: {  	_ =	shalt  }
0x66: {  	_ =	shalt  }
0x67: {  	_ =	shalt  }
0x68: {  	_ =	shalt  }
0x69: {  	_ =	shalt  }
0x6a: {  	_ =	shalt  }
0x6b: {  	_ =	shalt  }
0x6c: {  	_ =	shalt  }
0x6d: {  	_ =	shalt  }
0x6e: {  	_ =	shalt  }
0x6f: {  	_ =	shalt  }
0x70: {  	_ =	shalt  }
0x71: {  	_ =	shalt  }
0x72: {  	_ =	shalt  }
0x73: {  	_ =	shalt  }
0x74: {  	_ =	shalt  }
0x75: {  	_ =	shalt  }
0x76: {  	_ =	shalt  }
0x77: {  	_ =	shalt  }
0x78: {  	_ =	shalt  }
0x79: {  	_ =	shalt  }
0x7a: {  	_ =	shalt  }
0x7b: {  	_ =	shalt  }
0x7c: {  	_ =	shalt  }
0x7d: {  	_ =	shalt  }
0x7e: {  	_ =	shalt  }
0x7f: {  	_ =	shalt  }
0x80: {  	_ =	shalt  }
0x81: {  	_ =	shalt  }
0x82: {  	_ =	shalt  }
0x83: {  	_ =	shalt  }
0x84: {  	_ =	shalt  }
0x85: {  	_ =	shalt  }
0x86: {  	_ =	shalt  }
0x87: {  	_ =	shalt  }
.Lfunc_end0:
.L_simem_size_0:
called_computation.6_lowered:
.L_overlay_start_0:
0x88: {  	s2 =	sld [smem:$0x3FD9]  }
0x89: {  	s3 =	sld [smem:$0x3FFE];
	_ =	sdelay $0x1  }
0x8a: {  	s1 =	srdreg.scid  }
0x8b: {  	s0 =	sand.u32 $0x1, s1  }
0x8c: {  	s17 =	sshll.u32 s0, $0xA;
	s2 =	sadd.s32 s3, s2  }
0x8d: {  	s2 =	sadd.s32 s2, s17  }
0x8e: {  	[smem:$0x3FBA] =	sst s2  }
0x8f: {  	_ = 	snop  }
0x90: {  	s2 =	sld [smem:$0x3FD0];
	(tm) =	ssettm $0x1  }
0x91: {  	s18 =	sld [smem:$0x3FFB];
	_ =	sdelay $0x3  }
0x92: {  	_ =	strace s18  }
0x93: {  	s3 =	sld [smem:$0x3FFC];
	_ =	sdelay $0x3  }
0x94: {  	_ =	strace s3  }
0x95: {  	s3 =	sld [smem:$0x3FFD];
	_ =	sdelay $0x3  }
0x96: {  	_ =	strace s3  }
0x97: {  	_ =	strace $0x8FFFFFFF  }
0x98: {  	s19 =	sld [smem:$0x3FDB];
	_ =	sdelay $0x1  }
0x99: {  	s4 =	simm.s32 $_scs_section_size  }
0x9a: {  	s5 =	simm.s32 $_size__tile_overlayer_lowered;
	s6 =	simm.s32 $_tile_overlayer_lowered  }
0x9b: {  	s22 =	simm.s32 $0x1BFF;
	s21 =	sshll.u32 s6, $0x1;
	s3 =	sadd.s32 s4, s19  }
0x9c: {  	s7 =	simm.s32 $0x0;
	s20 =	sshll.u32 s5, $0x1;
	s5 =	sadd.s32 s21, s3  }
0x9d: {  	[timem:s7], [sflag:s22] =	dma.local [hbm:s5], s20  }
0x9e: {  	_ =	swait.ge [sflag:s22], s20  }
0x9f: {  	s4 =	ssub.s32 $0x0, s20;
	[sflag:s22] =	ssyncset.done $0x0  }
0xa0: {  	[sflag:s22] =	ssyncadd.s32 s4;
	_ =	sdelay $0x1  }
0xa1: {  	s23 =	simm.s32 $0x1B8B  }
0xa2: {  	_ =	swait.ge [sflag:s23], $0x1  }
0xa3: {  	[sflag:s23] =	ssyncset.done $0x0  }
0xa4: {  	s25 =	simm.s32 $0x1B8E;
	s24 =	sld [smem:$0x3FFE];
	[sflag:s23] =	ssyncadd.s32 $0xFFFFFFFF  }
0xa5: {  	s26 =	simm.s32 $execute0_lowered;
	[smem:$0x3FD2] =	sst s25  }
0xa6: {  	s5 =	sshll.u32 s26, $0x1;
	_ =	strace $0x80000058;
	[dreg:$0x1] =	wrdreg $0xFFFFFFFF  }
0xa7: {  	s28 =	simm.s32 $_size_execute0_lowered;
	s3 =	sadd.s32 s3, s5;
	[dreg:$0x0] =	wrdreg $0x0  }
0xa8: {  	s5 =	sshll.u32 s28, $0x1;
	[dreg:$0x2] =	wrdreg s3  }
0xa9: {  	[dreg:$0x3] =	wrdreg s5  }
0xaa: {  	[dreg:$0x4] =	wrdreg $0xC0  }
0xab: {  	_ =	task [dreg:s7], $0x5FFFF  }
0xac: {  	[dreg:$0x1] =	wrdreg $0xFFFFFFFF  }
0xad: {  	[dreg:$0x0] =	wrdreg $0x60  }
0xae: {  	[dreg:$0x2] =	wrdreg s24  }
0xaf: {  	[dreg:$0x3] =	wrdreg s2  }
0xb0: {  	[dreg:$0x4] =	wrdreg $0xA9000  }
0xb1: {  	[dreg:$0x5] =	wrdreg $0x9  }
0xb2: {  	_ =	task.clear_ibuf [dreg:s7], $0x6FFFF;
	_ =	strace $0x90000058  }
0xb3: {  	s29 =	simm.s32 $0x9;
	_ =	strace $0x8000005A  }
0xb4: {  	_ =	swait.ge [sflag:s29], $0x1  }
0xb5: {  	[sflag:s29] =	ssyncadd.s32 $0xFFFFFFFF  }
0xb6: {  	_ =	strace $0x9000005A  }
0xb7: {  	_ =	sfence  }
0xb8: {  	s30 =	sld [smem:$0x0];
	_ =	sdelay $0x2  }
0xb9: {  	s31 =	sshll.u32 s1, $0xD;
	s1 =	sshrl.u32 s1, $0x2  }
0xba: {  	s3 =	sand.u32 $0x4000, s31;
	s1 =	sadd.s32 s1, s30  }
0xbb: {  	s0 =	sor.u32 s3, s0;
	s1 =	sshll.u32 s1, $0x11  }
0xbc: {  	s0 =	sor.u32 s1, s0  }
0xbd: {  	s0 =	sadd.s32 $0x8F2B, s0  }
0xbe: {  	[sflag:s0] =	ssyncadd.remote.s32 $0x1  }
0xbf: {  	_ =	sfence.sel $0xFFFF  }
0xc0: {  	[dreg:$0x0] =	wrdreg $0xFFFFFFFF;
	(pc) =	sbr.abs _section_cstart, $3  }
0xc1: {  	[dreg:$0x1] =	wrdreg $0xFFFFFFFF  }
0xc2: {  	_ =	task.clear_ibuf [dreg:s7], $0x2FFFF;
	_ =	strace $0x9FFFFFFF  }
0xc3: {  	(tm) =	ssettm $0x7FFFFFFF  }
tec
execute0_lowered:
.L_overlay_start_1:
0x0: {  	(tag) =	ssettag $0x1  }
0x1: {  	s1 =	rddreg [dreg:$0x0]  }
0x2: {  	s2 =	srdreg.scid;
	s0 =	stileid.u32  }
0x3: {  	s8 =	rddreg [dreg:$0x1];
	s18 =	simm.s32 $0x5;
	s28 =	simm.s32 $0x1  }
0x4: {  	s29 =	simm.s32 $0x3;
	s30 =	simm.s32 $0x2;
	s31 =	simm.s32 $0x4  }
0x5: {  	s10 =	sand.u32 $0x1, s2;
	s3 =	sshll.u32 s0, $0x1;
	s22 =	smul.u32 $0x4F000, s0  }
0x6: {  	s2 =	rddreg [dreg:$0x2];
	s5 =	sadd.s32 $0x85200, s1;
	s23 =	smul.u32 $0x2780, s0  }
0x7: {  	s14 =	sadd.s32 $0x87A00, s1;
	p4 =	sne.s32 s0, $0xF;
	s12 =	smul.u32 $0x13C00, s0  }
0x8: {  	p0 =	seq.s32 s0, $0xF;
	s24 =	smul.u32 $0x5000, s0;
	s25 =	sshll.u32 s0, $0x6  }
0x9: {  	s4 =	sor.u32 s10, s3;
	s3 =	simm.s32 $0x0;
	s13 =	smul.u32 $0x138800, s10  }
0xa: {  	s6 =	ssub.s32 $0x2, s10;
	p1 =	seq.s32 s10, $0x0;
	s4 =	smul.u32 $0x2800, s4  }
0xb: {  	[smem:$0x7FF] =	sst s3;
	s9 =	sshrl.u32 s6, $0x1;
	p2 =	por !p1, !p4  }
0xc: {  	p3 =	por !p1, !p0;
	_ =	strace $0x80000059;
	s15 =	ssub.s32 s6, s9  }
0xd: {  	p1 =	por !p2, !p2;
	p2 =	por !p3, !p3;
	s9 =	sshrl.u32 s22, $0x2  }
0xe: {  	p3 =	seq.s32 s10, $0x1;
	s16 =	sadd.s32 s12, s13;
	s10 =	smul.u32 $0x2800, s10  }
0xf: {  	s17 =	sshrl.u32 s13, $0x3;
	s22 =	simm.s32 $0x2800;
	s11 =	sshrl.u32 s4, $0x3  }
0x10: {  	s4 =	sadd.s32 $0x5E000, s1;
	s9 =	sadd.s32 s9, s2;
	p4 =	por !p4, !p3  }
0x11: {  	s16 =	sshrl.u32 s16, $0x3;
	s15 =	smax.u32 s15, $0x1;
	s7 =	sadd.s32 s11, s1  }
0x12: {  	s1 =	sadd.s32 $0x83080, s1;
	p4 =	por !p4, !p4;
	s11 =	sadd.s32 s8, s11  }
0x13: {  	s13 =	sadd.s32 s14, s16;
	s14 =	sadd.s32 s14, s17;
	s26 =	sshrl.u32 s9, $0x3  }
0x14: {  	s6 =	sadd.s32 $0x5000, s7;
	s7 =	sadd.s32 $0x128400, s2;
	[dreg:$0x4] =	wrdreg s1  }
0x15: {  	s1 =	sadd.s32 s4, s23;
	s12 =	sadd.s32 $0x10, s11;
	[dreg:$0x7] =	wrdreg s26  }
0x16: {  	s14 =	sadd.s32 $0x25080, s14;
	[dreg:$0x5] =	wrdreg s1;
	s1 =	sadd.s32 s10, s24  }
0x17: {  	s23 =	simm.s32 $0x2880;
	s10 =	sor.u32 $0x100, s1;
	s1 =	sor.u32 $0x180, s1  }
0x18: {  	s26 =	simm.s32 $0x6900;
	s24 =	simm.s32 $0x80;
	s1 =	sshrl.u32 s1, $0x3  }
0x19: {  	s10 =	sshrl.u32 s10, $0x3;
	s17 =	sadd.s32 s1, s8;
	s1 =	sor.u32 $0x1C05, s25  }
0x1a: {  	s16 =	sadd.s32 s10, s8;
	[dreg:$0x6] =	wrdreg s1;
	s1 =	sshll.u32 @p4 s0, $0x6  }
0x1b: {  	s25 =	simm.s32 $0x2900;
	s21 =	sor.u32 @p4 $0x1C05, s1;
	s1 =	simm.s32 $0x0  }
.LBB2_1:
.Ltmp0:
0x1c: {  	(pc) =	sbr.rel @!p1 .LBB2_4-.Ltmp0, $4  }
0x1d: {  	[tilespmem:s3], [sflag:$0x5] =	stream.linear.gather [hbm4b:s6+s3], $0x2800, $0x38;
	[tilespmem:$0x1E500] =	vst v63  }
0x1e: {  	_ =	swait.ge [sflag:s18], $0x2800  }
0x1f: {  	[sflag:s18] =	ssyncset.done $0x0  }
0x20: {  	[sflag:s18] =	ssyncadd.s32 $0xFFFFD800  }
0x21: {  	s8 =	rddreg [dreg:$0x5]  }
0x22: {  	s10 =	rddreg [dreg:$0x6]  }
.Ltmp1:
0x23: {  	s19 =	rddreg [dreg:$0x7];
	(pc) =	sbr.rel .LBB2_3-.Ltmp1, $4  }
0x24: {  	[spmem:s19], [sflag:s10] =	dma.local [hbm:s8], $0x2780  }
0x25: {  	_ =	swait.ge [sflag:s18], $0x2780  }
0x26: {  	[sflag:s18] =	ssyncset.done $0x0  }
0x27: {  	p5 =	por $0x0, $0x0;
	[sflag:s18] =	ssyncadd.s32 $0xFFFFD880  }
.LBB2_4:
.Ltmp2:
0x28: {  	(pc) =	sbr.rel @!p2 .LBB2_3-.Ltmp2, $2  }
0x29: {  	_ =	sdelay $0x2  }
0x2a: {  	p5 =	por p0, p0  }
.Ltmp3:
0x2b: {  	(pc) =	sbr.rel .LBB2_6-.Ltmp3, $2  }
0x2c: {  	_ =	sdelay $0x2  }
0x2d: {  	p5 =	por $0x1, $0x1;
	s10 =	simm.s32 $0xF;
	s8 =	rddreg [dreg:$0x4]  }
.LBB2_3:
0x2e: {  	s8 =	sshrl.u32 @p4 s9, $0x3;
	p6 =	por @p4 $0x1, $0x1  }
0x2f: {  	[spmem:s8], [sflag:s21] =	dma.local @p4 [hbm:s5], $0x2780  }
0x30: {  	p6 =	por @!p4 p3, p3  }
0x31: {  	p6 =	por !p6, !p5  }
0x32: {  	p6 =	por !p6, !p6  }
.Ltmp4:
0x33: {  	_ = 	snop;
	(pc) =	sbr.rel @!p6 .LBB2_7-.Ltmp4, $4  }
0x34: {  	s8 =	simm.s32 @p4 $0x5  }
0x35: {  	_ =	swait.ge @p4 [sflag:s8], $0x2780  }
0x36: {  	[sflag:s8] =	ssyncset.done @p4 $0x0  }
0x37: {  	s10 =	stileid.u32;
	[sflag:s8] =	ssyncadd.s32 @p4 $0xFFFFD880;
	s8 =	smov.u32 s5  }
.LBB2_6:
0x38: {  	s10 =	sshll.u32 s10, $0x6  }
0x39: {  	s19 =	sshrl.u32 s7, $0x3;
	s10 =	sor.u32 $0x1C05, s10  }
0x3a: {  	[spmem:s19], [sflag:s10] =	dma.local [hbm:s8], $0x2080  }
0x3b: {  	_ =	swait.ge [sflag:s18], $0x2080  }
0x3c: {  	[sflag:s18] =	ssyncset.done $0x0  }
0x3d: {  	[sflag:s18] =	ssyncadd.s32 $0xFFFFDF80  }
.LBB2_7:
0x3e: {  	[bflag:$0x0] =	sbarrier.arrive $0xFFFF;
	s8 =	simm.s32 $0x0  }
0x3f: {  	[tilespmem:s22], [sflag:$0x3] =	stream.linear.gather [hbm4b:s11+s8], $0x80, $0x38;
	[tilespmem:$0x1E500] =	vst v63  }
0x40: {  	_ = 	snop  }
0x41: {  	[tilespmem:s23], [sflag:$0x4] =	stream.linear.gather [hbm4b:s12+s8], $0x80, $0x38;
	[tilespmem:$0x1E500] =	vst v63  }
0x42: {  	_ = 	snop  }
0x43: {  	[tilespmem:s25], [sflag:$0x1] =	stream.indirect.gather [hbm4b:s4+s24], $0x80, s8, s24, $0xb8;
	[tilespmem:$0x1E500] =	vst v63  }
0x44: {  	_ = 	snop  }
0x45: {  	[tilespmem:s26], [sflag:$0x2] =	stream.indirect.gather [hbm4b:s4+s24], $0x80, s24, s24, $0xb8;
	[tilespmem:$0x1E500] =	vst v63  }
0x46: {  	_ =	swait.ge [sflag:s28], $0x4000  }
0x47: {  	[sflag:s28] =	ssyncset.done $0x0  }
0x48: {  	[sflag:s28] =	ssyncadd.s32 $0xFFFFC000  }
0x49: {  	_ =	swait.ge [sflag:s29], $0x80  }
0x4a: {  	[sflag:s29] =	ssyncset.done $0x0  }
0x4b: {  	[sflag:s29] =	ssyncadd.s32 $0xFFFFFF80  }
0x4c: {  	[spmem:s2] =	stream.indirect.scatter.add.f32 [tilespmem:s25], [sflag:$0x5], $0x80, s22, s24, $0xb8;
	[tilespmem:$0x1E500] =	vst v63  }
0x4d: {  	_ =	swait.ge [sflag:s18], $0x4000  }
0x4e: {  	[sflag:s18] =	ssyncset.done $0x0  }
0x4f: {  	s10 =	simm.s32 $0x100;
	[sflag:s18] =	ssyncadd.s32 $0xFFFFC000  }
0x50: {  	[tilespmem:s25], [sflag:$0x1] =	stream.indirect.gather [hbm4b:s4+s24], $0x80, s10, s24, $0xb8;
	[tilespmem:$0x1E500] =	vst v63  }
0x51: {  	s19 =	sadd.s32 $0x0, s16  }
0x52: {  	[tilespmem:s22], [sflag:$0x3] =	stream.linear.gather [hbm4b:s19+s3], $0x80, $0x38;
	[tilespmem:$0x1E500] =	vst v63  }
0x53: {  	_ =	swait.ge [sflag:s30], $0x4000  }
0x54: {  	[sflag:s30] =	ssyncset.done $0x0  }
0x55: {  	[sflag:s30] =	ssyncadd.s32 $0xFFFFC000  }
0x56: {  	_ =	swait.ge [sflag:s31], $0x80  }
0x57: {  	[sflag:s31] =	ssyncset.done $0x0  }
0x58: {  	[sflag:s31] =	ssyncadd.s32 $0xFFFFFF80  }
0x59: {  	[spmem:s2] =	stream.indirect.scatter.add.f32 [tilespmem:s26], [sflag:$0x5], $0x80, s23, s24, $0xb8;
	[tilespmem:$0x1E500] =	vst v63  }
0x5a: {  	_ =	swait.ge [sflag:s18], $0x4000  }
0x5b: {  	s20 =	simm.s32 $0x180;
	s8 =	simm.s32 $0x20;
	[sflag:s18] =	ssyncset.done $0x0  }
0x5c: {  	s10 =	simm.s32 $0x200;
	s19 =	sadd.s32 $0x0, s17;
	[sflag:s18] =	ssyncadd.s32 $0xFFFFC000  }
0x5d: {  	[tilespmem:s26], [sflag:$0x2] =	stream.indirect.gather [hbm4b:s4+s24], $0x80, s20, s24, $0xb8;
	[tilespmem:$0x1E500] =	vst v63  }
.LBB2_8:
0x5e: {  	[tilespmem:s23], [sflag:$0x4] =	stream.linear.gather [hbm4b:s19+s3], $0x80, $0x38;
	[tilespmem:$0x1E500] =	vst v63  }
0x5f: {  	s19 =	smov.u32 s8  }
0x60: {  	p6 =	sne.s32 s8, $0x4C0;
	s8 =	sadd.s32 $0x20, s8;
	_ =	swait.ge [sflag:s28], $0x4000  }
0x61: {  	[sflag:s28] =	ssyncset.done $0x0  }
0x62: {  	[sflag:s28] =	ssyncadd.s32 $0xFFFFC000  }
0x63: {  	_ =	swait.ge [sflag:s29], $0x80  }
0x64: {  	[sflag:s29] =	ssyncset.done $0x0  }
0x65: {  	[sflag:s29] =	ssyncadd.s32 $0xFFFFFF80  }
0x66: {  	[spmem:s2] =	stream.indirect.scatter.add.f32 [tilespmem:s25], [sflag:$0x5], $0x80, s22, s24, $0xb8;
	[tilespmem:$0x1E500] =	vst v63  }
0x67: {  	_ =	swait.ge [sflag:s18], $0x4000  }
0x68: {  	[sflag:s18] =	ssyncset.done $0x0  }
0x69: {  	[sflag:s18] =	ssyncadd.s32 $0xFFFFC000  }
0x6a: {  	[tilespmem:s25], [sflag:$0x1] =	stream.indirect.gather [hbm4b:s4+s24], $0x80, s10, s24, $0xb8;
	[tilespmem:$0x1E500] =	vst v63  }
0x6b: {  	s20 =	sadd.s32 s19, s16  }
0x6c: {  	[tilespmem:s22], [sflag:$0x3] =	stream.linear.gather [hbm4b:s20+s3], $0x80, $0x38;
	[tilespmem:$0x1E500] =	vst v63  }
0x6d: {  	_ =	swait.ge [sflag:s30], $0x4000  }
0x6e: {  	[sflag:s30] =	ssyncset.done $0x0  }
0x6f: {  	[sflag:s30] =	ssyncadd.s32 $0xFFFFC000  }
0x70: {  	_ =	swait.ge [sflag:s31], $0x80  }
0x71: {  	[sflag:s31] =	ssyncset.done $0x0  }
0x72: {  	[sflag:s31] =	ssyncadd.s32 $0xFFFFFF80  }
0x73: {  	[spmem:s2] =	stream.indirect.scatter.add.f32 [tilespmem:s26], [sflag:$0x5], $0x80, s23, s24, $0xb8;
	[tilespmem:$0x1E500] =	vst v63  }
.Ltmp5:
0x74: {  	_ =	swait.ge [sflag:s18], $0x4000;
	(pc) =	sbr.rel @p6 .LBB2_8-.Ltmp5, $4  }
0x75: {  	[sflag:s18] =	ssyncset.done $0x0  }
0x76: {  	s20 =	sadd.s32 $0x80, s10;
	[sflag:s18] =	ssyncadd.s32 $0xFFFFC000  }
0x77: {  	[tilespmem:s26], [sflag:$0x2] =	stream.indirect.gather [hbm4b:s4+s24], $0x80, s20, s24, $0xb8;
	[tilespmem:$0x1E500] =	vst v63  }
0x78: {  	s19 =	sadd.s32 s19, s17;
	s10 =	sadd.s32 $0x100, s10  }
0x79: {  	[tilespmem:s23], [sflag:$0x4] =	stream.linear.gather [hbm4b:s19+s3], $0x80, $0x38;
	[tilespmem:$0x1E500] =	vst v63  }
0x7a: {  	_ =	swait.ge [sflag:s28], $0x4000  }
0x7b: {  	[sflag:s28] =	ssyncset.done $0x0  }
0x7c: {  	[sflag:s28] =	ssyncadd.s32 $0xFFFFC000  }
0x7d: {  	_ =	swait.ge [sflag:s29], $0x80  }
0x7e: {  	[sflag:s29] =	ssyncset.done $0x0  }
0x7f: {  	[sflag:s29] =	ssyncadd.s32 $0xFFFFFF80  }
0x80: {  	[spmem:s2] =	stream.indirect.scatter.add.f32 [tilespmem:s25], [sflag:$0x5], $0x80, s22, s24, $0xb8;
	[tilespmem:$0x1E500] =	vst v63  }
0x81: {  	_ =	swait.ge [sflag:s18], $0x4000  }
0x82: {  	[sflag:s18] =	ssyncset.done $0x0  }
0x83: {  	[sflag:s18] =	ssyncadd.s32 $0xFFFFC000  }
0x84: {  	_ =	swait.ge [sflag:s30], $0x4000  }
0x85: {  	[sflag:s30] =	ssyncset.done $0x0  }
0x86: {  	[sflag:s30] =	ssyncadd.s32 $0xFFFFC000  }
0x87: {  	_ =	swait.ge [sflag:s31], $0x80  }
0x88: {  	[sflag:s31] =	ssyncset.done $0x0  }
0x89: {  	[sflag:s31] =	ssyncadd.s32 $0xFFFFFF80  }
0x8a: {  	[spmem:s2] =	stream.indirect.scatter.add.f32 [tilespmem:s26], [sflag:$0x5], $0x80, s23, s24, $0xb8;
	[tilespmem:$0x1E500] =	vst v63  }
0x8b: {  	_ =	swait.ge [sflag:s18], $0x4000  }
0x8c: {  	[sflag:s18] =	ssyncset.done $0x0  }
0x8d: {  	s8 =	sshll.u32 @!p0 s0, $0x6;
	[sflag:s18] =	ssyncadd.s32 $0xFFFFC000  }
0x8e: {  	s10 =	sshrl.u32 @!p0 s9, $0x3;
	s8 =	sor.u32 @!p0 $0x1C05, s8;
	[bflag:$0x0] =	sbarrier.arrive $0xFFFF  }
0x8f: {  	[hbm:s13], [sflag:s8] =	dma.local @!p0 [spmem:s10], $0x2780  }
0x90: {  	s8 =	simm.s32 @!p0 $0x5  }
0x91: {  	s1 =	sadd.s32 $0x1, s1;
	_ =	swait.ge @!p0 [sflag:s8], $0x2780  }
0x92: {  	p6 =	sne.s32 s1, s15;
	s10 =	sshll.u32 @p5 s0, $0x6;
	[sflag:s8] =	ssyncset.done @!p0 $0x0  }
0x93: {  	[sflag:s8] =	ssyncadd.s32 @!p0 $0xFFFFD880;
	s8 =	sor.u32 @p5 $0x1C05, s10;
	s10 =	sshrl.u32 @p5 s7, $0x3  }
0x94: {  	[hbm:s14], [sflag:s8] =	dma.local @p5 [spmem:s10], $0x2080  }
.Ltmp6:
0x95: {  	_ = 	snop;
	(pc) =	sbr.rel @p6 .LBB2_1-.Ltmp6, $4  }
0x96: {  	s8 =	simm.s32 @p5 $0x5  }
0x97: {  	_ =	swait.ge @p5 [sflag:s8], $0x2080  }
0x98: {  	[sflag:s8] =	ssyncset.done @p5 $0x0  }
0x99: {  	[sflag:s8] =	ssyncadd.s32 @p5 $0xFFFFDF80  }
0x9a: {  	_ =	sfence.sel $0x180000  }
0x9b: {  	[bflag:$0x0] =	sbarrier.arrive $0xFFFF  }
0x9c: {  	_ =	strace $0x90000059  }
0x9d: {  	[bflag:$0x2] =	sbarrier.arrive $0xFFFF  }
0x9e: {  	p0 =	sne.s32 s0, $0x0;
	s0 =	rddreg [dreg:$0x3]  }
0x9f: {  	s0 =	sadd.s32 @!p0 $0x100000, s0  }
0xa0: {  	[sflag:s0] =	ssyncadd.tile.s32 @!p0 $0x1;
	_ =	shalt  }
.Lfunc_end2:
_tile_overlayer_lowered:
.L_overlay_start_2:
0xa1: {  	(tag) =	ssettag $0x2  }
0xa2: {  	s0 =	rddreg [dreg:$0x0];
	s2 =	stileid.u32  }
0xa3: {  	s1 =	rddreg [dreg:$0x1];
	p0 =	sne.s32 s2, $0x0  }
0xa4: {  	s3 =	rddreg [dreg:$0x2];
	[bflag:$0x3] =	sbarrier.arrive $0xFFFF;
	s2 =	simm.s32 @!p0 $0x1C05  }
0xa5: {  	[timem:s3], [sflag:s2] =	dma.local @!p0 [hbm:s0], s1  }
0xa6: {  	s0 =	simm.s32 @!p0 $0x5  }
0xa7: {  	_ =	swait.ge @!p0 [sflag:s0], s1  }
0xa8: {  	s1 =	ssub.s32 @!p0 $0x0, s1;
	[sflag:s0] =	ssyncset.done @!p0 $0x0  }
0xa9: {  	[sflag:s0] =	ssyncadd.s32 @!p0 s1  }
0xaa: {  	[bflag:$0x3] =	sbarrier.arrive $0xFFFF  }
0xab: {  	_ =	shalt  }

</sc_bundles>
